<compile_context>
chip_gen: v7x
topology: tpu7x:2x2x1
jax: 0.10.2.dev20260603
libtpu: 0.0.44.dev20260713+nightly
codegen_flags: <defaults>
</compile_context>

<pallas_src>
import functools

import jax
import jax.numpy as jnp
from jax import lax
from jax.experimental import pallas as pl
from jax.experimental.pallas import tpu as pltpu
from jax.experimental.pallas import tpu_sc as plsc

N = 10000
E = 320000
D = 128
EE = 16
NC = 2
NS = 16
NW = NC * NS
EPW = E // NW
B = 80
NB = EPW // B
TW = D + 16
NPAD = 10240
RPT = NPAD // NS



def _node_proj_body(x, wls, bls, wrs, brs, wlr, blr, wrr, brr,
                    xls, xrs, xlr, xrr):
    xb = x[...]
    xls[...] = jnp.dot(xb, wls[...], preferred_element_type=jnp.float32) + bls[...]
    xrs[...] = jnp.dot(xb, wrs[...], preferred_element_type=jnp.float32) + brs[...]
    xlr[...] = jnp.dot(xb, wlr[...], preferred_element_type=jnp.float32) + blr[...]
    xrr[...] = jnp.dot(xb, wrr[...], preferred_element_type=jnp.float32) + brr[...]


def _edge_enc_body(raw, w1, b1, w2, b2, wes, wer, ews, ewr):
    h = jnp.maximum(jnp.dot(raw[...], w1[...],
                            preferred_element_type=jnp.float32) + b1[...], 0.0)
    ea = jnp.dot(h, w2[...], preferred_element_type=jnp.float32) + b2[...]
    ews[...] = jnp.dot(ea, wes[...], preferred_element_type=jnp.float32)
    ewr[...] = jnp.dot(ea, wer[...], preferred_element_type=jnp.float32)


def _finalize_body(outm, bias, o):
    p = outm[...]
    s = p[0, 0] + p[0, 1]
    r = p[1, 0] + p[1, 1]
    os_ = s[:, :D] / (s[:, D:D + 1] + 1e-16)
    or_ = r[:, :D] / (r[:, D:D + 1] + 1e-16)
    o[...] = jnp.concatenate([os_, or_], axis=-1) + bias[...]



def _make_sc_edge_pass(npad, b, nb, rpt, interpret=False):
    mesh = plsc.VectorSubcoreMesh(core_axis_name="c", subcore_axis_name="s")

    @functools.partial(
        pl.kernel,
        mesh=mesh,
        interpret=interpret,
        compiler_params=pltpu.CompilerParams(use_tc_tiling_on_sc=False,
                                             needs_layout_passes=False),
        out_type=jax.ShapeDtypeStruct((2, NC, npad, TW), jnp.float32),
        scratch_types=[
            pltpu.VMEM((2, b), jnp.int32),
            pltpu.VMEM((2, b), jnp.int32),
            pltpu.VMEM((2, b), jnp.float32),
            pltpu.VMEM((2, D), jnp.float32),
            pltpu.VMEM((b, D), jnp.float32),
            pltpu.VMEM((b, D), jnp.float32),
            pltpu.VMEM((b, TW), jnp.float32),
            pltpu.VMEM_SHARED((npad, TW), jnp.float32),
            pltpu.SemaphoreType.DMA,
            pltpu.SemaphoreType.DMA,
            pltpu.SemaphoreType.DMA,
        ],
    )
    def _sc_edge_pass(src_h, dst_h, mask_h, att_h, xls_h, xrs_h, ews_h,
                      xlr_h, xrr_h, ewr_h, zerom_h, outm_h,
                      src_v, dst_v, mask_v, att_v, xl_v, xr_v, msg_v,
                      accm_sh, sem_i, sem_g, sem_sm):
        cid = lax.axis_index("c")
        sid = lax.axis_index("s")
        wid = sid * NC + cid

        pltpu.sync_copy(att_h, att_v)
        for e in range(b):
            msg_v[e, pl.ds(D, 16)] = jnp.zeros((16,), jnp.float32)

        def run_head(h, xl_t, xr_t, ew_t):
            pltpu.sync_copy(zerom_h, accm_sh.at[pl.ds(sid * rpt, rpt)])
            plsc.subcore_barrier()

            def issue_idx(j, slot):
                pltpu.async_copy(src_h.at[wid, j], src_v.at[slot], sem_i)
                pltpu.async_copy(dst_h.at[wid, j], dst_v.at[slot], sem_i)
                if h == 1:
                    pltpu.async_copy(mask_h.at[wid, j], mask_v.at[slot], sem_i)

            def wait_idx():
                pltpu.make_async_copy(src_h.at[wid, 0], src_v.at[0], sem_i).wait()
                pltpu.make_async_copy(dst_h.at[wid, 0], dst_v.at[0], sem_i).wait()
                if h == 1:
                    pltpu.make_async_copy(mask_h.at[wid, 0], mask_v.at[0],
                                          sem_i).wait()

            issue_idx(0, 0)

            def batch_body(j, carry):
                jm = lax.rem(j, 2)
                wait_idx()

                @pl.when(j > 0)
                def _():
                    pltpu.make_async_copy(msg_v, accm_sh.at[dst_v.at[1 - jm]],
                                          sem_sm).wait()

                d1 = pltpu.async_copy(xl_t.at[src_v.at[jm]], xl_v, sem_g)
                d2 = pltpu.async_copy(xr_t.at[dst_v.at[jm]], xr_v, sem_g)
                d3 = pltpu.async_copy(ew_t.at[pl.ds((wid * nb + j) * b, b)],
                                      msg_v.at[:, pl.ds(0, D)], sem_g)

                @pl.when(j + 1 < nb)
                def _():
                    issue_idx(j + 1, 1 - jm)

                d1.wait()
                d2.wait()
                d3.wait()

                def group_body(g, carry2):
                    rows16 = g * 16 + lax.iota(jnp.int32, 16)

                    def kblock(k, acc):
                        for cc in range(16):
                            c = k * 16 + cc
                            colv = jnp.full((16,), c, jnp.int32)
                            xlv = plsc.load_gather(xl_v, [rows16, colv])
                            xrv = plsc.load_gather(xr_v, [rows16, colv])
                            ewv = plsc.load_gather(msg_v, [rows16, colv])
                            attv = plsc.load_gather(
                                att_v, [jnp.full((16,), h, jnp.int32), colv])
                            m = xlv + xrv + ewv
                            m = jnp.maximum(m, 0.2 * m)
                            acc = acc + attv * m
                        return acc

                    alpha = lax.fori_loop(0, 8, kblock,
                                          jnp.zeros((16,), jnp.float32))
                    exv = jnp.exp(alpha)
                    if h == 1:
                        exv = exv * mask_v[jm, pl.ds(g * 16, 16)]
                    plsc.store_scatter(msg_v,
                                       [rows16, jnp.full((16,), D, jnp.int32)],
                                       exv)

                    def kscale(k, carry3):
                        for cc in range(16):
                            c = k * 16 + cc
                            colv = jnp.full((16,), c, jnp.int32)
                            v = plsc.load_gather(xl_v, [rows16, colv]) * exv
                            plsc.store_scatter(msg_v, [rows16, colv], v)
                        return carry3

                    lax.fori_loop(0, 8, kscale, 0)
                    return carry2

                lax.fori_loop(0, b // 16, group_body, 0)
                pltpu.async_copy(msg_v, accm_sh.at[dst_v.at[jm]], sem_sm,
                                 add=True)
                return carry

            lax.fori_loop(0, nb, batch_body, 0)
            last = (nb - 1) % 2
            pltpu.make_async_copy(msg_v, accm_sh.at[dst_v.at[last]],
                                  sem_sm).wait()
            plsc.subcore_barrier()
            pltpu.sync_copy(accm_sh.at[pl.ds(sid * rpt, rpt)],
                            outm_h.at[h, cid, pl.ds(sid * rpt, rpt)])
            plsc.subcore_barrier()

        run_head(0, xls_h, xrs_h, ews_h)
        run_head(1, xlr_h, xrr_h, ewr_h)

    return _sc_edge_pass


_sc_edge_pass = _make_sc_edge_pass(NPAD, B, NB, RPT)



def _node_proj(x, Wl_s, bl_s, Wr_s, br_s, Wl_r, bl_r, Wr_r, br_r):
    f32 = jnp.float32
    blk_n = 2000
    return pl.pallas_call(
        _node_proj_body,
        grid=(N // blk_n,),
        in_specs=[pl.BlockSpec((blk_n, D), lambda i: (i, 0))]
        + [pl.BlockSpec((D, D), lambda i: (0, 0)),
           pl.BlockSpec((1, D), lambda i: (0, 0))] * 4,
        out_specs=[pl.BlockSpec((blk_n, D), lambda i: (i, 0))] * 4,
        out_shape=[jax.ShapeDtypeStruct((N, D), f32)] * 4,
    )(x, Wl_s, bl_s.reshape(1, D), Wr_s, br_s.reshape(1, D),
      Wl_r, bl_r.reshape(1, D), Wr_r, br_r.reshape(1, D))


def _edge_enc(edge_features_raw, W_enc1, b_enc1, W_enc2, b_enc2, We_s, We_r):
    f32 = jnp.float32
    raw8 = jnp.pad(edge_features_raw, ((0, 0), (0, 1)))
    w1p = jnp.pad(W_enc1, ((0, 1), (0, 0)))
    blk_e = 4000
    return pl.pallas_call(
        _edge_enc_body,
        grid=(E // blk_e,),
        in_specs=[pl.BlockSpec((blk_e, 8), lambda i: (i, 0)),
                  pl.BlockSpec((8, 32), lambda i: (0, 0)),
                  pl.BlockSpec((1, 32), lambda i: (0, 0)),
                  pl.BlockSpec((32, EE), lambda i: (0, 0)),
                  pl.BlockSpec((1, EE), lambda i: (0, 0)),
                  pl.BlockSpec((EE, D), lambda i: (0, 0)),
                  pl.BlockSpec((EE, D), lambda i: (0, 0))],
        out_specs=[pl.BlockSpec((blk_e, D), lambda i: (i, 0))] * 2,
        out_shape=[jax.ShapeDtypeStruct((E, D), f32)] * 2,
    )(raw8, w1p, b_enc1.reshape(1, 32), W_enc2, b_enc2.reshape(1, EE),
      We_s, We_r)


def _finalize(outm, bias_full):
    f32 = jnp.float32
    blk_f = 2000
    return pl.pallas_call(
        _finalize_body,
        grid=(N // blk_f,),
        in_specs=[pl.BlockSpec((2, NC, blk_f, TW), lambda i: (0, 0, i, 0)),
                  pl.BlockSpec((1, 2 * D), lambda i: (0, 0))],
        out_specs=pl.BlockSpec((blk_f, 2 * D), lambda i: (i, 0)),
        out_shape=jax.ShapeDtypeStruct((N, 2 * D), f32),
    )(outm, bias_full)


def kernel(x, edge_index, edge_features_raw, same_type_mask,
           W_enc1, b_enc1, W_enc2, b_enc2,
           Wl_s, bl_s, Wr_s, br_s, We_s, att_s, bias_s,
           Wl_r, bl_r, Wr_r, br_r, We_r, att_r, bias_r):
    f32 = jnp.float32
    xls, xrs, xlr, xrr = _node_proj(x, Wl_s, bl_s, Wr_s, br_s,
                                    Wl_r, bl_r, Wr_r, br_r)
    ews, ewr = _edge_enc(edge_features_raw, W_enc1, b_enc1, W_enc2, b_enc2,
                         We_s, We_r)

    src2 = edge_index[0].astype(jnp.int32).reshape(NW, NB, B)
    dst2 = edge_index[1].astype(jnp.int32).reshape(NW, NB, B)
    mask2 = same_type_mask.astype(f32).reshape(NW, NB, B)
    att2 = jnp.concatenate([att_s.reshape(1, D), att_r.reshape(1, D)], axis=0)
    zerom = jnp.zeros((RPT, TW), f32)
    outm = _sc_edge_pass(src2, dst2, mask2, att2, xls, xrs, ews,
                         xlr, xrr, ewr, zerom)

    bias_full = jnp.concatenate([bias_s, bias_r]).reshape(1, 2 * D)
    return _finalize(outm, bias_full)

# --- scband reference (transcript-rebuilt; emitter-appended) ---
"""Pipeline reference for scband-sagatlayer-575525618146 (READ-ONLY COPY).

The authoritative reference and input builder live on the scoring server;
editing this copy changes nothing except your own understanding.
"""

import jax, jax.numpy as jnp
import numpy as np

N = 10000
E = 320000
IN_DIM = 128
OUT_DIM = 128
H_STD = 1
H_REP = 1
EDGE_RAW = 7
EDGE_ENC = 16


def _glorot(key, shape):
    fan_in = shape[0]
    fan_out = shape[-1]
    lim = float(np.sqrt(6.0 / (fan_in + fan_out)))
    return jax.random.uniform(key, shape, jnp.float32, -lim, lim)


def setup_inputs(seed: int = 0):
    key = jax.random.key(seed)
    ks = jax.random.split(key, 20)
    inp = {}
    inp["x"] = jax.random.normal(ks[0], (N, IN_DIM), jnp.float32)
    inp["edge_index"] = jax.random.randint(ks[1], (2, E), 0, N)
    inp["edge_features_raw"] = jax.random.uniform(ks[2], (E, EDGE_RAW), jnp.float32)
    inp["same_type_mask"] = jax.random.randint(ks[3], (E,), 0, 2).astype(bool)
    inp["W_enc1"] = _glorot(ks[4], (EDGE_RAW, 32))
    inp["b_enc1"] = jnp.zeros((32,), jnp.float32)
    inp["W_enc2"] = _glorot(ks[5], (32, EDGE_ENC))
    inp["b_enc2"] = jnp.zeros((EDGE_ENC,), jnp.float32)
    inp["Wl_s"] = _glorot(ks[6], (IN_DIM, H_STD * OUT_DIM))
    inp["bl_s"] = jnp.zeros((H_STD * OUT_DIM,), jnp.float32)
    inp["Wr_s"] = _glorot(ks[7], (IN_DIM, H_STD * OUT_DIM))
    inp["br_s"] = jnp.zeros((H_STD * OUT_DIM,), jnp.float32)
    inp["We_s"] = _glorot(ks[8], (EDGE_ENC, H_STD * OUT_DIM))
    inp["att_s"] = _glorot(ks[9], (H_STD, OUT_DIM))
    inp["bias_s"] = jnp.zeros((H_STD * OUT_DIM,), jnp.float32)
    inp["Wl_r"] = _glorot(ks[10], (IN_DIM, H_REP * OUT_DIM))
    inp["bl_r"] = jnp.zeros((H_REP * OUT_DIM,), jnp.float32)
    inp["Wr_r"] = _glorot(ks[11], (IN_DIM, H_REP * OUT_DIM))
    inp["br_r"] = jnp.zeros((H_REP * OUT_DIM,), jnp.float32)
    inp["We_r"] = _glorot(ks[12], (EDGE_ENC, H_REP * OUT_DIM))
    inp["att_r"] = _glorot(ks[13], (H_REP, OUT_DIM))
    inp["bias_r"] = jnp.zeros((H_REP * OUT_DIM,), jnp.float32)
    return inp


def _gatv2(x, src, dst, edge_attr, edge_mask, Wl, bl, Wr, br, We, att, bias, H, C):
    n = x.shape[0]
    xl = (x @ Wl + bl).reshape(n, H, C)
    xr = (x @ Wr + br).reshape(n, H, C)
    m = xl[src] + xr[dst] + (edge_attr @ We).reshape(-1, H, C)
    m = jax.nn.leaky_relu(m, 0.2)
    alpha = jnp.sum(m * att[None, :, :], axis=-1)  # [E, H]
    amax = jax.ops.segment_max(alpha, dst, num_segments=n)
    amax = jnp.where(jnp.isfinite(amax), amax, 0.0)
    ex = jnp.exp(alpha - amax[dst])
    if edge_mask is not None:
        ex = ex * edge_mask[:, None]
    denom = jax.ops.segment_sum(ex, dst, num_segments=n)
    a = ex / (denom[dst] + 1e-16)
    msg = xl[src] * a[:, :, None]
    out = jax.ops.segment_sum(msg, dst, num_segments=n)
    return out.reshape(n, H * C) + bias


def reference(x, edge_index, edge_features_raw, same_type_mask, W_enc1, b_enc1, W_enc2, b_enc2, Wl_s, bl_s, Wr_s, br_s, We_s, att_s, bias_s, Wl_r, bl_r, Wr_r, br_r, We_r, att_r, bias_r):
    src = edge_index[0]
    dst = edge_index[1]
    edge_attr = jax.nn.relu(edge_features_raw @ W_enc1 + b_enc1) @ W_enc2 + b_enc2
    h_std = _gatv2(x, src, dst, edge_attr, None, Wl_s, bl_s, Wr_s, br_s, We_s, att_s, bias_s, H_STD, OUT_DIM)
    maskf = same_type_mask.astype(jnp.float32)
    h_rep = _gatv2(x, src, dst, edge_attr, maskf, Wl_r, bl_r, Wr_r, br_r, We_r, att_r, bias_r, H_REP, OUT_DIM)
    return jnp.concatenate([h_std, h_rep], axis=-1)

if __name__ == "__main__":
    import jax
    _d = setup_inputs()
    print(jax.jit(kernel)(*tuple(_d.values())))

</pallas_src>

<mosaic_0001>
#map = affine_map<(d0, d1) -> (0, 0, 0)>
#map1 = affine_map<(d0, d1) -> (0, 0)>
#map2 = affine_map<(d0, d1) -> (0, 0, 0, 0)>
module attributes {stable_mosaic.version = 14 : i64} {
  func.func @_sc_edge_pass(%arg0: i32, %arg1: i32, %arg2: memref<32x125x80xi32, #tpu.memory_space<hbm>>, %arg3: memref<32x125x80xi32, #tpu.memory_space<hbm>>, %arg4: memref<32x125x80xf32, #tpu.memory_space<hbm>>, %arg5: memref<2x128xf32, #tpu.memory_space<hbm>>, %arg6: memref<10000x128xf32, #tpu.memory_space<hbm>>, %arg7: memref<10000x128xf32, #tpu.memory_space<hbm>>, %arg8: memref<320000x128xf32, #tpu.memory_space<hbm>>, %arg9: memref<10000x128xf32, #tpu.memory_space<hbm>>, %arg10: memref<10000x128xf32, #tpu.memory_space<hbm>>, %arg11: memref<320000x128xf32, #tpu.memory_space<hbm>>, %arg12: memref<640x144xf32, #tpu.memory_space<hbm>>, %arg13: memref<2x2x10240x144xf32, #tpu.memory_space<hbm>>, %arg14: memref<2x80xi32, #tpu.memory_space<vmem>>, %arg15: memref<2x80xi32, #tpu.memory_space<vmem>>, %arg16: memref<2x80xf32, #tpu.memory_space<vmem>>, %arg17: memref<2x128xf32, #tpu.memory_space<vmem>>, %arg18: memref<80x128xf32, #tpu.memory_space<vmem>>, %arg19: memref<80x128xf32, #tpu.memory_space<vmem>>, %arg20: memref<80x144xf32, #tpu.memory_space<vmem>>, %arg21: memref<10240x144xf32, #tpu.memory_space<vmem_shared>>, %arg22: memref<!tpu.dma_semaphore, #tpu.memory_space<semaphore_mem>>, %arg23: memref<!tpu.dma_semaphore, #tpu.memory_space<semaphore_mem>>, %arg24: memref<!tpu.dma_semaphore, #tpu.memory_space<semaphore_mem>>) attributes {dimension_semantics = [#tpu.dimension_semantics<core_parallel>, #tpu.dimension_semantics<subcore_parallel>], iteration_bounds = array<i64: 2, 16>, scalar_prefetch = 0 : i64, scratch_operands = 11 : i64, tpu.core_type = #tpu.core_type<sc_vector_subcore>, window_params = [{transform_indices = #map}, {transform_indices = #map}, {transform_indices = #map}, {transform_indices = #map1}, {transform_indices = #map1}, {transform_indices = #map1}, {transform_indices = #map1}, {transform_indices = #map1}, {transform_indices = #map1}, {transform_indices = #map1}, {transform_indices = #map1}, {transform_indices = #map2}]} {
    %mul3A = arith.constant 2 : i32
    %mul3A_0 = arith.muli %arg1, %mul3A : i32
    %add3A = arith.addi %mul3A_0, %arg0 : i32
    "tpu.region"() ({
      %run_scoped3A_590 = tpu.sem_alloc : memref<!tpu.dma_semaphore, #tpu.memory_space<semaphore_mem>>
      tpu.enqueue_dma source(%arg5 : memref<2x128xf32, #tpu.memory_space<hbm>>) target(%arg17 : memref<2x128xf32, #tpu.memory_space<vmem>>) target_semaphore(%run_scoped3A_590 : memref<!tpu.dma_semaphore, #tpu.memory_space<semaphore_mem>>)
      tpu.wait_dma2 semaphore(%run_scoped3A_590 : memref<!tpu.dma_semaphore, #tpu.memory_space<semaphore_mem>>) src(%arg5 : memref<2x128xf32, #tpu.memory_space<hbm>>) dst(%arg17 : memref<2x128xf32, #tpu.memory_space<vmem>>)
      tpu.yield
    }) : () -> ()
    %broadcast_in_dim3A = arith.constant 0.000000e+00 : f32
    %broadcast_in_dim3A_1 = vector.broadcast %broadcast_in_dim3A : f32 to vector<16xf32>
    %swap3A = arith.constant 0 : i32
    %swap3A_2 = arith.index_cast %swap3A : i32 to index
    %swap3A_3 = arith.constant 128 : index
    %swap3A_4 = tpu.vector_load %arg20[%swap3A_2, %swap3A_3] {strides = array<i32>} : memref<80x144xf32, #tpu.memory_space<vmem>>, vector<16xf32>,
    tpu.vector_store %arg20[%swap3A_2, %swap3A_3], %broadcast_in_dim3A_1 {strides = array<i32>} : memref<80x144xf32, #tpu.memory_space<vmem>>, vector<16xf32>,
    %broadcast_in_dim3A_5 = arith.constant 0.000000e+00 : f32
    %broadcast_in_dim3A_6 = vector.broadcast %broadcast_in_dim3A_5 : f32 to vector<16xf32>
    %swap3A_7 = arith.constant 1 : i32
    %swap3A_8 = arith.index_cast %swap3A_7 : i32 to index
    %swap3A_9 = arith.constant 128 : index
    %swap3A_10 = tpu.vector_load %arg20[%swap3A_8, %swap3A_9] {strides = array<i32>} : memref<80x144xf32, #tpu.memory_space<vmem>>, vector<16xf32>,
    tpu.vector_store %arg20[%swap3A_8, %swap3A_9], %broadcast_in_dim3A_6 {strides = array<i32>} : memref<80x144xf32, #tpu.memory_space<vmem>>, vector<16xf32>,
    %broadcast_in_dim3A_11 = arith.constant 0.000000e+00 : f32
    %broadcast_in_dim3A_12 = vector.broadcast %broadcast_in_dim3A_11 : f32 to vector<16xf32>
    %swap3A_13 = arith.constant 2 : i32
    %swap3A_14 = arith.index_cast %swap3A_13 : i32 to index
    %swap3A_15 = arith.constant 128 : index
    %swap3A_16 = tpu.vector_load %arg20[%swap3A_14, %swap3A_15] {strides = array<i32>} : memref<80x144xf32, #tpu.memory_space<vmem>>, vector<16xf32>,
    tpu.vector_store %arg20[%swap3A_14, %swap3A_15], %broadcast_in_dim3A_12 {strides = array<i32>} : memref<80x144xf32, #tpu.memory_space<vmem>>, vector<16xf32>,
    %broadcast_in_dim3A_17 = arith.constant 0.000000e+00 : f32
    %broadcast_in_dim3A_18 = vector.broadcast %broadcast_in_dim3A_17 : f32 to vector<16xf32>
    %swap3A_19 = arith.constant 3 : i32
    %swap3A_20 = arith.index_cast %swap3A_19 : i32 to index
    %swap3A_21 = arith.constant 128 : index
    %swap3A_22 = tpu.vector_load %arg20[%swap3A_20, %swap3A_21] {strides = array<i32>} : memref<80x144xf32, #tpu.memory_space<vmem>>, vector<16xf32>,
    tpu.vector_store %arg20[%swap3A_20, %swap3A_21], %broadcast_in_dim3A_18 {strides = array<i32>} : memref<80x144xf32, #tpu.memory_space<vmem>>, vector<16xf32>,
    %broadcast_in_dim3A_23 = arith.constant 0.000000e+00 : f32
    %broadcast_in_dim3A_24 = vector.broadcast %broadcast_in_dim3A_23 : f32 to vector<16xf32>
    %swap3A_25 = arith.constant 4 : i32
    %swap3A_26 = arith.index_cast %swap3A_25 : i32 to index
    %swap3A_27 = arith.constant 128 : index
    %swap3A_28 = tpu.vector_load %arg20[%swap3A_26, %swap3A_27] {strides = array<i32>} : memref<80x144xf32, #tpu.memory_space<vmem>>, vector<16xf32>,
    tpu.vector_store %arg20[%swap3A_26, %swap3A_27], %broadcast_in_dim3A_24 {strides = array<i32>} : memref<80x144xf32, #tpu.memory_space<vmem>>, vector<16xf32>,
    %broadcast_in_dim3A_29 = arith.constant 0.000000e+00 : f32
    %broadcast_in_dim3A_30 = vector.broadcast %broadcast_in_dim3A_29 : f32 to vector<16xf32>
    %swap3A_31 = arith.constant 5 : i32
    %swap3A_32 = arith.index_cast %swap3A_31 : i32 to index
    %swap3A_33 = arith.constant 128 : index
    %swap3A_34 = tpu.vector_load %arg20[%swap3A_32, %swap3A_33] {strides = array<i32>} : memref<80x144xf32, #tpu.memory_space<vmem>>, vector<16xf32>,
    tpu.vector_store %arg20[%swap3A_32, %swap3A_33], %broadcast_in_dim3A_30 {strides = array<i32>} : memref<80x144xf32, #tpu.memory_space<vmem>>, vector<16xf32>,
    %broadcast_in_dim3A_35 = arith.constant 0.000000e+00 : f32
    %broadcast_in_dim3A_36 = vector.broadcast %broadcast_in_dim3A_35 : f32 to vector<16xf32>
    %swap3A_37 = arith.constant 6 : i32
    %swap3A_38 = arith.index_cast %swap3A_37 : i32 to index
    %swap3A_39 = arith.constant 128 : index
    %swap3A_40 = tpu.vector_load %arg20[%swap3A_38, %swap3A_39] {strides = array<i32>} : memref<80x144xf32, #tpu.memory_space<vmem>>, vector<16xf32>,
    tpu.vector_store %arg20[%swap3A_38, %swap3A_39], %broadcast_in_dim3A_36 {strides = array<i32>} : memref<80x144xf32, #tpu.memory_space<vmem>>, vector<16xf32>,
    %broadcast_in_dim3A_41 = arith.constant 0.000000e+00 : f32
    %broadcast_in_dim3A_42 = vector.broadcast %broadcast_in_dim3A_41 : f32 to vector<16xf32>
    %swap3A_43 = arith.constant 7 : i32
    %swap3A_44 = arith.index_cast %swap3A_43 : i32 to index
    %swap3A_45 = arith.constant 128 : index
    %swap3A_46 = tpu.vector_load %arg20[%swap3A_44, %swap3A_45] {strides = array<i32>} : memref<80x144xf32, #tpu.memory_space<vmem>>, vector<16xf32>,
    tpu.vector_store %arg20[%swap3A_44, %swap3A_45], %broadcast_in_dim3A_42 {strides = array<i32>} : memref<80x144xf32, #tpu.memory_space<vmem>>, vector<16xf32>,
    %broadcast_in_dim3A_47 = arith.constant 0.000000e+00 : f32
    %broadcast_in_dim3A_48 = vector.broadcast %broadcast_in_dim3A_47 : f32 to vector<16xf32>
    %swap3A_49 = arith.constant 8 : i32
    %swap3A_50 = arith.index_cast %swap3A_49 : i32 to index
    %swap3A_51 = arith.constant 128 : index
    %swap3A_52 = tpu.vector_load %arg20[%swap3A_50, %swap3A_51] {strides = array<i32>} : memref<80x144xf32, #tpu.memory_space<vmem>>, vector<16xf32>,
    tpu.vector_store %arg20[%swap3A_50, %swap3A_51], %broadcast_in_dim3A_48 {strides = array<i32>} : memref<80x144xf32, #tpu.memory_space<vmem>>, vector<16xf32>,
    %broadcast_in_dim3A_53 = arith.constant 0.000000e+00 : f32
    %broadcast_in_dim3A_54 = vector.broadcast %broadcast_in_dim3A_53 : f32 to vector<16xf32>
    %swap3A_55 = arith.constant 9 : i32
    %swap3A_56 = arith.index_cast %swap3A_55 : i32 to index
    %swap3A_57 = arith.constant 128 : index
    %swap3A_58 = tpu.vector_load %arg20[%swap3A_56, %swap3A_57] {strides = array<i32>} : memref<80x144xf32, #tpu.memory_space<vmem>>, vector<16xf32>,
    tpu.vector_store %arg20[%swap3A_56, %swap3A_57], %broadcast_in_dim3A_54 {strides = array<i32>} : memref<80x144xf32, #tpu.memory_space<vmem>>, vector<16xf32>,
    %broadcast_in_dim3A_59 = arith.constant 0.000000e+00 : f32
    %broadcast_in_dim3A_60 = vector.broadcast %broadcast_in_dim3A_59 : f32 to vector<16xf32>
    %swap3A_61 = arith.constant 10 : i32
    %swap3A_62 = arith.index_cast %swap3A_61 : i32 to index
    %swap3A_63 = arith.constant 128 : index
    %swap3A_64 = tpu.vector_load %arg20[%swap3A_62, %swap3A_63] {strides = array<i32>} : memref<80x144xf32, #tpu.memory_space<vmem>>, vector<16xf32>,
    tpu.vector_store %arg20[%swap3A_62, %swap3A_63], %broadcast_in_dim3A_60 {strides = array<i32>} : memref<80x144xf32, #tpu.memory_space<vmem>>, vector<16xf32>,
    %broadcast_in_dim3A_65 = arith.constant 0.000000e+00 : f32
    %broadcast_in_dim3A_66 = vector.broadcast %broadcast_in_dim3A_65 : f32 to vector<16xf32>
    %swap3A_67 = arith.constant 11 : i32
    %swap3A_68 = arith.index_cast %swap3A_67 : i32 to index
    %swap3A_69 = arith.constant 128 : index
    %swap3A_70 = tpu.vector_load %arg20[%swap3A_68, %swap3A_69] {strides = array<i32>} : memref<80x144xf32, #tpu.memory_space<vmem>>, vector<16xf32>,
    tpu.vector_store %arg20[%swap3A_68, %swap3A_69], %broadcast_in_dim3A_66 {strides = array<i32>} : memref<80x144xf32, #tpu.memory_space<vmem>>, vector<16xf32>,
    %broadcast_in_dim3A_71 = arith.constant 0.000000e+00 : f32
    %broadcast_in_dim3A_72 = vector.broadcast %broadcast_in_dim3A_71 : f32 to vector<16xf32>
    %swap3A_73 = arith.constant 12 : i32
    %swap3A_74 = arith.index_cast %swap3A_73 : i32 to index
    %swap3A_75 = arith.constant 128 : index
    %swap3A_76 = tpu.vector_load %arg20[%swap3A_74, %swap3A_75] {strides = array<i32>} : memref<80x144xf32, #tpu.memory_space<vmem>>, vector<16xf32>,
    tpu.vector_store %arg20[%swap3A_74, %swap3A_75], %broadcast_in_dim3A_72 {strides = array<i32>} : memref<80x144xf32, #tpu.memory_space<vmem>>, vector<16xf32>,
    %broadcast_in_dim3A_77 = arith.constant 0.000000e+00 : f32
    %broadcast_in_dim3A_78 = vector.broadcast %broadcast_in_dim3A_77 : f32 to vector<16xf32>
    %swap3A_79 = arith.constant 13 : i32
    %swap3A_80 = arith.index_cast %swap3A_79 : i32 to index
    %swap3A_81 = arith.constant 128 : index
    %swap3A_82 = tpu.vector_load %arg20[%swap3A_80, %swap3A_81] {strides = array<i32>} : memref<80x144xf32, #tpu.memory_space<vmem>>, vector<16xf32>,
    tpu.vector_store %arg20[%swap3A_80, %swap3A_81], %broadcast_in_dim3A_78 {strides = array<i32>} : memref<80x144xf32, #tpu.memory_space<vmem>>, vector<16xf32>,
    %broadcast_in_dim3A_83 = arith.constant 0.000000e+00 : f32
    %broadcast_in_dim3A_84 = vector.broadcast %broadcast_in_dim3A_83 : f32 to vector<16xf32>
    %swap3A_85 = arith.constant 14 : i32
    %swap3A_86 = arith.index_cast %swap3A_85 : i32 to index
    %swap3A_87 = arith.constant 128 : index
    %swap3A_88 = tpu.vector_load %arg20[%swap3A_86, %swap3A_87] {strides = array<i32>} : memref<80x144xf32, #tpu.memory_space<vmem>>, vector<16xf32>,
    tpu.vector_store %arg20[%swap3A_86, %swap3A_87], %broadcast_in_dim3A_84 {strides = array<i32>} : memref<80x144xf32, #tpu.memory_space<vmem>>, vector<16xf32>,
    %broadcast_in_dim3A_89 = arith.constant 0.000000e+00 : f32
    %broadcast_in_dim3A_90 = vector.broadcast %broadcast_in_dim3A_89 : f32 to vector<16xf32>
    %swap3A_91 = arith.constant 15 : i32
    %swap3A_92 = arith.index_cast %swap3A_91 : i32 to index
    %swap3A_93 = arith.constant 128 : index
    %swap3A_94 = tpu.vector_load %arg20[%swap3A_92, %swap3A_93] {strides = array<i32>} : memref<80x144xf32, #tpu.memory_space<vmem>>, vector<16xf32>,
    tpu.vector_store %arg20[%swap3A_92, %swap3A_93], %broadcast_in_dim3A_90 {strides = array<i32>} : memref<80x144xf32, #tpu.memory_space<vmem>>, vector<16xf32>,
    %broadcast_in_dim3A_95 = arith.constant 0.000000e+00 : f32
    %broadcast_in_dim3A_96 = vector.broadcast %broadcast_in_dim3A_95 : f32 to vector<16xf32>
    %swap3A_97 = arith.constant 16 : i32
    %swap3A_98 = arith.index_cast %swap3A_97 : i32 to index
    %swap3A_99 = arith.constant 128 : index
    %swap3A_100 = tpu.vector_load %arg20[%swap3A_98, %swap3A_99] {strides = array<i32>} : memref<80x144xf32, #tpu.memory_space<vmem>>, vector<16xf32>,
    tpu.vector_store %arg20[%swap3A_98, %swap3A_99], %broadcast_in_dim3A_96 {strides = array<i32>} : memref<80x144xf32, #tpu.memory_space<vmem>>, vector<16xf32>,
    %broadcast_in_dim3A_101 = arith.constant 0.000000e+00 : f32
    %broadcast_in_dim3A_102 = vector.broadcast %broadcast_in_dim3A_101 : f32 to vector<16xf32>
    %swap3A_103 = arith.constant 17 : i32
    %swap3A_104 = arith.index_cast %swap3A_103 : i32 to index
    %swap3A_105 = arith.constant 128 : index
    %swap3A_106 = tpu.vector_load %arg20[%swap3A_104, %swap3A_105] {strides = array<i32>} : memref<80x144xf32, #tpu.memory_space<vmem>>, vector<16xf32>,
    tpu.vector_store %arg20[%swap3A_104, %swap3A_105], %broadcast_in_dim3A_102 {strides = array<i32>} : memref<80x144xf32, #tpu.memory_space<vmem>>, vector<16xf32>,
    %broadcast_in_dim3A_107 = arith.constant 0.000000e+00 : f32
    %broadcast_in_dim3A_108 = vector.broadcast %broadcast_in_dim3A_107 : f32 to vector<16xf32>
    %swap3A_109 = arith.constant 18 : i32
    %swap3A_110 = arith.index_cast %swap3A_109 : i32 to index
    %swap3A_111 = arith.constant 128 : index
    %swap3A_112 = tpu.vector_load %arg20[%swap3A_110, %swap3A_111] {strides = array<i32>} : memref<80x144xf32, #tpu.memory_space<vmem>>, vector<16xf32>,
    tpu.vector_store %arg20[%swap3A_110, %swap3A_111], %broadcast_in_dim3A_108 {strides = array<i32>} : memref<80x144xf32, #tpu.memory_space<vmem>>, vector<16xf32>,
    %broadcast_in_dim3A_113 = arith.constant 0.000000e+00 : f32
    %broadcast_in_dim3A_114 = vector.broadcast %broadcast_in_dim3A_113 : f32 to vector<16xf32>
    %swap3A_115 = arith.constant 19 : i32
    %swap3A_116 = arith.index_cast %swap3A_115 : i32 to index
    %swap3A_117 = arith.constant 128 : index
    %swap3A_118 = tpu.vector_load %arg20[%swap3A_116, %swap3A_117] {strides = array<i32>} : memref<80x144xf32, #tpu.memory_space<vmem>>, vector<16xf32>,
    tpu.vector_store %arg20[%swap3A_116, %swap3A_117], %broadcast_in_dim3A_114 {strides = array<i32>} : memref<80x144xf32, #tpu.memory_space<vmem>>, vector<16xf32>,
    %broadcast_in_dim3A_119 = arith.constant 0.000000e+00 : f32
    %broadcast_in_dim3A_120 = vector.broadcast %broadcast_in_dim3A_119 : f32 to vector<16xf32>
    %swap3A_121 = arith.constant 20 : i32
    %swap3A_122 = arith.index_cast %swap3A_121 : i32 to index
    %swap3A_123 = arith.constant 128 : index
    %swap3A_124 = tpu.vector_load %arg20[%swap3A_122, %swap3A_123] {strides = array<i32>} : memref<80x144xf32, #tpu.memory_space<vmem>>, vector<16xf32>,
    tpu.vector_store %arg20[%swap3A_122, %swap3A_123], %broadcast_in_dim3A_120 {strides = array<i32>} : memref<80x144xf32, #tpu.memory_space<vmem>>, vector<16xf32>,
    %broadcast_in_dim3A_125 = arith.constant 0.000000e+00 : f32
    %broadcast_in_dim3A_126 = vector.broadcast %broadcast_in_dim3A_125 : f32 to vector<16xf32>
    %swap3A_127 = arith.constant 21 : i32
    %swap3A_128 = arith.index_cast %swap3A_127 : i32 to index
    %swap3A_129 = arith.constant 128 : index
    %swap3A_130 = tpu.vector_load %arg20[%swap3A_128, %swap3A_129] {strides = array<i32>} : memref<80x144xf32, #tpu.memory_space<vmem>>, vector<16xf32>,
    tpu.vector_store %arg20[%swap3A_128, %swap3A_129], %broadcast_in_dim3A_126 {strides = array<i32>} : memref<80x144xf32, #tpu.memory_space<vmem>>, vector<16xf32>,
    %broadcast_in_dim3A_131 = arith.constant 0.000000e+00 : f32
    %broadcast_in_dim3A_132 = vector.broadcast %broadcast_in_dim3A_131 : f32 to vector<16xf32>
    %swap3A_133 = arith.constant 22 : i32
    %swap3A_134 = arith.index_cast %swap3A_133 : i32 to index
    %swap3A_135 = arith.constant 128 : index
    %swap3A_136 = tpu.vector_load %arg20[%swap3A_134, %swap3A_135] {strides = array<i32>} : memref<80x144xf32, #tpu.memory_space<vmem>>, vector<16xf32>,
    tpu.vector_store %arg20[%swap3A_134, %swap3A_135], %broadcast_in_dim3A_132 {strides = array<i32>} : memref<80x144xf32, #tpu.memory_space<vmem>>, vector<16xf32>,
    %broadcast_in_dim3A_137 = arith.constant 0.000000e+00 : f32
    %broadcast_in_dim3A_138 = vector.broadcast %broadcast_in_dim3A_137 : f32 to vector<16xf32>
    %swap3A_139 = arith.constant 23 : i32
    %swap3A_140 = arith.index_cast %swap3A_139 : i32 to index
    %swap3A_141 = arith.constant 128 : index
    %swap3A_142 = tpu.vector_load %arg20[%swap3A_140, %swap3A_141] {strides = array<i32>} : memref<80x144xf32, #tpu.memory_space<vmem>>, vector<16xf32>,
    tpu.vector_store %arg20[%swap3A_140, %swap3A_141], %broadcast_in_dim3A_138 {strides = array<i32>} : memref<80x144xf32, #tpu.memory_space<vmem>>, vector<16xf32>,
    %broadcast_in_dim3A_143 = arith.constant 0.000000e+00 : f32
    %broadcast_in_dim3A_144 = vector.broadcast %broadcast_in_dim3A_143 : f32 to vector<16xf32>
    %swap3A_145 = arith.constant 24 : i32
    %swap3A_146 = arith.index_cast %swap3A_145 : i32 to index
    %swap3A_147 = arith.constant 128 : index
    %swap3A_148 = tpu.vector_load %arg20[%swap3A_146, %swap3A_147] {strides = array<i32>} : memref<80x144xf32, #tpu.memory_space<vmem>>, vector<16xf32>,
    tpu.vector_store %arg20[%swap3A_146, %swap3A_147], %broadcast_in_dim3A_144 {strides = array<i32>} : memref<80x144xf32, #tpu.memory_space<vmem>>, vector<16xf32>,
    %broadcast_in_dim3A_149 = arith.constant 0.000000e+00 : f32
    %broadcast_in_dim3A_150 = vector.broadcast %broadcast_in_dim3A_149 : f32 to vector<16xf32>
    %swap3A_151 = arith.constant 25 : i32
    %swap3A_152 = arith.index_cast %swap3A_151 : i32 to index
    %swap3A_153 = arith.constant 128 : index
    %swap3A_154 = tpu.vector_load %arg20[%swap3A_152, %swap3A_153] {strides = array<i32>} : memref<80x144xf32, #tpu.memory_space<vmem>>, vector<16xf32>,
    tpu.vector_store %arg20[%swap3A_152, %swap3A_153], %broadcast_in_dim3A_150 {strides = array<i32>} : memref<80x144xf32, #tpu.memory_space<vmem>>, vector<16xf32>,
    %broadcast_in_dim3A_155 = arith.constant 0.000000e+00 : f32
    %broadcast_in_dim3A_156 = vector.broadcast %broadcast_in_dim3A_155 : f32 to vector<16xf32>
    %swap3A_157 = arith.constant 26 : i32
    %swap3A_158 = arith.index_cast %swap3A_157 : i32 to index
    %swap3A_159 = arith.constant 128 : index
    %swap3A_160 = tpu.vector_load %arg20[%swap3A_158, %swap3A_159] {strides = array<i32>} : memref<80x144xf32, #tpu.memory_space<vmem>>, vector<16xf32>,
    tpu.vector_store %arg20[%swap3A_158, %swap3A_159], %broadcast_in_dim3A_156 {strides = array<i32>} : memref<80x144xf32, #tpu.memory_space<vmem>>, vector<16xf32>,
    %broadcast_in_dim3A_161 = arith.constant 0.000000e+00 : f32
    %broadcast_in_dim3A_162 = vector.broadcast %broadcast_in_dim3A_161 : f32 to vector<16xf32>
    %swap3A_163 = arith.constant 27 : i32
    %swap3A_164 = arith.index_cast %swap3A_163 : i32 to index
    %swap3A_165 = arith.constant 128 : index
    %swap3A_166 = tpu.vector_load %arg20[%swap3A_164, %swap3A_165] {strides = array<i32>} : memref<80x144xf32, #tpu.memory_space<vmem>>, vector<16xf32>,
    tpu.vector_store %arg20[%swap3A_164, %swap3A_165], %broadcast_in_dim3A_162 {strides = array<i32>} : memref<80x144xf32, #tpu.memory_space<vmem>>, vector<16xf32>,
    %broadcast_in_dim3A_167 = arith.constant 0.000000e+00 : f32
    %broadcast_in_dim3A_168 = vector.broadcast %broadcast_in_dim3A_167 : f32 to vector<16xf32>
    %swap3A_169 = arith.constant 28 : i32
    %swap3A_170 = arith.index_cast %swap3A_169 : i32 to index
    %swap3A_171 = arith.constant 128 : index
    %swap3A_172 = tpu.vector_load %arg20[%swap3A_170, %swap3A_171] {strides = array<i32>} : memref<80x144xf32, #tpu.memory_space<vmem>>, vector<16xf32>,
    tpu.vector_store %arg20[%swap3A_170, %swap3A_171], %broadcast_in_dim3A_168 {strides = array<i32>} : memref<80x144xf32, #tpu.memory_space<vmem>>, vector<16xf32>,
    %broadcast_in_dim3A_173 = arith.constant 0.000000e+00 : f32
    %broadcast_in_dim3A_174 = vector.broadcast %broadcast_in_dim3A_173 : f32 to vector<16xf32>
    %swap3A_175 = arith.constant 29 : i32
    %swap3A_176 = arith.index_cast %swap3A_175 : i32 to index
    %swap3A_177 = arith.constant 128 : index
    %swap3A_178 = tpu.vector_load %arg20[%swap3A_176, %swap3A_177] {strides = array<i32>} : memref<80x144xf32, #tpu.memory_space<vmem>>, vector<16xf32>,
    tpu.vector_store %arg20[%swap3A_176, %swap3A_177], %broadcast_in_dim3A_174 {strides = array<i32>} : memref<80x144xf32, #tpu.memory_space<vmem>>, vector<16xf32>,
    %broadcast_in_dim3A_179 = arith.constant 0.000000e+00 : f32
    %broadcast_in_dim3A_180 = vector.broadcast %broadcast_in_dim3A_179 : f32 to vector<16xf32>
    %swap3A_181 = arith.constant 30 : i32
    %swap3A_182 = arith.index_cast %swap3A_181 : i32 to index
    %swap3A_183 = arith.constant 128 : index
    %swap3A_184 = tpu.vector_load %arg20[%swap3A_182, %swap3A_183] {strides = array<i32>} : memref<80x144xf32, #tpu.memory_space<vmem>>, vector<16xf32>,
    tpu.vector_store %arg20[%swap3A_182, %swap3A_183], %broadcast_in_dim3A_180 {strides = array<i32>} : memref<80x144xf32, #tpu.memory_space<vmem>>, vector<16xf32>,
    %broadcast_in_dim3A_185 = arith.constant 0.000000e+00 : f32
    %broadcast_in_dim3A_186 = vector.broadcast %broadcast_in_dim3A_185 : f32 to vector<16xf32>
    %swap3A_187 = arith.constant 31 : i32
    %swap3A_188 = arith.index_cast %swap3A_187 : i32 to index
    %swap3A_189 = arith.constant 128 : index
    %swap3A_190 = tpu.vector_load %arg20[%swap3A_188, %swap3A_189] {strides = array<i32>} : memref<80x144xf32, #tpu.memory_space<vmem>>, vector<16xf32>,
    tpu.vector_store %arg20[%swap3A_188, %swap3A_189], %broadcast_in_dim3A_186 {strides = array<i32>} : memref<80x144xf32, #tpu.memory_space<vmem>>, vector<16xf32>,
    %broadcast_in_dim3A_191 = arith.constant 0.000000e+00 : f32
    %broadcast_in_dim3A_192 = vector.broadcast %broadcast_in_dim3A_191 : f32 to vector<16xf32>
    %swap3A_193 = arith.constant 32 : i32
    %swap3A_194 = arith.index_cast %swap3A_193 : i32 to index
    %swap3A_195 = arith.constant 128 : index
    %swap3A_196 = tpu.vector_load %arg20[%swap3A_194, %swap3A_195] {strides = array<i32>} : memref<80x144xf32, #tpu.memory_space<vmem>>, vector<16xf32>,
    tpu.vector_store %arg20[%swap3A_194, %swap3A_195], %broadcast_in_dim3A_192 {strides = array<i32>} : memref<80x144xf32, #tpu.memory_space<vmem>>, vector<16xf32>,
    %broadcast_in_dim3A_197 = arith.constant 0.000000e+00 : f32
    %broadcast_in_dim3A_198 = vector.broadcast %broadcast_in_dim3A_197 : f32 to vector<16xf32>
    %swap3A_199 = arith.constant 33 : i32
    %swap3A_200 = arith.index_cast %swap3A_199 : i32 to index
    %swap3A_201 = arith.constant 128 : index
    %swap3A_202 = tpu.vector_load %arg20[%swap3A_200, %swap3A_201] {strides = array<i32>} : memref<80x144xf32, #tpu.memory_space<vmem>>, vector<16xf32>,
    tpu.vector_store %arg20[%swap3A_200, %swap3A_201], %broadcast_in_dim3A_198 {strides = array<i32>} : memref<80x144xf32, #tpu.memory_space<vmem>>, vector<16xf32>,
    %broadcast_in_dim3A_203 = arith.constant 0.000000e+00 : f32
    %broadcast_in_dim3A_204 = vector.broadcast %broadcast_in_dim3A_203 : f32 to vector<16xf32>
    %swap3A_205 = arith.constant 34 : i32
    %swap3A_206 = arith.index_cast %swap3A_205 : i32 to index
    %swap3A_207 = arith.constant 128 : index
    %swap3A_208 = tpu.vector_load %arg20[%swap3A_206, %swap3A_207] {strides = array<i32>} : memref<80x144xf32, #tpu.memory_space<vmem>>, vector<16xf32>,
    tpu.vector_store %arg20[%swap3A_206, %swap3A_207], %broadcast_in_dim3A_204 {strides = array<i32>} : memref<80x144xf32, #tpu.memory_space<vmem>>, vector<16xf32>,
    %broadcast_in_dim3A_209 = arith.constant 0.000000e+00 : f32
    %broadcast_in_dim3A_210 = vector.broadcast %broadcast_in_dim3A_209 : f32 to vector<16xf32>
    %swap3A_211 = arith.constant 35 : i32
    %swap3A_212 = arith.index_cast %swap3A_211 : i32 to index
    %swap3A_213 = arith.constant 128 : index
    %swap3A_214 = tpu.vector_load %arg20[%swap3A_212, %swap3A_213] {strides = array<i32>} : memref<80x144xf32, #tpu.memory_space<vmem>>, vector<16xf32>,
    tpu.vector_store %arg20[%swap3A_212, %swap3A_213], %broadcast_in_dim3A_210 {strides = array<i32>} : memref<80x144xf32, #tpu.memory_space<vmem>>, vector<16xf32>,
    %broadcast_in_dim3A_215 = arith.constant 0.000000e+00 : f32
    %broadcast_in_dim3A_216 = vector.broadcast %broadcast_in_dim3A_215 : f32 to vector<16xf32>
    %swap3A_217 = arith.constant 36 : i32
    %swap3A_218 = arith.index_cast %swap3A_217 : i32 to index
    %swap3A_219 = arith.constant 128 : index
    %swap3A_220 = tpu.vector_load %arg20[%swap3A_218, %swap3A_219] {strides = array<i32>} : memref<80x144xf32, #tpu.memory_space<vmem>>, vector<16xf32>,
    tpu.vector_store %arg20[%swap3A_218, %swap3A_219], %broadcast_in_dim3A_216 {strides = array<i32>} : memref<80x144xf32, #tpu.memory_space<vmem>>, vector<16xf32>,
    %broadcast_in_dim3A_221 = arith.constant 0.000000e+00 : f32
    %broadcast_in_dim3A_222 = vector.broadcast %broadcast_in_dim3A_221 : f32 to vector<16xf32>
    %swap3A_223 = arith.constant 37 : i32
    %swap3A_224 = arith.index_cast %swap3A_223 : i32 to index
    %swap3A_225 = arith.constant 128 : index
    %swap3A_226 = tpu.vector_load %arg20[%swap3A_224, %swap3A_225] {strides = array<i32>} : memref<80x144xf32, #tpu.memory_space<vmem>>, vector<16xf32>,
    tpu.vector_store %arg20[%swap3A_224, %swap3A_225], %broadcast_in_dim3A_222 {strides = array<i32>} : memref<80x144xf32, #tpu.memory_space<vmem>>, vector<16xf32>,
    %broadcast_in_dim3A_227 = arith.constant 0.000000e+00 : f32
    %broadcast_in_dim3A_228 = vector.broadcast %broadcast_in_dim3A_227 : f32 to vector<16xf32>
    %swap3A_229 = arith.constant 38 : i32
    %swap3A_230 = arith.index_cast %swap3A_229 : i32 to index
    %swap3A_231 = arith.constant 128 : index
    %swap3A_232 = tpu.vector_load %arg20[%swap3A_230, %swap3A_231] {strides = array<i32>} : memref<80x144xf32, #tpu.memory_space<vmem>>, vector<16xf32>,
    tpu.vector_store %arg20[%swap3A_230, %swap3A_231], %broadcast_in_dim3A_228 {strides = array<i32>} : memref<80x144xf32, #tpu.memory_space<vmem>>, vector<16xf32>,
    %broadcast_in_dim3A_233 = arith.constant 0.000000e+00 : f32
    %broadcast_in_dim3A_234 = vector.broadcast %broadcast_in_dim3A_233 : f32 to vector<16xf32>
    %swap3A_235 = arith.constant 39 : i32
    %swap3A_236 = arith.index_cast %swap3A_235 : i32 to index
    %swap3A_237 = arith.constant 128 : index
    %swap3A_238 = tpu.vector_load %arg20[%swap3A_236, %swap3A_237] {strides = array<i32>} : memref<80x144xf32, #tpu.memory_space<vmem>>, vector<16xf32>,
    tpu.vector_store %arg20[%swap3A_236, %swap3A_237], %broadcast_in_dim3A_234 {strides = array<i32>} : memref<80x144xf32, #tpu.memory_space<vmem>>, vector<16xf32>,
    %broadcast_in_dim3A_239 = arith.constant 0.000000e+00 : f32
    %broadcast_in_dim3A_240 = vector.broadcast %broadcast_in_dim3A_239 : f32 to vector<16xf32>
    %swap3A_241 = arith.constant 40 : i32
    %swap3A_242 = arith.index_cast %swap3A_241 : i32 to index
    %swap3A_243 = arith.constant 128 : index
    %swap3A_244 = tpu.vector_load %arg20[%swap3A_242, %swap3A_243] {strides = array<i32>} : memref<80x144xf32, #tpu.memory_space<vmem>>, vector<16xf32>,
    tpu.vector_store %arg20[%swap3A_242, %swap3A_243], %broadcast_in_dim3A_240 {strides = array<i32>} : memref<80x144xf32, #tpu.memory_space<vmem>>, vector<16xf32>,
    %broadcast_in_dim3A_245 = arith.constant 0.000000e+00 : f32
    %broadcast_in_dim3A_246 = vector.broadcast %broadcast_in_dim3A_245 : f32 to vector<16xf32>
    %swap3A_247 = arith.constant 41 : i32
    %swap3A_248 = arith.index_cast %swap3A_247 : i32 to index
    %swap3A_249 = arith.constant 128 : index
    %swap3A_250 = tpu.vector_load %arg20[%swap3A_248, %swap3A_249] {strides = array<i32>} : memref<80x144xf32, #tpu.memory_space<vmem>>, vector<16xf32>,
    tpu.vector_store %arg20[%swap3A_248, %swap3A_249], %broadcast_in_dim3A_246 {strides = array<i32>} : memref<80x144xf32, #tpu.memory_space<vmem>>, vector<16xf32>,
    %broadcast_in_dim3A_251 = arith.constant 0.000000e+00 : f32
    %broadcast_in_dim3A_252 = vector.broadcast %broadcast_in_dim3A_251 : f32 to vector<16xf32>
    %swap3A_253 = arith.constant 42 : i32
    %swap3A_254 = arith.index_cast %swap3A_253 : i32 to index
    %swap3A_255 = arith.constant 128 : index
    %swap3A_256 = tpu.vector_load %arg20[%swap3A_254, %swap3A_255] {strides = array<i32>} : memref<80x144xf32, #tpu.memory_space<vmem>>, vector<16xf32>,
    tpu.vector_store %arg20[%swap3A_254, %swap3A_255], %broadcast_in_dim3A_252 {strides = array<i32>} : memref<80x144xf32, #tpu.memory_space<vmem>>, vector<16xf32>,
    %broadcast_in_dim3A_257 = arith.constant 0.000000e+00 : f32
    %broadcast_in_dim3A_258 = vector.broadcast %broadcast_in_dim3A_257 : f32 to vector<16xf32>
    %swap3A_259 = arith.constant 43 : i32
    %swap3A_260 = arith.index_cast %swap3A_259 : i32 to index
    %swap3A_261 = arith.constant 128 : index
    %swap3A_262 = tpu.vector_load %arg20[%swap3A_260, %swap3A_261] {strides = array<i32>} : memref<80x144xf32, #tpu.memory_space<vmem>>, vector<16xf32>,
    tpu.vector_store %arg20[%swap3A_260, %swap3A_261], %broadcast_in_dim3A_258 {strides = array<i32>} : memref<80x144xf32, #tpu.memory_space<vmem>>, vector<16xf32>,
    %broadcast_in_dim3A_263 = arith.constant 0.000000e+00 : f32
    %broadcast_in_dim3A_264 = vector.broadcast %broadcast_in_dim3A_263 : f32 to vector<16xf32>
    %swap3A_265 = arith.constant 44 : i32
    %swap3A_266 = arith.index_cast %swap3A_265 : i32 to index
    %swap3A_267 = arith.constant 128 : index
    %swap3A_268 = tpu.vector_load %arg20[%swap3A_266, %swap3A_267] {strides = array<i32>} : memref<80x144xf32, #tpu.memory_space<vmem>>, vector<16xf32>,
    tpu.vector_store %arg20[%swap3A_266, %swap3A_267], %broadcast_in_dim3A_264 {strides = array<i32>} : memref<80x144xf32, #tpu.memory_space<vmem>>, vector<16xf32>,
    %broadcast_in_dim3A_269 = arith.constant 0.000000e+00 : f32
    %broadcast_in_dim3A_270 = vector.broadcast %broadcast_in_dim3A_269 : f32 to vector<16xf32>
    %swap3A_271 = arith.constant 45 : i32
    %swap3A_272 = arith.index_cast %swap3A_271 : i32 to index
    %swap3A_273 = arith.constant 128 : index
    %swap3A_274 = tpu.vector_load %arg20[%swap3A_272, %swap3A_273] {strides = array<i32>} : memref<80x144xf32, #tpu.memory_space<vmem>>, vector<16xf32>,
    tpu.vector_store %arg20[%swap3A_272, %swap3A_273], %broadcast_in_dim3A_270 {strides = array<i32>} : memref<80x144xf32, #tpu.memory_space<vmem>>, vector<16xf32>,
    %broadcast_in_dim3A_275 = arith.constant 0.000000e+00 : f32
    %broadcast_in_dim3A_276 = vector.broadcast %broadcast_in_dim3A_275 : f32 to vector<16xf32>
    %swap3A_277 = arith.constant 46 : i32
    %swap3A_278 = arith.index_cast %swap3A_277 : i32 to index
    %swap3A_279 = arith.constant 128 : index
    %swap3A_280 = tpu.vector_load %arg20[%swap3A_278, %swap3A_279] {strides = array<i32>} : memref<80x144xf32, #tpu.memory_space<vmem>>, vector<16xf32>,
    tpu.vector_store %arg20[%swap3A_278, %swap3A_279], %broadcast_in_dim3A_276 {strides = array<i32>} : memref<80x144xf32, #tpu.memory_space<vmem>>, vector<16xf32>,
    %broadcast_in_dim3A_281 = arith.constant 0.000000e+00 : f32
    %broadcast_in_dim3A_282 = vector.broadcast %broadcast_in_dim3A_281 : f32 to vector<16xf32>
    %swap3A_283 = arith.constant 47 : i32
    %swap3A_284 = arith.index_cast %swap3A_283 : i32 to index
    %swap3A_285 = arith.constant 128 : index
    %swap3A_286 = tpu.vector_load %arg20[%swap3A_284, %swap3A_285] {strides = array<i32>} : memref<80x144xf32, #tpu.memory_space<vmem>>, vector<16xf32>,
    tpu.vector_store %arg20[%swap3A_284, %swap3A_285], %broadcast_in_dim3A_282 {strides = array<i32>} : memref<80x144xf32, #tpu.memory_space<vmem>>, vector<16xf32>,
    %broadcast_in_dim3A_287 = arith.constant 0.000000e+00 : f32
    %broadcast_in_dim3A_288 = vector.broadcast %broadcast_in_dim3A_287 : f32 to vector<16xf32>
    %swap3A_289 = arith.constant 48 : i32
    %swap3A_290 = arith.index_cast %swap3A_289 : i32 to index
    %swap3A_291 = arith.constant 128 : index
    %swap3A_292 = tpu.vector_load %arg20[%swap3A_290, %swap3A_291] {strides = array<i32>} : memref<80x144xf32, #tpu.memory_space<vmem>>, vector<16xf32>,
    tpu.vector_store %arg20[%swap3A_290, %swap3A_291], %broadcast_in_dim3A_288 {strides = array<i32>} : memref<80x144xf32, #tpu.memory_space<vmem>>, vector<16xf32>,
    %broadcast_in_dim3A_293 = arith.constant 0.000000e+00 : f32
    %broadcast_in_dim3A_294 = vector.broadcast %broadcast_in_dim3A_293 : f32 to vector<16xf32>
    %swap3A_295 = arith.constant 49 : i32
    %swap3A_296 = arith.index_cast %swap3A_295 : i32 to index
    %swap3A_297 = arith.constant 128 : index
    %swap3A_298 = tpu.vector_load %arg20[%swap3A_296, %swap3A_297] {strides = array<i32>} : memref<80x144xf32, #tpu.memory_space<vmem>>, vector<16xf32>,
    tpu.vector_store %arg20[%swap3A_296, %swap3A_297], %broadcast_in_dim3A_294 {strides = array<i32>} : memref<80x144xf32, #tpu.memory_space<vmem>>, vector<16xf32>,
    %broadcast_in_dim3A_299 = arith.constant 0.000000e+00 : f32
    %broadcast_in_dim3A_300 = vector.broadcast %broadcast_in_dim3A_299 : f32 to vector<16xf32>
    %swap3A_301 = arith.constant 50 : i32
    %swap3A_302 = arith.index_cast %swap3A_301 : i32 to index
    %swap3A_303 = arith.constant 128 : index
    %swap3A_304 = tpu.vector_load %arg20[%swap3A_302, %swap3A_303] {strides = array<i32>} : memref<80x144xf32, #tpu.memory_space<vmem>>, vector<16xf32>,
    tpu.vector_store %arg20[%swap3A_302, %swap3A_303], %broadcast_in_dim3A_300 {strides = array<i32>} : memref<80x144xf32, #tpu.memory_space<vmem>>, vector<16xf32>,
    %broadcast_in_dim3A_305 = arith.constant 0.000000e+00 : f32
    %broadcast_in_dim3A_306 = vector.broadcast %broadcast_in_dim3A_305 : f32 to vector<16xf32>
    %swap3A_307 = arith.constant 51 : i32
    %swap3A_308 = arith.index_cast %swap3A_307 : i32 to index
    %swap3A_309 = arith.constant 128 : index
    %swap3A_310 = tpu.vector_load %arg20[%swap3A_308, %swap3A_309] {strides = array<i32>} : memref<80x144xf32, #tpu.memory_space<vmem>>, vector<16xf32>,
    tpu.vector_store %arg20[%swap3A_308, %swap3A_309], %broadcast_in_dim3A_306 {strides = array<i32>} : memref<80x144xf32, #tpu.memory_space<vmem>>, vector<16xf32>,
    %broadcast_in_dim3A_311 = arith.constant 0.000000e+00 : f32
    %broadcast_in_dim3A_312 = vector.broadcast %broadcast_in_dim3A_311 : f32 to vector<16xf32>
    %swap3A_313 = arith.constant 52 : i32
    %swap3A_314 = arith.index_cast %swap3A_313 : i32 to index
    %swap3A_315 = arith.constant 128 : index
    %swap3A_316 = tpu.vector_load %arg20[%swap3A_314, %swap3A_315] {strides = array<i32>} : memref<80x144xf32, #tpu.memory_space<vmem>>, vector<16xf32>,
    tpu.vector_store %arg20[%swap3A_314, %swap3A_315], %broadcast_in_dim3A_312 {strides = array<i32>} : memref<80x144xf32, #tpu.memory_space<vmem>>, vector<16xf32>,
    %broadcast_in_dim3A_317 = arith.constant 0.000000e+00 : f32
    %broadcast_in_dim3A_318 = vector.broadcast %broadcast_in_dim3A_317 : f32 to vector<16xf32>
    %swap3A_319 = arith.constant 53 : i32
    %swap3A_320 = arith.index_cast %swap3A_319 : i32 to index
    %swap3A_321 = arith.constant 128 : index
    %swap3A_322 = tpu.vector_load %arg20[%swap3A_320, %swap3A_321] {strides = array<i32>} : memref<80x144xf32, #tpu.memory_space<vmem>>, vector<16xf32>,
    tpu.vector_store %arg20[%swap3A_320, %swap3A_321], %broadcast_in_dim3A_318 {strides = array<i32>} : memref<80x144xf32, #tpu.memory_space<vmem>>, vector<16xf32>,
    %broadcast_in_dim3A_323 = arith.constant 0.000000e+00 : f32
    %broadcast_in_dim3A_324 = vector.broadcast %broadcast_in_dim3A_323 : f32 to vector<16xf32>
    %swap3A_325 = arith.constant 54 : i32
    %swap3A_326 = arith.index_cast %swap3A_325 : i32 to index
    %swap3A_327 = arith.constant 128 : index
    %swap3A_328 = tpu.vector_load %arg20[%swap3A_326, %swap3A_327] {strides = array<i32>} : memref<80x144xf32, #tpu.memory_space<vmem>>, vector<16xf32>,
    tpu.vector_store %arg20[%swap3A_326, %swap3A_327], %broadcast_in_dim3A_324 {strides = array<i32>} : memref<80x144xf32, #tpu.memory_space<vmem>>, vector<16xf32>,
    %broadcast_in_dim3A_329 = arith.constant 0.000000e+00 : f32
    %broadcast_in_dim3A_330 = vector.broadcast %broadcast_in_dim3A_329 : f32 to vector<16xf32>
    %swap3A_331 = arith.constant 55 : i32
    %swap3A_332 = arith.index_cast %swap3A_331 : i32 to index
    %swap3A_333 = arith.constant 128 : index
    %swap3A_334 = tpu.vector_load %arg20[%swap3A_332, %swap3A_333] {strides = array<i32>} : memref<80x144xf32, #tpu.memory_space<vmem>>, vector<16xf32>,
    tpu.vector_store %arg20[%swap3A_332, %swap3A_333], %broadcast_in_dim3A_330 {strides = array<i32>} : memref<80x144xf32, #tpu.memory_space<vmem>>, vector<16xf32>,
    %broadcast_in_dim3A_335 = arith.constant 0.000000e+00 : f32
    %broadcast_in_dim3A_336 = vector.broadcast %broadcast_in_dim3A_335 : f32 to vector<16xf32>
    %swap3A_337 = arith.constant 56 : i32
    %swap3A_338 = arith.index_cast %swap3A_337 : i32 to index
    %swap3A_339 = arith.constant 128 : index
    %swap3A_340 = tpu.vector_load %arg20[%swap3A_338, %swap3A_339] {strides = array<i32>} : memref<80x144xf32, #tpu.memory_space<vmem>>, vector<16xf32>,
    tpu.vector_store %arg20[%swap3A_338, %swap3A_339], %broadcast_in_dim3A_336 {strides = array<i32>} : memref<80x144xf32, #tpu.memory_space<vmem>>, vector<16xf32>,
    %broadcast_in_dim3A_341 = arith.constant 0.000000e+00 : f32
    %broadcast_in_dim3A_342 = vector.broadcast %broadcast_in_dim3A_341 : f32 to vector<16xf32>
    %swap3A_343 = arith.constant 57 : i32
    %swap3A_344 = arith.index_cast %swap3A_343 : i32 to index
    %swap3A_345 = arith.constant 128 : index
    %swap3A_346 = tpu.vector_load %arg20[%swap3A_344, %swap3A_345] {strides = array<i32>} : memref<80x144xf32, #tpu.memory_space<vmem>>, vector<16xf32>,
    tpu.vector_store %arg20[%swap3A_344, %swap3A_345], %broadcast_in_dim3A_342 {strides = array<i32>} : memref<80x144xf32, #tpu.memory_space<vmem>>, vector<16xf32>,
    %broadcast_in_dim3A_347 = arith.constant 0.000000e+00 : f32
    %broadcast_in_dim3A_348 = vector.broadcast %broadcast_in_dim3A_347 : f32 to vector<16xf32>
    %swap3A_349 = arith.constant 58 : i32
    %swap3A_350 = arith.index_cast %swap3A_349 : i32 to index
    %swap3A_351 = arith.constant 128 : index
    %swap3A_352 = tpu.vector_load %arg20[%swap3A_350, %swap3A_351] {strides = array<i32>} : memref<80x144xf32, #tpu.memory_space<vmem>>, vector<16xf32>,
    tpu.vector_store %arg20[%swap3A_350, %swap3A_351], %broadcast_in_dim3A_348 {strides = array<i32>} : memref<80x144xf32, #tpu.memory_space<vmem>>, vector<16xf32>,
    %broadcast_in_dim3A_353 = arith.constant 0.000000e+00 : f32
    %broadcast_in_dim3A_354 = vector.broadcast %broadcast_in_dim3A_353 : f32 to vector<16xf32>
    %swap3A_355 = arith.constant 59 : i32
    %swap3A_356 = arith.index_cast %swap3A_355 : i32 to index
    %swap3A_357 = arith.constant 128 : index
    %swap3A_358 = tpu.vector_load %arg20[%swap3A_356, %swap3A_357] {strides = array<i32>} : memref<80x144xf32, #tpu.memory_space<vmem>>, vector<16xf32>,
    tpu.vector_store %arg20[%swap3A_356, %swap3A_357], %broadcast_in_dim3A_354 {strides = array<i32>} : memref<80x144xf32, #tpu.memory_space<vmem>>, vector<16xf32>,
    %broadcast_in_dim3A_359 = arith.constant 0.000000e+00 : f32
    %broadcast_in_dim3A_360 = vector.broadcast %broadcast_in_dim3A_359 : f32 to vector<16xf32>
    %swap3A_361 = arith.constant 60 : i32
    %swap3A_362 = arith.index_cast %swap3A_361 : i32 to index
    %swap3A_363 = arith.constant 128 : index
    %swap3A_364 = tpu.vector_load %arg20[%swap3A_362, %swap3A_363] {strides = array<i32>} : memref<80x144xf32, #tpu.memory_space<vmem>>, vector<16xf32>,
    tpu.vector_store %arg20[%swap3A_362, %swap3A_363], %broadcast_in_dim3A_360 {strides = array<i32>} : memref<80x144xf32, #tpu.memory_space<vmem>>, vector<16xf32>,
    %broadcast_in_dim3A_365 = arith.constant 0.000000e+00 : f32
    %broadcast_in_dim3A_366 = vector.broadcast %broadcast_in_dim3A_365 : f32 to vector<16xf32>
    %swap3A_367 = arith.constant 61 : i32
    %swap3A_368 = arith.index_cast %swap3A_367 : i32 to index
    %swap3A_369 = arith.constant 128 : index
    %swap3A_370 = tpu.vector_load %arg20[%swap3A_368, %swap3A_369] {strides = array<i32>} : memref<80x144xf32, #tpu.memory_space<vmem>>, vector<16xf32>,
    tpu.vector_store %arg20[%swap3A_368, %swap3A_369], %broadcast_in_dim3A_366 {strides = array<i32>} : memref<80x144xf32, #tpu.memory_space<vmem>>, vector<16xf32>,
    %broadcast_in_dim3A_371 = arith.constant 0.000000e+00 : f32
    %broadcast_in_dim3A_372 = vector.broadcast %broadcast_in_dim3A_371 : f32 to vector<16xf32>
    %swap3A_373 = arith.constant 62 : i32
    %swap3A_374 = arith.index_cast %swap3A_373 : i32 to index
    %swap3A_375 = arith.constant 128 : index
    %swap3A_376 = tpu.vector_load %arg20[%swap3A_374, %swap3A_375] {strides = array<i32>} : memref<80x144xf32, #tpu.memory_space<vmem>>, vector<16xf32>,
    tpu.vector_store %arg20[%swap3A_374, %swap3A_375], %broadcast_in_dim3A_372 {strides = array<i32>} : memref<80x144xf32, #tpu.memory_space<vmem>>, vector<16xf32>,
    %broadcast_in_dim3A_377 = arith.constant 0.000000e+00 : f32
    %broadcast_in_dim3A_378 = vector.broadcast %broadcast_in_dim3A_377 : f32 to vector<16xf32>
    %swap3A_379 = arith.constant 63 : i32
    %swap3A_380 = arith.index_cast %swap3A_379 : i32 to index
    %swap3A_381 = arith.constant 128 : index
    %swap3A_382 = tpu.vector_load %arg20[%swap3A_380, %swap3A_381] {strides = array<i32>} : memref<80x144xf32, #tpu.memory_space<vmem>>, vector<16xf32>,
    tpu.vector_store %arg20[%swap3A_380, %swap3A_381], %broadcast_in_dim3A_378 {strides = array<i32>} : memref<80x144xf32, #tpu.memory_space<vmem>>, vector<16xf32>,
    %broadcast_in_dim3A_383 = arith.constant 0.000000e+00 : f32
    %broadcast_in_dim3A_384 = vector.broadcast %broadcast_in_dim3A_383 : f32 to vector<16xf32>
    %swap3A_385 = arith.constant 64 : i32
    %swap3A_386 = arith.index_cast %swap3A_385 : i32 to index
    %swap3A_387 = arith.constant 128 : index
    %swap3A_388 = tpu.vector_load %arg20[%swap3A_386, %swap3A_387] {strides = array<i32>} : memref<80x144xf32, #tpu.memory_space<vmem>>, vector<16xf32>,
    tpu.vector_store %arg20[%swap3A_386, %swap3A_387], %broadcast_in_dim3A_384 {strides = array<i32>} : memref<80x144xf32, #tpu.memory_space<vmem>>, vector<16xf32>,
    %broadcast_in_dim3A_389 = arith.constant 0.000000e+00 : f32
    %broadcast_in_dim3A_390 = vector.broadcast %broadcast_in_dim3A_389 : f32 to vector<16xf32>
    %swap3A_391 = arith.constant 65 : i32
    %swap3A_392 = arith.index_cast %swap3A_391 : i32 to index
    %swap3A_393 = arith.constant 128 : index
    %swap3A_394 = tpu.vector_load %arg20[%swap3A_392, %swap3A_393] {strides = array<i32>} : memref<80x144xf32, #tpu.memory_space<vmem>>, vector<16xf32>,
    tpu.vector_store %arg20[%swap3A_392, %swap3A_393], %broadcast_in_dim3A_390 {strides = array<i32>} : memref<80x144xf32, #tpu.memory_space<vmem>>, vector<16xf32>,
    %broadcast_in_dim3A_395 = arith.constant 0.000000e+00 : f32
    %broadcast_in_dim3A_396 = vector.broadcast %broadcast_in_dim3A_395 : f32 to vector<16xf32>
    %swap3A_397 = arith.constant 66 : i32
    %swap3A_398 = arith.index_cast %swap3A_397 : i32 to index
    %swap3A_399 = arith.constant 128 : index
    %swap3A_400 = tpu.vector_load %arg20[%swap3A_398, %swap3A_399] {strides = array<i32>} : memref<80x144xf32, #tpu.memory_space<vmem>>, vector<16xf32>,
    tpu.vector_store %arg20[%swap3A_398, %swap3A_399], %broadcast_in_dim3A_396 {strides = array<i32>} : memref<80x144xf32, #tpu.memory_space<vmem>>, vector<16xf32>,
    %broadcast_in_dim3A_401 = arith.constant 0.000000e+00 : f32
    %broadcast_in_dim3A_402 = vector.broadcast %broadcast_in_dim3A_401 : f32 to vector<16xf32>
    %swap3A_403 = arith.constant 67 : i32
    %swap3A_404 = arith.index_cast %swap3A_403 : i32 to index
    %swap3A_405 = arith.constant 128 : index
    %swap3A_406 = tpu.vector_load %arg20[%swap3A_404, %swap3A_405] {strides = array<i32>} : memref<80x144xf32, #tpu.memory_space<vmem>>, vector<16xf32>,
    tpu.vector_store %arg20[%swap3A_404, %swap3A_405], %broadcast_in_dim3A_402 {strides = array<i32>} : memref<80x144xf32, #tpu.memory_space<vmem>>, vector<16xf32>,
    %broadcast_in_dim3A_407 = arith.constant 0.000000e+00 : f32
    %broadcast_in_dim3A_408 = vector.broadcast %broadcast_in_dim3A_407 : f32 to vector<16xf32>
    %swap3A_409 = arith.constant 68 : i32
    %swap3A_410 = arith.index_cast %swap3A_409 : i32 to index
    %swap3A_411 = arith.constant 128 : index
    %swap3A_412 = tpu.vector_load %arg20[%swap3A_410, %swap3A_411] {strides = array<i32>} : memref<80x144xf32, #tpu.memory_space<vmem>>, vector<16xf32>,
    tpu.vector_store %arg20[%swap3A_410, %swap3A_411], %broadcast_in_dim3A_408 {strides = array<i32>} : memref<80x144xf32, #tpu.memory_space<vmem>>, vector<16xf32>,
    %broadcast_in_dim3A_413 = arith.constant 0.000000e+00 : f32
    %broadcast_in_dim3A_414 = vector.broadcast %broadcast_in_dim3A_413 : f32 to vector<16xf32>
    %swap3A_415 = arith.constant 69 : i32
    %swap3A_416 = arith.index_cast %swap3A_415 : i32 to index
    %swap3A_417 = arith.constant 128 : index
    %swap3A_418 = tpu.vector_load %arg20[%swap3A_416, %swap3A_417] {strides = array<i32>} : memref<80x144xf32, #tpu.memory_space<vmem>>, vector<16xf32>,
    tpu.vector_store %arg20[%swap3A_416, %swap3A_417], %broadcast_in_dim3A_414 {strides = array<i32>} : memref<80x144xf32, #tpu.memory_space<vmem>>, vector<16xf32>,
    %broadcast_in_dim3A_419 = arith.constant 0.000000e+00 : f32
    %broadcast_in_dim3A_420 = vector.broadcast %broadcast_in_dim3A_419 : f32 to vector<16xf32>
    %swap3A_421 = arith.constant 70 : i32
    %swap3A_422 = arith.index_cast %swap3A_421 : i32 to index
    %swap3A_423 = arith.constant 128 : index
    %swap3A_424 = tpu.vector_load %arg20[%swap3A_422, %swap3A_423] {strides = array<i32>} : memref<80x144xf32, #tpu.memory_space<vmem>>, vector<16xf32>,
    tpu.vector_store %arg20[%swap3A_422, %swap3A_423], %broadcast_in_dim3A_420 {strides = array<i32>} : memref<80x144xf32, #tpu.memory_space<vmem>>, vector<16xf32>,
    %broadcast_in_dim3A_425 = arith.constant 0.000000e+00 : f32
    %broadcast_in_dim3A_426 = vector.broadcast %broadcast_in_dim3A_425 : f32 to vector<16xf32>
    %swap3A_427 = arith.constant 71 : i32
    %swap3A_428 = arith.index_cast %swap3A_427 : i32 to index
    %swap3A_429 = arith.constant 128 : index
    %swap3A_430 = tpu.vector_load %arg20[%swap3A_428, %swap3A_429] {strides = array<i32>} : memref<80x144xf32, #tpu.memory_space<vmem>>, vector<16xf32>,
    tpu.vector_store %arg20[%swap3A_428, %swap3A_429], %broadcast_in_dim3A_426 {strides = array<i32>} : memref<80x144xf32, #tpu.memory_space<vmem>>, vector<16xf32>,
    %broadcast_in_dim3A_431 = arith.constant 0.000000e+00 : f32
    %broadcast_in_dim3A_432 = vector.broadcast %broadcast_in_dim3A_431 : f32 to vector<16xf32>
    %swap3A_433 = arith.constant 72 : i32
    %swap3A_434 = arith.index_cast %swap3A_433 : i32 to index
    %swap3A_435 = arith.constant 128 : index
    %swap3A_436 = tpu.vector_load %arg20[%swap3A_434, %swap3A_435] {strides = array<i32>} : memref<80x144xf32, #tpu.memory_space<vmem>>, vector<16xf32>,
    tpu.vector_store %arg20[%swap3A_434, %swap3A_435], %broadcast_in_dim3A_432 {strides = array<i32>} : memref<80x144xf32, #tpu.memory_space<vmem>>, vector<16xf32>,
    %broadcast_in_dim3A_437 = arith.constant 0.000000e+00 : f32
    %broadcast_in_dim3A_438 = vector.broadcast %broadcast_in_dim3A_437 : f32 to vector<16xf32>
    %swap3A_439 = arith.constant 73 : i32
    %swap3A_440 = arith.index_cast %swap3A_439 : i32 to index
    %swap3A_441 = arith.constant 128 : index
    %swap3A_442 = tpu.vector_load %arg20[%swap3A_440, %swap3A_441] {strides = array<i32>} : memref<80x144xf32, #tpu.memory_space<vmem>>, vector<16xf32>,
    tpu.vector_store %arg20[%swap3A_440, %swap3A_441], %broadcast_in_dim3A_438 {strides = array<i32>} : memref<80x144xf32, #tpu.memory_space<vmem>>, vector<16xf32>,
    %broadcast_in_dim3A_443 = arith.constant 0.000000e+00 : f32
    %broadcast_in_dim3A_444 = vector.broadcast %broadcast_in_dim3A_443 : f32 to vector<16xf32>
    %swap3A_445 = arith.constant 74 : i32
    %swap3A_446 = arith.index_cast %swap3A_445 : i32 to index
    %swap3A_447 = arith.constant 128 : index
    %swap3A_448 = tpu.vector_load %arg20[%swap3A_446, %swap3A_447] {strides = array<i32>} : memref<80x144xf32, #tpu.memory_space<vmem>>, vector<16xf32>,
    tpu.vector_store %arg20[%swap3A_446, %swap3A_447], %broadcast_in_dim3A_444 {strides = array<i32>} : memref<80x144xf32, #tpu.memory_space<vmem>>, vector<16xf32>,
    %broadcast_in_dim3A_449 = arith.constant 0.000000e+00 : f32
    %broadcast_in_dim3A_450 = vector.broadcast %broadcast_in_dim3A_449 : f32 to vector<16xf32>
    %swap3A_451 = arith.constant 75 : i32
    %swap3A_452 = arith.index_cast %swap3A_451 : i32 to index
    %swap3A_453 = arith.constant 128 : index
    %swap3A_454 = tpu.vector_load %arg20[%swap3A_452, %swap3A_453] {strides = array<i32>} : memref<80x144xf32, #tpu.memory_space<vmem>>, vector<16xf32>,
    tpu.vector_store %arg20[%swap3A_452, %swap3A_453], %broadcast_in_dim3A_450 {strides = array<i32>} : memref<80x144xf32, #tpu.memory_space<vmem>>, vector<16xf32>,
    %broadcast_in_dim3A_455 = arith.constant 0.000000e+00 : f32
    %broadcast_in_dim3A_456 = vector.broadcast %broadcast_in_dim3A_455 : f32 to vector<16xf32>
    %swap3A_457 = arith.constant 76 : i32
    %swap3A_458 = arith.index_cast %swap3A_457 : i32 to index
    %swap3A_459 = arith.constant 128 : index
    %swap3A_460 = tpu.vector_load %arg20[%swap3A_458, %swap3A_459] {strides = array<i32>} : memref<80x144xf32, #tpu.memory_space<vmem>>, vector<16xf32>,
    tpu.vector_store %arg20[%swap3A_458, %swap3A_459], %broadcast_in_dim3A_456 {strides = array<i32>} : memref<80x144xf32, #tpu.memory_space<vmem>>, vector<16xf32>,
    %broadcast_in_dim3A_461 = arith.constant 0.000000e+00 : f32
    %broadcast_in_dim3A_462 = vector.broadcast %broadcast_in_dim3A_461 : f32 to vector<16xf32>
    %swap3A_463 = arith.constant 77 : i32
    %swap3A_464 = arith.index_cast %swap3A_463 : i32 to index
    %swap3A_465 = arith.constant 128 : index
    %swap3A_466 = tpu.vector_load %arg20[%swap3A_464, %swap3A_465] {strides = array<i32>} : memref<80x144xf32, #tpu.memory_space<vmem>>, vector<16xf32>,
    tpu.vector_store %arg20[%swap3A_464, %swap3A_465], %broadcast_in_dim3A_462 {strides = array<i32>} : memref<80x144xf32, #tpu.memory_space<vmem>>, vector<16xf32>,
    %broadcast_in_dim3A_467 = arith.constant 0.000000e+00 : f32
    %broadcast_in_dim3A_468 = vector.broadcast %broadcast_in_dim3A_467 : f32 to vector<16xf32>
    %swap3A_469 = arith.constant 78 : i32
    %swap3A_470 = arith.index_cast %swap3A_469 : i32 to index
    %swap3A_471 = arith.constant 128 : index
    %swap3A_472 = tpu.vector_load %arg20[%swap3A_470, %swap3A_471] {strides = array<i32>} : memref<80x144xf32, #tpu.memory_space<vmem>>, vector<16xf32>,
    tpu.vector_store %arg20[%swap3A_470, %swap3A_471], %broadcast_in_dim3A_468 {strides = array<i32>} : memref<80x144xf32, #tpu.memory_space<vmem>>, vector<16xf32>,
    %broadcast_in_dim3A_473 = arith.constant 0.000000e+00 : f32
    %broadcast_in_dim3A_474 = vector.broadcast %broadcast_in_dim3A_473 : f32 to vector<16xf32>
    %swap3A_475 = arith.constant 79 : i32
    %swap3A_476 = arith.index_cast %swap3A_475 : i32 to index
    %swap3A_477 = arith.constant 128 : index
    %swap3A_478 = tpu.vector_load %arg20[%swap3A_476, %swap3A_477] {strides = array<i32>} : memref<80x144xf32, #tpu.memory_space<vmem>>, vector<16xf32>,
    tpu.vector_store %arg20[%swap3A_476, %swap3A_477], %broadcast_in_dim3A_474 {strides = array<i32>} : memref<80x144xf32, #tpu.memory_space<vmem>>, vector<16xf32>,
    %mul3A_479 = arith.constant 640 : i32
    %mul3A_480 = arith.muli %arg1, %mul3A_479 : i32
    "tpu.region"() ({
      %run_scoped3A_590 = tpu.sem_alloc : memref<!tpu.dma_semaphore, #tpu.memory_space<semaphore_mem>>
      %dma_start3A_591 = arith.constant 0 : i32
      %dma_start3A_592 = tpu.memref_slice %arg21[%mul3A_480, %dma_start3A_591] : memref<10240x144xf32, #tpu.memory_space<vmem_shared>> -> memref<640x144xf32, #tpu.memory_space<vmem_shared>>
      tpu.enqueue_dma source(%arg12 : memref<640x144xf32, #tpu.memory_space<hbm>>) target(%dma_start3A_592 : memref<640x144xf32, #tpu.memory_space<vmem_shared>>) target_semaphore(%run_scoped3A_590 : memref<!tpu.dma_semaphore, #tpu.memory_space<semaphore_mem>>)
      %dma_wait3A_593 = arith.constant 0 : i32
      %dma_wait3A_594 = tpu.memref_slice %arg21[%mul3A_480, %dma_wait3A_593] : memref<10240x144xf32, #tpu.memory_space<vmem_shared>> -> memref<640x144xf32, #tpu.memory_space<vmem_shared>>
      tpu.wait_dma2 semaphore(%run_scoped3A_590 : memref<!tpu.dma_semaphore, #tpu.memory_space<semaphore_mem>>) src(%arg12 : memref<640x144xf32, #tpu.memory_space<hbm>>) dst(%dma_wait3A_594 : memref<640x144xf32, #tpu.memory_space<vmem_shared>>)
      tpu.yield
    }) : () -> ()
    %barrier3A = arith.constant 0 : index
    tpu.barrier barrier_id(%barrier3A)
    %dma_start3A = arith.constant 0 : i32
    %dma_start3A_481 = arith.constant 0 : i32
    %dma_start3A_482 = arith.constant 0 : i32
    %dma_start3A_483 = tpu.memref_slice %arg14[%dma_start3A_481, %dma_start3A_482] : memref<2x80xi32, #tpu.memory_space<vmem>> -> memref<1x80xi32, #tpu.memory_space<vmem>>
    %dma_start3A_484 = tpu.memref_squeeze %dma_start3A_483 : memref<1x80xi32, #tpu.memory_space<vmem>> -> memref<80xi32, #tpu.memory_space<vmem>>
    %dma_start3A_485 = arith.constant 0 : i32
    %dma_start3A_486 = tpu.memref_slice %arg2[%add3A, %dma_start3A, %dma_start3A_485] : memref<32x125x80xi32, #tpu.memory_space<hbm>> -> memref<1x1x80xi32, #tpu.memory_space<hbm>>
    %dma_start3A_487 = tpu.memref_squeeze %dma_start3A_486 : memref<1x1x80xi32, #tpu.memory_space<hbm>> -> memref<80xi32, #tpu.memory_space<hbm>>
    %dma_start3A_488 = arith.constant 0 : i32
    %dma_start3A_489 = tpu.memref_slice %arg14[%dma_start3A_481, %dma_start3A_488] : memref<2x80xi32, #tpu.memory_space<vmem>> -> memref<1x80xi32, #tpu.memory_space<vmem>>
    %dma_start3A_490 = tpu.memref_squeeze %dma_start3A_489 : memref<1x80xi32, #tpu.memory_space<vmem>> -> memref<80xi32, #tpu.memory_space<vmem>>
    %dma_start3A_491 = arith.constant 0 : i32
    %dma_start3A_492 = tpu.memref_slice %arg2[%add3A, %dma_start3A, %dma_start3A_491] : memref<32x125x80xi32, #tpu.memory_space<hbm>> -> memref<1x1x80xi32, #tpu.memory_space<hbm>>
    %dma_start3A_493 = tpu.memref_squeeze %dma_start3A_492 : memref<1x1x80xi32, #tpu.memory_space<hbm>> -> memref<80xi32, #tpu.memory_space<hbm>>
    tpu.enqueue_dma source(%dma_start3A_493 : memref<80xi32, #tpu.memory_space<hbm>>) target(%dma_start3A_490 : memref<80xi32, #tpu.memory_space<vmem>>) target_semaphore(%arg22 : memref<!tpu.dma_semaphore, #tpu.memory_space<semaphore_mem>>)
    %dma_start3A_494 = arith.constant 0 : i32
    %dma_start3A_495 = arith.constant 0 : i32
    %dma_start3A_496 = arith.constant 0 : i32
    %dma_start3A_497 = tpu.memref_slice %arg15[%dma_start3A_495, %dma_start3A_496] : memref<2x80xi32, #tpu.memory_space<vmem>> -> memref<1x80xi32, #tpu.memory_space<vmem>>
    %dma_start3A_498 = tpu.memref_squeeze %dma_start3A_497 : memref<1x80xi32, #tpu.memory_space<vmem>> -> memref<80xi32, #tpu.memory_space<vmem>>
    %dma_start3A_499 = arith.constant 0 : i32
    %dma_start3A_500 = tpu.memref_slice %arg3[%add3A, %dma_start3A_494, %dma_start3A_499] : memref<32x125x80xi32, #tpu.memory_space<hbm>> -> memref<1x1x80xi32, #tpu.memory_space<hbm>>
    %dma_start3A_501 = tpu.memref_squeeze %dma_start3A_500 : memref<1x1x80xi32, #tpu.memory_space<hbm>> -> memref<80xi32, #tpu.memory_space<hbm>>
    %dma_start3A_502 = arith.constant 0 : i32
    %dma_start3A_503 = tpu.memref_slice %arg15[%dma_start3A_495, %dma_start3A_502] : memref<2x80xi32, #tpu.memory_space<vmem>> -> memref<1x80xi32, #tpu.memory_space<vmem>>
    %dma_start3A_504 = tpu.memref_squeeze %dma_start3A_503 : memref<1x80xi32, #tpu.memory_space<vmem>> -> memref<80xi32, #tpu.memory_space<vmem>>
    %dma_start3A_505 = arith.constant 0 : i32
    %dma_start3A_506 = tpu.memref_slice %arg3[%add3A, %dma_start3A_494, %dma_start3A_505] : memref<32x125x80xi32, #tpu.memory_space<hbm>> -> memref<1x1x80xi32, #tpu.memory_space<hbm>>
    %dma_start3A_507 = tpu.memref_squeeze %dma_start3A_506 : memref<1x1x80xi32, #tpu.memory_space<hbm>> -> memref<80xi32, #tpu.memory_space<hbm>>
    tpu.enqueue_dma source(%dma_start3A_507 : memref<80xi32, #tpu.memory_space<hbm>>) target(%dma_start3A_504 : memref<80xi32, #tpu.memory_space<vmem>>) target_semaphore(%arg22 : memref<!tpu.dma_semaphore, #tpu.memory_space<semaphore_mem>>)
    %scan3A = arith.constant 0 : i32
    %scan3A_508 = arith.constant 0 : i32
    %scan3A_509 = arith.constant 125 : i32
    %scan3A_510 = arith.addi %scan3A_508, %scan3A_509 : i32
    %scan3A_511 = arith.constant 1 : i32
    scf.for %scan3A_590 = %scan3A_508 to %scan3A_510 step %scan3A_511  : i32 {
      %rem3A = arith.constant 2 : i32
      %rem3A_591 = arith.remsi %scan3A_590, %rem3A : i32
      %dma_wait3A_592 = arith.constant 0 : i32
      %dma_wait3A_593 = arith.constant 0 : i32
      %dma_wait3A_594 = arith.constant 0 : i32
      %dma_wait3A_595 = tpu.memref_slice %arg14[%dma_wait3A_593, %dma_wait3A_594] : memref<2x80xi32, #tpu.memory_space<vmem>> -> memref<1x80xi32, #tpu.memory_space<vmem>>
      %dma_wait3A_596 = tpu.memref_squeeze %dma_wait3A_595 : memref<1x80xi32, #tpu.memory_space<vmem>> -> memref<80xi32, #tpu.memory_space<vmem>>
      %dma_wait3A_597 = arith.constant 0 : i32
      %dma_wait3A_598 = tpu.memref_slice %arg2[%add3A, %dma_wait3A_592, %dma_wait3A_597] : memref<32x125x80xi32, #tpu.memory_space<hbm>> -> memref<1x1x80xi32, #tpu.memory_space<hbm>>
      %dma_wait3A_599 = tpu.memref_squeeze %dma_wait3A_598 : memref<1x1x80xi32, #tpu.memory_space<hbm>> -> memref<80xi32, #tpu.memory_space<hbm>>
      %dma_wait3A_600 = arith.constant 0 : i32
      %dma_wait3A_601 = tpu.memref_slice %arg14[%dma_wait3A_593, %dma_wait3A_600] : memref<2x80xi32, #tpu.memory_space<vmem>> -> memref<1x80xi32, #tpu.memory_space<vmem>>
      %dma_wait3A_602 = tpu.memref_squeeze %dma_wait3A_601 : memref<1x80xi32, #tpu.memory_space<vmem>> -> memref<80xi32, #tpu.memory_space<vmem>>
      %dma_wait3A_603 = arith.constant 0 : i32
      %dma_wait3A_604 = tpu.memref_slice %arg2[%add3A, %dma_wait3A_592, %dma_wait3A_603] : memref<32x125x80xi32, #tpu.memory_space<hbm>> -> memref<1x1x80xi32, #tpu.memory_space<hbm>>
      %dma_wait3A_605 = tpu.memref_squeeze %dma_wait3A_604 : memref<1x1x80xi32, #tpu.memory_space<hbm>> -> memref<80xi32, #tpu.memory_space<hbm>>
      tpu.wait_dma2 semaphore(%arg22 : memref<!tpu.dma_semaphore, #tpu.memory_space<semaphore_mem>>) src(%dma_wait3A_605 : memref<80xi32, #tpu.memory_space<hbm>>) dst(%dma_wait3A_602 : memref<80xi32, #tpu.memory_space<vmem>>)
      %dma_wait3A_606 = arith.constant 0 : i32
      %dma_wait3A_607 = arith.constant 0 : i32
      %dma_wait3A_608 = arith.constant 0 : i32
      %dma_wait3A_609 = tpu.memref_slice %arg15[%dma_wait3A_607, %dma_wait3A_608] : memref<2x80xi32, #tpu.memory_space<vmem>> -> memref<1x80xi32, #tpu.memory_space<vmem>>
      %dma_wait3A_610 = tpu.memref_squeeze %dma_wait3A_609 : memref<1x80xi32, #tpu.memory_space<vmem>> -> memref<80xi32, #tpu.memory_space<vmem>>
      %dma_wait3A_611 = arith.constant 0 : i32
      %dma_wait3A_612 = tpu.memref_slice %arg3[%add3A, %dma_wait3A_606, %dma_wait3A_611] : memref<32x125x80xi32, #tpu.memory_space<hbm>> -> memref<1x1x80xi32, #tpu.memory_space<hbm>>
      %dma_wait3A_613 = tpu.memref_squeeze %dma_wait3A_612 : memref<1x1x80xi32, #tpu.memory_space<hbm>> -> memref<80xi32, #tpu.memory_space<hbm>>
      %dma_wait3A_614 = arith.constant 0 : i32
      %dma_wait3A_615 = tpu.memref_slice %arg15[%dma_wait3A_607, %dma_wait3A_614] : memref<2x80xi32, #tpu.memory_space<vmem>> -> memref<1x80xi32, #tpu.memory_space<vmem>>
      %dma_wait3A_616 = tpu.memref_squeeze %dma_wait3A_615 : memref<1x80xi32, #tpu.memory_space<vmem>> -> memref<80xi32, #tpu.memory_space<vmem>>
      %dma_wait3A_617 = arith.constant 0 : i32
      %dma_wait3A_618 = tpu.memref_slice %arg3[%add3A, %dma_wait3A_606, %dma_wait3A_617] : memref<32x125x80xi32, #tpu.memory_space<hbm>> -> memref<1x1x80xi32, #tpu.memory_space<hbm>>
      %dma_wait3A_619 = tpu.memref_squeeze %dma_wait3A_618 : memref<1x1x80xi32, #tpu.memory_space<hbm>> -> memref<80xi32, #tpu.memory_space<hbm>>
      tpu.wait_dma2 semaphore(%arg22 : memref<!tpu.dma_semaphore, #tpu.memory_space<semaphore_mem>>) src(%dma_wait3A_619 : memref<80xi32, #tpu.memory_space<hbm>>) dst(%dma_wait3A_616 : memref<80xi32, #tpu.memory_space<vmem>>)
      %gt3A = arith.constant 0 : i32
      %gt3A_620 = arith.cmpi sgt, %scan3A_590, %gt3A : i32
      %convert_element_type3A = arith.extui %gt3A_620 : i1 to i32
      %cond3A = arith.constant 0 : i32
      %cond3A_621 = arith.cmpi ne, %convert_element_type3A, %cond3A : i32
      scf.if %cond3A_621 {
        %sub3A = arith.constant 1 : i32
        %sub3A_689 = arith.subi %sub3A, %rem3A_591 : i32
        %dma_wait3A_690 = arith.constant 0 : i32
        %dma_wait3A_691 = tpu.memref_slice %arg15[%sub3A_689, %dma_wait3A_690] : memref<2x80xi32, #tpu.memory_space<vmem>> -> memref<1x80xi32, #tpu.memory_space<vmem>>
        %dma_wait3A_692 = tpu.memref_squeeze %dma_wait3A_691 : memref<1x80xi32, #tpu.memory_space<vmem>> -> memref<80xi32, #tpu.memory_space<vmem>>
        %dma_wait3A_693 = arith.constant 0 : i32
        %dma_wait3A_694 = arith.constant 0 : i32
        %dma_wait3A_695 = tpu.memref_slice %arg21[%dma_wait3A_693, %dma_wait3A_694] : memref<10240x144xf32, #tpu.memory_space<vmem_shared>> -> memref<10240x144xf32, #tpu.memory_space<vmem_shared>>
        tpu.wait_indirect_dma semaphore(%arg24 : memref<!tpu.dma_semaphore, #tpu.memory_space<semaphore_mem>>) src(%arg20 : memref<80x144xf32, #tpu.memory_space<vmem>>) dst(%dma_wait3A_695 : memref<10240x144xf32, #tpu.memory_space<vmem_shared>>)
      } else {
      }
      %dma_start3A_622 = arith.constant 0 : i32
      %dma_start3A_623 = tpu.memref_slice %arg14[%rem3A_591, %dma_start3A_622] : memref<2x80xi32, #tpu.memory_space<vmem>> -> memref<1x80xi32, #tpu.memory_space<vmem>>
      %dma_start3A_624 = tpu.memref_squeeze %dma_start3A_623 : memref<1x80xi32, #tpu.memory_space<vmem>> -> memref<80xi32, #tpu.memory_space<vmem>>
      %dma_start3A_625 = arith.constant 0 : i32
      %dma_start3A_626 = arith.constant 0 : i32
      %dma_start3A_627 = tpu.memref_slice %arg6[%dma_start3A_625, %dma_start3A_626] : memref<10000x128xf32, #tpu.memory_space<hbm>> -> memref<10000x128xf32, #tpu.memory_space<hbm>>
      tpu.enqueue_indirect_dma source(%dma_start3A_627 : memref<10000x128xf32, #tpu.memory_space<hbm>>) target(%arg18 : memref<80x128xf32, #tpu.memory_space<vmem>>) offsets(%dma_start3A_624 : memref<80xi32, #tpu.memory_space<vmem>>) semaphore(%arg23 : memref<!tpu.dma_semaphore, #tpu.memory_space<semaphore_mem>>)
      %dma_start3A_628 = arith.constant 0 : i32
      %dma_start3A_629 = tpu.memref_slice %arg15[%rem3A_591, %dma_start3A_628] : memref<2x80xi32, #tpu.memory_space<vmem>> -> memref<1x80xi32, #tpu.memory_space<vmem>>
      %dma_start3A_630 = tpu.memref_squeeze %dma_start3A_629 : memref<1x80xi32, #tpu.memory_space<vmem>> -> memref<80xi32, #tpu.memory_space<vmem>>
      %dma_start3A_631 = arith.constant 0 : i32
      %dma_start3A_632 = arith.constant 0 : i32
      %dma_start3A_633 = tpu.memref_slice %arg7[%dma_start3A_631, %dma_start3A_632] : memref<10000x128xf32, #tpu.memory_space<hbm>> -> memref<10000x128xf32, #tpu.memory_space<hbm>>
      tpu.enqueue_indirect_dma source(%dma_start3A_633 : memref<10000x128xf32, #tpu.memory_space<hbm>>) target(%arg19 : memref<80x128xf32, #tpu.memory_space<vmem>>) offsets(%dma_start3A_630 : memref<80xi32, #tpu.memory_space<vmem>>) semaphore(%arg23 : memref<!tpu.dma_semaphore, #tpu.memory_space<semaphore_mem>>)
      %mul3A_634 = arith.constant 125 : i32
      %mul3A_635 = arith.muli %add3A, %mul3A_634 : i32
      %add3A_636 = arith.addi %mul3A_635, %scan3A_590 : i32
      %mul3A_637 = arith.constant 80 : i32
      %mul3A_638 = arith.muli %add3A_636, %mul3A_637 : i32
      %dma_start3A_639 = arith.constant 0 : i32
      %dma_start3A_640 = arith.constant 0 : i32
      %dma_start3A_641 = tpu.memref_slice %arg20[%dma_start3A_639, %dma_start3A_640] : memref<80x144xf32, #tpu.memory_space<vmem>> -> memref<80x128xf32, #tpu.memory_space<vmem>>
      %dma_start3A_642 = arith.constant 0 : i32
      %dma_start3A_643 = tpu.memref_slice %arg8[%mul3A_638, %dma_start3A_642] : memref<320000x128xf32, #tpu.memory_space<hbm>> -> memref<80x128xf32, #tpu.memory_space<hbm>>
      %dma_start3A_644 = arith.constant 0 : i32
      %dma_start3A_645 = arith.constant 0 : i32
      %dma_start3A_646 = tpu.memref_slice %arg20[%dma_start3A_644, %dma_start3A_645] : memref<80x144xf32, #tpu.memory_space<vmem>> -> memref<80x128xf32, #tpu.memory_space<vmem>>
      %dma_start3A_647 = arith.constant 0 : i32
      %dma_start3A_648 = tpu.memref_slice %arg8[%mul3A_638, %dma_start3A_647] : memref<320000x128xf32, #tpu.memory_space<hbm>> -> memref<80x128xf32, #tpu.memory_space<hbm>>
      tpu.enqueue_dma source(%dma_start3A_648 : memref<80x128xf32, #tpu.memory_space<hbm>>) target(%dma_start3A_646 : memref<80x128xf32, #tpu.memory_space<vmem>>) target_semaphore(%arg23 : memref<!tpu.dma_semaphore, #tpu.memory_space<semaphore_mem>>)
      %add3A_649 = arith.constant 1 : i32
      %add3A_650 = arith.addi %scan3A_590, %add3A_649 : i32
      %lt3A = arith.constant 125 : i32
      %lt3A_651 = arith.cmpi slt, %add3A_650, %lt3A : i32
      %convert_element_type3A_652 = arith.extui %lt3A_651 : i1 to i32
      %cond3A_653 = arith.constant 0 : i32
      %cond3A_654 = arith.cmpi ne, %convert_element_type3A_652, %cond3A_653 : i32
      scf.if %cond3A_654 {
        %add3A_689 = arith.constant 1 : i32
        %add3A_690 = arith.addi %scan3A_590, %add3A_689 : i32
        %sub3A = arith.constant 1 : i32
        %sub3A_691 = arith.subi %sub3A, %rem3A_591 : i32
        %dma_start3A_692 = arith.constant 0 : i32
        %dma_start3A_693 = tpu.memref_slice %arg14[%sub3A_691, %dma_start3A_692] : memref<2x80xi32, #tpu.memory_space<vmem>> -> memref<1x80xi32, #tpu.memory_space<vmem>>
        %dma_start3A_694 = tpu.memref_squeeze %dma_start3A_693 : memref<1x80xi32, #tpu.memory_space<vmem>> -> memref<80xi32, #tpu.memory_space<vmem>>
        %dma_start3A_695 = arith.constant 0 : i32
        %dma_start3A_696 = tpu.memref_slice %arg2[%add3A, %add3A_690, %dma_start3A_695] : memref<32x125x80xi32, #tpu.memory_space<hbm>> -> memref<1x1x80xi32, #tpu.memory_space<hbm>>
        %dma_start3A_697 = tpu.memref_squeeze %dma_start3A_696 : memref<1x1x80xi32, #tpu.memory_space<hbm>> -> memref<80xi32, #tpu.memory_space<hbm>>
        %dma_start3A_698 = arith.constant 0 : i32
        %dma_start3A_699 = tpu.memref_slice %arg14[%sub3A_691, %dma_start3A_698] : memref<2x80xi32, #tpu.memory_space<vmem>> -> memref<1x80xi32, #tpu.memory_space<vmem>>
        %dma_start3A_700 = tpu.memref_squeeze %dma_start3A_699 : memref<1x80xi32, #tpu.memory_space<vmem>> -> memref<80xi32, #tpu.memory_space<vmem>>
        %dma_start3A_701 = arith.constant 0 : i32
        %dma_start3A_702 = tpu.memref_slice %arg2[%add3A, %add3A_690, %dma_start3A_701] : memref<32x125x80xi32, #tpu.memory_space<hbm>> -> memref<1x1x80xi32, #tpu.memory_space<hbm>>
        %dma_start3A_703 = tpu.memref_squeeze %dma_start3A_702 : memref<1x1x80xi32, #tpu.memory_space<hbm>> -> memref<80xi32, #tpu.memory_space<hbm>>
        tpu.enqueue_dma source(%dma_start3A_703 : memref<80xi32, #tpu.memory_space<hbm>>) target(%dma_start3A_700 : memref<80xi32, #tpu.memory_space<vmem>>) target_semaphore(%arg22 : memref<!tpu.dma_semaphore, #tpu.memory_space<semaphore_mem>>)
        %dma_start3A_704 = arith.constant 0 : i32
        %dma_start3A_705 = tpu.memref_slice %arg15[%sub3A_691, %dma_start3A_704] : memref<2x80xi32, #tpu.memory_space<vmem>> -> memref<1x80xi32, #tpu.memory_space<vmem>>
        %dma_start3A_706 = tpu.memref_squeeze %dma_start3A_705 : memref<1x80xi32, #tpu.memory_space<vmem>> -> memref<80xi32, #tpu.memory_space<vmem>>
        %dma_start3A_707 = arith.constant 0 : i32
        %dma_start3A_708 = tpu.memref_slice %arg3[%add3A, %add3A_690, %dma_start3A_707] : memref<32x125x80xi32, #tpu.memory_space<hbm>> -> memref<1x1x80xi32, #tpu.memory_space<hbm>>
        %dma_start3A_709 = tpu.memref_squeeze %dma_start3A_708 : memref<1x1x80xi32, #tpu.memory_space<hbm>> -> memref<80xi32, #tpu.memory_space<hbm>>
        %dma_start3A_710 = arith.constant 0 : i32
        %dma_start3A_711 = tpu.memref_slice %arg15[%sub3A_691, %dma_start3A_710] : memref<2x80xi32, #tpu.memory_space<vmem>> -> memref<1x80xi32, #tpu.memory_space<vmem>>
        %dma_start3A_712 = tpu.memref_squeeze %dma_start3A_711 : memref<1x80xi32, #tpu.memory_space<vmem>> -> memref<80xi32, #tpu.memory_space<vmem>>
        %dma_start3A_713 = arith.constant 0 : i32
        %dma_start3A_714 = tpu.memref_slice %arg3[%add3A, %add3A_690, %dma_start3A_713] : memref<32x125x80xi32, #tpu.memory_space<hbm>> -> memref<1x1x80xi32, #tpu.memory_space<hbm>>
        %dma_start3A_715 = tpu.memref_squeeze %dma_start3A_714 : memref<1x1x80xi32, #tpu.memory_space<hbm>> -> memref<80xi32, #tpu.memory_space<hbm>>
        tpu.enqueue_dma source(%dma_start3A_715 : memref<80xi32, #tpu.memory_space<hbm>>) target(%dma_start3A_712 : memref<80xi32, #tpu.memory_space<vmem>>) target_semaphore(%arg22 : memref<!tpu.dma_semaphore, #tpu.memory_space<semaphore_mem>>)
      } else {
      }
      %dma_wait3A_655 = arith.constant 0 : i32
      %dma_wait3A_656 = tpu.memref_slice %arg14[%rem3A_591, %dma_wait3A_655] : memref<2x80xi32, #tpu.memory_space<vmem>> -> memref<1x80xi32, #tpu.memory_space<vmem>>
      %dma_wait3A_657 = tpu.memref_squeeze %dma_wait3A_656 : memref<1x80xi32, #tpu.memory_space<vmem>> -> memref<80xi32, #tpu.memory_space<vmem>>
      %dma_wait3A_658 = arith.constant 0 : i32
      %dma_wait3A_659 = arith.constant 0 : i32
      %dma_wait3A_660 = tpu.memref_slice %arg6[%dma_wait3A_658, %dma_wait3A_659] : memref<10000x128xf32, #tpu.memory_space<hbm>> -> memref<10000x128xf32, #tpu.memory_space<hbm>>
      tpu.wait_indirect_dma semaphore(%arg23 : memref<!tpu.dma_semaphore, #tpu.memory_space<semaphore_mem>>) src(%dma_wait3A_660 : memref<10000x128xf32, #tpu.memory_space<hbm>>) dst(%arg18 : memref<80x128xf32, #tpu.memory_space<vmem>>)
      %dma_wait3A_661 = arith.constant 0 : i32
      %dma_wait3A_662 = tpu.memref_slice %arg15[%rem3A_591, %dma_wait3A_661] : memref<2x80xi32, #tpu.memory_space<vmem>> -> memref<1x80xi32, #tpu.memory_space<vmem>>
      %dma_wait3A_663 = tpu.memref_squeeze %dma_wait3A_662 : memref<1x80xi32, #tpu.memory_space<vmem>> -> memref<80xi32, #tpu.memory_space<vmem>>
      %dma_wait3A_664 = arith.constant 0 : i32
      %dma_wait3A_665 = arith.constant 0 : i32
      %dma_wait3A_666 = tpu.memref_slice %arg7[%dma_wait3A_664, %dma_wait3A_665] : memref<10000x128xf32, #tpu.memory_space<hbm>> -> memref<10000x128xf32, #tpu.memory_space<hbm>>
      tpu.wait_indirect_dma semaphore(%arg23 : memref<!tpu.dma_semaphore, #tpu.memory_space<semaphore_mem>>) src(%dma_wait3A_666 : memref<10000x128xf32, #tpu.memory_space<hbm>>) dst(%arg19 : memref<80x128xf32, #tpu.memory_space<vmem>>)
      %dma_wait3A_667 = arith.constant 0 : i32
      %dma_wait3A_668 = arith.constant 0 : i32
      %dma_wait3A_669 = tpu.memref_slice %arg20[%dma_wait3A_667, %dma_wait3A_668] : memref<80x144xf32, #tpu.memory_space<vmem>> -> memref<80x128xf32, #tpu.memory_space<vmem>>
      %dma_wait3A_670 = arith.constant 0 : i32
      %dma_wait3A_671 = tpu.memref_slice %arg8[%mul3A_638, %dma_wait3A_670] : memref<320000x128xf32, #tpu.memory_space<hbm>> -> memref<80x128xf32, #tpu.memory_space<hbm>>
      %dma_wait3A_672 = arith.constant 0 : i32
      %dma_wait3A_673 = arith.constant 0 : i32
      %dma_wait3A_674 = tpu.memref_slice %arg20[%dma_wait3A_672, %dma_wait3A_673] : memref<80x144xf32, #tpu.memory_space<vmem>> -> memref<80x128xf32, #tpu.memory_space<vmem>>
      %dma_wait3A_675 = arith.constant 0 : i32
      %dma_wait3A_676 = tpu.memref_slice %arg8[%mul3A_638, %dma_wait3A_675] : memref<320000x128xf32, #tpu.memory_space<hbm>> -> memref<80x128xf32, #tpu.memory_space<hbm>>
      tpu.wait_dma2 semaphore(%arg23 : memref<!tpu.dma_semaphore, #tpu.memory_space<semaphore_mem>>) src(%dma_wait3A_676 : memref<80x128xf32, #tpu.memory_space<hbm>>) dst(%dma_wait3A_674 : memref<80x128xf32, #tpu.memory_space<vmem>>)
      %scan3A_677 = arith.constant 0 : i32
      %scan3A_678 = arith.constant 0 : i32
      %scan3A_679 = arith.constant 5 : i32
      %scan3A_680 = arith.addi %scan3A_678, %scan3A_679 : i32
      %scan3A_681 = arith.constant 1 : i32
      scf.for %scan3A_689 = %scan3A_678 to %scan3A_680 step %scan3A_681  : i32 {
        %mul3A_690 = arith.constant 16 : i32
        %mul3A_691 = arith.muli %scan3A_689, %mul3A_690 : i32
        %iota3A = tpu.iota {dimensions = array<i32: 0>} : vector<16xi32>
        %add3A_692 = vector.broadcast %mul3A_691 : i32 to vector<16xi32>
        %add3A_693 = arith.addi %add3A_692, %iota3A : vector<16xi32>
        %broadcast_in_dim3A_694 = arith.constant 0.000000e+00 : f32
        %broadcast_in_dim3A_695 = vector.broadcast %broadcast_in_dim3A_694 : f32 to vector<16xf32>
        %scan3A_696 = arith.constant 0 : i32
        %scan3A_697 = arith.constant 8 : i32
        %scan3A_698 = arith.addi %scan3A_696, %scan3A_697 : i32
        %scan3A_699 = arith.constant 1 : i32
        %scan3A_700 = scf.for %scan3A_710 = %scan3A_696 to %scan3A_698 step %scan3A_699 iter_args(%scan3A_711 = %broadcast_in_dim3A_695) -> (vector<16xf32>)  : i32 {
          %mul3A_712 = arith.constant 16 : i32
          %mul3A_713 = arith.muli %scan3A_710, %mul3A_712 : i32
          %add3A_714 = arith.constant 0 : i32
          %add3A_715 = arith.addi %mul3A_713, %add3A_714 : i32
          %broadcast_in_dim3A_716 = vector.broadcast %add3A_715 : i32 to vector<16xi32>
          %gather3A = tpu.vector_load_idx %arg18[%add3A_693, %broadcast_in_dim3A_716] : memref<80x128xf32, #tpu.memory_space<vmem>>[vector<16xi32>, vector<16xi32>], vector<16xf32>,
          %gather3A_717 = tpu.vector_load_idx %arg19[%add3A_693, %broadcast_in_dim3A_716] : memref<80x128xf32, #tpu.memory_space<vmem>>[vector<16xi32>, vector<16xi32>], vector<16xf32>,
          %gather3A_718 = tpu.vector_load_idx %arg20[%add3A_693, %broadcast_in_dim3A_716] : memref<80x144xf32, #tpu.memory_space<vmem>>[vector<16xi32>, vector<16xi32>], vector<16xf32>,
          %broadcast_in_dim3A_719 = arith.constant 0 : i32
          %broadcast_in_dim3A_720 = vector.broadcast %broadcast_in_dim3A_719 : i32 to vector<16xi32>
          %gather3A_721 = tpu.vector_load_idx %arg17[%broadcast_in_dim3A_720, %broadcast_in_dim3A_716] : memref<2x128xf32, #tpu.memory_space<vmem>>[vector<16xi32>, vector<16xi32>], vector<16xf32>,
          %add3A_722 = arith.addf %gather3A, %gather3A_717 : vector<16xf32>
          %add3A_723 = arith.addf %add3A_722, %gather3A_718 : vector<16xf32>
          %mul3A_724 = arith.constant 2.000000e-01 : f32
          %mul3A_725 = vector.broadcast %mul3A_724 : f32 to vector<16xf32>
          %mul3A_726 = arith.mulf %mul3A_725, %add3A_723 : vector<16xf32>
          %max3A = arith.maximumf %add3A_723, %mul3A_726 : vector<16xf32>
          %mul3A_727 = arith.mulf %gather3A_721, %max3A : vector<16xf32>
          %add3A_728 = arith.addf %scan3A_711, %mul3A_727 : vector<16xf32>
          %mul3A_729 = arith.constant 16 : i32
          %mul3A_730 = arith.muli %scan3A_710, %mul3A_729 : i32
          %add3A_731 = arith.constant 1 : i32
          %add3A_732 = arith.addi %mul3A_730, %add3A_731 : i32
          %broadcast_in_dim3A_733 = vector.broadcast %add3A_732 : i32 to vector<16xi32>
          %gather3A_734 = tpu.vector_load_idx %arg18[%add3A_693, %broadcast_in_dim3A_733] : memref<80x128xf32, #tpu.memory_space<vmem>>[vector<16xi32>, vector<16xi32>], vector<16xf32>,
          %gather3A_735 = tpu.vector_load_idx %arg19[%add3A_693, %broadcast_in_dim3A_733] : memref<80x128xf32, #tpu.memory_space<vmem>>[vector<16xi32>, vector<16xi32>], vector<16xf32>,
          %gather3A_736 = tpu.vector_load_idx %arg20[%add3A_693, %broadcast_in_dim3A_733] : memref<80x144xf32, #tpu.memory_space<vmem>>[vector<16xi32>, vector<16xi32>], vector<16xf32>,
          %broadcast_in_dim3A_737 = arith.constant 0 : i32
          %broadcast_in_dim3A_738 = vector.broadcast %broadcast_in_dim3A_737 : i32 to vector<16xi32>
          %gather3A_739 = tpu.vector_load_idx %arg17[%broadcast_in_dim3A_738, %broadcast_in_dim3A_733] : memref<2x128xf32, #tpu.memory_space<vmem>>[vector<16xi32>, vector<16xi32>], vector<16xf32>,
          %add3A_740 = arith.addf %gather3A_734, %gather3A_735 : vector<16xf32>
          %add3A_741 = arith.addf %add3A_740, %gather3A_736 : vector<16xf32>
          %mul3A_742 = arith.constant 2.000000e-01 : f32
          %mul3A_743 = vector.broadcast %mul3A_742 : f32 to vector<16xf32>
          %mul3A_744 = arith.mulf %mul3A_743, %add3A_741 : vector<16xf32>
          %max3A_745 = arith.maximumf %add3A_741, %mul3A_744 : vector<16xf32>
          %mul3A_746 = arith.mulf %gather3A_739, %max3A_745 : vector<16xf32>
          %add3A_747 = arith.addf %add3A_728, %mul3A_746 : vector<16xf32>
          %mul3A_748 = arith.constant 16 : i32
          %mul3A_749 = arith.muli %scan3A_710, %mul3A_748 : i32
          %add3A_750 = arith.constant 2 : i32
          %add3A_751 = arith.addi %mul3A_749, %add3A_750 : i32
          %broadcast_in_dim3A_752 = vector.broadcast %add3A_751 : i32 to vector<16xi32>
          %gather3A_753 = tpu.vector_load_idx %arg18[%add3A_693, %broadcast_in_dim3A_752] : memref<80x128xf32, #tpu.memory_space<vmem>>[vector<16xi32>, vector<16xi32>], vector<16xf32>,
          %gather3A_754 = tpu.vector_load_idx %arg19[%add3A_693, %broadcast_in_dim3A_752] : memref<80x128xf32, #tpu.memory_space<vmem>>[vector<16xi32>, vector<16xi32>], vector<16xf32>,
          %gather3A_755 = tpu.vector_load_idx %arg20[%add3A_693, %broadcast_in_dim3A_752] : memref<80x144xf32, #tpu.memory_space<vmem>>[vector<16xi32>, vector<16xi32>], vector<16xf32>,
          %broadcast_in_dim3A_756 = arith.constant 0 : i32
          %broadcast_in_dim3A_757 = vector.broadcast %broadcast_in_dim3A_756 : i32 to vector<16xi32>
          %gather3A_758 = tpu.vector_load_idx %arg17[%broadcast_in_dim3A_757, %broadcast_in_dim3A_752] : memref<2x128xf32, #tpu.memory_space<vmem>>[vector<16xi32>, vector<16xi32>], vector<16xf32>,
          %add3A_759 = arith.addf %gather3A_753, %gather3A_754 : vector<16xf32>
          %add3A_760 = arith.addf %add3A_759, %gather3A_755 : vector<16xf32>
          %mul3A_761 = arith.constant 2.000000e-01 : f32
          %mul3A_762 = vector.broadcast %mul3A_761 : f32 to vector<16xf32>
          %mul3A_763 = arith.mulf %mul3A_762, %add3A_760 : vector<16xf32>
          %max3A_764 = arith.maximumf %add3A_760, %mul3A_763 : vector<16xf32>
          %mul3A_765 = arith.mulf %gather3A_758, %max3A_764 : vector<16xf32>
          %add3A_766 = arith.addf %add3A_747, %mul3A_765 : vector<16xf32>
          %mul3A_767 = arith.constant 16 : i32
          %mul3A_768 = arith.muli %scan3A_710, %mul3A_767 : i32
          %add3A_769 = arith.constant 3 : i32
          %add3A_770 = arith.addi %mul3A_768, %add3A_769 : i32
          %broadcast_in_dim3A_771 = vector.broadcast %add3A_770 : i32 to vector<16xi32>
          %gather3A_772 = tpu.vector_load_idx %arg18[%add3A_693, %broadcast_in_dim3A_771] : memref<80x128xf32, #tpu.memory_space<vmem>>[vector<16xi32>, vector<16xi32>], vector<16xf32>,
          %gather3A_773 = tpu.vector_load_idx %arg19[%add3A_693, %broadcast_in_dim3A_771] : memref<80x128xf32, #tpu.memory_space<vmem>>[vector<16xi32>, vector<16xi32>], vector<16xf32>,
          %gather3A_774 = tpu.vector_load_idx %arg20[%add3A_693, %broadcast_in_dim3A_771] : memref<80x144xf32, #tpu.memory_space<vmem>>[vector<16xi32>, vector<16xi32>], vector<16xf32>,
          %broadcast_in_dim3A_775 = arith.constant 0 : i32
          %broadcast_in_dim3A_776 = vector.broadcast %broadcast_in_dim3A_775 : i32 to vector<16xi32>
          %gather3A_777 = tpu.vector_load_idx %arg17[%broadcast_in_dim3A_776, %broadcast_in_dim3A_771] : memref<2x128xf32, #tpu.memory_space<vmem>>[vector<16xi32>, vector<16xi32>], vector<16xf32>,
          %add3A_778 = arith.addf %gather3A_772, %gather3A_773 : vector<16xf32>
          %add3A_779 = arith.addf %add3A_778, %gather3A_774 : vector<16xf32>
          %mul3A_780 = arith.constant 2.000000e-01 : f32
          %mul3A_781 = vector.broadcast %mul3A_780 : f32 to vector<16xf32>
          %mul3A_782 = arith.mulf %mul3A_781, %add3A_779 : vector<16xf32>
          %max3A_783 = arith.maximumf %add3A_779, %mul3A_782 : vector<16xf32>
          %mul3A_784 = arith.mulf %gather3A_777, %max3A_783 : vector<16xf32>
          %add3A_785 = arith.addf %add3A_766, %mul3A_784 : vector<16xf32>
          %mul3A_786 = arith.constant 16 : i32
          %mul3A_787 = arith.muli %scan3A_710, %mul3A_786 : i32
          %add3A_788 = arith.constant 4 : i32
          %add3A_789 = arith.addi %mul3A_787, %add3A_788 : i32
          %broadcast_in_dim3A_790 = vector.broadcast %add3A_789 : i32 to vector<16xi32>
          %gather3A_791 = tpu.vector_load_idx %arg18[%add3A_693, %broadcast_in_dim3A_790] : memref<80x128xf32, #tpu.memory_space<vmem>>[vector<16xi32>, vector<16xi32>], vector<16xf32>,
          %gather3A_792 = tpu.vector_load_idx %arg19[%add3A_693, %broadcast_in_dim3A_790] : memref<80x128xf32, #tpu.memory_space<vmem>>[vector<16xi32>, vector<16xi32>], vector<16xf32>,
          %gather3A_793 = tpu.vector_load_idx %arg20[%add3A_693, %broadcast_in_dim3A_790] : memref<80x144xf32, #tpu.memory_space<vmem>>[vector<16xi32>, vector<16xi32>], vector<16xf32>,
          %broadcast_in_dim3A_794 = arith.constant 0 : i32
          %broadcast_in_dim3A_795 = vector.broadcast %broadcast_in_dim3A_794 : i32 to vector<16xi32>
          %gather3A_796 = tpu.vector_load_idx %arg17[%broadcast_in_dim3A_795, %broadcast_in_dim3A_790] : memref<2x128xf32, #tpu.memory_space<vmem>>[vector<16xi32>, vector<16xi32>], vector<16xf32>,
          %add3A_797 = arith.addf %gather3A_791, %gather3A_792 : vector<16xf32>
          %add3A_798 = arith.addf %add3A_797, %gather3A_793 : vector<16xf32>
          %mul3A_799 = arith.constant 2.000000e-01 : f32
          %mul3A_800 = vector.broadcast %mul3A_799 : f32 to vector<16xf32>
          %mul3A_801 = arith.mulf %mul3A_800, %add3A_798 : vector<16xf32>
          %max3A_802 = arith.maximumf %add3A_798, %mul3A_801 : vector<16xf32>
          %mul3A_803 = arith.mulf %gather3A_796, %max3A_802 : vector<16xf32>
          %add3A_804 = arith.addf %add3A_785, %mul3A_803 : vector<16xf32>
          %mul3A_805 = arith.constant 16 : i32
          %mul3A_806 = arith.muli %scan3A_710, %mul3A_805 : i32
          %add3A_807 = arith.constant 5 : i32
          %add3A_808 = arith.addi %mul3A_806, %add3A_807 : i32
          %broadcast_in_dim3A_809 = vector.broadcast %add3A_808 : i32 to vector<16xi32>
          %gather3A_810 = tpu.vector_load_idx %arg18[%add3A_693, %broadcast_in_dim3A_809] : memref<80x128xf32, #tpu.memory_space<vmem>>[vector<16xi32>, vector<16xi32>], vector<16xf32>,
          %gather3A_811 = tpu.vector_load_idx %arg19[%add3A_693, %broadcast_in_dim3A_809] : memref<80x128xf32, #tpu.memory_space<vmem>>[vector<16xi32>, vector<16xi32>], vector<16xf32>,
          %gather3A_812 = tpu.vector_load_idx %arg20[%add3A_693, %broadcast_in_dim3A_809] : memref<80x144xf32, #tpu.memory_space<vmem>>[vector<16xi32>, vector<16xi32>], vector<16xf32>,
          %broadcast_in_dim3A_813 = arith.constant 0 : i32
          %broadcast_in_dim3A_814 = vector.broadcast %broadcast_in_dim3A_813 : i32 to vector<16xi32>
          %gather3A_815 = tpu.vector_load_idx %arg17[%broadcast_in_dim3A_814, %broadcast_in_dim3A_809] : memref<2x128xf32, #tpu.memory_space<vmem>>[vector<16xi32>, vector<16xi32>], vector<16xf32>,
          %add3A_816 = arith.addf %gather3A_810, %gather3A_811 : vector<16xf32>
          %add3A_817 = arith.addf %add3A_816, %gather3A_812 : vector<16xf32>
          %mul3A_818 = arith.constant 2.000000e-01 : f32
          %mul3A_819 = vector.broadcast %mul3A_818 : f32 to vector<16xf32>
          %mul3A_820 = arith.mulf %mul3A_819, %add3A_817 : vector<16xf32>
          %max3A_821 = arith.maximumf %add3A_817, %mul3A_820 : vector<16xf32>
          %mul3A_822 = arith.mulf %gather3A_815, %max3A_821 : vector<16xf32>
          %add3A_823 = arith.addf %add3A_804, %mul3A_822 : vector<16xf32>
          %mul3A_824 = arith.constant 16 : i32
          %mul3A_825 = arith.muli %scan3A_710, %mul3A_824 : i32
          %add3A_826 = arith.constant 6 : i32
          %add3A_827 = arith.addi %mul3A_825, %add3A_826 : i32
          %broadcast_in_dim3A_828 = vector.broadcast %add3A_827 : i32 to vector<16xi32>
          %gather3A_829 = tpu.vector_load_idx %arg18[%add3A_693, %broadcast_in_dim3A_828] : memref<80x128xf32, #tpu.memory_space<vmem>>[vector<16xi32>, vector<16xi32>], vector<16xf32>,
          %gather3A_830 = tpu.vector_load_idx %arg19[%add3A_693, %broadcast_in_dim3A_828] : memref<80x128xf32, #tpu.memory_space<vmem>>[vector<16xi32>, vector<16xi32>], vector<16xf32>,
          %gather3A_831 = tpu.vector_load_idx %arg20[%add3A_693, %broadcast_in_dim3A_828] : memref<80x144xf32, #tpu.memory_space<vmem>>[vector<16xi32>, vector<16xi32>], vector<16xf32>,
          %broadcast_in_dim3A_832 = arith.constant 0 : i32
          %broadcast_in_dim3A_833 = vector.broadcast %broadcast_in_dim3A_832 : i32 to vector<16xi32>
          %gather3A_834 = tpu.vector_load_idx %arg17[%broadcast_in_dim3A_833, %broadcast_in_dim3A_828] : memref<2x128xf32, #tpu.memory_space<vmem>>[vector<16xi32>, vector<16xi32>], vector<16xf32>,
          %add3A_835 = arith.addf %gather3A_829, %gather3A_830 : vector<16xf32>
          %add3A_836 = arith.addf %add3A_835, %gather3A_831 : vector<16xf32>
          %mul3A_837 = arith.constant 2.000000e-01 : f32
          %mul3A_838 = vector.broadcast %mul3A_837 : f32 to vector<16xf32>
          %mul3A_839 = arith.mulf %mul3A_838, %add3A_836 : vector<16xf32>
          %max3A_840 = arith.maximumf %add3A_836, %mul3A_839 : vector<16xf32>
          %mul3A_841 = arith.mulf %gather3A_834, %max3A_840 : vector<16xf32>
          %add3A_842 = arith.addf %add3A_823, %mul3A_841 : vector<16xf32>
          %mul3A_843 = arith.constant 16 : i32
          %mul3A_844 = arith.muli %scan3A_710, %mul3A_843 : i32
          %add3A_845 = arith.constant 7 : i32
          %add3A_846 = arith.addi %mul3A_844, %add3A_845 : i32
          %broadcast_in_dim3A_847 = vector.broadcast %add3A_846 : i32 to vector<16xi32>
          %gather3A_848 = tpu.vector_load_idx %arg18[%add3A_693, %broadcast_in_dim3A_847] : memref<80x128xf32, #tpu.memory_space<vmem>>[vector<16xi32>, vector<16xi32>], vector<16xf32>,
          %gather3A_849 = tpu.vector_load_idx %arg19[%add3A_693, %broadcast_in_dim3A_847] : memref<80x128xf32, #tpu.memory_space<vmem>>[vector<16xi32>, vector<16xi32>], vector<16xf32>,
          %gather3A_850 = tpu.vector_load_idx %arg20[%add3A_693, %broadcast_in_dim3A_847] : memref<80x144xf32, #tpu.memory_space<vmem>>[vector<16xi32>, vector<16xi32>], vector<16xf32>,
          %broadcast_in_dim3A_851 = arith.constant 0 : i32
          %broadcast_in_dim3A_852 = vector.broadcast %broadcast_in_dim3A_851 : i32 to vector<16xi32>
          %gather3A_853 = tpu.vector_load_idx %arg17[%broadcast_in_dim3A_852, %broadcast_in_dim3A_847] : memref<2x128xf32, #tpu.memory_space<vmem>>[vector<16xi32>, vector<16xi32>], vector<16xf32>,
          %add3A_854 = arith.addf %gather3A_848, %gather3A_849 : vector<16xf32>
          %add3A_855 = arith.addf %add3A_854, %gather3A_850 : vector<16xf32>
          %mul3A_856 = arith.constant 2.000000e-01 : f32
          %mul3A_857 = vector.broadcast %mul3A_856 : f32 to vector<16xf32>
          %mul3A_858 = arith.mulf %mul3A_857, %add3A_855 : vector<16xf32>
          %max3A_859 = arith.maximumf %add3A_855, %mul3A_858 : vector<16xf32>
          %mul3A_860 = arith.mulf %gather3A_853, %max3A_859 : vector<16xf32>
          %add3A_861 = arith.addf %add3A_842, %mul3A_860 : vector<16xf32>
          %mul3A_862 = arith.constant 16 : i32
          %mul3A_863 = arith.muli %scan3A_710, %mul3A_862 : i32
          %add3A_864 = arith.constant 8 : i32
          %add3A_865 = arith.addi %mul3A_863, %add3A_864 : i32
          %broadcast_in_dim3A_866 = vector.broadcast %add3A_865 : i32 to vector<16xi32>
          %gather3A_867 = tpu.vector_load_idx %arg18[%add3A_693, %broadcast_in_dim3A_866] : memref<80x128xf32, #tpu.memory_space<vmem>>[vector<16xi32>, vector<16xi32>], vector<16xf32>,
          %gather3A_868 = tpu.vector_load_idx %arg19[%add3A_693, %broadcast_in_dim3A_866] : memref<80x128xf32, #tpu.memory_space<vmem>>[vector<16xi32>, vector<16xi32>], vector<16xf32>,
          %gather3A_869 = tpu.vector_load_idx %arg20[%add3A_693, %broadcast_in_dim3A_866] : memref<80x144xf32, #tpu.memory_space<vmem>>[vector<16xi32>, vector<16xi32>], vector<16xf32>,
          %broadcast_in_dim3A_870 = arith.constant 0 : i32
          %broadcast_in_dim3A_871 = vector.broadcast %broadcast_in_dim3A_870 : i32 to vector<16xi32>
          %gather3A_872 = tpu.vector_load_idx %arg17[%broadcast_in_dim3A_871, %broadcast_in_dim3A_866] : memref<2x128xf32, #tpu.memory_space<vmem>>[vector<16xi32>, vector<16xi32>], vector<16xf32>,
          %add3A_873 = arith.addf %gather3A_867, %gather3A_868 : vector<16xf32>
          %add3A_874 = arith.addf %add3A_873, %gather3A_869 : vector<16xf32>
          %mul3A_875 = arith.constant 2.000000e-01 : f32
          %mul3A_876 = vector.broadcast %mul3A_875 : f32 to vector<16xf32>
          %mul3A_877 = arith.mulf %mul3A_876, %add3A_874 : vector<16xf32>
          %max3A_878 = arith.maximumf %add3A_874, %mul3A_877 : vector<16xf32>
          %mul3A_879 = arith.mulf %gather3A_872, %max3A_878 : vector<16xf32>
          %add3A_880 = arith.addf %add3A_861, %mul3A_879 : vector<16xf32>
          %mul3A_881 = arith.constant 16 : i32
          %mul3A_882 = arith.muli %scan3A_710, %mul3A_881 : i32
          %add3A_883 = arith.constant 9 : i32
          %add3A_884 = arith.addi %mul3A_882, %add3A_883 : i32
          %broadcast_in_dim3A_885 = vector.broadcast %add3A_884 : i32 to vector<16xi32>
          %gather3A_886 = tpu.vector_load_idx %arg18[%add3A_693, %broadcast_in_dim3A_885] : memref<80x128xf32, #tpu.memory_space<vmem>>[vector<16xi32>, vector<16xi32>], vector<16xf32>,
          %gather3A_887 = tpu.vector_load_idx %arg19[%add3A_693, %broadcast_in_dim3A_885] : memref<80x128xf32, #tpu.memory_space<vmem>>[vector<16xi32>, vector<16xi32>], vector<16xf32>,
          %gather3A_888 = tpu.vector_load_idx %arg20[%add3A_693, %broadcast_in_dim3A_885] : memref<80x144xf32, #tpu.memory_space<vmem>>[vector<16xi32>, vector<16xi32>], vector<16xf32>,
          %broadcast_in_dim3A_889 = arith.constant 0 : i32
          %broadcast_in_dim3A_890 = vector.broadcast %broadcast_in_dim3A_889 : i32 to vector<16xi32>
          %gather3A_891 = tpu.vector_load_idx %arg17[%broadcast_in_dim3A_890, %broadcast_in_dim3A_885] : memref<2x128xf32, #tpu.memory_space<vmem>>[vector<16xi32>, vector<16xi32>], vector<16xf32>,
          %add3A_892 = arith.addf %gather3A_886, %gather3A_887 : vector<16xf32>
          %add3A_893 = arith.addf %add3A_892, %gather3A_888 : vector<16xf32>
          %mul3A_894 = arith.constant 2.000000e-01 : f32
          %mul3A_895 = vector.broadcast %mul3A_894 : f32 to vector<16xf32>
          %mul3A_896 = arith.mulf %mul3A_895, %add3A_893 : vector<16xf32>
          %max3A_897 = arith.maximumf %add3A_893, %mul3A_896 : vector<16xf32>
          %mul3A_898 = arith.mulf %gather3A_891, %max3A_897 : vector<16xf32>
          %add3A_899 = arith.addf %add3A_880, %mul3A_898 : vector<16xf32>
          %mul3A_900 = arith.constant 16 : i32
          %mul3A_901 = arith.muli %scan3A_710, %mul3A_900 : i32
          %add3A_902 = arith.constant 10 : i32
          %add3A_903 = arith.addi %mul3A_901, %add3A_902 : i32
          %broadcast_in_dim3A_904 = vector.broadcast %add3A_903 : i32 to vector<16xi32>
          %gather3A_905 = tpu.vector_load_idx %arg18[%add3A_693, %broadcast_in_dim3A_904] : memref<80x128xf32, #tpu.memory_space<vmem>>[vector<16xi32>, vector<16xi32>], vector<16xf32>,
          %gather3A_906 = tpu.vector_load_idx %arg19[%add3A_693, %broadcast_in_dim3A_904] : memref<80x128xf32, #tpu.memory_space<vmem>>[vector<16xi32>, vector<16xi32>], vector<16xf32>,
          %gather3A_907 = tpu.vector_load_idx %arg20[%add3A_693, %broadcast_in_dim3A_904] : memref<80x144xf32, #tpu.memory_space<vmem>>[vector<16xi32>, vector<16xi32>], vector<16xf32>,
          %broadcast_in_dim3A_908 = arith.constant 0 : i32
          %broadcast_in_dim3A_909 = vector.broadcast %broadcast_in_dim3A_908 : i32 to vector<16xi32>
          %gather3A_910 = tpu.vector_load_idx %arg17[%broadcast_in_dim3A_909, %broadcast_in_dim3A_904] : memref<2x128xf32, #tpu.memory_space<vmem>>[vector<16xi32>, vector<16xi32>], vector<16xf32>,
          %add3A_911 = arith.addf %gather3A_905, %gather3A_906 : vector<16xf32>
          %add3A_912 = arith.addf %add3A_911, %gather3A_907 : vector<16xf32>
          %mul3A_913 = arith.constant 2.000000e-01 : f32
          %mul3A_914 = vector.broadcast %mul3A_913 : f32 to vector<16xf32>
          %mul3A_915 = arith.mulf %mul3A_914, %add3A_912 : vector<16xf32>
          %max3A_916 = arith.maximumf %add3A_912, %mul3A_915 : vector<16xf32>
          %mul3A_917 = arith.mulf %gather3A_910, %max3A_916 : vector<16xf32>
          %add3A_918 = arith.addf %add3A_899, %mul3A_917 : vector<16xf32>
          %mul3A_919 = arith.constant 16 : i32
          %mul3A_920 = arith.muli %scan3A_710, %mul3A_919 : i32
          %add3A_921 = arith.constant 11 : i32
          %add3A_922 = arith.addi %mul3A_920, %add3A_921 : i32
          %broadcast_in_dim3A_923 = vector.broadcast %add3A_922 : i32 to vector<16xi32>
          %gather3A_924 = tpu.vector_load_idx %arg18[%add3A_693, %broadcast_in_dim3A_923] : memref<80x128xf32, #tpu.memory_space<vmem>>[vector<16xi32>, vector<16xi32>], vector<16xf32>,
          %gather3A_925 = tpu.vector_load_idx %arg19[%add3A_693, %broadcast_in_dim3A_923] : memref<80x128xf32, #tpu.memory_space<vmem>>[vector<16xi32>, vector<16xi32>], vector<16xf32>,
          %gather3A_926 = tpu.vector_load_idx %arg20[%add3A_693, %broadcast_in_dim3A_923] : memref<80x144xf32, #tpu.memory_space<vmem>>[vector<16xi32>, vector<16xi32>], vector<16xf32>,
          %broadcast_in_dim3A_927 = arith.constant 0 : i32
          %broadcast_in_dim3A_928 = vector.broadcast %broadcast_in_dim3A_927 : i32 to vector<16xi32>
          %gather3A_929 = tpu.vector_load_idx %arg17[%broadcast_in_dim3A_928, %broadcast_in_dim3A_923] : memref<2x128xf32, #tpu.memory_space<vmem>>[vector<16xi32>, vector<16xi32>], vector<16xf32>,
          %add3A_930 = arith.addf %gather3A_924, %gather3A_925 : vector<16xf32>
          %add3A_931 = arith.addf %add3A_930, %gather3A_926 : vector<16xf32>
          %mul3A_932 = arith.constant 2.000000e-01 : f32
          %mul3A_933 = vector.broadcast %mul3A_932 : f32 to vector<16xf32>
          %mul3A_934 = arith.mulf %mul3A_933, %add3A_931 : vector<16xf32>
          %max3A_935 = arith.maximumf %add3A_931, %mul3A_934 : vector<16xf32>
          %mul3A_936 = arith.mulf %gather3A_929, %max3A_935 : vector<16xf32>
          %add3A_937 = arith.addf %add3A_918, %mul3A_936 : vector<16xf32>
          %mul3A_938 = arith.constant 16 : i32
          %mul3A_939 = arith.muli %scan3A_710, %mul3A_938 : i32
          %add3A_940 = arith.constant 12 : i32
          %add3A_941 = arith.addi %mul3A_939, %add3A_940 : i32
          %broadcast_in_dim3A_942 = vector.broadcast %add3A_941 : i32 to vector<16xi32>
          %gather3A_943 = tpu.vector_load_idx %arg18[%add3A_693, %broadcast_in_dim3A_942] : memref<80x128xf32, #tpu.memory_space<vmem>>[vector<16xi32>, vector<16xi32>], vector<16xf32>,
          %gather3A_944 = tpu.vector_load_idx %arg19[%add3A_693, %broadcast_in_dim3A_942] : memref<80x128xf32, #tpu.memory_space<vmem>>[vector<16xi32>, vector<16xi32>], vector<16xf32>,
          %gather3A_945 = tpu.vector_load_idx %arg20[%add3A_693, %broadcast_in_dim3A_942] : memref<80x144xf32, #tpu.memory_space<vmem>>[vector<16xi32>, vector<16xi32>], vector<16xf32>,
          %broadcast_in_dim3A_946 = arith.constant 0 : i32
          %broadcast_in_dim3A_947 = vector.broadcast %broadcast_in_dim3A_946 : i32 to vector<16xi32>
          %gather3A_948 = tpu.vector_load_idx %arg17[%broadcast_in_dim3A_947, %broadcast_in_dim3A_942] : memref<2x128xf32, #tpu.memory_space<vmem>>[vector<16xi32>, vector<16xi32>], vector<16xf32>,
          %add3A_949 = arith.addf %gather3A_943, %gather3A_944 : vector<16xf32>
          %add3A_950 = arith.addf %add3A_949, %gather3A_945 : vector<16xf32>
          %mul3A_951 = arith.constant 2.000000e-01 : f32
          %mul3A_952 = vector.broadcast %mul3A_951 : f32 to vector<16xf32>
          %mul3A_953 = arith.mulf %mul3A_952, %add3A_950 : vector<16xf32>
          %max3A_954 = arith.maximumf %add3A_950, %mul3A_953 : vector<16xf32>
          %mul3A_955 = arith.mulf %gather3A_948, %max3A_954 : vector<16xf32>
          %add3A_956 = arith.addf %add3A_937, %mul3A_955 : vector<16xf32>
          %mul3A_957 = arith.constant 16 : i32
          %mul3A_958 = arith.muli %scan3A_710, %mul3A_957 : i32
          %add3A_959 = arith.constant 13 : i32
          %add3A_960 = arith.addi %mul3A_958, %add3A_959 : i32
          %broadcast_in_dim3A_961 = vector.broadcast %add3A_960 : i32 to vector<16xi32>
          %gather3A_962 = tpu.vector_load_idx %arg18[%add3A_693, %broadcast_in_dim3A_961] : memref<80x128xf32, #tpu.memory_space<vmem>>[vector<16xi32>, vector<16xi32>], vector<16xf32>,
          %gather3A_963 = tpu.vector_load_idx %arg19[%add3A_693, %broadcast_in_dim3A_961] : memref<80x128xf32, #tpu.memory_space<vmem>>[vector<16xi32>, vector<16xi32>], vector<16xf32>,
          %gather3A_964 = tpu.vector_load_idx %arg20[%add3A_693, %broadcast_in_dim3A_961] : memref<80x144xf32, #tpu.memory_space<vmem>>[vector<16xi32>, vector<16xi32>], vector<16xf32>,
          %broadcast_in_dim3A_965 = arith.constant 0 : i32
          %broadcast_in_dim3A_966 = vector.broadcast %broadcast_in_dim3A_965 : i32 to vector<16xi32>
          %gather3A_967 = tpu.vector_load_idx %arg17[%broadcast_in_dim3A_966, %broadcast_in_dim3A_961] : memref<2x128xf32, #tpu.memory_space<vmem>>[vector<16xi32>, vector<16xi32>], vector<16xf32>,
          %add3A_968 = arith.addf %gather3A_962, %gather3A_963 : vector<16xf32>
          %add3A_969 = arith.addf %add3A_968, %gather3A_964 : vector<16xf32>
          %mul3A_970 = arith.constant 2.000000e-01 : f32
          %mul3A_971 = vector.broadcast %mul3A_970 : f32 to vector<16xf32>
          %mul3A_972 = arith.mulf %mul3A_971, %add3A_969 : vector<16xf32>
          %max3A_973 = arith.maximumf %add3A_969, %mul3A_972 : vector<16xf32>
          %mul3A_974 = arith.mulf %gather3A_967, %max3A_973 : vector<16xf32>
          %add3A_975 = arith.addf %add3A_956, %mul3A_974 : vector<16xf32>
          %mul3A_976 = arith.constant 16 : i32
          %mul3A_977 = arith.muli %scan3A_710, %mul3A_976 : i32
          %add3A_978 = arith.constant 14 : i32
          %add3A_979 = arith.addi %mul3A_977, %add3A_978 : i32
          %broadcast_in_dim3A_980 = vector.broadcast %add3A_979 : i32 to vector<16xi32>
          %gather3A_981 = tpu.vector_load_idx %arg18[%add3A_693, %broadcast_in_dim3A_980] : memref<80x128xf32, #tpu.memory_space<vmem>>[vector<16xi32>, vector<16xi32>], vector<16xf32>,
          %gather3A_982 = tpu.vector_load_idx %arg19[%add3A_693, %broadcast_in_dim3A_980] : memref<80x128xf32, #tpu.memory_space<vmem>>[vector<16xi32>, vector<16xi32>], vector<16xf32>,
          %gather3A_983 = tpu.vector_load_idx %arg20[%add3A_693, %broadcast_in_dim3A_980] : memref<80x144xf32, #tpu.memory_space<vmem>>[vector<16xi32>, vector<16xi32>], vector<16xf32>,
          %broadcast_in_dim3A_984 = arith.constant 0 : i32
          %broadcast_in_dim3A_985 = vector.broadcast %broadcast_in_dim3A_984 : i32 to vector<16xi32>
          %gather3A_986 = tpu.vector_load_idx %arg17[%broadcast_in_dim3A_985, %broadcast_in_dim3A_980] : memref<2x128xf32, #tpu.memory_space<vmem>>[vector<16xi32>, vector<16xi32>], vector<16xf32>,
          %add3A_987 = arith.addf %gather3A_981, %gather3A_982 : vector<16xf32>
          %add3A_988 = arith.addf %add3A_987, %gather3A_983 : vector<16xf32>
          %mul3A_989 = arith.constant 2.000000e-01 : f32
          %mul3A_990 = vector.broadcast %mul3A_989 : f32 to vector<16xf32>
          %mul3A_991 = arith.mulf %mul3A_990, %add3A_988 : vector<16xf32>
          %max3A_992 = arith.maximumf %add3A_988, %mul3A_991 : vector<16xf32>
          %mul3A_993 = arith.mulf %gather3A_986, %max3A_992 : vector<16xf32>
          %add3A_994 = arith.addf %add3A_975, %mul3A_993 : vector<16xf32>
          %mul3A_995 = arith.constant 16 : i32
          %mul3A_996 = arith.muli %scan3A_710, %mul3A_995 : i32
          %add3A_997 = arith.constant 15 : i32
          %add3A_998 = arith.addi %mul3A_996, %add3A_997 : i32
          %broadcast_in_dim3A_999 = vector.broadcast %add3A_998 : i32 to vector<16xi32>
          %gather3A_1000 = tpu.vector_load_idx %arg18[%add3A_693, %broadcast_in_dim3A_999] : memref<80x128xf32, #tpu.memory_space<vmem>>[vector<16xi32>, vector<16xi32>], vector<16xf32>,
          %gather3A_1001 = tpu.vector_load_idx %arg19[%add3A_693, %broadcast_in_dim3A_999] : memref<80x128xf32, #tpu.memory_space<vmem>>[vector<16xi32>, vector<16xi32>], vector<16xf32>,
          %gather3A_1002 = tpu.vector_load_idx %arg20[%add3A_693, %broadcast_in_dim3A_999] : memref<80x144xf32, #tpu.memory_space<vmem>>[vector<16xi32>, vector<16xi32>], vector<16xf32>,
          %broadcast_in_dim3A_1003 = arith.constant 0 : i32
          %broadcast_in_dim3A_1004 = vector.broadcast %broadcast_in_dim3A_1003 : i32 to vector<16xi32>
          %gather3A_1005 = tpu.vector_load_idx %arg17[%broadcast_in_dim3A_1004, %broadcast_in_dim3A_999] : memref<2x128xf32, #tpu.memory_space<vmem>>[vector<16xi32>, vector<16xi32>], vector<16xf32>,
          %add3A_1006 = arith.addf %gather3A_1000, %gather3A_1001 : vector<16xf32>
          %add3A_1007 = arith.addf %add3A_1006, %gather3A_1002 : vector<16xf32>
          %mul3A_1008 = arith.constant 2.000000e-01 : f32
          %mul3A_1009 = vector.broadcast %mul3A_1008 : f32 to vector<16xf32>
          %mul3A_1010 = arith.mulf %mul3A_1009, %add3A_1007 : vector<16xf32>
          %max3A_1011 = arith.maximumf %add3A_1007, %mul3A_1010 : vector<16xf32>
          %mul3A_1012 = arith.mulf %gather3A_1005, %max3A_1011 : vector<16xf32>
          %add3A_1013 = arith.addf %add3A_994, %mul3A_1012 : vector<16xf32>
          scf.yield %add3A_1013 : vector<16xf32>
        }
        %scan3A_701 = arith.constant 8 : i32
        %exp3A = math.exp %scan3A_700 : vector<16xf32>
        %broadcast_in_dim3A_702 = arith.constant 128 : i32
        %broadcast_in_dim3A_703 = vector.broadcast %broadcast_in_dim3A_702 : i32 to vector<16xi32>
        tpu.vector_store_idx %arg20[%add3A_693, %broadcast_in_dim3A_703], %exp3A : memref<80x144xf32, #tpu.memory_space<vmem>>[vector<16xi32>, vector<16xi32>], vector<16xf32>,
        %scan3A_704 = arith.constant 0 : i32
        %scan3A_705 = arith.constant 0 : i32
        %scan3A_706 = arith.constant 8 : i32
        %scan3A_707 = arith.addi %scan3A_705, %scan3A_706 : i32
        %scan3A_708 = arith.constant 1 : i32
        scf.for %scan3A_710 = %scan3A_705 to %scan3A_707 step %scan3A_708  : i32 {
          %mul3A_711 = arith.constant 16 : i32
          %mul3A_712 = arith.muli %scan3A_710, %mul3A_711 : i32
          %add3A_713 = arith.constant 0 : i32
          %add3A_714 = arith.addi %mul3A_712, %add3A_713 : i32
          %broadcast_in_dim3A_715 = vector.broadcast %add3A_714 : i32 to vector<16xi32>
          %gather3A = tpu.vector_load_idx %arg18[%add3A_693, %broadcast_in_dim3A_715] : memref<80x128xf32, #tpu.memory_space<vmem>>[vector<16xi32>, vector<16xi32>], vector<16xf32>,
          %mul3A_716 = arith.mulf %gather3A, %exp3A : vector<16xf32>
          tpu.vector_store_idx %arg20[%add3A_693, %broadcast_in_dim3A_715], %mul3A_716 : memref<80x144xf32, #tpu.memory_space<vmem>>[vector<16xi32>, vector<16xi32>], vector<16xf32>,
          %mul3A_717 = arith.constant 16 : i32
          %mul3A_718 = arith.muli %scan3A_710, %mul3A_717 : i32
          %add3A_719 = arith.constant 1 : i32
          %add3A_720 = arith.addi %mul3A_718, %add3A_719 : i32
          %broadcast_in_dim3A_721 = vector.broadcast %add3A_720 : i32 to vector<16xi32>
          %gather3A_722 = tpu.vector_load_idx %arg18[%add3A_693, %broadcast_in_dim3A_721] : memref<80x128xf32, #tpu.memory_space<vmem>>[vector<16xi32>, vector<16xi32>], vector<16xf32>,
          %mul3A_723 = arith.mulf %gather3A_722, %exp3A : vector<16xf32>
          tpu.vector_store_idx %arg20[%add3A_693, %broadcast_in_dim3A_721], %mul3A_723 : memref<80x144xf32, #tpu.memory_space<vmem>>[vector<16xi32>, vector<16xi32>], vector<16xf32>,
          %mul3A_724 = arith.constant 16 : i32
          %mul3A_725 = arith.muli %scan3A_710, %mul3A_724 : i32
          %add3A_726 = arith.constant 2 : i32
          %add3A_727 = arith.addi %mul3A_725, %add3A_726 : i32
          %broadcast_in_dim3A_728 = vector.broadcast %add3A_727 : i32 to vector<16xi32>
          %gather3A_729 = tpu.vector_load_idx %arg18[%add3A_693, %broadcast_in_dim3A_728] : memref<80x128xf32, #tpu.memory_space<vmem>>[vector<16xi32>, vector<16xi32>], vector<16xf32>,
          %mul3A_730 = arith.mulf %gather3A_729, %exp3A : vector<16xf32>
          tpu.vector_store_idx %arg20[%add3A_693, %broadcast_in_dim3A_728], %mul3A_730 : memref<80x144xf32, #tpu.memory_space<vmem>>[vector<16xi32>, vector<16xi32>], vector<16xf32>,
          %mul3A_731 = arith.constant 16 : i32
          %mul3A_732 = arith.muli %scan3A_710, %mul3A_731 : i32
          %add3A_733 = arith.constant 3 : i32
          %add3A_734 = arith.addi %mul3A_732, %add3A_733 : i32
          %broadcast_in_dim3A_735 = vector.broadcast %add3A_734 : i32 to vector<16xi32>
          %gather3A_736 = tpu.vector_load_idx %arg18[%add3A_693, %broadcast_in_dim3A_735] : memref<80x128xf32, #tpu.memory_space<vmem>>[vector<16xi32>, vector<16xi32>], vector<16xf32>,
          %mul3A_737 = arith.mulf %gather3A_736, %exp3A : vector<16xf32>
          tpu.vector_store_idx %arg20[%add3A_693, %broadcast_in_dim3A_735], %mul3A_737 : memref<80x144xf32, #tpu.memory_space<vmem>>[vector<16xi32>, vector<16xi32>], vector<16xf32>,
          %mul3A_738 = arith.constant 16 : i32
          %mul3A_739 = arith.muli %scan3A_710, %mul3A_738 : i32
          %add3A_740 = arith.constant 4 : i32
          %add3A_741 = arith.addi %mul3A_739, %add3A_740 : i32
          %broadcast_in_dim3A_742 = vector.broadcast %add3A_741 : i32 to vector<16xi32>
          %gather3A_743 = tpu.vector_load_idx %arg18[%add3A_693, %broadcast_in_dim3A_742] : memref<80x128xf32, #tpu.memory_space<vmem>>[vector<16xi32>, vector<16xi32>], vector<16xf32>,
          %mul3A_744 = arith.mulf %gather3A_743, %exp3A : vector<16xf32>
          tpu.vector_store_idx %arg20[%add3A_693, %broadcast_in_dim3A_742], %mul3A_744 : memref<80x144xf32, #tpu.memory_space<vmem>>[vector<16xi32>, vector<16xi32>], vector<16xf32>,
          %mul3A_745 = arith.constant 16 : i32
          %mul3A_746 = arith.muli %scan3A_710, %mul3A_745 : i32
          %add3A_747 = arith.constant 5 : i32
          %add3A_748 = arith.addi %mul3A_746, %add3A_747 : i32
          %broadcast_in_dim3A_749 = vector.broadcast %add3A_748 : i32 to vector<16xi32>
          %gather3A_750 = tpu.vector_load_idx %arg18[%add3A_693, %broadcast_in_dim3A_749] : memref<80x128xf32, #tpu.memory_space<vmem>>[vector<16xi32>, vector<16xi32>], vector<16xf32>,
          %mul3A_751 = arith.mulf %gather3A_750, %exp3A : vector<16xf32>
          tpu.vector_store_idx %arg20[%add3A_693, %broadcast_in_dim3A_749], %mul3A_751 : memref<80x144xf32, #tpu.memory_space<vmem>>[vector<16xi32>, vector<16xi32>], vector<16xf32>,
          %mul3A_752 = arith.constant 16 : i32
          %mul3A_753 = arith.muli %scan3A_710, %mul3A_752 : i32
          %add3A_754 = arith.constant 6 : i32
          %add3A_755 = arith.addi %mul3A_753, %add3A_754 : i32
          %broadcast_in_dim3A_756 = vector.broadcast %add3A_755 : i32 to vector<16xi32>
          %gather3A_757 = tpu.vector_load_idx %arg18[%add3A_693, %broadcast_in_dim3A_756] : memref<80x128xf32, #tpu.memory_space<vmem>>[vector<16xi32>, vector<16xi32>], vector<16xf32>,
          %mul3A_758 = arith.mulf %gather3A_757, %exp3A : vector<16xf32>
          tpu.vector_store_idx %arg20[%add3A_693, %broadcast_in_dim3A_756], %mul3A_758 : memref<80x144xf32, #tpu.memory_space<vmem>>[vector<16xi32>, vector<16xi32>], vector<16xf32>,
          %mul3A_759 = arith.constant 16 : i32
          %mul3A_760 = arith.muli %scan3A_710, %mul3A_759 : i32
          %add3A_761 = arith.constant 7 : i32
          %add3A_762 = arith.addi %mul3A_760, %add3A_761 : i32
          %broadcast_in_dim3A_763 = vector.broadcast %add3A_762 : i32 to vector<16xi32>
          %gather3A_764 = tpu.vector_load_idx %arg18[%add3A_693, %broadcast_in_dim3A_763] : memref<80x128xf32, #tpu.memory_space<vmem>>[vector<16xi32>, vector<16xi32>], vector<16xf32>,
          %mul3A_765 = arith.mulf %gather3A_764, %exp3A : vector<16xf32>
          tpu.vector_store_idx %arg20[%add3A_693, %broadcast_in_dim3A_763], %mul3A_765 : memref<80x144xf32, #tpu.memory_space<vmem>>[vector<16xi32>, vector<16xi32>], vector<16xf32>,
          %mul3A_766 = arith.constant 16 : i32
          %mul3A_767 = arith.muli %scan3A_710, %mul3A_766 : i32
          %add3A_768 = arith.constant 8 : i32
          %add3A_769 = arith.addi %mul3A_767, %add3A_768 : i32
          %broadcast_in_dim3A_770 = vector.broadcast %add3A_769 : i32 to vector<16xi32>
          %gather3A_771 = tpu.vector_load_idx %arg18[%add3A_693, %broadcast_in_dim3A_770] : memref<80x128xf32, #tpu.memory_space<vmem>>[vector<16xi32>, vector<16xi32>], vector<16xf32>,
          %mul3A_772 = arith.mulf %gather3A_771, %exp3A : vector<16xf32>
          tpu.vector_store_idx %arg20[%add3A_693, %broadcast_in_dim3A_770], %mul3A_772 : memref<80x144xf32, #tpu.memory_space<vmem>>[vector<16xi32>, vector<16xi32>], vector<16xf32>,
          %mul3A_773 = arith.constant 16 : i32
          %mul3A_774 = arith.muli %scan3A_710, %mul3A_773 : i32
          %add3A_775 = arith.constant 9 : i32
          %add3A_776 = arith.addi %mul3A_774, %add3A_775 : i32
          %broadcast_in_dim3A_777 = vector.broadcast %add3A_776 : i32 to vector<16xi32>
          %gather3A_778 = tpu.vector_load_idx %arg18[%add3A_693, %broadcast_in_dim3A_777] : memref<80x128xf32, #tpu.memory_space<vmem>>[vector<16xi32>, vector<16xi32>], vector<16xf32>,
          %mul3A_779 = arith.mulf %gather3A_778, %exp3A : vector<16xf32>
          tpu.vector_store_idx %arg20[%add3A_693, %broadcast_in_dim3A_777], %mul3A_779 : memref<80x144xf32, #tpu.memory_space<vmem>>[vector<16xi32>, vector<16xi32>], vector<16xf32>,
          %mul3A_780 = arith.constant 16 : i32
          %mul3A_781 = arith.muli %scan3A_710, %mul3A_780 : i32
          %add3A_782 = arith.constant 10 : i32
          %add3A_783 = arith.addi %mul3A_781, %add3A_782 : i32
          %broadcast_in_dim3A_784 = vector.broadcast %add3A_783 : i32 to vector<16xi32>
          %gather3A_785 = tpu.vector_load_idx %arg18[%add3A_693, %broadcast_in_dim3A_784] : memref<80x128xf32, #tpu.memory_space<vmem>>[vector<16xi32>, vector<16xi32>], vector<16xf32>,
          %mul3A_786 = arith.mulf %gather3A_785, %exp3A : vector<16xf32>
          tpu.vector_store_idx %arg20[%add3A_693, %broadcast_in_dim3A_784], %mul3A_786 : memref<80x144xf32, #tpu.memory_space<vmem>>[vector<16xi32>, vector<16xi32>], vector<16xf32>,
          %mul3A_787 = arith.constant 16 : i32
          %mul3A_788 = arith.muli %scan3A_710, %mul3A_787 : i32
          %add3A_789 = arith.constant 11 : i32
          %add3A_790 = arith.addi %mul3A_788, %add3A_789 : i32
          %broadcast_in_dim3A_791 = vector.broadcast %add3A_790 : i32 to vector<16xi32>
          %gather3A_792 = tpu.vector_load_idx %arg18[%add3A_693, %broadcast_in_dim3A_791] : memref<80x128xf32, #tpu.memory_space<vmem>>[vector<16xi32>, vector<16xi32>], vector<16xf32>,
          %mul3A_793 = arith.mulf %gather3A_792, %exp3A : vector<16xf32>
          tpu.vector_store_idx %arg20[%add3A_693, %broadcast_in_dim3A_791], %mul3A_793 : memref<80x144xf32, #tpu.memory_space<vmem>>[vector<16xi32>, vector<16xi32>], vector<16xf32>,
          %mul3A_794 = arith.constant 16 : i32
          %mul3A_795 = arith.muli %scan3A_710, %mul3A_794 : i32
          %add3A_796 = arith.constant 12 : i32
          %add3A_797 = arith.addi %mul3A_795, %add3A_796 : i32
          %broadcast_in_dim3A_798 = vector.broadcast %add3A_797 : i32 to vector<16xi32>
          %gather3A_799 = tpu.vector_load_idx %arg18[%add3A_693, %broadcast_in_dim3A_798] : memref<80x128xf32, #tpu.memory_space<vmem>>[vector<16xi32>, vector<16xi32>], vector<16xf32>,
          %mul3A_800 = arith.mulf %gather3A_799, %exp3A : vector<16xf32>
          tpu.vector_store_idx %arg20[%add3A_693, %broadcast_in_dim3A_798], %mul3A_800 : memref<80x144xf32, #tpu.memory_space<vmem>>[vector<16xi32>, vector<16xi32>], vector<16xf32>,
          %mul3A_801 = arith.constant 16 : i32
          %mul3A_802 = arith.muli %scan3A_710, %mul3A_801 : i32
          %add3A_803 = arith.constant 13 : i32
          %add3A_804 = arith.addi %mul3A_802, %add3A_803 : i32
          %broadcast_in_dim3A_805 = vector.broadcast %add3A_804 : i32 to vector<16xi32>
          %gather3A_806 = tpu.vector_load_idx %arg18[%add3A_693, %broadcast_in_dim3A_805] : memref<80x128xf32, #tpu.memory_space<vmem>>[vector<16xi32>, vector<16xi32>], vector<16xf32>,
          %mul3A_807 = arith.mulf %gather3A_806, %exp3A : vector<16xf32>
          tpu.vector_store_idx %arg20[%add3A_693, %broadcast_in_dim3A_805], %mul3A_807 : memref<80x144xf32, #tpu.memory_space<vmem>>[vector<16xi32>, vector<16xi32>], vector<16xf32>,
          %mul3A_808 = arith.constant 16 : i32
          %mul3A_809 = arith.muli %scan3A_710, %mul3A_808 : i32
          %add3A_810 = arith.constant 14 : i32
          %add3A_811 = arith.addi %mul3A_809, %add3A_810 : i32
          %broadcast_in_dim3A_812 = vector.broadcast %add3A_811 : i32 to vector<16xi32>
          %gather3A_813 = tpu.vector_load_idx %arg18[%add3A_693, %broadcast_in_dim3A_812] : memref<80x128xf32, #tpu.memory_space<vmem>>[vector<16xi32>, vector<16xi32>], vector<16xf32>,
          %mul3A_814 = arith.mulf %gather3A_813, %exp3A : vector<16xf32>
          tpu.vector_store_idx %arg20[%add3A_693, %broadcast_in_dim3A_812], %mul3A_814 : memref<80x144xf32, #tpu.memory_space<vmem>>[vector<16xi32>, vector<16xi32>], vector<16xf32>,
          %mul3A_815 = arith.constant 16 : i32
          %mul3A_816 = arith.muli %scan3A_710, %mul3A_815 : i32
          %add3A_817 = arith.constant 15 : i32
          %add3A_818 = arith.addi %mul3A_816, %add3A_817 : i32
          %broadcast_in_dim3A_819 = vector.broadcast %add3A_818 : i32 to vector<16xi32>
          %gather3A_820 = tpu.vector_load_idx %arg18[%add3A_693, %broadcast_in_dim3A_819] : memref<80x128xf32, #tpu.memory_space<vmem>>[vector<16xi32>, vector<16xi32>], vector<16xf32>,
          %mul3A_821 = arith.mulf %gather3A_820, %exp3A : vector<16xf32>
          tpu.vector_store_idx %arg20[%add3A_693, %broadcast_in_dim3A_819], %mul3A_821 : memref<80x144xf32, #tpu.memory_space<vmem>>[vector<16xi32>, vector<16xi32>], vector<16xf32>,
        }
        %scan3A_709 = arith.constant 8 : i32
      }
      %scan3A_682 = arith.constant 5 : i32
      %dma_start3A_683 = arith.constant 0 : i32
      %dma_start3A_684 = tpu.memref_slice %arg15[%rem3A_591, %dma_start3A_683] : memref<2x80xi32, #tpu.memory_space<vmem>> -> memref<1x80xi32, #tpu.memory_space<vmem>>
      %dma_start3A_685 = tpu.memref_squeeze %dma_start3A_684 : memref<1x80xi32, #tpu.memory_space<vmem>> -> memref<80xi32, #tpu.memory_space<vmem>>
      %dma_start3A_686 = arith.constant 0 : i32
      %dma_start3A_687 = arith.constant 0 : i32
      %dma_start3A_688 = tpu.memref_slice %arg21[%dma_start3A_686, %dma_start3A_687] : memref<10240x144xf32, #tpu.memory_space<vmem_shared>> -> memref<10240x144xf32, #tpu.memory_space<vmem_shared>>
      tpu.enqueue_indirect_dma source(%arg20 : memref<80x144xf32, #tpu.memory_space<vmem>>) target(%dma_start3A_688 : memref<10240x144xf32, #tpu.memory_space<vmem_shared>>) offsets(%dma_start3A_685 : memref<80xi32, #tpu.memory_space<vmem>>) semaphore(%arg24 : memref<!tpu.dma_semaphore, #tpu.memory_space<semaphore_mem>>) {add = true}
    }
    %scan3A_512 = arith.constant 125 : i32
    %dma_wait3A = arith.constant 0 : i32
    %dma_wait3A_513 = arith.constant 0 : i32
    %dma_wait3A_514 = tpu.memref_slice %arg15[%dma_wait3A, %dma_wait3A_513] : memref<2x80xi32, #tpu.memory_space<vmem>> -> memref<1x80xi32, #tpu.memory_space<vmem>>
    %dma_wait3A_515 = tpu.memref_squeeze %dma_wait3A_514 : memref<1x80xi32, #tpu.memory_space<vmem>> -> memref<80xi32, #tpu.memory_space<vmem>>
    %dma_wait3A_516 = arith.constant 0 : i32
    %dma_wait3A_517 = arith.constant 0 : i32
    %dma_wait3A_518 = tpu.memref_slice %arg21[%dma_wait3A_516, %dma_wait3A_517] : memref<10240x144xf32, #tpu.memory_space<vmem_shared>> -> memref<10240x144xf32, #tpu.memory_space<vmem_shared>>
    tpu.wait_indirect_dma semaphore(%arg24 : memref<!tpu.dma_semaphore, #tpu.memory_space<semaphore_mem>>) src(%arg20 : memref<80x144xf32, #tpu.memory_space<vmem>>) dst(%dma_wait3A_518 : memref<10240x144xf32, #tpu.memory_space<vmem_shared>>)
    %barrier3A_519 = arith.constant 0 : index
    tpu.barrier barrier_id(%barrier3A_519)
    %mul3A_520 = arith.constant 640 : i32
    %mul3A_521 = arith.muli %arg1, %mul3A_520 : i32
    %mul3A_522 = arith.constant 640 : i32
    %mul3A_523 = arith.muli %arg1, %mul3A_522 : i32
    %run_scoped3A = arith.constant 0 : i32
    "tpu.region"() ({
      %run_scoped3A_590 = tpu.sem_alloc : memref<!tpu.dma_semaphore, #tpu.memory_space<semaphore_mem>>
      %dma_start3A_591 = arith.constant 0 : i32
      %dma_start3A_592 = tpu.memref_slice %arg13[%run_scoped3A, %arg0, %mul3A_523, %dma_start3A_591] : memref<2x2x10240x144xf32, #tpu.memory_space<hbm>> -> memref<1x1x640x144xf32, #tpu.memory_space<hbm>>
      %dma_start3A_593 = tpu.memref_squeeze %dma_start3A_592 : memref<1x1x640x144xf32, #tpu.memory_space<hbm>> -> memref<640x144xf32, #tpu.memory_space<hbm>>
      %dma_start3A_594 = arith.constant 0 : i32
      %dma_start3A_595 = tpu.memref_slice %arg21[%mul3A_521, %dma_start3A_594] : memref<10240x144xf32, #tpu.memory_space<vmem_shared>> -> memref<640x144xf32, #tpu.memory_space<vmem_shared>>
      tpu.enqueue_dma source(%dma_start3A_595 : memref<640x144xf32, #tpu.memory_space<vmem_shared>>) target(%dma_start3A_593 : memref<640x144xf32, #tpu.memory_space<hbm>>) target_semaphore(%run_scoped3A_590 : memref<!tpu.dma_semaphore, #tpu.memory_space<semaphore_mem>>)
      %dma_wait3A_596 = arith.constant 0 : i32
      %dma_wait3A_597 = tpu.memref_slice %arg13[%run_scoped3A, %arg0, %mul3A_523, %dma_wait3A_596] : memref<2x2x10240x144xf32, #tpu.memory_space<hbm>> -> memref<1x1x640x144xf32, #tpu.memory_space<hbm>>
      %dma_wait3A_598 = tpu.memref_squeeze %dma_wait3A_597 : memref<1x1x640x144xf32, #tpu.memory_space<hbm>> -> memref<640x144xf32, #tpu.memory_space<hbm>>
      %dma_wait3A_599 = arith.constant 0 : i32
      %dma_wait3A_600 = tpu.memref_slice %arg21[%mul3A_521, %dma_wait3A_599] : memref<10240x144xf32, #tpu.memory_space<vmem_shared>> -> memref<640x144xf32, #tpu.memory_space<vmem_shared>>
      tpu.wait_dma2 semaphore(%run_scoped3A_590 : memref<!tpu.dma_semaphore, #tpu.memory_space<semaphore_mem>>) src(%dma_wait3A_600 : memref<640x144xf32, #tpu.memory_space<vmem_shared>>) dst(%dma_wait3A_598 : memref<640x144xf32, #tpu.memory_space<hbm>>)
      tpu.yield
    }) : () -> ()
    %barrier3A_524 = arith.constant 0 : index
    tpu.barrier barrier_id(%barrier3A_524)
    %mul3A_525 = arith.constant 640 : i32
    %mul3A_526 = arith.muli %arg1, %mul3A_525 : i32
    "tpu.region"() ({
      %run_scoped3A_590 = tpu.sem_alloc : memref<!tpu.dma_semaphore, #tpu.memory_space<semaphore_mem>>
      %dma_start3A_591 = arith.constant 0 : i32
      %dma_start3A_592 = tpu.memref_slice %arg21[%mul3A_526, %dma_start3A_591] : memref<10240x144xf32, #tpu.memory_space<vmem_shared>> -> memref<640x144xf32, #tpu.memory_space<vmem_shared>>
      tpu.enqueue_dma source(%arg12 : memref<640x144xf32, #tpu.memory_space<hbm>>) target(%dma_start3A_592 : memref<640x144xf32, #tpu.memory_space<vmem_shared>>) target_semaphore(%run_scoped3A_590 : memref<!tpu.dma_semaphore, #tpu.memory_space<semaphore_mem>>)
      %dma_wait3A_593 = arith.constant 0 : i32
      %dma_wait3A_594 = tpu.memref_slice %arg21[%mul3A_526, %dma_wait3A_593] : memref<10240x144xf32, #tpu.memory_space<vmem_shared>> -> memref<640x144xf32, #tpu.memory_space<vmem_shared>>
      tpu.wait_dma2 semaphore(%run_scoped3A_590 : memref<!tpu.dma_semaphore, #tpu.memory_space<semaphore_mem>>) src(%arg12 : memref<640x144xf32, #tpu.memory_space<hbm>>) dst(%dma_wait3A_594 : memref<640x144xf32, #tpu.memory_space<vmem_shared>>)
      tpu.yield
    }) : () -> ()
    %barrier3A_527 = arith.constant 0 : index
    tpu.barrier barrier_id(%barrier3A_527)
    %dma_start3A_528 = arith.constant 0 : i32
    %dma_start3A_529 = arith.constant 0 : i32
    %dma_start3A_530 = arith.constant 0 : i32
    %dma_start3A_531 = tpu.memref_slice %arg14[%dma_start3A_529, %dma_start3A_530] : memref<2x80xi32, #tpu.memory_space<vmem>> -> memref<1x80xi32, #tpu.memory_space<vmem>>
    %dma_start3A_532 = tpu.memref_squeeze %dma_start3A_531 : memref<1x80xi32, #tpu.memory_space<vmem>> -> memref<80xi32, #tpu.memory_space<vmem>>
    %dma_start3A_533 = arith.constant 0 : i32
    %dma_start3A_534 = tpu.memref_slice %arg2[%add3A, %dma_start3A_528, %dma_start3A_533] : memref<32x125x80xi32, #tpu.memory_space<hbm>> -> memref<1x1x80xi32, #tpu.memory_space<hbm>>
    %dma_start3A_535 = tpu.memref_squeeze %dma_start3A_534 : memref<1x1x80xi32, #tpu.memory_space<hbm>> -> memref<80xi32, #tpu.memory_space<hbm>>
    %dma_start3A_536 = arith.constant 0 : i32
    %dma_start3A_537 = tpu.memref_slice %arg14[%dma_start3A_529, %dma_start3A_536] : memref<2x80xi32, #tpu.memory_space<vmem>> -> memref<1x80xi32, #tpu.memory_space<vmem>>
    %dma_start3A_538 = tpu.memref_squeeze %dma_start3A_537 : memref<1x80xi32, #tpu.memory_space<vmem>> -> memref<80xi32, #tpu.memory_space<vmem>>
    %dma_start3A_539 = arith.constant 0 : i32
    %dma_start3A_540 = tpu.memref_slice %arg2[%add3A, %dma_start3A_528, %dma_start3A_539] : memref<32x125x80xi32, #tpu.memory_space<hbm>> -> memref<1x1x80xi32, #tpu.memory_space<hbm>>
    %dma_start3A_541 = tpu.memref_squeeze %dma_start3A_540 : memref<1x1x80xi32, #tpu.memory_space<hbm>> -> memref<80xi32, #tpu.memory_space<hbm>>
    tpu.enqueue_dma source(%dma_start3A_541 : memref<80xi32, #tpu.memory_space<hbm>>) target(%dma_start3A_538 : memref<80xi32, #tpu.memory_space<vmem>>) target_semaphore(%arg22 : memref<!tpu.dma_semaphore, #tpu.memory_space<semaphore_mem>>)
    %dma_start3A_542 = arith.constant 0 : i32
    %dma_start3A_543 = arith.constant 0 : i32
    %dma_start3A_544 = arith.constant 0 : i32
    %dma_start3A_545 = tpu.memref_slice %arg15[%dma_start3A_543, %dma_start3A_544] : memref<2x80xi32, #tpu.memory_space<vmem>> -> memref<1x80xi32, #tpu.memory_space<vmem>>
    %dma_start3A_546 = tpu.memref_squeeze %dma_start3A_545 : memref<1x80xi32, #tpu.memory_space<vmem>> -> memref<80xi32, #tpu.memory_space<vmem>>
    %dma_start3A_547 = arith.constant 0 : i32
    %dma_start3A_548 = tpu.memref_slice %arg3[%add3A, %dma_start3A_542, %dma_start3A_547] : memref<32x125x80xi32, #tpu.memory_space<hbm>> -> memref<1x1x80xi32, #tpu.memory_space<hbm>>
    %dma_start3A_549 = tpu.memref_squeeze %dma_start3A_548 : memref<1x1x80xi32, #tpu.memory_space<hbm>> -> memref<80xi32, #tpu.memory_space<hbm>>
    %dma_start3A_550 = arith.constant 0 : i32
    %dma_start3A_551 = tpu.memref_slice %arg15[%dma_start3A_543, %dma_start3A_550] : memref<2x80xi32, #tpu.memory_space<vmem>> -> memref<1x80xi32, #tpu.memory_space<vmem>>
    %dma_start3A_552 = tpu.memref_squeeze %dma_start3A_551 : memref<1x80xi32, #tpu.memory_space<vmem>> -> memref<80xi32, #tpu.memory_space<vmem>>
    %dma_start3A_553 = arith.constant 0 : i32
    %dma_start3A_554 = tpu.memref_slice %arg3[%add3A, %dma_start3A_542, %dma_start3A_553] : memref<32x125x80xi32, #tpu.memory_space<hbm>> -> memref<1x1x80xi32, #tpu.memory_space<hbm>>
    %dma_start3A_555 = tpu.memref_squeeze %dma_start3A_554 : memref<1x1x80xi32, #tpu.memory_space<hbm>> -> memref<80xi32, #tpu.memory_space<hbm>>
    tpu.enqueue_dma source(%dma_start3A_555 : memref<80xi32, #tpu.memory_space<hbm>>) target(%dma_start3A_552 : memref<80xi32, #tpu.memory_space<vmem>>) target_semaphore(%arg22 : memref<!tpu.dma_semaphore, #tpu.memory_space<semaphore_mem>>)
    %dma_start3A_556 = arith.constant 0 : i32
    %dma_start3A_557 = arith.constant 0 : i32
    %dma_start3A_558 = arith.constant 0 : i32
    %dma_start3A_559 = tpu.memref_slice %arg16[%dma_start3A_557, %dma_start3A_558] : memref<2x80xf32, #tpu.memory_space<vmem>> -> memref<1x80xf32, #tpu.memory_space<vmem>>
    %dma_start3A_560 = tpu.memref_squeeze %dma_start3A_559 : memref<1x80xf32, #tpu.memory_space<vmem>> -> memref<80xf32, #tpu.memory_space<vmem>>
    %dma_start3A_561 = arith.constant 0 : i32
    %dma_start3A_562 = tpu.memref_slice %arg4[%add3A, %dma_start3A_556, %dma_start3A_561] : memref<32x125x80xf32, #tpu.memory_space<hbm>> -> memref<1x1x80xf32, #tpu.memory_space<hbm>>
    %dma_start3A_563 = tpu.memref_squeeze %dma_start3A_562 : memref<1x1x80xf32, #tpu.memory_space<hbm>> -> memref<80xf32, #tpu.memory_space<hbm>>
    %dma_start3A_564 = arith.constant 0 : i32
    %dma_start3A_565 = tpu.memref_slice %arg16[%dma_start3A_557, %dma_start3A_564] : memref<2x80xf32, #tpu.memory_space<vmem>> -> memref<1x80xf32, #tpu.memory_space<vmem>>
    %dma_start3A_566 = tpu.memref_squeeze %dma_start3A_565 : memref<1x80xf32, #tpu.memory_space<vmem>> -> memref<80xf32, #tpu.memory_space<vmem>>
    %dma_start3A_567 = arith.constant 0 : i32
    %dma_start3A_568 = tpu.memref_slice %arg4[%add3A, %dma_start3A_556, %dma_start3A_567] : memref<32x125x80xf32, #tpu.memory_space<hbm>> -> memref<1x1x80xf32, #tpu.memory_space<hbm>>
    %dma_start3A_569 = tpu.memref_squeeze %dma_start3A_568 : memref<1x1x80xf32, #tpu.memory_space<hbm>> -> memref<80xf32, #tpu.memory_space<hbm>>
    tpu.enqueue_dma source(%dma_start3A_569 : memref<80xf32, #tpu.memory_space<hbm>>) target(%dma_start3A_566 : memref<80xf32, #tpu.memory_space<vmem>>) target_semaphore(%arg22 : memref<!tpu.dma_semaphore, #tpu.memory_space<semaphore_mem>>)
    %scan3A_570 = arith.constant 0 : i32
    %scan3A_571 = arith.constant 0 : i32
    %scan3A_572 = arith.constant 125 : i32
    %scan3A_573 = arith.addi %scan3A_571, %scan3A_572 : i32
    %scan3A_574 = arith.constant 1 : i32
    scf.for %scan3A_590 = %scan3A_571 to %scan3A_573 step %scan3A_574  : i32 {
      %rem3A = arith.constant 2 : i32
      %rem3A_591 = arith.remsi %scan3A_590, %rem3A : i32
      %dma_wait3A_592 = arith.constant 0 : i32
      %dma_wait3A_593 = arith.constant 0 : i32
      %dma_wait3A_594 = arith.constant 0 : i32
      %dma_wait3A_595 = tpu.memref_slice %arg14[%dma_wait3A_593, %dma_wait3A_594] : memref<2x80xi32, #tpu.memory_space<vmem>> -> memref<1x80xi32, #tpu.memory_space<vmem>>
      %dma_wait3A_596 = tpu.memref_squeeze %dma_wait3A_595 : memref<1x80xi32, #tpu.memory_space<vmem>> -> memref<80xi32, #tpu.memory_space<vmem>>
      %dma_wait3A_597 = arith.constant 0 : i32
      %dma_wait3A_598 = tpu.memref_slice %arg2[%add3A, %dma_wait3A_592, %dma_wait3A_597] : memref<32x125x80xi32, #tpu.memory_space<hbm>> -> memref<1x1x80xi32, #tpu.memory_space<hbm>>
      %dma_wait3A_599 = tpu.memref_squeeze %dma_wait3A_598 : memref<1x1x80xi32, #tpu.memory_space<hbm>> -> memref<80xi32, #tpu.memory_space<hbm>>
      %dma_wait3A_600 = arith.constant 0 : i32
      %dma_wait3A_601 = tpu.memref_slice %arg14[%dma_wait3A_593, %dma_wait3A_600] : memref<2x80xi32, #tpu.memory_space<vmem>> -> memref<1x80xi32, #tpu.memory_space<vmem>>
      %dma_wait3A_602 = tpu.memref_squeeze %dma_wait3A_601 : memref<1x80xi32, #tpu.memory_space<vmem>> -> memref<80xi32, #tpu.memory_space<vmem>>
      %dma_wait3A_603 = arith.constant 0 : i32
      %dma_wait3A_604 = tpu.memref_slice %arg2[%add3A, %dma_wait3A_592, %dma_wait3A_603] : memref<32x125x80xi32, #tpu.memory_space<hbm>> -> memref<1x1x80xi32, #tpu.memory_space<hbm>>
      %dma_wait3A_605 = tpu.memref_squeeze %dma_wait3A_604 : memref<1x1x80xi32, #tpu.memory_space<hbm>> -> memref<80xi32, #tpu.memory_space<hbm>>
      tpu.wait_dma2 semaphore(%arg22 : memref<!tpu.dma_semaphore, #tpu.memory_space<semaphore_mem>>) src(%dma_wait3A_605 : memref<80xi32, #tpu.memory_space<hbm>>) dst(%dma_wait3A_602 : memref<80xi32, #tpu.memory_space<vmem>>)
      %dma_wait3A_606 = arith.constant 0 : i32
      %dma_wait3A_607 = arith.constant 0 : i32
      %dma_wait3A_608 = arith.constant 0 : i32
      %dma_wait3A_609 = tpu.memref_slice %arg15[%dma_wait3A_607, %dma_wait3A_608] : memref<2x80xi32, #tpu.memory_space<vmem>> -> memref<1x80xi32, #tpu.memory_space<vmem>>
      %dma_wait3A_610 = tpu.memref_squeeze %dma_wait3A_609 : memref<1x80xi32, #tpu.memory_space<vmem>> -> memref<80xi32, #tpu.memory_space<vmem>>
      %dma_wait3A_611 = arith.constant 0 : i32
      %dma_wait3A_612 = tpu.memref_slice %arg3[%add3A, %dma_wait3A_606, %dma_wait3A_611] : memref<32x125x80xi32, #tpu.memory_space<hbm>> -> memref<1x1x80xi32, #tpu.memory_space<hbm>>
      %dma_wait3A_613 = tpu.memref_squeeze %dma_wait3A_612 : memref<1x1x80xi32, #tpu.memory_space<hbm>> -> memref<80xi32, #tpu.memory_space<hbm>>
      %dma_wait3A_614 = arith.constant 0 : i32
      %dma_wait3A_615 = tpu.memref_slice %arg15[%dma_wait3A_607, %dma_wait3A_614] : memref<2x80xi32, #tpu.memory_space<vmem>> -> memref<1x80xi32, #tpu.memory_space<vmem>>
      %dma_wait3A_616 = tpu.memref_squeeze %dma_wait3A_615 : memref<1x80xi32, #tpu.memory_space<vmem>> -> memref<80xi32, #tpu.memory_space<vmem>>
      %dma_wait3A_617 = arith.constant 0 : i32
      %dma_wait3A_618 = tpu.memref_slice %arg3[%add3A, %dma_wait3A_606, %dma_wait3A_617] : memref<32x125x80xi32, #tpu.memory_space<hbm>> -> memref<1x1x80xi32, #tpu.memory_space<hbm>>
      %dma_wait3A_619 = tpu.memref_squeeze %dma_wait3A_618 : memref<1x1x80xi32, #tpu.memory_space<hbm>> -> memref<80xi32, #tpu.memory_space<hbm>>
      tpu.wait_dma2 semaphore(%arg22 : memref<!tpu.dma_semaphore, #tpu.memory_space<semaphore_mem>>) src(%dma_wait3A_619 : memref<80xi32, #tpu.memory_space<hbm>>) dst(%dma_wait3A_616 : memref<80xi32, #tpu.memory_space<vmem>>)
      %dma_wait3A_620 = arith.constant 0 : i32
      %dma_wait3A_621 = arith.constant 0 : i32
      %dma_wait3A_622 = arith.constant 0 : i32
      %dma_wait3A_623 = tpu.memref_slice %arg16[%dma_wait3A_621, %dma_wait3A_622] : memref<2x80xf32, #tpu.memory_space<vmem>> -> memref<1x80xf32, #tpu.memory_space<vmem>>
      %dma_wait3A_624 = tpu.memref_squeeze %dma_wait3A_623 : memref<1x80xf32, #tpu.memory_space<vmem>> -> memref<80xf32, #tpu.memory_space<vmem>>
      %dma_wait3A_625 = arith.constant 0 : i32
      %dma_wait3A_626 = tpu.memref_slice %arg4[%add3A, %dma_wait3A_620, %dma_wait3A_625] : memref<32x125x80xf32, #tpu.memory_space<hbm>> -> memref<1x1x80xf32, #tpu.memory_space<hbm>>
      %dma_wait3A_627 = tpu.memref_squeeze %dma_wait3A_626 : memref<1x1x80xf32, #tpu.memory_space<hbm>> -> memref<80xf32, #tpu.memory_space<hbm>>
      %dma_wait3A_628 = arith.constant 0 : i32
      %dma_wait3A_629 = tpu.memref_slice %arg16[%dma_wait3A_621, %dma_wait3A_628] : memref<2x80xf32, #tpu.memory_space<vmem>> -> memref<1x80xf32, #tpu.memory_space<vmem>>
      %dma_wait3A_630 = tpu.memref_squeeze %dma_wait3A_629 : memref<1x80xf32, #tpu.memory_space<vmem>> -> memref<80xf32, #tpu.memory_space<vmem>>
      %dma_wait3A_631 = arith.constant 0 : i32
      %dma_wait3A_632 = tpu.memref_slice %arg4[%add3A, %dma_wait3A_620, %dma_wait3A_631] : memref<32x125x80xf32, #tpu.memory_space<hbm>> -> memref<1x1x80xf32, #tpu.memory_space<hbm>>
      %dma_wait3A_633 = tpu.memref_squeeze %dma_wait3A_632 : memref<1x1x80xf32, #tpu.memory_space<hbm>> -> memref<80xf32, #tpu.memory_space<hbm>>
      tpu.wait_dma2 semaphore(%arg22 : memref<!tpu.dma_semaphore, #tpu.memory_space<semaphore_mem>>) src(%dma_wait3A_633 : memref<80xf32, #tpu.memory_space<hbm>>) dst(%dma_wait3A_630 : memref<80xf32, #tpu.memory_space<vmem>>)
      %gt3A = arith.constant 0 : i32
      %gt3A_634 = arith.cmpi sgt, %scan3A_590, %gt3A : i32
      %convert_element_type3A = arith.extui %gt3A_634 : i1 to i32
      %cond3A = arith.constant 0 : i32
      %cond3A_635 = arith.cmpi ne, %convert_element_type3A, %cond3A : i32
      scf.if %cond3A_635 {
        %sub3A = arith.constant 1 : i32
        %sub3A_703 = arith.subi %sub3A, %rem3A_591 : i32
        %dma_wait3A_704 = arith.constant 0 : i32
        %dma_wait3A_705 = tpu.memref_slice %arg15[%sub3A_703, %dma_wait3A_704] : memref<2x80xi32, #tpu.memory_space<vmem>> -> memref<1x80xi32, #tpu.memory_space<vmem>>
        %dma_wait3A_706 = tpu.memref_squeeze %dma_wait3A_705 : memref<1x80xi32, #tpu.memory_space<vmem>> -> memref<80xi32, #tpu.memory_space<vmem>>
        %dma_wait3A_707 = arith.constant 0 : i32
        %dma_wait3A_708 = arith.constant 0 : i32
        %dma_wait3A_709 = tpu.memref_slice %arg21[%dma_wait3A_707, %dma_wait3A_708] : memref<10240x144xf32, #tpu.memory_space<vmem_shared>> -> memref<10240x144xf32, #tpu.memory_space<vmem_shared>>
        tpu.wait_indirect_dma semaphore(%arg24 : memref<!tpu.dma_semaphore, #tpu.memory_space<semaphore_mem>>) src(%arg20 : memref<80x144xf32, #tpu.memory_space<vmem>>) dst(%dma_wait3A_709 : memref<10240x144xf32, #tpu.memory_space<vmem_shared>>)
      } else {
      }
      %dma_start3A_636 = arith.constant 0 : i32
      %dma_start3A_637 = tpu.memref_slice %arg14[%rem3A_591, %dma_start3A_636] : memref<2x80xi32, #tpu.memory_space<vmem>> -> memref<1x80xi32, #tpu.memory_space<vmem>>
      %dma_start3A_638 = tpu.memref_squeeze %dma_start3A_637 : memref<1x80xi32, #tpu.memory_space<vmem>> -> memref<80xi32, #tpu.memory_space<vmem>>
      %dma_start3A_639 = arith.constant 0 : i32
      %dma_start3A_640 = arith.constant 0 : i32
      %dma_start3A_641 = tpu.memref_slice %arg9[%dma_start3A_639, %dma_start3A_640] : memref<10000x128xf32, #tpu.memory_space<hbm>> -> memref<10000x128xf32, #tpu.memory_space<hbm>>
      tpu.enqueue_indirect_dma source(%dma_start3A_641 : memref<10000x128xf32, #tpu.memory_space<hbm>>) target(%arg18 : memref<80x128xf32, #tpu.memory_space<vmem>>) offsets(%dma_start3A_638 : memref<80xi32, #tpu.memory_space<vmem>>) semaphore(%arg23 : memref<!tpu.dma_semaphore, #tpu.memory_space<semaphore_mem>>)
      %dma_start3A_642 = arith.constant 0 : i32
      %dma_start3A_643 = tpu.memref_slice %arg15[%rem3A_591, %dma_start3A_642] : memref<2x80xi32, #tpu.memory_space<vmem>> -> memref<1x80xi32, #tpu.memory_space<vmem>>
      %dma_start3A_644 = tpu.memref_squeeze %dma_start3A_643 : memref<1x80xi32, #tpu.memory_space<vmem>> -> memref<80xi32, #tpu.memory_space<vmem>>
      %dma_start3A_645 = arith.constant 0 : i32
      %dma_start3A_646 = arith.constant 0 : i32
      %dma_start3A_647 = tpu.memref_slice %arg10[%dma_start3A_645, %dma_start3A_646] : memref<10000x128xf32, #tpu.memory_space<hbm>> -> memref<10000x128xf32, #tpu.memory_space<hbm>>
      tpu.enqueue_indirect_dma source(%dma_start3A_647 : memref<10000x128xf32, #tpu.memory_space<hbm>>) target(%arg19 : memref<80x128xf32, #tpu.memory_space<vmem>>) offsets(%dma_start3A_644 : memref<80xi32, #tpu.memory_space<vmem>>) semaphore(%arg23 : memref<!tpu.dma_semaphore, #tpu.memory_space<semaphore_mem>>)
      %mul3A_648 = arith.constant 125 : i32
      %mul3A_649 = arith.muli %add3A, %mul3A_648 : i32
      %add3A_650 = arith.addi %mul3A_649, %scan3A_590 : i32
      %mul3A_651 = arith.constant 80 : i32
      %mul3A_652 = arith.muli %add3A_650, %mul3A_651 : i32
      %dma_start3A_653 = arith.constant 0 : i32
      %dma_start3A_654 = arith.constant 0 : i32
      %dma_start3A_655 = tpu.memref_slice %arg20[%dma_start3A_653, %dma_start3A_654] : memref<80x144xf32, #tpu.memory_space<vmem>> -> memref<80x128xf32, #tpu.memory_space<vmem>>
      %dma_start3A_656 = arith.constant 0 : i32
      %dma_start3A_657 = tpu.memref_slice %arg11[%mul3A_652, %dma_start3A_656] : memref<320000x128xf32, #tpu.memory_space<hbm>> -> memref<80x128xf32, #tpu.memory_space<hbm>>
      %dma_start3A_658 = arith.constant 0 : i32
      %dma_start3A_659 = arith.constant 0 : i32
      %dma_start3A_660 = tpu.memref_slice %arg20[%dma_start3A_658, %dma_start3A_659] : memref<80x144xf32, #tpu.memory_space<vmem>> -> memref<80x128xf32, #tpu.memory_space<vmem>>
      %dma_start3A_661 = arith.constant 0 : i32
      %dma_start3A_662 = tpu.memref_slice %arg11[%mul3A_652, %dma_start3A_661] : memref<320000x128xf32, #tpu.memory_space<hbm>> -> memref<80x128xf32, #tpu.memory_space<hbm>>
      tpu.enqueue_dma source(%dma_start3A_662 : memref<80x128xf32, #tpu.memory_space<hbm>>) target(%dma_start3A_660 : memref<80x128xf32, #tpu.memory_space<vmem>>) target_semaphore(%arg23 : memref<!tpu.dma_semaphore, #tpu.memory_space<semaphore_mem>>)
      %add3A_663 = arith.constant 1 : i32
      %add3A_664 = arith.addi %scan3A_590, %add3A_663 : i32
      %lt3A = arith.constant 125 : i32
      %lt3A_665 = arith.cmpi slt, %add3A_664, %lt3A : i32
      %convert_element_type3A_666 = arith.extui %lt3A_665 : i1 to i32
      %cond3A_667 = arith.constant 0 : i32
      %cond3A_668 = arith.cmpi ne, %convert_element_type3A_666, %cond3A_667 : i32
      scf.if %cond3A_668 {
        %add3A_703 = arith.constant 1 : i32
        %add3A_704 = arith.addi %scan3A_590, %add3A_703 : i32
        %sub3A = arith.constant 1 : i32
        %sub3A_705 = arith.subi %sub3A, %rem3A_591 : i32
        %dma_start3A_706 = arith.constant 0 : i32
        %dma_start3A_707 = tpu.memref_slice %arg14[%sub3A_705, %dma_start3A_706] : memref<2x80xi32, #tpu.memory_space<vmem>> -> memref<1x80xi32, #tpu.memory_space<vmem>>
        %dma_start3A_708 = tpu.memref_squeeze %dma_start3A_707 : memref<1x80xi32, #tpu.memory_space<vmem>> -> memref<80xi32, #tpu.memory_space<vmem>>
        %dma_start3A_709 = arith.constant 0 : i32
        %dma_start3A_710 = tpu.memref_slice %arg2[%add3A, %add3A_704, %dma_start3A_709] : memref<32x125x80xi32, #tpu.memory_space<hbm>> -> memref<1x1x80xi32, #tpu.memory_space<hbm>>
        %dma_start3A_711 = tpu.memref_squeeze %dma_start3A_710 : memref<1x1x80xi32, #tpu.memory_space<hbm>> -> memref<80xi32, #tpu.memory_space<hbm>>
        %dma_start3A_712 = arith.constant 0 : i32
        %dma_start3A_713 = tpu.memref_slice %arg14[%sub3A_705, %dma_start3A_712] : memref<2x80xi32, #tpu.memory_space<vmem>> -> memref<1x80xi32, #tpu.memory_space<vmem>>
        %dma_start3A_714 = tpu.memref_squeeze %dma_start3A_713 : memref<1x80xi32, #tpu.memory_space<vmem>> -> memref<80xi32, #tpu.memory_space<vmem>>
        %dma_start3A_715 = arith.constant 0 : i32
        %dma_start3A_716 = tpu.memref_slice %arg2[%add3A, %add3A_704, %dma_start3A_715] : memref<32x125x80xi32, #tpu.memory_space<hbm>> -> memref<1x1x80xi32, #tpu.memory_space<hbm>>
        %dma_start3A_717 = tpu.memref_squeeze %dma_start3A_716 : memref<1x1x80xi32, #tpu.memory_space<hbm>> -> memref<80xi32, #tpu.memory_space<hbm>>
        tpu.enqueue_dma source(%dma_start3A_717 : memref<80xi32, #tpu.memory_space<hbm>>) target(%dma_start3A_714 : memref<80xi32, #tpu.memory_space<vmem>>) target_semaphore(%arg22 : memref<!tpu.dma_semaphore, #tpu.memory_space<semaphore_mem>>)
        %dma_start3A_718 = arith.constant 0 : i32
        %dma_start3A_719 = tpu.memref_slice %arg15[%sub3A_705, %dma_start3A_718] : memref<2x80xi32, #tpu.memory_space<vmem>> -> memref<1x80xi32, #tpu.memory_space<vmem>>
        %dma_start3A_720 = tpu.memref_squeeze %dma_start3A_719 : memref<1x80xi32, #tpu.memory_space<vmem>> -> memref<80xi32, #tpu.memory_space<vmem>>
        %dma_start3A_721 = arith.constant 0 : i32
        %dma_start3A_722 = tpu.memref_slice %arg3[%add3A, %add3A_704, %dma_start3A_721] : memref<32x125x80xi32, #tpu.memory_space<hbm>> -> memref<1x1x80xi32, #tpu.memory_space<hbm>>
        %dma_start3A_723 = tpu.memref_squeeze %dma_start3A_722 : memref<1x1x80xi32, #tpu.memory_space<hbm>> -> memref<80xi32, #tpu.memory_space<hbm>>
        %dma_start3A_724 = arith.constant 0 : i32
        %dma_start3A_725 = tpu.memref_slice %arg15[%sub3A_705, %dma_start3A_724] : memref<2x80xi32, #tpu.memory_space<vmem>> -> memref<1x80xi32, #tpu.memory_space<vmem>>
        %dma_start3A_726 = tpu.memref_squeeze %dma_start3A_725 : memref<1x80xi32, #tpu.memory_space<vmem>> -> memref<80xi32, #tpu.memory_space<vmem>>
        %dma_start3A_727 = arith.constant 0 : i32
        %dma_start3A_728 = tpu.memref_slice %arg3[%add3A, %add3A_704, %dma_start3A_727] : memref<32x125x80xi32, #tpu.memory_space<hbm>> -> memref<1x1x80xi32, #tpu.memory_space<hbm>>
        %dma_start3A_729 = tpu.memref_squeeze %dma_start3A_728 : memref<1x1x80xi32, #tpu.memory_space<hbm>> -> memref<80xi32, #tpu.memory_space<hbm>>
        tpu.enqueue_dma source(%dma_start3A_729 : memref<80xi32, #tpu.memory_space<hbm>>) target(%dma_start3A_726 : memref<80xi32, #tpu.memory_space<vmem>>) target_semaphore(%arg22 : memref<!tpu.dma_semaphore, #tpu.memory_space<semaphore_mem>>)
        %dma_start3A_730 = arith.constant 0 : i32
        %dma_start3A_731 = tpu.memref_slice %arg16[%sub3A_705, %dma_start3A_730] : memref<2x80xf32, #tpu.memory_space<vmem>> -> memref<1x80xf32, #tpu.memory_space<vmem>>
        %dma_start3A_732 = tpu.memref_squeeze %dma_start3A_731 : memref<1x80xf32, #tpu.memory_space<vmem>> -> memref<80xf32, #tpu.memory_space<vmem>>
        %dma_start3A_733 = arith.constant 0 : i32
        %dma_start3A_734 = tpu.memref_slice %arg4[%add3A, %add3A_704, %dma_start3A_733] : memref<32x125x80xf32, #tpu.memory_space<hbm>> -> memref<1x1x80xf32, #tpu.memory_space<hbm>>
        %dma_start3A_735 = tpu.memref_squeeze %dma_start3A_734 : memref<1x1x80xf32, #tpu.memory_space<hbm>> -> memref<80xf32, #tpu.memory_space<hbm>>
        %dma_start3A_736 = arith.constant 0 : i32
        %dma_start3A_737 = tpu.memref_slice %arg16[%sub3A_705, %dma_start3A_736] : memref<2x80xf32, #tpu.memory_space<vmem>> -> memref<1x80xf32, #tpu.memory_space<vmem>>
        %dma_start3A_738 = tpu.memref_squeeze %dma_start3A_737 : memref<1x80xf32, #tpu.memory_space<vmem>> -> memref<80xf32, #tpu.memory_space<vmem>>
        %dma_start3A_739 = arith.constant 0 : i32
        %dma_start3A_740 = tpu.memref_slice %arg4[%add3A, %add3A_704, %dma_start3A_739] : memref<32x125x80xf32, #tpu.memory_space<hbm>> -> memref<1x1x80xf32, #tpu.memory_space<hbm>>
        %dma_start3A_741 = tpu.memref_squeeze %dma_start3A_740 : memref<1x1x80xf32, #tpu.memory_space<hbm>> -> memref<80xf32, #tpu.memory_space<hbm>>
        tpu.enqueue_dma source(%dma_start3A_741 : memref<80xf32, #tpu.memory_space<hbm>>) target(%dma_start3A_738 : memref<80xf32, #tpu.memory_space<vmem>>) target_semaphore(%arg22 : memref<!tpu.dma_semaphore, #tpu.memory_space<semaphore_mem>>)
      } else {
      }
      %dma_wait3A_669 = arith.constant 0 : i32
      %dma_wait3A_670 = tpu.memref_slice %arg14[%rem3A_591, %dma_wait3A_669] : memref<2x80xi32, #tpu.memory_space<vmem>> -> memref<1x80xi32, #tpu.memory_space<vmem>>
      %dma_wait3A_671 = tpu.memref_squeeze %dma_wait3A_670 : memref<1x80xi32, #tpu.memory_space<vmem>> -> memref<80xi32, #tpu.memory_space<vmem>>
      %dma_wait3A_672 = arith.constant 0 : i32
      %dma_wait3A_673 = arith.constant 0 : i32
      %dma_wait3A_674 = tpu.memref_slice %arg9[%dma_wait3A_672, %dma_wait3A_673] : memref<10000x128xf32, #tpu.memory_space<hbm>> -> memref<10000x128xf32, #tpu.memory_space<hbm>>
      tpu.wait_indirect_dma semaphore(%arg23 : memref<!tpu.dma_semaphore, #tpu.memory_space<semaphore_mem>>) src(%dma_wait3A_674 : memref<10000x128xf32, #tpu.memory_space<hbm>>) dst(%arg18 : memref<80x128xf32, #tpu.memory_space<vmem>>)
      %dma_wait3A_675 = arith.constant 0 : i32
      %dma_wait3A_676 = tpu.memref_slice %arg15[%rem3A_591, %dma_wait3A_675] : memref<2x80xi32, #tpu.memory_space<vmem>> -> memref<1x80xi32, #tpu.memory_space<vmem>>
      %dma_wait3A_677 = tpu.memref_squeeze %dma_wait3A_676 : memref<1x80xi32, #tpu.memory_space<vmem>> -> memref<80xi32, #tpu.memory_space<vmem>>
      %dma_wait3A_678 = arith.constant 0 : i32
      %dma_wait3A_679 = arith.constant 0 : i32
      %dma_wait3A_680 = tpu.memref_slice %arg10[%dma_wait3A_678, %dma_wait3A_679] : memref<10000x128xf32, #tpu.memory_space<hbm>> -> memref<10000x128xf32, #tpu.memory_space<hbm>>
      tpu.wait_indirect_dma semaphore(%arg23 : memref<!tpu.dma_semaphore, #tpu.memory_space<semaphore_mem>>) src(%dma_wait3A_680 : memref<10000x128xf32, #tpu.memory_space<hbm>>) dst(%arg19 : memref<80x128xf32, #tpu.memory_space<vmem>>)
      %dma_wait3A_681 = arith.constant 0 : i32
      %dma_wait3A_682 = arith.constant 0 : i32
      %dma_wait3A_683 = tpu.memref_slice %arg20[%dma_wait3A_681, %dma_wait3A_682] : memref<80x144xf32, #tpu.memory_space<vmem>> -> memref<80x128xf32, #tpu.memory_space<vmem>>
      %dma_wait3A_684 = arith.constant 0 : i32
      %dma_wait3A_685 = tpu.memref_slice %arg11[%mul3A_652, %dma_wait3A_684] : memref<320000x128xf32, #tpu.memory_space<hbm>> -> memref<80x128xf32, #tpu.memory_space<hbm>>
      %dma_wait3A_686 = arith.constant 0 : i32
      %dma_wait3A_687 = arith.constant 0 : i32
      %dma_wait3A_688 = tpu.memref_slice %arg20[%dma_wait3A_686, %dma_wait3A_687] : memref<80x144xf32, #tpu.memory_space<vmem>> -> memref<80x128xf32, #tpu.memory_space<vmem>>
      %dma_wait3A_689 = arith.constant 0 : i32
      %dma_wait3A_690 = tpu.memref_slice %arg11[%mul3A_652, %dma_wait3A_689] : memref<320000x128xf32, #tpu.memory_space<hbm>> -> memref<80x128xf32, #tpu.memory_space<hbm>>
      tpu.wait_dma2 semaphore(%arg23 : memref<!tpu.dma_semaphore, #tpu.memory_space<semaphore_mem>>) src(%dma_wait3A_690 : memref<80x128xf32, #tpu.memory_space<hbm>>) dst(%dma_wait3A_688 : memref<80x128xf32, #tpu.memory_space<vmem>>)
      %scan3A_691 = arith.constant 0 : i32
      %scan3A_692 = arith.constant 0 : i32
      %scan3A_693 = arith.constant 5 : i32
      %scan3A_694 = arith.addi %scan3A_692, %scan3A_693 : i32
      %scan3A_695 = arith.constant 1 : i32
      scf.for %scan3A_703 = %scan3A_692 to %scan3A_694 step %scan3A_695  : i32 {
        %mul3A_704 = arith.constant 16 : i32
        %mul3A_705 = arith.muli %scan3A_703, %mul3A_704 : i32
        %iota3A = tpu.iota {dimensions = array<i32: 0>} : vector<16xi32>
        %add3A_706 = vector.broadcast %mul3A_705 : i32 to vector<16xi32>
        %add3A_707 = arith.addi %add3A_706, %iota3A : vector<16xi32>
        %broadcast_in_dim3A_708 = arith.constant 0.000000e+00 : f32
        %broadcast_in_dim3A_709 = vector.broadcast %broadcast_in_dim3A_708 : f32 to vector<16xf32>
        %scan3A_710 = arith.constant 0 : i32
        %scan3A_711 = arith.constant 8 : i32
        %scan3A_712 = arith.addi %scan3A_710, %scan3A_711 : i32
        %scan3A_713 = arith.constant 1 : i32
        %scan3A_714 = scf.for %scan3A_729 = %scan3A_710 to %scan3A_712 step %scan3A_713 iter_args(%scan3A_730 = %broadcast_in_dim3A_709) -> (vector<16xf32>)  : i32 {
          %mul3A_731 = arith.constant 16 : i32
          %mul3A_732 = arith.muli %scan3A_729, %mul3A_731 : i32
          %add3A_733 = arith.constant 0 : i32
          %add3A_734 = arith.addi %mul3A_732, %add3A_733 : i32
          %broadcast_in_dim3A_735 = vector.broadcast %add3A_734 : i32 to vector<16xi32>
          %gather3A = tpu.vector_load_idx %arg18[%add3A_707, %broadcast_in_dim3A_735] : memref<80x128xf32, #tpu.memory_space<vmem>>[vector<16xi32>, vector<16xi32>], vector<16xf32>,
          %gather3A_736 = tpu.vector_load_idx %arg19[%add3A_707, %broadcast_in_dim3A_735] : memref<80x128xf32, #tpu.memory_space<vmem>>[vector<16xi32>, vector<16xi32>], vector<16xf32>,
          %gather3A_737 = tpu.vector_load_idx %arg20[%add3A_707, %broadcast_in_dim3A_735] : memref<80x144xf32, #tpu.memory_space<vmem>>[vector<16xi32>, vector<16xi32>], vector<16xf32>,
          %broadcast_in_dim3A_738 = arith.constant 1 : i32
          %broadcast_in_dim3A_739 = vector.broadcast %broadcast_in_dim3A_738 : i32 to vector<16xi32>
          %gather3A_740 = tpu.vector_load_idx %arg17[%broadcast_in_dim3A_739, %broadcast_in_dim3A_735] : memref<2x128xf32, #tpu.memory_space<vmem>>[vector<16xi32>, vector<16xi32>], vector<16xf32>,
          %add3A_741 = arith.addf %gather3A, %gather3A_736 : vector<16xf32>
          %add3A_742 = arith.addf %add3A_741, %gather3A_737 : vector<16xf32>
          %mul3A_743 = arith.constant 2.000000e-01 : f32
          %mul3A_744 = vector.broadcast %mul3A_743 : f32 to vector<16xf32>
          %mul3A_745 = arith.mulf %mul3A_744, %add3A_742 : vector<16xf32>
          %max3A = arith.maximumf %add3A_742, %mul3A_745 : vector<16xf32>
          %mul3A_746 = arith.mulf %gather3A_740, %max3A : vector<16xf32>
          %add3A_747 = arith.addf %scan3A_730, %mul3A_746 : vector<16xf32>
          %mul3A_748 = arith.constant 16 : i32
          %mul3A_749 = arith.muli %scan3A_729, %mul3A_748 : i32
          %add3A_750 = arith.constant 1 : i32
          %add3A_751 = arith.addi %mul3A_749, %add3A_750 : i32
          %broadcast_in_dim3A_752 = vector.broadcast %add3A_751 : i32 to vector<16xi32>
          %gather3A_753 = tpu.vector_load_idx %arg18[%add3A_707, %broadcast_in_dim3A_752] : memref<80x128xf32, #tpu.memory_space<vmem>>[vector<16xi32>, vector<16xi32>], vector<16xf32>,
          %gather3A_754 = tpu.vector_load_idx %arg19[%add3A_707, %broadcast_in_dim3A_752] : memref<80x128xf32, #tpu.memory_space<vmem>>[vector<16xi32>, vector<16xi32>], vector<16xf32>,
          %gather3A_755 = tpu.vector_load_idx %arg20[%add3A_707, %broadcast_in_dim3A_752] : memref<80x144xf32, #tpu.memory_space<vmem>>[vector<16xi32>, vector<16xi32>], vector<16xf32>,
          %broadcast_in_dim3A_756 = arith.constant 1 : i32
          %broadcast_in_dim3A_757 = vector.broadcast %broadcast_in_dim3A_756 : i32 to vector<16xi32>
          %gather3A_758 = tpu.vector_load_idx %arg17[%broadcast_in_dim3A_757, %broadcast_in_dim3A_752] : memref<2x128xf32, #tpu.memory_space<vmem>>[vector<16xi32>, vector<16xi32>], vector<16xf32>,
          %add3A_759 = arith.addf %gather3A_753, %gather3A_754 : vector<16xf32>
          %add3A_760 = arith.addf %add3A_759, %gather3A_755 : vector<16xf32>
          %mul3A_761 = arith.constant 2.000000e-01 : f32
          %mul3A_762 = vector.broadcast %mul3A_761 : f32 to vector<16xf32>
          %mul3A_763 = arith.mulf %mul3A_762, %add3A_760 : vector<16xf32>
          %max3A_764 = arith.maximumf %add3A_760, %mul3A_763 : vector<16xf32>
          %mul3A_765 = arith.mulf %gather3A_758, %max3A_764 : vector<16xf32>
          %add3A_766 = arith.addf %add3A_747, %mul3A_765 : vector<16xf32>
          %mul3A_767 = arith.constant 16 : i32
          %mul3A_768 = arith.muli %scan3A_729, %mul3A_767 : i32
          %add3A_769 = arith.constant 2 : i32
          %add3A_770 = arith.addi %mul3A_768, %add3A_769 : i32
          %broadcast_in_dim3A_771 = vector.broadcast %add3A_770 : i32 to vector<16xi32>
          %gather3A_772 = tpu.vector_load_idx %arg18[%add3A_707, %broadcast_in_dim3A_771] : memref<80x128xf32, #tpu.memory_space<vmem>>[vector<16xi32>, vector<16xi32>], vector<16xf32>,
          %gather3A_773 = tpu.vector_load_idx %arg19[%add3A_707, %broadcast_in_dim3A_771] : memref<80x128xf32, #tpu.memory_space<vmem>>[vector<16xi32>, vector<16xi32>], vector<16xf32>,
          %gather3A_774 = tpu.vector_load_idx %arg20[%add3A_707, %broadcast_in_dim3A_771] : memref<80x144xf32, #tpu.memory_space<vmem>>[vector<16xi32>, vector<16xi32>], vector<16xf32>,
          %broadcast_in_dim3A_775 = arith.constant 1 : i32
          %broadcast_in_dim3A_776 = vector.broadcast %broadcast_in_dim3A_775 : i32 to vector<16xi32>
          %gather3A_777 = tpu.vector_load_idx %arg17[%broadcast_in_dim3A_776, %broadcast_in_dim3A_771] : memref<2x128xf32, #tpu.memory_space<vmem>>[vector<16xi32>, vector<16xi32>], vector<16xf32>,
          %add3A_778 = arith.addf %gather3A_772, %gather3A_773 : vector<16xf32>
          %add3A_779 = arith.addf %add3A_778, %gather3A_774 : vector<16xf32>
          %mul3A_780 = arith.constant 2.000000e-01 : f32
          %mul3A_781 = vector.broadcast %mul3A_780 : f32 to vector<16xf32>
          %mul3A_782 = arith.mulf %mul3A_781, %add3A_779 : vector<16xf32>
          %max3A_783 = arith.maximumf %add3A_779, %mul3A_782 : vector<16xf32>
          %mul3A_784 = arith.mulf %gather3A_777, %max3A_783 : vector<16xf32>
          %add3A_785 = arith.addf %add3A_766, %mul3A_784 : vector<16xf32>
          %mul3A_786 = arith.constant 16 : i32
          %mul3A_787 = arith.muli %scan3A_729, %mul3A_786 : i32
          %add3A_788 = arith.constant 3 : i32
          %add3A_789 = arith.addi %mul3A_787, %add3A_788 : i32
          %broadcast_in_dim3A_790 = vector.broadcast %add3A_789 : i32 to vector<16xi32>
          %gather3A_791 = tpu.vector_load_idx %arg18[%add3A_707, %broadcast_in_dim3A_790] : memref<80x128xf32, #tpu.memory_space<vmem>>[vector<16xi32>, vector<16xi32>], vector<16xf32>,
          %gather3A_792 = tpu.vector_load_idx %arg19[%add3A_707, %broadcast_in_dim3A_790] : memref<80x128xf32, #tpu.memory_space<vmem>>[vector<16xi32>, vector<16xi32>], vector<16xf32>,
          %gather3A_793 = tpu.vector_load_idx %arg20[%add3A_707, %broadcast_in_dim3A_790] : memref<80x144xf32, #tpu.memory_space<vmem>>[vector<16xi32>, vector<16xi32>], vector<16xf32>,
          %broadcast_in_dim3A_794 = arith.constant 1 : i32
          %broadcast_in_dim3A_795 = vector.broadcast %broadcast_in_dim3A_794 : i32 to vector<16xi32>
          %gather3A_796 = tpu.vector_load_idx %arg17[%broadcast_in_dim3A_795, %broadcast_in_dim3A_790] : memref<2x128xf32, #tpu.memory_space<vmem>>[vector<16xi32>, vector<16xi32>], vector<16xf32>,
          %add3A_797 = arith.addf %gather3A_791, %gather3A_792 : vector<16xf32>
          %add3A_798 = arith.addf %add3A_797, %gather3A_793 : vector<16xf32>
          %mul3A_799 = arith.constant 2.000000e-01 : f32
          %mul3A_800 = vector.broadcast %mul3A_799 : f32 to vector<16xf32>
          %mul3A_801 = arith.mulf %mul3A_800, %add3A_798 : vector<16xf32>
          %max3A_802 = arith.maximumf %add3A_798, %mul3A_801 : vector<16xf32>
          %mul3A_803 = arith.mulf %gather3A_796, %max3A_802 : vector<16xf32>
          %add3A_804 = arith.addf %add3A_785, %mul3A_803 : vector<16xf32>
          %mul3A_805 = arith.constant 16 : i32
          %mul3A_806 = arith.muli %scan3A_729, %mul3A_805 : i32
          %add3A_807 = arith.constant 4 : i32
          %add3A_808 = arith.addi %mul3A_806, %add3A_807 : i32
          %broadcast_in_dim3A_809 = vector.broadcast %add3A_808 : i32 to vector<16xi32>
          %gather3A_810 = tpu.vector_load_idx %arg18[%add3A_707, %broadcast_in_dim3A_809] : memref<80x128xf32, #tpu.memory_space<vmem>>[vector<16xi32>, vector<16xi32>], vector<16xf32>,
          %gather3A_811 = tpu.vector_load_idx %arg19[%add3A_707, %broadcast_in_dim3A_809] : memref<80x128xf32, #tpu.memory_space<vmem>>[vector<16xi32>, vector<16xi32>], vector<16xf32>,
          %gather3A_812 = tpu.vector_load_idx %arg20[%add3A_707, %broadcast_in_dim3A_809] : memref<80x144xf32, #tpu.memory_space<vmem>>[vector<16xi32>, vector<16xi32>], vector<16xf32>,
          %broadcast_in_dim3A_813 = arith.constant 1 : i32
          %broadcast_in_dim3A_814 = vector.broadcast %broadcast_in_dim3A_813 : i32 to vector<16xi32>
          %gather3A_815 = tpu.vector_load_idx %arg17[%broadcast_in_dim3A_814, %broadcast_in_dim3A_809] : memref<2x128xf32, #tpu.memory_space<vmem>>[vector<16xi32>, vector<16xi32>], vector<16xf32>,
          %add3A_816 = arith.addf %gather3A_810, %gather3A_811 : vector<16xf32>
          %add3A_817 = arith.addf %add3A_816, %gather3A_812 : vector<16xf32>
          %mul3A_818 = arith.constant 2.000000e-01 : f32
          %mul3A_819 = vector.broadcast %mul3A_818 : f32 to vector<16xf32>
          %mul3A_820 = arith.mulf %mul3A_819, %add3A_817 : vector<16xf32>
          %max3A_821 = arith.maximumf %add3A_817, %mul3A_820 : vector<16xf32>
          %mul3A_822 = arith.mulf %gather3A_815, %max3A_821 : vector<16xf32>
          %add3A_823 = arith.addf %add3A_804, %mul3A_822 : vector<16xf32>
          %mul3A_824 = arith.constant 16 : i32
          %mul3A_825 = arith.muli %scan3A_729, %mul3A_824 : i32
          %add3A_826 = arith.constant 5 : i32
          %add3A_827 = arith.addi %mul3A_825, %add3A_826 : i32
          %broadcast_in_dim3A_828 = vector.broadcast %add3A_827 : i32 to vector<16xi32>
          %gather3A_829 = tpu.vector_load_idx %arg18[%add3A_707, %broadcast_in_dim3A_828] : memref<80x128xf32, #tpu.memory_space<vmem>>[vector<16xi32>, vector<16xi32>], vector<16xf32>,
          %gather3A_830 = tpu.vector_load_idx %arg19[%add3A_707, %broadcast_in_dim3A_828] : memref<80x128xf32, #tpu.memory_space<vmem>>[vector<16xi32>, vector<16xi32>], vector<16xf32>,
          %gather3A_831 = tpu.vector_load_idx %arg20[%add3A_707, %broadcast_in_dim3A_828] : memref<80x144xf32, #tpu.memory_space<vmem>>[vector<16xi32>, vector<16xi32>], vector<16xf32>,
          %broadcast_in_dim3A_832 = arith.constant 1 : i32
          %broadcast_in_dim3A_833 = vector.broadcast %broadcast_in_dim3A_832 : i32 to vector<16xi32>
          %gather3A_834 = tpu.vector_load_idx %arg17[%broadcast_in_dim3A_833, %broadcast_in_dim3A_828] : memref<2x128xf32, #tpu.memory_space<vmem>>[vector<16xi32>, vector<16xi32>], vector<16xf32>,
          %add3A_835 = arith.addf %gather3A_829, %gather3A_830 : vector<16xf32>
          %add3A_836 = arith.addf %add3A_835, %gather3A_831 : vector<16xf32>
          %mul3A_837 = arith.constant 2.000000e-01 : f32
          %mul3A_838 = vector.broadcast %mul3A_837 : f32 to vector<16xf32>
          %mul3A_839 = arith.mulf %mul3A_838, %add3A_836 : vector<16xf32>
          %max3A_840 = arith.maximumf %add3A_836, %mul3A_839 : vector<16xf32>
          %mul3A_841 = arith.mulf %gather3A_834, %max3A_840 : vector<16xf32>
          %add3A_842 = arith.addf %add3A_823, %mul3A_841 : vector<16xf32>
          %mul3A_843 = arith.constant 16 : i32
          %mul3A_844 = arith.muli %scan3A_729, %mul3A_843 : i32
          %add3A_845 = arith.constant 6 : i32
          %add3A_846 = arith.addi %mul3A_844, %add3A_845 : i32
          %broadcast_in_dim3A_847 = vector.broadcast %add3A_846 : i32 to vector<16xi32>
          %gather3A_848 = tpu.vector_load_idx %arg18[%add3A_707, %broadcast_in_dim3A_847] : memref<80x128xf32, #tpu.memory_space<vmem>>[vector<16xi32>, vector<16xi32>], vector<16xf32>,
          %gather3A_849 = tpu.vector_load_idx %arg19[%add3A_707, %broadcast_in_dim3A_847] : memref<80x128xf32, #tpu.memory_space<vmem>>[vector<16xi32>, vector<16xi32>], vector<16xf32>,
          %gather3A_850 = tpu.vector_load_idx %arg20[%add3A_707, %broadcast_in_dim3A_847] : memref<80x144xf32, #tpu.memory_space<vmem>>[vector<16xi32>, vector<16xi32>], vector<16xf32>,
          %broadcast_in_dim3A_851 = arith.constant 1 : i32
          %broadcast_in_dim3A_852 = vector.broadcast %broadcast_in_dim3A_851 : i32 to vector<16xi32>
          %gather3A_853 = tpu.vector_load_idx %arg17[%broadcast_in_dim3A_852, %broadcast_in_dim3A_847] : memref<2x128xf32, #tpu.memory_space<vmem>>[vector<16xi32>, vector<16xi32>], vector<16xf32>,
          %add3A_854 = arith.addf %gather3A_848, %gather3A_849 : vector<16xf32>
          %add3A_855 = arith.addf %add3A_854, %gather3A_850 : vector<16xf32>
          %mul3A_856 = arith.constant 2.000000e-01 : f32
          %mul3A_857 = vector.broadcast %mul3A_856 : f32 to vector<16xf32>
          %mul3A_858 = arith.mulf %mul3A_857, %add3A_855 : vector<16xf32>
          %max3A_859 = arith.maximumf %add3A_855, %mul3A_858 : vector<16xf32>
          %mul3A_860 = arith.mulf %gather3A_853, %max3A_859 : vector<16xf32>
          %add3A_861 = arith.addf %add3A_842, %mul3A_860 : vector<16xf32>
          %mul3A_862 = arith.constant 16 : i32
          %mul3A_863 = arith.muli %scan3A_729, %mul3A_862 : i32
          %add3A_864 = arith.constant 7 : i32
          %add3A_865 = arith.addi %mul3A_863, %add3A_864 : i32
          %broadcast_in_dim3A_866 = vector.broadcast %add3A_865 : i32 to vector<16xi32>
          %gather3A_867 = tpu.vector_load_idx %arg18[%add3A_707, %broadcast_in_dim3A_866] : memref<80x128xf32, #tpu.memory_space<vmem>>[vector<16xi32>, vector<16xi32>], vector<16xf32>,
          %gather3A_868 = tpu.vector_load_idx %arg19[%add3A_707, %broadcast_in_dim3A_866] : memref<80x128xf32, #tpu.memory_space<vmem>>[vector<16xi32>, vector<16xi32>], vector<16xf32>,
          %gather3A_869 = tpu.vector_load_idx %arg20[%add3A_707, %broadcast_in_dim3A_866] : memref<80x144xf32, #tpu.memory_space<vmem>>[vector<16xi32>, vector<16xi32>], vector<16xf32>,
          %broadcast_in_dim3A_870 = arith.constant 1 : i32
          %broadcast_in_dim3A_871 = vector.broadcast %broadcast_in_dim3A_870 : i32 to vector<16xi32>
          %gather3A_872 = tpu.vector_load_idx %arg17[%broadcast_in_dim3A_871, %broadcast_in_dim3A_866] : memref<2x128xf32, #tpu.memory_space<vmem>>[vector<16xi32>, vector<16xi32>], vector<16xf32>,
          %add3A_873 = arith.addf %gather3A_867, %gather3A_868 : vector<16xf32>
          %add3A_874 = arith.addf %add3A_873, %gather3A_869 : vector<16xf32>
          %mul3A_875 = arith.constant 2.000000e-01 : f32
          %mul3A_876 = vector.broadcast %mul3A_875 : f32 to vector<16xf32>
          %mul3A_877 = arith.mulf %mul3A_876, %add3A_874 : vector<16xf32>
          %max3A_878 = arith.maximumf %add3A_874, %mul3A_877 : vector<16xf32>
          %mul3A_879 = arith.mulf %gather3A_872, %max3A_878 : vector<16xf32>
          %add3A_880 = arith.addf %add3A_861, %mul3A_879 : vector<16xf32>
          %mul3A_881 = arith.constant 16 : i32
          %mul3A_882 = arith.muli %scan3A_729, %mul3A_881 : i32
          %add3A_883 = arith.constant 8 : i32
          %add3A_884 = arith.addi %mul3A_882, %add3A_883 : i32
          %broadcast_in_dim3A_885 = vector.broadcast %add3A_884 : i32 to vector<16xi32>
          %gather3A_886 = tpu.vector_load_idx %arg18[%add3A_707, %broadcast_in_dim3A_885] : memref<80x128xf32, #tpu.memory_space<vmem>>[vector<16xi32>, vector<16xi32>], vector<16xf32>,
          %gather3A_887 = tpu.vector_load_idx %arg19[%add3A_707, %broadcast_in_dim3A_885] : memref<80x128xf32, #tpu.memory_space<vmem>>[vector<16xi32>, vector<16xi32>], vector<16xf32>,
          %gather3A_888 = tpu.vector_load_idx %arg20[%add3A_707, %broadcast_in_dim3A_885] : memref<80x144xf32, #tpu.memory_space<vmem>>[vector<16xi32>, vector<16xi32>], vector<16xf32>,
          %broadcast_in_dim3A_889 = arith.constant 1 : i32
          %broadcast_in_dim3A_890 = vector.broadcast %broadcast_in_dim3A_889 : i32 to vector<16xi32>
          %gather3A_891 = tpu.vector_load_idx %arg17[%broadcast_in_dim3A_890, %broadcast_in_dim3A_885] : memref<2x128xf32, #tpu.memory_space<vmem>>[vector<16xi32>, vector<16xi32>], vector<16xf32>,
          %add3A_892 = arith.addf %gather3A_886, %gather3A_887 : vector<16xf32>
          %add3A_893 = arith.addf %add3A_892, %gather3A_888 : vector<16xf32>
          %mul3A_894 = arith.constant 2.000000e-01 : f32
          %mul3A_895 = vector.broadcast %mul3A_894 : f32 to vector<16xf32>
          %mul3A_896 = arith.mulf %mul3A_895, %add3A_893 : vector<16xf32>
          %max3A_897 = arith.maximumf %add3A_893, %mul3A_896 : vector<16xf32>
          %mul3A_898 = arith.mulf %gather3A_891, %max3A_897 : vector<16xf32>
          %add3A_899 = arith.addf %add3A_880, %mul3A_898 : vector<16xf32>
          %mul3A_900 = arith.constant 16 : i32
          %mul3A_901 = arith.muli %scan3A_729, %mul3A_900 : i32
          %add3A_902 = arith.constant 9 : i32
          %add3A_903 = arith.addi %mul3A_901, %add3A_902 : i32
          %broadcast_in_dim3A_904 = vector.broadcast %add3A_903 : i32 to vector<16xi32>
          %gather3A_905 = tpu.vector_load_idx %arg18[%add3A_707, %broadcast_in_dim3A_904] : memref<80x128xf32, #tpu.memory_space<vmem>>[vector<16xi32>, vector<16xi32>], vector<16xf32>,
          %gather3A_906 = tpu.vector_load_idx %arg19[%add3A_707, %broadcast_in_dim3A_904] : memref<80x128xf32, #tpu.memory_space<vmem>>[vector<16xi32>, vector<16xi32>], vector<16xf32>,
          %gather3A_907 = tpu.vector_load_idx %arg20[%add3A_707, %broadcast_in_dim3A_904] : memref<80x144xf32, #tpu.memory_space<vmem>>[vector<16xi32>, vector<16xi32>], vector<16xf32>,
          %broadcast_in_dim3A_908 = arith.constant 1 : i32
          %broadcast_in_dim3A_909 = vector.broadcast %broadcast_in_dim3A_908 : i32 to vector<16xi32>
          %gather3A_910 = tpu.vector_load_idx %arg17[%broadcast_in_dim3A_909, %broadcast_in_dim3A_904] : memref<2x128xf32, #tpu.memory_space<vmem>>[vector<16xi32>, vector<16xi32>], vector<16xf32>,
          %add3A_911 = arith.addf %gather3A_905, %gather3A_906 : vector<16xf32>
          %add3A_912 = arith.addf %add3A_911, %gather3A_907 : vector<16xf32>
          %mul3A_913 = arith.constant 2.000000e-01 : f32
          %mul3A_914 = vector.broadcast %mul3A_913 : f32 to vector<16xf32>
          %mul3A_915 = arith.mulf %mul3A_914, %add3A_912 : vector<16xf32>
          %max3A_916 = arith.maximumf %add3A_912, %mul3A_915 : vector<16xf32>
          %mul3A_917 = arith.mulf %gather3A_910, %max3A_916 : vector<16xf32>
          %add3A_918 = arith.addf %add3A_899, %mul3A_917 : vector<16xf32>
          %mul3A_919 = arith.constant 16 : i32
          %mul3A_920 = arith.muli %scan3A_729, %mul3A_919 : i32
          %add3A_921 = arith.constant 10 : i32
          %add3A_922 = arith.addi %mul3A_920, %add3A_921 : i32
          %broadcast_in_dim3A_923 = vector.broadcast %add3A_922 : i32 to vector<16xi32>
          %gather3A_924 = tpu.vector_load_idx %arg18[%add3A_707, %broadcast_in_dim3A_923] : memref<80x128xf32, #tpu.memory_space<vmem>>[vector<16xi32>, vector<16xi32>], vector<16xf32>,
          %gather3A_925 = tpu.vector_load_idx %arg19[%add3A_707, %broadcast_in_dim3A_923] : memref<80x128xf32, #tpu.memory_space<vmem>>[vector<16xi32>, vector<16xi32>], vector<16xf32>,
          %gather3A_926 = tpu.vector_load_idx %arg20[%add3A_707, %broadcast_in_dim3A_923] : memref<80x144xf32, #tpu.memory_space<vmem>>[vector<16xi32>, vector<16xi32>], vector<16xf32>,
          %broadcast_in_dim3A_927 = arith.constant 1 : i32
          %broadcast_in_dim3A_928 = vector.broadcast %broadcast_in_dim3A_927 : i32 to vector<16xi32>
          %gather3A_929 = tpu.vector_load_idx %arg17[%broadcast_in_dim3A_928, %broadcast_in_dim3A_923] : memref<2x128xf32, #tpu.memory_space<vmem>>[vector<16xi32>, vector<16xi32>], vector<16xf32>,
          %add3A_930 = arith.addf %gather3A_924, %gather3A_925 : vector<16xf32>
          %add3A_931 = arith.addf %add3A_930, %gather3A_926 : vector<16xf32>
          %mul3A_932 = arith.constant 2.000000e-01 : f32
          %mul3A_933 = vector.broadcast %mul3A_932 : f32 to vector<16xf32>
          %mul3A_934 = arith.mulf %mul3A_933, %add3A_931 : vector<16xf32>
          %max3A_935 = arith.maximumf %add3A_931, %mul3A_934 : vector<16xf32>
          %mul3A_936 = arith.mulf %gather3A_929, %max3A_935 : vector<16xf32>
          %add3A_937 = arith.addf %add3A_918, %mul3A_936 : vector<16xf32>
          %mul3A_938 = arith.constant 16 : i32
          %mul3A_939 = arith.muli %scan3A_729, %mul3A_938 : i32
          %add3A_940 = arith.constant 11 : i32
          %add3A_941 = arith.addi %mul3A_939, %add3A_940 : i32
          %broadcast_in_dim3A_942 = vector.broadcast %add3A_941 : i32 to vector<16xi32>
          %gather3A_943 = tpu.vector_load_idx %arg18[%add3A_707, %broadcast_in_dim3A_942] : memref<80x128xf32, #tpu.memory_space<vmem>>[vector<16xi32>, vector<16xi32>], vector<16xf32>,
          %gather3A_944 = tpu.vector_load_idx %arg19[%add3A_707, %broadcast_in_dim3A_942] : memref<80x128xf32, #tpu.memory_space<vmem>>[vector<16xi32>, vector<16xi32>], vector<16xf32>,
          %gather3A_945 = tpu.vector_load_idx %arg20[%add3A_707, %broadcast_in_dim3A_942] : memref<80x144xf32, #tpu.memory_space<vmem>>[vector<16xi32>, vector<16xi32>], vector<16xf32>,
          %broadcast_in_dim3A_946 = arith.constant 1 : i32
          %broadcast_in_dim3A_947 = vector.broadcast %broadcast_in_dim3A_946 : i32 to vector<16xi32>
          %gather3A_948 = tpu.vector_load_idx %arg17[%broadcast_in_dim3A_947, %broadcast_in_dim3A_942] : memref<2x128xf32, #tpu.memory_space<vmem>>[vector<16xi32>, vector<16xi32>], vector<16xf32>,
          %add3A_949 = arith.addf %gather3A_943, %gather3A_944 : vector<16xf32>
          %add3A_950 = arith.addf %add3A_949, %gather3A_945 : vector<16xf32>
          %mul3A_951 = arith.constant 2.000000e-01 : f32
          %mul3A_952 = vector.broadcast %mul3A_951 : f32 to vector<16xf32>
          %mul3A_953 = arith.mulf %mul3A_952, %add3A_950 : vector<16xf32>
          %max3A_954 = arith.maximumf %add3A_950, %mul3A_953 : vector<16xf32>
          %mul3A_955 = arith.mulf %gather3A_948, %max3A_954 : vector<16xf32>
          %add3A_956 = arith.addf %add3A_937, %mul3A_955 : vector<16xf32>
          %mul3A_957 = arith.constant 16 : i32
          %mul3A_958 = arith.muli %scan3A_729, %mul3A_957 : i32
          %add3A_959 = arith.constant 12 : i32
          %add3A_960 = arith.addi %mul3A_958, %add3A_959 : i32
          %broadcast_in_dim3A_961 = vector.broadcast %add3A_960 : i32 to vector<16xi32>
          %gather3A_962 = tpu.vector_load_idx %arg18[%add3A_707, %broadcast_in_dim3A_961] : memref<80x128xf32, #tpu.memory_space<vmem>>[vector<16xi32>, vector<16xi32>], vector<16xf32>,
          %gather3A_963 = tpu.vector_load_idx %arg19[%add3A_707, %broadcast_in_dim3A_961] : memref<80x128xf32, #tpu.memory_space<vmem>>[vector<16xi32>, vector<16xi32>], vector<16xf32>,
          %gather3A_964 = tpu.vector_load_idx %arg20[%add3A_707, %broadcast_in_dim3A_961] : memref<80x144xf32, #tpu.memory_space<vmem>>[vector<16xi32>, vector<16xi32>], vector<16xf32>,
          %broadcast_in_dim3A_965 = arith.constant 1 : i32
          %broadcast_in_dim3A_966 = vector.broadcast %broadcast_in_dim3A_965 : i32 to vector<16xi32>
          %gather3A_967 = tpu.vector_load_idx %arg17[%broadcast_in_dim3A_966, %broadcast_in_dim3A_961] : memref<2x128xf32, #tpu.memory_space<vmem>>[vector<16xi32>, vector<16xi32>], vector<16xf32>,
          %add3A_968 = arith.addf %gather3A_962, %gather3A_963 : vector<16xf32>
          %add3A_969 = arith.addf %add3A_968, %gather3A_964 : vector<16xf32>
          %mul3A_970 = arith.constant 2.000000e-01 : f32
          %mul3A_971 = vector.broadcast %mul3A_970 : f32 to vector<16xf32>
          %mul3A_972 = arith.mulf %mul3A_971, %add3A_969 : vector<16xf32>
          %max3A_973 = arith.maximumf %add3A_969, %mul3A_972 : vector<16xf32>
          %mul3A_974 = arith.mulf %gather3A_967, %max3A_973 : vector<16xf32>
          %add3A_975 = arith.addf %add3A_956, %mul3A_974 : vector<16xf32>
          %mul3A_976 = arith.constant 16 : i32
          %mul3A_977 = arith.muli %scan3A_729, %mul3A_976 : i32
          %add3A_978 = arith.constant 13 : i32
          %add3A_979 = arith.addi %mul3A_977, %add3A_978 : i32
          %broadcast_in_dim3A_980 = vector.broadcast %add3A_979 : i32 to vector<16xi32>
          %gather3A_981 = tpu.vector_load_idx %arg18[%add3A_707, %broadcast_in_dim3A_980] : memref<80x128xf32, #tpu.memory_space<vmem>>[vector<16xi32>, vector<16xi32>], vector<16xf32>,
          %gather3A_982 = tpu.vector_load_idx %arg19[%add3A_707, %broadcast_in_dim3A_980] : memref<80x128xf32, #tpu.memory_space<vmem>>[vector<16xi32>, vector<16xi32>], vector<16xf32>,
          %gather3A_983 = tpu.vector_load_idx %arg20[%add3A_707, %broadcast_in_dim3A_980] : memref<80x144xf32, #tpu.memory_space<vmem>>[vector<16xi32>, vector<16xi32>], vector<16xf32>,
          %broadcast_in_dim3A_984 = arith.constant 1 : i32
          %broadcast_in_dim3A_985 = vector.broadcast %broadcast_in_dim3A_984 : i32 to vector<16xi32>
          %gather3A_986 = tpu.vector_load_idx %arg17[%broadcast_in_dim3A_985, %broadcast_in_dim3A_980] : memref<2x128xf32, #tpu.memory_space<vmem>>[vector<16xi32>, vector<16xi32>], vector<16xf32>,
          %add3A_987 = arith.addf %gather3A_981, %gather3A_982 : vector<16xf32>
          %add3A_988 = arith.addf %add3A_987, %gather3A_983 : vector<16xf32>
          %mul3A_989 = arith.constant 2.000000e-01 : f32
          %mul3A_990 = vector.broadcast %mul3A_989 : f32 to vector<16xf32>
          %mul3A_991 = arith.mulf %mul3A_990, %add3A_988 : vector<16xf32>
          %max3A_992 = arith.maximumf %add3A_988, %mul3A_991 : vector<16xf32>
          %mul3A_993 = arith.mulf %gather3A_986, %max3A_992 : vector<16xf32>
          %add3A_994 = arith.addf %add3A_975, %mul3A_993 : vector<16xf32>
          %mul3A_995 = arith.constant 16 : i32
          %mul3A_996 = arith.muli %scan3A_729, %mul3A_995 : i32
          %add3A_997 = arith.constant 14 : i32
          %add3A_998 = arith.addi %mul3A_996, %add3A_997 : i32
          %broadcast_in_dim3A_999 = vector.broadcast %add3A_998 : i32 to vector<16xi32>
          %gather3A_1000 = tpu.vector_load_idx %arg18[%add3A_707, %broadcast_in_dim3A_999] : memref<80x128xf32, #tpu.memory_space<vmem>>[vector<16xi32>, vector<16xi32>], vector<16xf32>,
          %gather3A_1001 = tpu.vector_load_idx %arg19[%add3A_707, %broadcast_in_dim3A_999] : memref<80x128xf32, #tpu.memory_space<vmem>>[vector<16xi32>, vector<16xi32>], vector<16xf32>,
          %gather3A_1002 = tpu.vector_load_idx %arg20[%add3A_707, %broadcast_in_dim3A_999] : memref<80x144xf32, #tpu.memory_space<vmem>>[vector<16xi32>, vector<16xi32>], vector<16xf32>,
          %broadcast_in_dim3A_1003 = arith.constant 1 : i32
          %broadcast_in_dim3A_1004 = vector.broadcast %broadcast_in_dim3A_1003 : i32 to vector<16xi32>
          %gather3A_1005 = tpu.vector_load_idx %arg17[%broadcast_in_dim3A_1004, %broadcast_in_dim3A_999] : memref<2x128xf32, #tpu.memory_space<vmem>>[vector<16xi32>, vector<16xi32>], vector<16xf32>,
          %add3A_1006 = arith.addf %gather3A_1000, %gather3A_1001 : vector<16xf32>
          %add3A_1007 = arith.addf %add3A_1006, %gather3A_1002 : vector<16xf32>
          %mul3A_1008 = arith.constant 2.000000e-01 : f32
          %mul3A_1009 = vector.broadcast %mul3A_1008 : f32 to vector<16xf32>
          %mul3A_1010 = arith.mulf %mul3A_1009, %add3A_1007 : vector<16xf32>
          %max3A_1011 = arith.maximumf %add3A_1007, %mul3A_1010 : vector<16xf32>
          %mul3A_1012 = arith.mulf %gather3A_1005, %max3A_1011 : vector<16xf32>
          %add3A_1013 = arith.addf %add3A_994, %mul3A_1012 : vector<16xf32>
          %mul3A_1014 = arith.constant 16 : i32
          %mul3A_1015 = arith.muli %scan3A_729, %mul3A_1014 : i32
          %add3A_1016 = arith.constant 15 : i32
          %add3A_1017 = arith.addi %mul3A_1015, %add3A_1016 : i32
          %broadcast_in_dim3A_1018 = vector.broadcast %add3A_1017 : i32 to vector<16xi32>
          %gather3A_1019 = tpu.vector_load_idx %arg18[%add3A_707, %broadcast_in_dim3A_1018] : memref<80x128xf32, #tpu.memory_space<vmem>>[vector<16xi32>, vector<16xi32>], vector<16xf32>,
          %gather3A_1020 = tpu.vector_load_idx %arg19[%add3A_707, %broadcast_in_dim3A_1018] : memref<80x128xf32, #tpu.memory_space<vmem>>[vector<16xi32>, vector<16xi32>], vector<16xf32>,
          %gather3A_1021 = tpu.vector_load_idx %arg20[%add3A_707, %broadcast_in_dim3A_1018] : memref<80x144xf32, #tpu.memory_space<vmem>>[vector<16xi32>, vector<16xi32>], vector<16xf32>,
          %broadcast_in_dim3A_1022 = arith.constant 1 : i32
          %broadcast_in_dim3A_1023 = vector.broadcast %broadcast_in_dim3A_1022 : i32 to vector<16xi32>
          %gather3A_1024 = tpu.vector_load_idx %arg17[%broadcast_in_dim3A_1023, %broadcast_in_dim3A_1018] : memref<2x128xf32, #tpu.memory_space<vmem>>[vector<16xi32>, vector<16xi32>], vector<16xf32>,
          %add3A_1025 = arith.addf %gather3A_1019, %gather3A_1020 : vector<16xf32>
          %add3A_1026 = arith.addf %add3A_1025, %gather3A_1021 : vector<16xf32>
          %mul3A_1027 = arith.constant 2.000000e-01 : f32
          %mul3A_1028 = vector.broadcast %mul3A_1027 : f32 to vector<16xf32>
          %mul3A_1029 = arith.mulf %mul3A_1028, %add3A_1026 : vector<16xf32>
          %max3A_1030 = arith.maximumf %add3A_1026, %mul3A_1029 : vector<16xf32>
          %mul3A_1031 = arith.mulf %gather3A_1024, %max3A_1030 : vector<16xf32>
          %add3A_1032 = arith.addf %add3A_1013, %mul3A_1031 : vector<16xf32>
          scf.yield %add3A_1032 : vector<16xf32>
        }
        %scan3A_715 = arith.constant 8 : i32
        %exp3A = math.exp %scan3A_714 : vector<16xf32>
        %mul3A_716 = arith.constant 16 : i32
        %mul3A_717 = arith.muli %scan3A_703, %mul3A_716 : i32
        %get3A = arith.index_cast %rem3A_591 : i32 to index
        %get3A_718 = arith.index_cast %mul3A_717 : i32 to index
        %get3A_719 = tpu.vector_load %arg16[%get3A, %get3A_718] {strides = array<i32>} : memref<2x80xf32, #tpu.memory_space<vmem>>, vector<16xf32>,
        %mul3A_720 = arith.mulf %exp3A, %get3A_719 : vector<16xf32>
        %broadcast_in_dim3A_721 = arith.constant 128 : i32
        %broadcast_in_dim3A_722 = vector.broadcast %broadcast_in_dim3A_721 : i32 to vector<16xi32>
        tpu.vector_store_idx %arg20[%add3A_707, %broadcast_in_dim3A_722], %mul3A_720 : memref<80x144xf32, #tpu.memory_space<vmem>>[vector<16xi32>, vector<16xi32>], vector<16xf32>,
        %scan3A_723 = arith.constant 0 : i32
        %scan3A_724 = arith.constant 0 : i32
        %scan3A_725 = arith.constant 8 : i32
        %scan3A_726 = arith.addi %scan3A_724, %scan3A_725 : i32
        %scan3A_727 = arith.constant 1 : i32
        scf.for %scan3A_729 = %scan3A_724 to %scan3A_726 step %scan3A_727  : i32 {
          %mul3A_730 = arith.constant 16 : i32
          %mul3A_731 = arith.muli %scan3A_729, %mul3A_730 : i32
          %add3A_732 = arith.constant 0 : i32
          %add3A_733 = arith.addi %mul3A_731, %add3A_732 : i32
          %broadcast_in_dim3A_734 = vector.broadcast %add3A_733 : i32 to vector<16xi32>
          %gather3A = tpu.vector_load_idx %arg18[%add3A_707, %broadcast_in_dim3A_734] : memref<80x128xf32, #tpu.memory_space<vmem>>[vector<16xi32>, vector<16xi32>], vector<16xf32>,
          %mul3A_735 = arith.mulf %gather3A, %mul3A_720 : vector<16xf32>
          tpu.vector_store_idx %arg20[%add3A_707, %broadcast_in_dim3A_734], %mul3A_735 : memref<80x144xf32, #tpu.memory_space<vmem>>[vector<16xi32>, vector<16xi32>], vector<16xf32>,
          %mul3A_736 = arith.constant 16 : i32
          %mul3A_737 = arith.muli %scan3A_729, %mul3A_736 : i32
          %add3A_738 = arith.constant 1 : i32
          %add3A_739 = arith.addi %mul3A_737, %add3A_738 : i32
          %broadcast_in_dim3A_740 = vector.broadcast %add3A_739 : i32 to vector<16xi32>
          %gather3A_741 = tpu.vector_load_idx %arg18[%add3A_707, %broadcast_in_dim3A_740] : memref<80x128xf32, #tpu.memory_space<vmem>>[vector<16xi32>, vector<16xi32>], vector<16xf32>,
          %mul3A_742 = arith.mulf %gather3A_741, %mul3A_720 : vector<16xf32>
          tpu.vector_store_idx %arg20[%add3A_707, %broadcast_in_dim3A_740], %mul3A_742 : memref<80x144xf32, #tpu.memory_space<vmem>>[vector<16xi32>, vector<16xi32>], vector<16xf32>,
          %mul3A_743 = arith.constant 16 : i32
          %mul3A_744 = arith.muli %scan3A_729, %mul3A_743 : i32
          %add3A_745 = arith.constant 2 : i32
          %add3A_746 = arith.addi %mul3A_744, %add3A_745 : i32
          %broadcast_in_dim3A_747 = vector.broadcast %add3A_746 : i32 to vector<16xi32>
          %gather3A_748 = tpu.vector_load_idx %arg18[%add3A_707, %broadcast_in_dim3A_747] : memref<80x128xf32, #tpu.memory_space<vmem>>[vector<16xi32>, vector<16xi32>], vector<16xf32>,
          %mul3A_749 = arith.mulf %gather3A_748, %mul3A_720 : vector<16xf32>
          tpu.vector_store_idx %arg20[%add3A_707, %broadcast_in_dim3A_747], %mul3A_749 : memref<80x144xf32, #tpu.memory_space<vmem>>[vector<16xi32>, vector<16xi32>], vector<16xf32>,
          %mul3A_750 = arith.constant 16 : i32
          %mul3A_751 = arith.muli %scan3A_729, %mul3A_750 : i32
          %add3A_752 = arith.constant 3 : i32
          %add3A_753 = arith.addi %mul3A_751, %add3A_752 : i32
          %broadcast_in_dim3A_754 = vector.broadcast %add3A_753 : i32 to vector<16xi32>
          %gather3A_755 = tpu.vector_load_idx %arg18[%add3A_707, %broadcast_in_dim3A_754] : memref<80x128xf32, #tpu.memory_space<vmem>>[vector<16xi32>, vector<16xi32>], vector<16xf32>,
          %mul3A_756 = arith.mulf %gather3A_755, %mul3A_720 : vector<16xf32>
          tpu.vector_store_idx %arg20[%add3A_707, %broadcast_in_dim3A_754], %mul3A_756 : memref<80x144xf32, #tpu.memory_space<vmem>>[vector<16xi32>, vector<16xi32>], vector<16xf32>,
          %mul3A_757 = arith.constant 16 : i32
          %mul3A_758 = arith.muli %scan3A_729, %mul3A_757 : i32
          %add3A_759 = arith.constant 4 : i32
          %add3A_760 = arith.addi %mul3A_758, %add3A_759 : i32
          %broadcast_in_dim3A_761 = vector.broadcast %add3A_760 : i32 to vector<16xi32>
          %gather3A_762 = tpu.vector_load_idx %arg18[%add3A_707, %broadcast_in_dim3A_761] : memref<80x128xf32, #tpu.memory_space<vmem>>[vector<16xi32>, vector<16xi32>], vector<16xf32>,
          %mul3A_763 = arith.mulf %gather3A_762, %mul3A_720 : vector<16xf32>
          tpu.vector_store_idx %arg20[%add3A_707, %broadcast_in_dim3A_761], %mul3A_763 : memref<80x144xf32, #tpu.memory_space<vmem>>[vector<16xi32>, vector<16xi32>], vector<16xf32>,
          %mul3A_764 = arith.constant 16 : i32
          %mul3A_765 = arith.muli %scan3A_729, %mul3A_764 : i32
          %add3A_766 = arith.constant 5 : i32
          %add3A_767 = arith.addi %mul3A_765, %add3A_766 : i32
          %broadcast_in_dim3A_768 = vector.broadcast %add3A_767 : i32 to vector<16xi32>
          %gather3A_769 = tpu.vector_load_idx %arg18[%add3A_707, %broadcast_in_dim3A_768] : memref<80x128xf32, #tpu.memory_space<vmem>>[vector<16xi32>, vector<16xi32>], vector<16xf32>,
          %mul3A_770 = arith.mulf %gather3A_769, %mul3A_720 : vector<16xf32>
          tpu.vector_store_idx %arg20[%add3A_707, %broadcast_in_dim3A_768], %mul3A_770 : memref<80x144xf32, #tpu.memory_space<vmem>>[vector<16xi32>, vector<16xi32>], vector<16xf32>,
          %mul3A_771 = arith.constant 16 : i32
          %mul3A_772 = arith.muli %scan3A_729, %mul3A_771 : i32
          %add3A_773 = arith.constant 6 : i32
          %add3A_774 = arith.addi %mul3A_772, %add3A_773 : i32
          %broadcast_in_dim3A_775 = vector.broadcast %add3A_774 : i32 to vector<16xi32>
          %gather3A_776 = tpu.vector_load_idx %arg18[%add3A_707, %broadcast_in_dim3A_775] : memref<80x128xf32, #tpu.memory_space<vmem>>[vector<16xi32>, vector<16xi32>], vector<16xf32>,
          %mul3A_777 = arith.mulf %gather3A_776, %mul3A_720 : vector<16xf32>
          tpu.vector_store_idx %arg20[%add3A_707, %broadcast_in_dim3A_775], %mul3A_777 : memref<80x144xf32, #tpu.memory_space<vmem>>[vector<16xi32>, vector<16xi32>], vector<16xf32>,
          %mul3A_778 = arith.constant 16 : i32
          %mul3A_779 = arith.muli %scan3A_729, %mul3A_778 : i32
          %add3A_780 = arith.constant 7 : i32
          %add3A_781 = arith.addi %mul3A_779, %add3A_780 : i32
          %broadcast_in_dim3A_782 = vector.broadcast %add3A_781 : i32 to vector<16xi32>
          %gather3A_783 = tpu.vector_load_idx %arg18[%add3A_707, %broadcast_in_dim3A_782] : memref<80x128xf32, #tpu.memory_space<vmem>>[vector<16xi32>, vector<16xi32>], vector<16xf32>,
          %mul3A_784 = arith.mulf %gather3A_783, %mul3A_720 : vector<16xf32>
          tpu.vector_store_idx %arg20[%add3A_707, %broadcast_in_dim3A_782], %mul3A_784 : memref<80x144xf32, #tpu.memory_space<vmem>>[vector<16xi32>, vector<16xi32>], vector<16xf32>,
          %mul3A_785 = arith.constant 16 : i32
          %mul3A_786 = arith.muli %scan3A_729, %mul3A_785 : i32
          %add3A_787 = arith.constant 8 : i32
          %add3A_788 = arith.addi %mul3A_786, %add3A_787 : i32
          %broadcast_in_dim3A_789 = vector.broadcast %add3A_788 : i32 to vector<16xi32>
          %gather3A_790 = tpu.vector_load_idx %arg18[%add3A_707, %broadcast_in_dim3A_789] : memref<80x128xf32, #tpu.memory_space<vmem>>[vector<16xi32>, vector<16xi32>], vector<16xf32>,
          %mul3A_791 = arith.mulf %gather3A_790, %mul3A_720 : vector<16xf32>
          tpu.vector_store_idx %arg20[%add3A_707, %broadcast_in_dim3A_789], %mul3A_791 : memref<80x144xf32, #tpu.memory_space<vmem>>[vector<16xi32>, vector<16xi32>], vector<16xf32>,
          %mul3A_792 = arith.constant 16 : i32
          %mul3A_793 = arith.muli %scan3A_729, %mul3A_792 : i32
          %add3A_794 = arith.constant 9 : i32
          %add3A_795 = arith.addi %mul3A_793, %add3A_794 : i32
          %broadcast_in_dim3A_796 = vector.broadcast %add3A_795 : i32 to vector<16xi32>
          %gather3A_797 = tpu.vector_load_idx %arg18[%add3A_707, %broadcast_in_dim3A_796] : memref<80x128xf32, #tpu.memory_space<vmem>>[vector<16xi32>, vector<16xi32>], vector<16xf32>,
          %mul3A_798 = arith.mulf %gather3A_797, %mul3A_720 : vector<16xf32>
          tpu.vector_store_idx %arg20[%add3A_707, %broadcast_in_dim3A_796], %mul3A_798 : memref<80x144xf32, #tpu.memory_space<vmem>>[vector<16xi32>, vector<16xi32>], vector<16xf32>,
          %mul3A_799 = arith.constant 16 : i32
          %mul3A_800 = arith.muli %scan3A_729, %mul3A_799 : i32
          %add3A_801 = arith.constant 10 : i32
          %add3A_802 = arith.addi %mul3A_800, %add3A_801 : i32
          %broadcast_in_dim3A_803 = vector.broadcast %add3A_802 : i32 to vector<16xi32>
          %gather3A_804 = tpu.vector_load_idx %arg18[%add3A_707, %broadcast_in_dim3A_803] : memref<80x128xf32, #tpu.memory_space<vmem>>[vector<16xi32>, vector<16xi32>], vector<16xf32>,
          %mul3A_805 = arith.mulf %gather3A_804, %mul3A_720 : vector<16xf32>
          tpu.vector_store_idx %arg20[%add3A_707, %broadcast_in_dim3A_803], %mul3A_805 : memref<80x144xf32, #tpu.memory_space<vmem>>[vector<16xi32>, vector<16xi32>], vector<16xf32>,
          %mul3A_806 = arith.constant 16 : i32
          %mul3A_807 = arith.muli %scan3A_729, %mul3A_806 : i32
          %add3A_808 = arith.constant 11 : i32
          %add3A_809 = arith.addi %mul3A_807, %add3A_808 : i32
          %broadcast_in_dim3A_810 = vector.broadcast %add3A_809 : i32 to vector<16xi32>
          %gather3A_811 = tpu.vector_load_idx %arg18[%add3A_707, %broadcast_in_dim3A_810] : memref<80x128xf32, #tpu.memory_space<vmem>>[vector<16xi32>, vector<16xi32>], vector<16xf32>,
          %mul3A_812 = arith.mulf %gather3A_811, %mul3A_720 : vector<16xf32>
          tpu.vector_store_idx %arg20[%add3A_707, %broadcast_in_dim3A_810], %mul3A_812 : memref<80x144xf32, #tpu.memory_space<vmem>>[vector<16xi32>, vector<16xi32>], vector<16xf32>,
          %mul3A_813 = arith.constant 16 : i32
          %mul3A_814 = arith.muli %scan3A_729, %mul3A_813 : i32
          %add3A_815 = arith.constant 12 : i32
          %add3A_816 = arith.addi %mul3A_814, %add3A_815 : i32
          %broadcast_in_dim3A_817 = vector.broadcast %add3A_816 : i32 to vector<16xi32>
          %gather3A_818 = tpu.vector_load_idx %arg18[%add3A_707, %broadcast_in_dim3A_817] : memref<80x128xf32, #tpu.memory_space<vmem>>[vector<16xi32>, vector<16xi32>], vector<16xf32>,
          %mul3A_819 = arith.mulf %gather3A_818, %mul3A_720 : vector<16xf32>
          tpu.vector_store_idx %arg20[%add3A_707, %broadcast_in_dim3A_817], %mul3A_819 : memref<80x144xf32, #tpu.memory_space<vmem>>[vector<16xi32>, vector<16xi32>], vector<16xf32>,
          %mul3A_820 = arith.constant 16 : i32
          %mul3A_821 = arith.muli %scan3A_729, %mul3A_820 : i32
          %add3A_822 = arith.constant 13 : i32
          %add3A_823 = arith.addi %mul3A_821, %add3A_822 : i32
          %broadcast_in_dim3A_824 = vector.broadcast %add3A_823 : i32 to vector<16xi32>
          %gather3A_825 = tpu.vector_load_idx %arg18[%add3A_707, %broadcast_in_dim3A_824] : memref<80x128xf32, #tpu.memory_space<vmem>>[vector<16xi32>, vector<16xi32>], vector<16xf32>,
          %mul3A_826 = arith.mulf %gather3A_825, %mul3A_720 : vector<16xf32>
          tpu.vector_store_idx %arg20[%add3A_707, %broadcast_in_dim3A_824], %mul3A_826 : memref<80x144xf32, #tpu.memory_space<vmem>>[vector<16xi32>, vector<16xi32>], vector<16xf32>,
          %mul3A_827 = arith.constant 16 : i32
          %mul3A_828 = arith.muli %scan3A_729, %mul3A_827 : i32
          %add3A_829 = arith.constant 14 : i32
          %add3A_830 = arith.addi %mul3A_828, %add3A_829 : i32
          %broadcast_in_dim3A_831 = vector.broadcast %add3A_830 : i32 to vector<16xi32>
          %gather3A_832 = tpu.vector_load_idx %arg18[%add3A_707, %broadcast_in_dim3A_831] : memref<80x128xf32, #tpu.memory_space<vmem>>[vector<16xi32>, vector<16xi32>], vector<16xf32>,
          %mul3A_833 = arith.mulf %gather3A_832, %mul3A_720 : vector<16xf32>
          tpu.vector_store_idx %arg20[%add3A_707, %broadcast_in_dim3A_831], %mul3A_833 : memref<80x144xf32, #tpu.memory_space<vmem>>[vector<16xi32>, vector<16xi32>], vector<16xf32>,
          %mul3A_834 = arith.constant 16 : i32
          %mul3A_835 = arith.muli %scan3A_729, %mul3A_834 : i32
          %add3A_836 = arith.constant 15 : i32
          %add3A_837 = arith.addi %mul3A_835, %add3A_836 : i32
          %broadcast_in_dim3A_838 = vector.broadcast %add3A_837 : i32 to vector<16xi32>
          %gather3A_839 = tpu.vector_load_idx %arg18[%add3A_707, %broadcast_in_dim3A_838] : memref<80x128xf32, #tpu.memory_space<vmem>>[vector<16xi32>, vector<16xi32>], vector<16xf32>,
          %mul3A_840 = arith.mulf %gather3A_839, %mul3A_720 : vector<16xf32>
          tpu.vector_store_idx %arg20[%add3A_707, %broadcast_in_dim3A_838], %mul3A_840 : memref<80x144xf32, #tpu.memory_space<vmem>>[vector<16xi32>, vector<16xi32>], vector<16xf32>,
        }
        %scan3A_728 = arith.constant 8 : i32
      }
      %scan3A_696 = arith.constant 5 : i32
      %dma_start3A_697 = arith.constant 0 : i32
      %dma_start3A_698 = tpu.memref_slice %arg15[%rem3A_591, %dma_start3A_697] : memref<2x80xi32, #tpu.memory_space<vmem>> -> memref<1x80xi32, #tpu.memory_space<vmem>>
      %dma_start3A_699 = tpu.memref_squeeze %dma_start3A_698 : memref<1x80xi32, #tpu.memory_space<vmem>> -> memref<80xi32, #tpu.memory_space<vmem>>
      %dma_start3A_700 = arith.constant 0 : i32
      %dma_start3A_701 = arith.constant 0 : i32
      %dma_start3A_702 = tpu.memref_slice %arg21[%dma_start3A_700, %dma_start3A_701] : memref<10240x144xf32, #tpu.memory_space<vmem_shared>> -> memref<10240x144xf32, #tpu.memory_space<vmem_shared>>
      tpu.enqueue_indirect_dma source(%arg20 : memref<80x144xf32, #tpu.memory_space<vmem>>) target(%dma_start3A_702 : memref<10240x144xf32, #tpu.memory_space<vmem_shared>>) offsets(%dma_start3A_699 : memref<80xi32, #tpu.memory_space<vmem>>) semaphore(%arg24 : memref<!tpu.dma_semaphore, #tpu.memory_space<semaphore_mem>>) {add = true}
    }
    %scan3A_575 = arith.constant 125 : i32
    %dma_wait3A_576 = arith.constant 0 : i32
    %dma_wait3A_577 = arith.constant 0 : i32
    %dma_wait3A_578 = tpu.memref_slice %arg15[%dma_wait3A_576, %dma_wait3A_577] : memref<2x80xi32, #tpu.memory_space<vmem>> -> memref<1x80xi32, #tpu.memory_space<vmem>>
    %dma_wait3A_579 = tpu.memref_squeeze %dma_wait3A_578 : memref<1x80xi32, #tpu.memory_space<vmem>> -> memref<80xi32, #tpu.memory_space<vmem>>
    %dma_wait3A_580 = arith.constant 0 : i32
    %dma_wait3A_581 = arith.constant 0 : i32
    %dma_wait3A_582 = tpu.memref_slice %arg21[%dma_wait3A_580, %dma_wait3A_581] : memref<10240x144xf32, #tpu.memory_space<vmem_shared>> -> memref<10240x144xf32, #tpu.memory_space<vmem_shared>>
    tpu.wait_indirect_dma semaphore(%arg24 : memref<!tpu.dma_semaphore, #tpu.memory_space<semaphore_mem>>) src(%arg20 : memref<80x144xf32, #tpu.memory_space<vmem>>) dst(%dma_wait3A_582 : memref<10240x144xf32, #tpu.memory_space<vmem_shared>>)
    %barrier3A_583 = arith.constant 0 : index
    tpu.barrier barrier_id(%barrier3A_583)
    %mul3A_584 = arith.constant 640 : i32
    %mul3A_585 = arith.muli %arg1, %mul3A_584 : i32
    %mul3A_586 = arith.constant 640 : i32
    %mul3A_587 = arith.muli %arg1, %mul3A_586 : i32
    %run_scoped3A_588 = arith.constant 1 : i32
    "tpu.region"() ({
      %run_scoped3A_590 = tpu.sem_alloc : memref<!tpu.dma_semaphore, #tpu.memory_space<semaphore_mem>>
      %dma_start3A_591 = arith.constant 0 : i32
      %dma_start3A_592 = tpu.memref_slice %arg13[%run_scoped3A_588, %arg0, %mul3A_587, %dma_start3A_591] : memref<2x2x10240x144xf32, #tpu.memory_space<hbm>> -> memref<1x1x640x144xf32, #tpu.memory_space<hbm>>
      %dma_start3A_593 = tpu.memref_squeeze %dma_start3A_592 : memref<1x1x640x144xf32, #tpu.memory_space<hbm>> -> memref<640x144xf32, #tpu.memory_space<hbm>>
      %dma_start3A_594 = arith.constant 0 : i32
      %dma_start3A_595 = tpu.memref_slice %arg21[%mul3A_585, %dma_start3A_594] : memref<10240x144xf32, #tpu.memory_space<vmem_shared>> -> memref<640x144xf32, #tpu.memory_space<vmem_shared>>
      tpu.enqueue_dma source(%dma_start3A_595 : memref<640x144xf32, #tpu.memory_space<vmem_shared>>) target(%dma_start3A_593 : memref<640x144xf32, #tpu.memory_space<hbm>>) target_semaphore(%run_scoped3A_590 : memref<!tpu.dma_semaphore, #tpu.memory_space<semaphore_mem>>)
      %dma_wait3A_596 = arith.constant 0 : i32
      %dma_wait3A_597 = tpu.memref_slice %arg13[%run_scoped3A_588, %arg0, %mul3A_587, %dma_wait3A_596] : memref<2x2x10240x144xf32, #tpu.memory_space<hbm>> -> memref<1x1x640x144xf32, #tpu.memory_space<hbm>>
      %dma_wait3A_598 = tpu.memref_squeeze %dma_wait3A_597 : memref<1x1x640x144xf32, #tpu.memory_space<hbm>> -> memref<640x144xf32, #tpu.memory_space<hbm>>
      %dma_wait3A_599 = arith.constant 0 : i32
      %dma_wait3A_600 = tpu.memref_slice %arg21[%mul3A_585, %dma_wait3A_599] : memref<10240x144xf32, #tpu.memory_space<vmem_shared>> -> memref<640x144xf32, #tpu.memory_space<vmem_shared>>
      tpu.wait_dma2 semaphore(%run_scoped3A_590 : memref<!tpu.dma_semaphore, #tpu.memory_space<semaphore_mem>>) src(%dma_wait3A_600 : memref<640x144xf32, #tpu.memory_space<vmem_shared>>) dst(%dma_wait3A_598 : memref<640x144xf32, #tpu.memory_space<hbm>>)
      tpu.yield
    }) : () -> ()
    %barrier3A_589 = arith.constant 0 : index
    tpu.barrier barrier_id(%barrier3A_589)
    return
  }
}

module attributes {stable_mosaic.version = 14 : i64} {
  func.func @_edge_enc_body(%arg0: i32, %arg1: memref<4000x8xf32, #tpu.memory_space<vmem>>, %arg2: memref<8x32xf32, #tpu.memory_space<vmem>>, %arg3: memref<1x32xf32, #tpu.memory_space<vmem>>, %arg4: memref<32x16xf32, #tpu.memory_space<vmem>>, %arg5: memref<1x16xf32, #tpu.memory_space<vmem>>, %arg6: memref<16x128xf32, #tpu.memory_space<vmem>>, %arg7: memref<16x128xf32, #tpu.memory_space<vmem>>, %arg8: memref<4000x128xf32, #tpu.memory_space<vmem>>, %arg9: memref<4000x128xf32, #tpu.memory_space<vmem>>) attributes {dimension_semantics = [#tpu.dimension_semantics<arbitrary>], iteration_bounds = array<i64: 80>, scalar_prefetch = 0 : i64, scratch_operands = 0 : i64, tpu.core_type = #tpu.core_type<tc>, window_params = [{transform_indices = @transform_0, window_bounds = array<i64: 4000, 8>}, {pipeline_mode = #tpu.pipeline_mode<synchronous>, transform_indices = @transform_1, window_bounds = array<i64: 8, 32>}, {pipeline_mode = #tpu.pipeline_mode<synchronous>, transform_indices = @transform_2, window_bounds = array<i64: 1, 32>}, {pipeline_mode = #tpu.pipeline_mode<synchronous>, transform_indices = @transform_3, window_bounds = array<i64: 32, 16>}, {pipeline_mode = #tpu.pipeline_mode<synchronous>, transform_indices = @transform_4, window_bounds = array<i64: 1, 16>}, {pipeline_mode = #tpu.pipeline_mode<synchronous>, transform_indices = @transform_5, window_bounds = array<i64: 16, 128>}, {pipeline_mode = #tpu.pipeline_mode<synchronous>, transform_indices = @transform_6, window_bounds = array<i64: 16, 128>}, {transform_indices = @transform_7, window_bounds = array<i64: 4000, 128>}, {transform_indices = @transform_8, window_bounds = array<i64: 4000, 128>}]} {
    %get3A = arith.constant 0 : index
    %get3A_0 = arith.constant 0 : index
    %get3A_1 = vector.load %arg1[%get3A, %get3A_0] : memref<4000x8xf32, #tpu.memory_space<vmem>>, vector<4000x8xf32>
    %get3A_2 = arith.constant 0 : index
    %get3A_3 = arith.constant 0 : index
    %get3A_4 = vector.load %arg2[%get3A_2, %get3A_3] : memref<8x32xf32, #tpu.memory_space<vmem>>, vector<8x32xf32>
    %dot_general3A = arith.constant dense<0.000000e+00> : vector<4000x32xf32>
    %dot_general3A_5 = tpu.matmul %get3A_1, %get3A_4, %dot_general3A {dimension_numbers = #tpu.dot_dimension_numbers<[1], [0], [0], [1], [0, 0, 1, 1], [], []>, transpose_lhs_hint = false} : vector<4000x8xf32>, vector<8x32xf32>, vector<4000x32xf32> -> vector<4000x32xf32>
    %get3A_6 = arith.constant 0 : index
    %get3A_7 = arith.constant 0 : index
    %get3A_8 = vector.load %arg3[%get3A_6, %get3A_7] : memref<1x32xf32, #tpu.memory_space<vmem>>, vector<1x32xf32>
    %add3A = vector.broadcast %get3A_8 : vector<1x32xf32> to vector<4000x32xf32>
    %add3A_9 = arith.addf %dot_general3A_5, %add3A : vector<4000x32xf32>
    %max3A = arith.constant 0.000000e+00 : f32
    %max3A_10 = vector.broadcast %max3A : f32 to vector<4000x32xf32>
    %max3A_11 = arith.maximumf %add3A_9, %max3A_10 : vector<4000x32xf32>
    %get3A_12 = arith.constant 0 : index
    %get3A_13 = arith.constant 0 : index
    %get3A_14 = vector.load %arg4[%get3A_12, %get3A_13] : memref<32x16xf32, #tpu.memory_space<vmem>>, vector<32x16xf32>
    %dot_general3A_15 = arith.constant dense<0.000000e+00> : vector<4000x16xf32>
    %dot_general3A_16 = tpu.matmul %max3A_11, %get3A_14, %dot_general3A_15 {dimension_numbers = #tpu.dot_dimension_numbers<[1], [0], [0], [1], [0, 0, 1, 1], [], []>, transpose_lhs_hint = false} : vector<4000x32xf32>, vector<32x16xf32>, vector<4000x16xf32> -> vector<4000x16xf32>
    %get3A_17 = arith.constant 0 : index
    %get3A_18 = arith.constant 0 : index
    %get3A_19 = vector.load %arg5[%get3A_17, %get3A_18] : memref<1x16xf32, #tpu.memory_space<vmem>>, vector<1x16xf32>
    %add3A_20 = vector.broadcast %get3A_19 : vector<1x16xf32> to vector<4000x16xf32>
    %add3A_21 = arith.addf %dot_general3A_16, %add3A_20 : vector<4000x16xf32>
    %get3A_22 = arith.constant 0 : index
    %get3A_23 = arith.constant 0 : index
    %get3A_24 = vector.load %arg6[%get3A_22, %get3A_23] : memref<16x128xf32, #tpu.memory_space<vmem>>, vector<16x128xf32>
    %dot_general3A_25 = arith.constant dense<0.000000e+00> : vector<4000x128xf32>
    %dot_general3A_26 = tpu.matmul %add3A_21, %get3A_24, %dot_general3A_25 {dimension_numbers = #tpu.dot_dimension_numbers<[1], [0], [0], [1], [0, 0, 1, 1], [], []>, transpose_lhs_hint = false} : vector<4000x16xf32>, vector<16x128xf32>, vector<4000x128xf32> -> vector<4000x128xf32>
    %swap3A = arith.constant 0 : index
    %swap3A_27 = arith.constant 0 : index
    %swap3A_28 = vector.load %arg8[%swap3A, %swap3A_27] : memref<4000x128xf32, #tpu.memory_space<vmem>>, vector<4000x128xf32>
    tpu.vector_store %arg8[%swap3A, %swap3A_27], %dot_general3A_26 {strides = array<i32>} : memref<4000x128xf32, #tpu.memory_space<vmem>>, vector<4000x128xf32>,
    %get3A_29 = arith.constant 0 : index
    %get3A_30 = arith.constant 0 : index
    %get3A_31 = vector.load %arg7[%get3A_29, %get3A_30] : memref<16x128xf32, #tpu.memory_space<vmem>>, vector<16x128xf32>
    %dot_general3A_32 = arith.constant dense<0.000000e+00> : vector<4000x128xf32>
    %dot_general3A_33 = tpu.matmul %add3A_21, %get3A_31, %dot_general3A_32 {dimension_numbers = #tpu.dot_dimension_numbers<[1], [0], [0], [1], [0, 0, 1, 1], [], []>, transpose_lhs_hint = false} : vector<4000x16xf32>, vector<16x128xf32>, vector<4000x128xf32> -> vector<4000x128xf32>
    %swap3A_34 = arith.constant 0 : index
    %swap3A_35 = arith.constant 0 : index
    %swap3A_36 = vector.load %arg9[%swap3A_34, %swap3A_35] : memref<4000x128xf32, #tpu.memory_space<vmem>>, vector<4000x128xf32>
    tpu.vector_store %arg9[%swap3A_34, %swap3A_35], %dot_general3A_33 {strides = array<i32>} : memref<4000x128xf32, #tpu.memory_space<vmem>>, vector<4000x128xf32>,
    return
  }
  func.func @transform_0(%arg0: i32) -> (i32, i32) {
    %c0_i32 = arith.constant 0 : i32
    %c0_i32_0 = arith.constant 0 : i32
    return %arg0, %c0_i32 : i32, i32
  }
  func.func @transform_1(%arg0: i32) -> (i32, i32) {
    %c0_i32 = arith.constant 0 : i32
    %c0_i32_0 = arith.constant 0 : i32
    %c0_i32_1 = arith.constant 0 : i32
    return %c0_i32, %c0_i32_0 : i32, i32
  }
  func.func @transform_2(%arg0: i32) -> (i32, i32) {
    %c0_i32 = arith.constant 0 : i32
    %c0_i32_0 = arith.constant 0 : i32
    %c0_i32_1 = arith.constant 0 : i32
    return %c0_i32, %c0_i32_0 : i32, i32
  }
  func.func @transform_3(%arg0: i32) -> (i32, i32) {
    %c0_i32 = arith.constant 0 : i32
    %c0_i32_0 = arith.constant 0 : i32
    %c0_i32_1 = arith.constant 0 : i32
    return %c0_i32, %c0_i32_0 : i32, i32
  }
  func.func @transform_4(%arg0: i32) -> (i32, i32) {
    %c0_i32 = arith.constant 0 : i32
    %c0_i32_0 = arith.constant 0 : i32
    %c0_i32_1 = arith.constant 0 : i32
    return %c0_i32, %c0_i32_0 : i32, i32
  }
  func.func @transform_5(%arg0: i32) -> (i32, i32) {
    %c0_i32 = arith.constant 0 : i32
    %c0_i32_0 = arith.constant 0 : i32
    %c0_i32_1 = arith.constant 0 : i32
    return %c0_i32, %c0_i32_0 : i32, i32
  }
  func.func @transform_6(%arg0: i32) -> (i32, i32) {
    %c0_i32 = arith.constant 0 : i32
    %c0_i32_0 = arith.constant 0 : i32
    %c0_i32_1 = arith.constant 0 : i32
    return %c0_i32, %c0_i32_0 : i32, i32
  }
  func.func @transform_7(%arg0: i32) -> (i32, i32) {
    %c0_i32 = arith.constant 0 : i32
    %c0_i32_0 = arith.constant 0 : i32
    return %arg0, %c0_i32 : i32, i32
  }
  func.func @transform_8(%arg0: i32) -> (i32, i32) {
    %c0_i32 = arith.constant 0 : i32
    %c0_i32_0 = arith.constant 0 : i32
    return %arg0, %c0_i32 : i32, i32
  }
}

module attributes {stable_mosaic.version = 14 : i64} {
  func.func @_node_proj_body(%arg0: i32, %arg1: memref<2000x128xf32, #tpu.memory_space<vmem>>, %arg2: memref<128x128xf32, #tpu.memory_space<vmem>>, %arg3: memref<1x128xf32, #tpu.memory_space<vmem>>, %arg4: memref<128x128xf32, #tpu.memory_space<vmem>>, %arg5: memref<1x128xf32, #tpu.memory_space<vmem>>, %arg6: memref<128x128xf32, #tpu.memory_space<vmem>>, %arg7: memref<1x128xf32, #tpu.memory_space<vmem>>, %arg8: memref<128x128xf32, #tpu.memory_space<vmem>>, %arg9: memref<1x128xf32, #tpu.memory_space<vmem>>, %arg10: memref<2000x128xf32, #tpu.memory_space<vmem>>, %arg11: memref<2000x128xf32, #tpu.memory_space<vmem>>, %arg12: memref<2000x128xf32, #tpu.memory_space<vmem>>, %arg13: memref<2000x128xf32, #tpu.memory_space<vmem>>) attributes {dimension_semantics = [#tpu.dimension_semantics<arbitrary>], iteration_bounds = array<i64: 5>, scalar_prefetch = 0 : i64, scratch_operands = 0 : i64, tpu.core_type = #tpu.core_type<tc>, window_params = [{transform_indices = @transform_0, window_bounds = array<i64: 2000, 128>}, {pipeline_mode = #tpu.pipeline_mode<synchronous>, transform_indices = @transform_1, window_bounds = array<i64: 128, 128>}, {pipeline_mode = #tpu.pipeline_mode<synchronous>, transform_indices = @transform_2, window_bounds = array<i64: 1, 128>}, {pipeline_mode = #tpu.pipeline_mode<synchronous>, transform_indices = @transform_3, window_bounds = array<i64: 128, 128>}, {pipeline_mode = #tpu.pipeline_mode<synchronous>, transform_indices = @transform_4, window_bounds = array<i64: 1, 128>}, {pipeline_mode = #tpu.pipeline_mode<synchronous>, transform_indices = @transform_5, window_bounds = array<i64: 128, 128>}, {pipeline_mode = #tpu.pipeline_mode<synchronous>, transform_indices = @transform_6, window_bounds = array<i64: 1, 128>}, {pipeline_mode = #tpu.pipeline_mode<synchronous>, transform_indices = @transform_7, window_bounds = array<i64: 128, 128>}, {pipeline_mode = #tpu.pipeline_mode<synchronous>, transform_indices = @transform_8, window_bounds = array<i64: 1, 128>}, {transform_indices = @transform_9, window_bounds = array<i64: 2000, 128>}, {transform_indices = @transform_10, window_bounds = array<i64: 2000, 128>}, {transform_indices = @transform_11, window_bounds = array<i64: 2000, 128>}, {transform_indices = @transform_12, window_bounds = array<i64: 2000, 128>}]} {
    %get3A = arith.constant 0 : index
    %get3A_0 = arith.constant 0 : index
    %get3A_1 = vector.load %arg1[%get3A, %get3A_0] : memref<2000x128xf32, #tpu.memory_space<vmem>>, vector<2000x128xf32>
    %get3A_2 = arith.constant 0 : index
    %get3A_3 = arith.constant 0 : index
    %get3A_4 = vector.load %arg2[%get3A_2, %get3A_3] : memref<128x128xf32, #tpu.memory_space<vmem>>, vector<128x128xf32>
    %dot_general3A = arith.constant dense<0.000000e+00> : vector<2000x128xf32>
    %dot_general3A_5 = tpu.matmul %get3A_1, %get3A_4, %dot_general3A {dimension_numbers = #tpu.dot_dimension_numbers<[1], [0], [0], [1], [0, 0, 1, 1], [], []>, transpose_lhs_hint = false} : vector<2000x128xf32>, vector<128x128xf32>, vector<2000x128xf32> -> vector<2000x128xf32>
    %get3A_6 = arith.constant 0 : index
    %get3A_7 = arith.constant 0 : index
    %get3A_8 = vector.load %arg3[%get3A_6, %get3A_7] : memref<1x128xf32, #tpu.memory_space<vmem>>, vector<1x128xf32>
    %add3A = vector.broadcast %get3A_8 : vector<1x128xf32> to vector<2000x128xf32>
    %add3A_9 = arith.addf %dot_general3A_5, %add3A : vector<2000x128xf32>
    %swap3A = arith.constant 0 : index
    %swap3A_10 = arith.constant 0 : index
    %swap3A_11 = vector.load %arg10[%swap3A, %swap3A_10] : memref<2000x128xf32, #tpu.memory_space<vmem>>, vector<2000x128xf32>
    tpu.vector_store %arg10[%swap3A, %swap3A_10], %add3A_9 {strides = array<i32>} : memref<2000x128xf32, #tpu.memory_space<vmem>>, vector<2000x128xf32>,
    %get3A_12 = arith.constant 0 : index
    %get3A_13 = arith.constant 0 : index
    %get3A_14 = vector.load %arg4[%get3A_12, %get3A_13] : memref<128x128xf32, #tpu.memory_space<vmem>>, vector<128x128xf32>
    %dot_general3A_15 = arith.constant dense<0.000000e+00> : vector<2000x128xf32>
    %dot_general3A_16 = tpu.matmul %get3A_1, %get3A_14, %dot_general3A_15 {dimension_numbers = #tpu.dot_dimension_numbers<[1], [0], [0], [1], [0, 0, 1, 1], [], []>, transpose_lhs_hint = false} : vector<2000x128xf32>, vector<128x128xf32>, vector<2000x128xf32> -> vector<2000x128xf32>
    %get3A_17 = arith.constant 0 : index
    %get3A_18 = arith.constant 0 : index
    %get3A_19 = vector.load %arg5[%get3A_17, %get3A_18] : memref<1x128xf32, #tpu.memory_space<vmem>>, vector<1x128xf32>
    %add3A_20 = vector.broadcast %get3A_19 : vector<1x128xf32> to vector<2000x128xf32>
    %add3A_21 = arith.addf %dot_general3A_16, %add3A_20 : vector<2000x128xf32>
    %swap3A_22 = arith.constant 0 : index
    %swap3A_23 = arith.constant 0 : index
    %swap3A_24 = vector.load %arg11[%swap3A_22, %swap3A_23] : memref<2000x128xf32, #tpu.memory_space<vmem>>, vector<2000x128xf32>
    tpu.vector_store %arg11[%swap3A_22, %swap3A_23], %add3A_21 {strides = array<i32>} : memref<2000x128xf32, #tpu.memory_space<vmem>>, vector<2000x128xf32>,
    %get3A_25 = arith.constant 0 : index
    %get3A_26 = arith.constant 0 : index
    %get3A_27 = vector.load %arg6[%get3A_25, %get3A_26] : memref<128x128xf32, #tpu.memory_space<vmem>>, vector<128x128xf32>
    %dot_general3A_28 = arith.constant dense<0.000000e+00> : vector<2000x128xf32>
    %dot_general3A_29 = tpu.matmul %get3A_1, %get3A_27, %dot_general3A_28 {dimension_numbers = #tpu.dot_dimension_numbers<[1], [0], [0], [1], [0, 0, 1, 1], [], []>, transpose_lhs_hint = false} : vector<2000x128xf32>, vector<128x128xf32>, vector<2000x128xf32> -> vector<2000x128xf32>
    %get3A_30 = arith.constant 0 : index
    %get3A_31 = arith.constant 0 : index
    %get3A_32 = vector.load %arg7[%get3A_30, %get3A_31] : memref<1x128xf32, #tpu.memory_space<vmem>>, vector<1x128xf32>
    %add3A_33 = vector.broadcast %get3A_32 : vector<1x128xf32> to vector<2000x128xf32>
    %add3A_34 = arith.addf %dot_general3A_29, %add3A_33 : vector<2000x128xf32>
    %swap3A_35 = arith.constant 0 : index
    %swap3A_36 = arith.constant 0 : index
    %swap3A_37 = vector.load %arg12[%swap3A_35, %swap3A_36] : memref<2000x128xf32, #tpu.memory_space<vmem>>, vector<2000x128xf32>
    tpu.vector_store %arg12[%swap3A_35, %swap3A_36], %add3A_34 {strides = array<i32>} : memref<2000x128xf32, #tpu.memory_space<vmem>>, vector<2000x128xf32>,
    %get3A_38 = arith.constant 0 : index
    %get3A_39 = arith.constant 0 : index
    %get3A_40 = vector.load %arg8[%get3A_38, %get3A_39] : memref<128x128xf32, #tpu.memory_space<vmem>>, vector<128x128xf32>
    %dot_general3A_41 = arith.constant dense<0.000000e+00> : vector<2000x128xf32>
    %dot_general3A_42 = tpu.matmul %get3A_1, %get3A_40, %dot_general3A_41 {dimension_numbers = #tpu.dot_dimension_numbers<[1], [0], [0], [1], [0, 0, 1, 1], [], []>, transpose_lhs_hint = false} : vector<2000x128xf32>, vector<128x128xf32>, vector<2000x128xf32> -> vector<2000x128xf32>
    %get3A_43 = arith.constant 0 : index
    %get3A_44 = arith.constant 0 : index
    %get3A_45 = vector.load %arg9[%get3A_43, %get3A_44] : memref<1x128xf32, #tpu.memory_space<vmem>>, vector<1x128xf32>
    %add3A_46 = vector.broadcast %get3A_45 : vector<1x128xf32> to vector<2000x128xf32>
    %add3A_47 = arith.addf %dot_general3A_42, %add3A_46 : vector<2000x128xf32>
    %swap3A_48 = arith.constant 0 : index
    %swap3A_49 = arith.constant 0 : index
    %swap3A_50 = vector.load %arg13[%swap3A_48, %swap3A_49] : memref<2000x128xf32, #tpu.memory_space<vmem>>, vector<2000x128xf32>
    tpu.vector_store %arg13[%swap3A_48, %swap3A_49], %add3A_47 {strides = array<i32>} : memref<2000x128xf32, #tpu.memory_space<vmem>>, vector<2000x128xf32>,
    return
  }
  func.func @transform_0(%arg0: i32) -> (i32, i32) {
    %c0_i32 = arith.constant 0 : i32
    %c0_i32_0 = arith.constant 0 : i32
    return %arg0, %c0_i32 : i32, i32
  }
  func.func @transform_1(%arg0: i32) -> (i32, i32) {
    %c0_i32 = arith.constant 0 : i32
    %c0_i32_0 = arith.constant 0 : i32
    %c0_i32_1 = arith.constant 0 : i32
    return %c0_i32, %c0_i32_0 : i32, i32
  }
  func.func @transform_2(%arg0: i32) -> (i32, i32) {
    %c0_i32 = arith.constant 0 : i32
    %c0_i32_0 = arith.constant 0 : i32
    %c0_i32_1 = arith.constant 0 : i32
    return %c0_i32, %c0_i32_0 : i32, i32
  }
  func.func @transform_3(%arg0: i32) -> (i32, i32) {
    %c0_i32 = arith.constant 0 : i32
    %c0_i32_0 = arith.constant 0 : i32
    %c0_i32_1 = arith.constant 0 : i32
    return %c0_i32, %c0_i32_0 : i32, i32
  }
  func.func @transform_4(%arg0: i32) -> (i32, i32) {
    %c0_i32 = arith.constant 0 : i32
    %c0_i32_0 = arith.constant 0 : i32
    %c0_i32_1 = arith.constant 0 : i32
    return %c0_i32, %c0_i32_0 : i32, i32
  }
  func.func @transform_5(%arg0: i32) -> (i32, i32) {
    %c0_i32 = arith.constant 0 : i32
    %c0_i32_0 = arith.constant 0 : i32
    %c0_i32_1 = arith.constant 0 : i32
    return %c0_i32, %c0_i32_0 : i32, i32
  }
  func.func @transform_6(%arg0: i32) -> (i32, i32) {
    %c0_i32 = arith.constant 0 : i32
    %c0_i32_0 = arith.constant 0 : i32
    %c0_i32_1 = arith.constant 0 : i32
    return %c0_i32, %c0_i32_0 : i32, i32
  }
  func.func @transform_7(%arg0: i32) -> (i32, i32) {
    %c0_i32 = arith.constant 0 : i32
    %c0_i32_0 = arith.constant 0 : i32
    %c0_i32_1 = arith.constant 0 : i32
    return %c0_i32, %c0_i32_0 : i32, i32
  }
  func.func @transform_8(%arg0: i32) -> (i32, i32) {
    %c0_i32 = arith.constant 0 : i32
    %c0_i32_0 = arith.constant 0 : i32
    %c0_i32_1 = arith.constant 0 : i32
    return %c0_i32, %c0_i32_0 : i32, i32
  }
  func.func @transform_9(%arg0: i32) -> (i32, i32) {
    %c0_i32 = arith.constant 0 : i32
    %c0_i32_0 = arith.constant 0 : i32
    return %arg0, %c0_i32 : i32, i32
  }
  func.func @transform_10(%arg0: i32) -> (i32, i32) {
    %c0_i32 = arith.constant 0 : i32
    %c0_i32_0 = arith.constant 0 : i32
    return %arg0, %c0_i32 : i32, i32
  }
  func.func @transform_11(%arg0: i32) -> (i32, i32) {
    %c0_i32 = arith.constant 0 : i32
    %c0_i32_0 = arith.constant 0 : i32
    return %arg0, %c0_i32 : i32, i32
  }
  func.func @transform_12(%arg0: i32) -> (i32, i32) {
    %c0_i32 = arith.constant 0 : i32
    %c0_i32_0 = arith.constant 0 : i32
    return %arg0, %c0_i32 : i32, i32
  }
}

module attributes {stable_mosaic.version = 14 : i64} {
  func.func @_finalize_body(%arg0: i32, %arg1: memref<2x2x2000x144xf32, #tpu.memory_space<vmem>>, %arg2: memref<1x256xf32, #tpu.memory_space<vmem>>, %arg3: memref<2000x256xf32, #tpu.memory_space<vmem>>) attributes {dimension_semantics = [#tpu.dimension_semantics<arbitrary>], iteration_bounds = array<i64: 5>, scalar_prefetch = 0 : i64, scratch_operands = 0 : i64, tpu.core_type = #tpu.core_type<tc>, window_params = [{transform_indices = @transform_0, window_bounds = array<i64: 2, 2, 2000, 144>}, {pipeline_mode = #tpu.pipeline_mode<synchronous>, transform_indices = @transform_1, window_bounds = array<i64: 1, 256>}, {transform_indices = @transform_2, window_bounds = array<i64: 2000, 256>}]} {
    %get3A = arith.constant 0 : index
    %get3A_0 = arith.constant 0 : index
    %get3A_1 = arith.constant 0 : index
    %get3A_2 = arith.constant 0 : index
    %get3A_3 = vector.load %arg1[%get3A, %get3A_0, %get3A_1, %get3A_2] : memref<2x2x2000x144xf32, #tpu.memory_space<vmem>>, vector<2x2x2000x144xf32>
    %slice3A = vector.extract_strided_slice %get3A_3 {offsets = [0, 0, 0, 0], sizes = [1, 1, 2000, 144], strides = [1, 1, 1, 1]} : vector<2x2x2000x144xf32> to vector<1x1x2000x144xf32>
    %squeeze3A = vector.shape_cast %slice3A : vector<1x1x2000x144xf32> to vector<2000x144xf32>
    %slice3A_4 = vector.extract_strided_slice %get3A_3 {offsets = [0, 1, 0, 0], sizes = [1, 1, 2000, 144], strides = [1, 1, 1, 1]} : vector<2x2x2000x144xf32> to vector<1x1x2000x144xf32>
    %squeeze3A_5 = vector.shape_cast %slice3A_4 : vector<1x1x2000x144xf32> to vector<2000x144xf32>
    %add3A = arith.addf %squeeze3A, %squeeze3A_5 : vector<2000x144xf32>
    %slice3A_6 = vector.extract_strided_slice %get3A_3 {offsets = [1, 0, 0, 0], sizes = [1, 1, 2000, 144], strides = [1, 1, 1, 1]} : vector<2x2x2000x144xf32> to vector<1x1x2000x144xf32>
    %squeeze3A_7 = vector.shape_cast %slice3A_6 : vector<1x1x2000x144xf32> to vector<2000x144xf32>
    %slice3A_8 = vector.extract_strided_slice %get3A_3 {offsets = [1, 1, 0, 0], sizes = [1, 1, 2000, 144], strides = [1, 1, 1, 1]} : vector<2x2x2000x144xf32> to vector<1x1x2000x144xf32>
    %squeeze3A_9 = vector.shape_cast %slice3A_8 : vector<1x1x2000x144xf32> to vector<2000x144xf32>
    %add3A_10 = arith.addf %squeeze3A_7, %squeeze3A_9 : vector<2000x144xf32>
    %slice3A_11 = vector.extract_strided_slice %add3A {offsets = [0, 0], sizes = [2000, 128], strides = [1, 1]} : vector<2000x144xf32> to vector<2000x128xf32>
    %slice3A_12 = vector.extract_strided_slice %add3A {offsets = [0, 128], sizes = [2000, 1], strides = [1, 1]} : vector<2000x144xf32> to vector<2000x1xf32>
    %add3A_13 = arith.constant 1.000000e-16 : f32
    %add3A_14 = vector.broadcast %add3A_13 : f32 to vector<2000x1xf32>
    %add3A_15 = arith.addf %slice3A_12, %add3A_14 : vector<2000x1xf32>
    %div3A = vector.broadcast %add3A_15 : vector<2000x1xf32> to vector<2000x128xf32>
    %div3A_16 = arith.divf %slice3A_11, %div3A : vector<2000x128xf32>
    %slice3A_17 = vector.extract_strided_slice %add3A_10 {offsets = [0, 0], sizes = [2000, 128], strides = [1, 1]} : vector<2000x144xf32> to vector<2000x128xf32>
    %slice3A_18 = vector.extract_strided_slice %add3A_10 {offsets = [0, 128], sizes = [2000, 1], strides = [1, 1]} : vector<2000x144xf32> to vector<2000x1xf32>
    %add3A_19 = arith.constant 1.000000e-16 : f32
    %add3A_20 = vector.broadcast %add3A_19 : f32 to vector<2000x1xf32>
    %add3A_21 = arith.addf %slice3A_18, %add3A_20 : vector<2000x1xf32>
    %div3A_22 = vector.broadcast %add3A_21 : vector<2000x1xf32> to vector<2000x128xf32>
    %div3A_23 = arith.divf %slice3A_17, %div3A_22 : vector<2000x128xf32>
    %concatenate3A = tpu.concatenate %div3A_16, %div3A_23 in 1 : vector<2000x128xf32>, vector<2000x128xf32> -> vector<2000x256xf32>
    %get3A_24 = arith.constant 0 : index
    %get3A_25 = arith.constant 0 : index
    %get3A_26 = vector.load %arg2[%get3A_24, %get3A_25] : memref<1x256xf32, #tpu.memory_space<vmem>>, vector<1x256xf32>
    %add3A_27 = vector.broadcast %get3A_26 : vector<1x256xf32> to vector<2000x256xf32>
    %add3A_28 = arith.addf %concatenate3A, %add3A_27 : vector<2000x256xf32>
    %swap3A = arith.constant 0 : index
    %swap3A_29 = arith.constant 0 : index
    %swap3A_30 = vector.load %arg3[%swap3A, %swap3A_29] : memref<2000x256xf32, #tpu.memory_space<vmem>>, vector<2000x256xf32>
    tpu.vector_store %arg3[%swap3A, %swap3A_29], %add3A_28 {strides = array<i32>} : memref<2000x256xf32, #tpu.memory_space<vmem>>, vector<2000x256xf32>,
    return
  }
  func.func @transform_0(%arg0: i32) -> (i32, i32, i32, i32) {
    %c0_i32 = arith.constant 0 : i32
    %c0_i32_0 = arith.constant 0 : i32
    %c0_i32_1 = arith.constant 0 : i32
    %c0_i32_2 = arith.constant 0 : i32
    return %c0_i32, %c0_i32_0, %arg0, %c0_i32_1 : i32, i32, i32, i32
  }
  func.func @transform_1(%arg0: i32) -> (i32, i32) {
    %c0_i32 = arith.constant 0 : i32
    %c0_i32_0 = arith.constant 0 : i32
    %c0_i32_1 = arith.constant 0 : i32
    return %c0_i32, %c0_i32_0 : i32, i32
  }
  func.func @transform_2(%arg0: i32) -> (i32, i32) {
    %c0_i32 = arith.constant 0 : i32
    %c0_i32_0 = arith.constant 0 : i32
    return %arg0, %c0_i32 : i32, i32
  }
}

</mosaic_0001>

<sc_bundles>
// kernel: kernel.6.cloned.1.call-start
scs
__scs_entry_jumppad:
0x0: {  	(pc) =	sbr.rel $0x88, $3  }
0x1: {  	(tag) =	ssettag $0x0;
	lr =	simm.s32 $0x1  }
0x2: {  	[smem:$0x3F8B] =	sst lr;
	_ =	strace $0xD0000000  }
0x3: {  	_ = 	snop  }
0x4: {  	_ = 	snop  }
0x5: {  	_ = 	snop  }
0x6: {  	_ = 	snop  }
0x7: {  	_ = 	snop  }
__scs_overlays_trampoline_lowered:
0x8: {  	[smem:$0x3F9A] =	sst s0  }
0x9: {  	[smem:$0x3F9B] =	sst s1  }
0xa: {  	[smem:$0x3F9C] =	sst s2  }
0xb: {  	[smem:$0x3F9D] =	sst s3  }
0xc: {  	[smem:$0x3F9E] =	sst s4  }
0xd: {  	[smem:$0x3F9F] =	sst s5  }
0xe: {  	[smem:$0x3FA0] =	sst s6  }
0xf: {  	[smem:$0x3FA1] =	sst s7  }
0x10: {  	[smem:$0x3FA2] =	sst s8  }
0x11: {  	[smem:$0x3FA3] =	sst s9;
	s0 =	simm.s32 @!p0 $0x0  }
0x12: {  	s1 =	sld [smem:$0x3F89];
	s0 =	simm.s32 @p0 $0x1  }
0x13: {  	[smem:$0x3FA4] =	sst s0;
	s0 =	simm.s32 @!p1 $0x0  }
0x14: {  	s2 =	sld [smem:$0x3F88];
	s0 =	simm.s32 @p1 $0x1  }
0x15: {  	[smem:$0x3FA5] =	sst s0;
	s0 =	simm.s32 @!p2 $0x0  }
0x16: {  	s3 =	sld [smem:$0x3FDB];
	s0 =	simm.s32 @p2 $0x1  }
0x17: {  	s4 =	simm.s32 $0x1BF5;
	[smem:$0x3FA7] =	sst s0  }
0x18: {  	s0 =	sld [smem:$0x3F8A];
	_ =	swait.ge [sflag:s4], $0x0  }
0x19: {  	s7 =	sld [smem:$0x3F8B]  }
0x1a: {  	s8 =	sadd.s32 $0xFFFFE003, lr  }
0x1b: {  	s9 =	sadd.s32 $0xFFFFFEF7, lr;
	s5 =	simm.s32 $0xFFFFFFFF;
	p2 =	slt.u32 s8, $0xFFFFF086  }
0x1c: {  	p1 =	slt.u32 s9, $0xF7A;
	s5 =	simm.s32 @!p2 $0x0  }
0x1d: {  	s5 =	simm.s32 @p1 $0x1;
	p0 =	seq.s32 s7, s2  }
0x1e: {  	s7 =	smul.u32 @!p0 $0xF7A, s2;
	p2 =	seq.s32 @!p0 s5, $0x0  }
0x1f: {  	s9 =	smul.u32 $0xF7A, s1;
	s8 =	simm.s32 @!p0 $0x1BF5;
	p2 =	por !p2, p0  }
0x20: {  	[sflag:s8] =	ssyncset.s32 @!p0 $0xFFFFF086;
	s6 =	sadd.s32 @!p0 s3, s7;
	s7 =	simm.s32 @!p0 $0x108  }
0x21: {  	s3 =	sadd.s32 s3, s9;
	s6 =	sadd.s32 @!p0 $0x88, s6;
	s7 =	simm.s32 @p2 $0x1082  }
0x22: {  	[simem:s7], [sflag:s8] =	dma.local @!p0 [hbm:s6], $0xF7A  }
0x23: {  	s9 =	sor.u32 $0xD0000000, s2;
	s6 =	simm.s32 $0x108;
	_ =	swait.ge @!p0 [sflag:s8], $0x0  }
0x24: {  	s3 =	sadd.s32 $0x88, s3;
	s6 =	simm.s32 @!p1 $0x1082;
	[sflag:s4] =	ssyncset.s32 $0xFFFFF086  }
0x25: {  	[simem:s6], [sflag:s4] =	dma.local [hbm:s3], $0xF7A  }
0x26: {  	[smem:$0x3F8B] =	sst s1;
	(tag) =	ssettag s2;
	_ =	strace s9  }
0x27: {  	s1 =	sld [smem:$0x3F9B]  }
0x28: {  	s2 =	sld [smem:$0x3F9C]  }
0x29: {  	s4 =	sld [smem:$0x3F9E]  }
0x2a: {  	p0 =	seq.s32 s5, $0x0;
	s5 =	sld [smem:$0x3F9F]  }
0x2b: {  	s6 =	sld [smem:$0x3FA0]  }
0x2c: {  	s7 =	sld [smem:$0x3FA1]  }
0x2d: {  	s3 =	simm.s32 $0x108;
	s8 =	sld [smem:$0x3FA2]  }
0x2e: {  	s3 =	simm.s32 @!p0 $0x1082;
	s9 =	sld [smem:$0x3FA3]  }
0x2f: {  	lr =	sadd.s32 s0, s3;
	s0 =	sld [smem:$0x3F9A]  }
0x30: {  	s3 =	sld [smem:$0x3F9D]  }
0x31: {  	[smem:$0x3FA6] =	sst s10  }
0x32: {  	s10 =	sld [smem:$0x3FA4];
	_ =	sdelay $0x3  }
0x33: {  	p0 =	seq.s32 s10, $0x1;
	s10 =	sld [smem:$0x3FA6];
	_ =	sdelay $0x3  }
0x34: {  	[smem:$0x3FA6] =	sst s10  }
0x35: {  	s10 =	sld [smem:$0x3FA5];
	_ =	sdelay $0x3  }
0x36: {  	p1 =	seq.s32 s10, $0x1;
	s10 =	sld [smem:$0x3FA6];
	_ =	sdelay $0x3  }
0x37: {  	[smem:$0x3FA6] =	sst s10  }
0x38: {  	s10 =	sld [smem:$0x3FA7]  }
0x39: {  	_ = 	snop;
	(pc) =	sbr.ind lr, $3  }
0x3a: {  	_ = 	snop  }
0x3b: {  	_ = 	snop  }
0x3c: {  	p2 =	seq.s32 s10, $0x1;
	s10 =	sld [smem:$0x3FA6]  }
0x3d: {  	_ =	shalt  }
0x3e: {  	_ =	shalt  }
0x3f: {  	_ =	shalt  }
0x40: {  	_ =	shalt  }
0x41: {  	_ =	shalt  }
0x42: {  	_ =	shalt  }
0x43: {  	_ =	shalt  }
0x44: {  	_ =	shalt  }
0x45: {  	_ =	shalt  }
0x46: {  	_ =	shalt  }
0x47: {  	_ =	shalt  }
0x48: {  	_ =	shalt  }
0x49: {  	_ =	shalt  }
0x4a: {  	_ =	shalt  }
0x4b: {  	_ =	shalt  }
0x4c: {  	_ =	shalt  }
0x4d: {  	_ =	shalt  }
0x4e: {  	_ =	shalt  }
0x4f: {  	_ =	shalt  }
0x50: {  	_ =	shalt  }
0x51: {  	_ =	shalt  }
0x52: {  	_ =	shalt  }
0x53: {  	_ =	shalt  }
0x54: {  	_ =	shalt  }
0x55: {  	_ =	shalt  }
0x56: {  	_ =	shalt  }
0x57: {  	_ =	shalt  }
0x58: {  	_ =	shalt  }
0x59: {  	_ =	shalt  }
0x5a: {  	_ =	shalt  }
0x5b: {  	_ =	shalt  }
0x5c: {  	_ =	shalt  }
0x5d: {  	_ =	shalt  }
0x5e: {  	_ =	shalt  }
0x5f: {  	_ =	shalt  }
0x60: {  	_ =	shalt  }
0x61: {  	_ =	shalt  }
0x62: {  	_ =	shalt  }
0x63: {  	_ =	shalt  }
0x64: {  	_ =	shalt  }
0x65: {  	_ =	shalt  }
0x66: {  	_ =	shalt  }
0x67: {  	_ =	shalt  }
0x68: {  	_ =	shalt  }
0x69: {  	_ =	shalt  }
0x6a: {  	_ =	shalt  }
0x6b: {  	_ =	shalt  }
0x6c: {  	_ =	shalt  }
0x6d: {  	_ =	shalt  }
0x6e: {  	_ =	shalt  }
0x6f: {  	_ =	shalt  }
0x70: {  	_ =	shalt  }
0x71: {  	_ =	shalt  }
0x72: {  	_ =	shalt  }
0x73: {  	_ =	shalt  }
0x74: {  	_ =	shalt  }
0x75: {  	_ =	shalt  }
0x76: {  	_ =	shalt  }
0x77: {  	_ =	shalt  }
0x78: {  	_ =	shalt  }
0x79: {  	_ =	shalt  }
0x7a: {  	_ =	shalt  }
0x7b: {  	_ =	shalt  }
0x7c: {  	_ =	shalt  }
0x7d: {  	_ =	shalt  }
0x7e: {  	_ =	shalt  }
0x7f: {  	_ =	shalt  }
0x80: {  	_ =	shalt  }
0x81: {  	_ =	shalt  }
0x82: {  	_ =	shalt  }
0x83: {  	_ =	shalt  }
0x84: {  	_ =	shalt  }
0x85: {  	_ =	shalt  }
0x86: {  	_ =	shalt  }
0x87: {  	_ =	shalt  }
.Lfunc_end0:
.L_simem_size_0:
called_computation_lowered:
.L_overlay_start_0:
0x88: {  	s2 =	sld [smem:$0x3FD9]  }
0x89: {  	s3 =	sld [smem:$0x3FFE];
	_ =	sdelay $0x1  }
0x8a: {  	s1 =	srdreg.scid  }
0x8b: {  	s0 =	sand.u32 $0x1, s1  }
0x8c: {  	s17 =	sshll.u32 s0, $0xA;
	s2 =	sadd.s32 s3, s2  }
0x8d: {  	s2 =	sadd.s32 s2, s17  }
0x8e: {  	[smem:$0x3FB2] =	sst s2  }
0x8f: {  	_ = 	snop  }
0x90: {  	s2 =	sld [smem:$0x3FD0];
	(tm) =	ssettm $0x1  }
0x91: {  	s18 =	sld [smem:$0x3FFB];
	_ =	sdelay $0x3  }
0x92: {  	_ =	strace s18  }
0x93: {  	s3 =	sld [smem:$0x3FFC];
	_ =	sdelay $0x3  }
0x94: {  	_ =	strace s3  }
0x95: {  	s3 =	sld [smem:$0x3FFD];
	_ =	sdelay $0x3  }
0x96: {  	_ =	strace s3  }
0x97: {  	_ =	strace $0x8FFFFFFF  }
0x98: {  	s19 =	sld [smem:$0x3FDB];
	_ =	sdelay $0x1  }
0x99: {  	s4 =	simm.s32 $_scs_section_size  }
0x9a: {  	s5 =	simm.s32 $_size__tile_overlayer_lowered;
	s6 =	simm.s32 $_tile_overlayer_lowered  }
0x9b: {  	s22 =	simm.s32 $0x1BFF;
	s21 =	sshll.u32 s6, $0x1;
	s3 =	sadd.s32 s4, s19  }
0x9c: {  	s7 =	simm.s32 $0x0;
	s20 =	sshll.u32 s5, $0x1;
	s5 =	sadd.s32 s21, s3  }
0x9d: {  	[timem:s7], [sflag:s22] =	dma.local [hbm:s5], s20  }
0x9e: {  	_ =	swait.ge [sflag:s22], s20  }
0x9f: {  	s4 =	ssub.s32 $0x0, s20;
	[sflag:s22] =	ssyncset.done $0x0  }
0xa0: {  	[sflag:s22] =	ssyncadd.s32 s4;
	_ =	sdelay $0x1  }
0xa1: {  	s23 =	simm.s32 $0x1B8B  }
0xa2: {  	_ =	swait.ge [sflag:s23], $0x1  }
0xa3: {  	[sflag:s23] =	ssyncset.done $0x0  }
0xa4: {  	s25 =	simm.s32 $0x1B8E;
	s24 =	sld [smem:$0x3FFE];
	[sflag:s23] =	ssyncadd.s32 $0xFFFFFFFF  }
0xa5: {  	s26 =	simm.s32 $execute0_lowered;
	[smem:$0x3FD2] =	sst s25  }
0xa6: {  	s5 =	sshll.u32 s26, $0x1;
	_ =	strace $0x80000046;
	[dreg:$0x1] =	wrdreg $0xFFFFFFFF  }
0xa7: {  	s28 =	simm.s32 $_size_execute0_lowered;
	s3 =	sadd.s32 s3, s5;
	[dreg:$0x0] =	wrdreg $0x0  }
0xa8: {  	s5 =	sshll.u32 s28, $0x1;
	[dreg:$0x2] =	wrdreg s3  }
0xa9: {  	[dreg:$0x3] =	wrdreg s5  }
0xaa: {  	[dreg:$0x4] =	wrdreg $0xC0  }
0xab: {  	_ =	task [dreg:s7], $0x5FFFF  }
0xac: {  	[dreg:$0x1] =	wrdreg $0xFFFFFFFF  }
0xad: {  	[dreg:$0x0] =	wrdreg $0x60  }
0xae: {  	[dreg:$0x2] =	wrdreg s24  }
0xaf: {  	[dreg:$0x3] =	wrdreg s2  }
0xb0: {  	[dreg:$0x4] =	wrdreg $0x7FE00  }
0xb1: {  	[dreg:$0x5] =	wrdreg $0x9  }
0xb2: {  	_ =	task.clear_ibuf [dreg:s7], $0x6FFFF;
	_ =	strace $0x90000046  }
0xb3: {  	s29 =	simm.s32 $0x9;
	_ =	strace $0x80000048  }
0xb4: {  	_ =	swait.ge [sflag:s29], $0x1  }
0xb5: {  	[sflag:s29] =	ssyncadd.s32 $0xFFFFFFFF  }
0xb6: {  	_ =	strace $0x90000048  }
0xb7: {  	_ =	sfence  }
0xb8: {  	s30 =	sld [smem:$0x0];
	_ =	sdelay $0x2  }
0xb9: {  	s31 =	sshll.u32 s1, $0xD;
	s1 =	sshrl.u32 s1, $0x2  }
0xba: {  	s3 =	sand.u32 $0x4000, s31;
	s1 =	sadd.s32 s1, s30  }
0xbb: {  	s0 =	sor.u32 s3, s0;
	s1 =	sshll.u32 s1, $0x11  }
0xbc: {  	s0 =	sor.u32 s1, s0  }
0xbd: {  	s0 =	sadd.s32 $0x8F2B, s0  }
0xbe: {  	[sflag:s0] =	ssyncadd.remote.s32 $0x1  }
0xbf: {  	_ =	sfence.sel $0xFFFF  }
0xc0: {  	[dreg:$0x0] =	wrdreg $0xFFFFFFFF;
	(pc) =	sbr.abs _section_cstart, $3  }
0xc1: {  	[dreg:$0x1] =	wrdreg $0xFFFFFFFF  }
0xc2: {  	_ =	task.clear_ibuf [dreg:s7], $0x2FFFF;
	_ =	strace $0x9FFFFFFF  }
0xc3: {  	(tm) =	ssettm $0x7FFFFFFF  }
tec
execute0_lowered:
.L_overlay_start_1:
0x0: {  	(tag) =	ssettag $0x1  }
0x1: {  	s0 =	rddreg [dreg:$0x0]  }
0x2: {  	s1 =	rddreg [dreg:$0x1]  }
0x3: {  	s2 =	rddreg [dreg:$0x2]  }
0x4: {  	s3 =	simm.s32 $0x0;
	s19 =	srdreg.scid;
	s11 =	stileid.u32  }
0x5: {  	s28 =	simm.s32 $0x1;
	s29 =	simm.s32 $0x50;
	s30 =	simm.s32 $0x2E0  }
0x6: {  	s31 =	simm.s32 $0x2AE0;
	[smem:$0x7FF] =	sst s3;
	s4 =	sadd.s32 $0xCE00, s0  }
0x7: {  	s6 =	sadd.s32 $0x3000, s0;
	s7 =	sadd.s32 $0x16C00, s0;
	s5 =	sadd.s32 $0x20A00, s0  }
0x8: {  	s9 =	sadd.s32 $0x20C00, s0;
	s8 =	smul.u32 $0x16800, s11;
	s10 =	sadd.s32 $0x9C7000, s0  }
0x9: {  	s13 =	sshll.u32 s11, $0x1;
	s11 =	sadd.s32 $0x47E00, s0;
	s26 =	sadd.s32 $0x96200, s0  }
0xa: {  	_ =	strace $0x80000047;
	[dreg:$0x4] =	wrdreg s5;
	s5 =	sand.u32 $0x1, s19  }
0xb: {  	s12 =	sadd.s32 $0x6F000, s0;
	[dreg:$0x5] =	wrdreg s26;
	s14 =	smul.u32 $0x168000, s5  }
0xc: {  	s15 =	sor.u32 s5, s13;
	s13 =	sadd.s32 $0xEA9000, s0;
	s5 =	ssub.s32 $0x2, s5  }
0xd: {  	s20 =	sshrl.u32 s5, $0x1;
	s16 =	sadd.s32 s8, s14;
	s14 =	smul.u32 $0x2710, s15  }
0xe: {  	s19 =	smul.u32 $0x7D, s15;
	s5 =	ssub.s32 s5, s20;
	s8 =	sadd.s32 s8, s2  }
0xf: {  	[dreg:$0x6] =	wrdreg s8;
	s25 =	smax.u32 s5, $0x1;
	s17 =	sshrl.u32 s14, $0x3  }
0x10: {  	s16 =	sshrl.u32 s16, $0x3;
	[dreg:$0xc] =	wrdreg s25;
	s21 =	sadd.s32 s4, s17  }
0x11: {  	s0 =	sadd.s32 s16, s0;
	s22 =	sadd.s32 s6, s17;
	[dreg:$0x7] =	wrdreg s21  }
0x12: {  	s15 =	simm.s32 $0x0;
	s23 =	sadd.s32 $0x99000, s0;
	[dreg:$0x8] =	wrdreg s22  }
0x13: {  	s5 =	simm.s32 $0x52E0;
	s24 =	sadd.s32 s7, s17;
	[dreg:$0x9] =	wrdreg s23  }
0x14: {  	v2 =	vimm.s32 $0x0;
	vm0 =	vcmask $0x300;
	s25 =	simm.s32 $0x4;
	s0 =	sadd.s32 $0xF3000, s0;
	[dreg:$0xa] =	wrdreg s24  }
0x15: {  	v53 =	vlaneseq.u32;
	v52 =	vsel vm0, $0x3, v2;
	[dreg:$0xb] =	wrdreg s0;
	s24 =	simm.s32 $0x1E0;
	s0 =	simm.s32 $0x2  }
.LBB2_1:
0x16: {  	[dreg:$0xd] =	wrdreg s15  }
0x17: {  	s8 =	rddreg [dreg:$0x4]  }
0x18: {  	[tilespmem:s24], [sflag:$0x4] =	stream.linear.gather [hbm4b:s8+s3], $0x100, $0x38;
	[tilespmem:$0x1E7E0] =	vst v63  }
0x19: {  	_ =	swait.ge [sflag:s25], $0x100  }
0x1a: {  	[sflag:s25] =	ssyncset.done $0x0  }
0x1b: {  	v0 =	vimm.f32 $0.0e+00;
	[sflag:s25] =	ssyncadd.s32 $0xFFFFFF00  }
0x1c: {  	[tilespmem:$0x5360] =	vst v0  }
0x1d: {  	[tilespmem:$0x53F0] =	vst v0  }
0x1e: {  	[tilespmem:$0x5480] =	vst v0  }
0x1f: {  	[tilespmem:$0x5510] =	vst v0  }
0x20: {  	[tilespmem:$0x55A0] =	vst v0  }
0x21: {  	[tilespmem:$0x5630] =	vst v0  }
0x22: {  	[tilespmem:$0x56C0] =	vst v0  }
0x23: {  	[tilespmem:$0x5750] =	vst v0  }
0x24: {  	[tilespmem:$0x57E0] =	vst v0  }
0x25: {  	[tilespmem:$0x5870] =	vst v0  }
0x26: {  	[tilespmem:$0x5900] =	vst v0  }
0x27: {  	[tilespmem:$0x5990] =	vst v0  }
0x28: {  	[tilespmem:$0x5A20] =	vst v0  }
0x29: {  	[tilespmem:$0x5AB0] =	vst v0  }
0x2a: {  	[tilespmem:$0x5B40] =	vst v0  }
0x2b: {  	[tilespmem:$0x5BD0] =	vst v0  }
0x2c: {  	[tilespmem:$0x5C60] =	vst v0  }
0x2d: {  	[tilespmem:$0x5CF0] =	vst v0  }
0x2e: {  	[tilespmem:$0x5D80] =	vst v0  }
0x2f: {  	[tilespmem:$0x5E10] =	vst v0  }
0x30: {  	[tilespmem:$0x5EA0] =	vst v0  }
0x31: {  	[tilespmem:$0x5F30] =	vst v0  }
0x32: {  	[tilespmem:$0x5FC0] =	vst v0  }
0x33: {  	[tilespmem:$0x6050] =	vst v0  }
0x34: {  	[tilespmem:$0x60E0] =	vst v0  }
0x35: {  	[tilespmem:$0x6170] =	vst v0  }
0x36: {  	[tilespmem:$0x6200] =	vst v0  }
0x37: {  	[tilespmem:$0x6290] =	vst v0  }
0x38: {  	[tilespmem:$0x6320] =	vst v0  }
0x39: {  	[tilespmem:$0x63B0] =	vst v0  }
0x3a: {  	[tilespmem:$0x6440] =	vst v0  }
0x3b: {  	[tilespmem:$0x64D0] =	vst v0  }
0x3c: {  	[tilespmem:$0x6560] =	vst v0  }
0x3d: {  	[tilespmem:$0x65F0] =	vst v0  }
0x3e: {  	[tilespmem:$0x6680] =	vst v0  }
0x3f: {  	[tilespmem:$0x6710] =	vst v0  }
0x40: {  	[tilespmem:$0x67A0] =	vst v0  }
0x41: {  	[tilespmem:$0x6830] =	vst v0  }
0x42: {  	[tilespmem:$0x68C0] =	vst v0  }
0x43: {  	[tilespmem:$0x6950] =	vst v0  }
0x44: {  	[tilespmem:$0x69E0] =	vst v0  }
0x45: {  	[tilespmem:$0x6A70] =	vst v0  }
0x46: {  	[tilespmem:$0x6B00] =	vst v0  }
0x47: {  	[tilespmem:$0x6B90] =	vst v0  }
0x48: {  	[tilespmem:$0x6C20] =	vst v0  }
0x49: {  	[tilespmem:$0x6CB0] =	vst v0  }
0x4a: {  	[tilespmem:$0x6D40] =	vst v0  }
0x4b: {  	[tilespmem:$0x6DD0] =	vst v0  }
0x4c: {  	[tilespmem:$0x6E60] =	vst v0  }
0x4d: {  	[tilespmem:$0x6EF0] =	vst v0  }
0x4e: {  	[tilespmem:$0x6F80] =	vst v0  }
0x4f: {  	[tilespmem:$0x7010] =	vst v0  }
0x50: {  	[tilespmem:$0x70A0] =	vst v0  }
0x51: {  	[tilespmem:$0x7130] =	vst v0  }
0x52: {  	[tilespmem:$0x71C0] =	vst v0  }
0x53: {  	[tilespmem:$0x7250] =	vst v0  }
0x54: {  	[tilespmem:$0x72E0] =	vst v0  }
0x55: {  	[tilespmem:$0x7370] =	vst v0  }
0x56: {  	[tilespmem:$0x7400] =	vst v0  }
0x57: {  	[tilespmem:$0x7490] =	vst v0  }
0x58: {  	[tilespmem:$0x7520] =	vst v0  }
0x59: {  	[tilespmem:$0x75B0] =	vst v0  }
0x5a: {  	[tilespmem:$0x7640] =	vst v0  }
0x5b: {  	[tilespmem:$0x76D0] =	vst v0  }
0x5c: {  	[tilespmem:$0x7760] =	vst v0  }
0x5d: {  	[tilespmem:$0x77F0] =	vst v0  }
0x5e: {  	[tilespmem:$0x7880] =	vst v0  }
0x5f: {  	[tilespmem:$0x7910] =	vst v0  }
0x60: {  	[tilespmem:$0x79A0] =	vst v0  }
0x61: {  	[tilespmem:$0x7A30] =	vst v0  }
0x62: {  	[tilespmem:$0x7AC0] =	vst v0  }
0x63: {  	[tilespmem:$0x7B50] =	vst v0  }
0x64: {  	[tilespmem:$0x7BE0] =	vst v0  }
0x65: {  	[tilespmem:$0x7C70] =	vst v0  }
0x66: {  	[tilespmem:$0x7D00] =	vst v0  }
0x67: {  	s17 =	stileid.u32;
	[tilespmem:$0x7D90] =	vst v0  }
0x68: {  	s18 =	sshll.u32 s17, $0x6;
	[tilespmem:$0x7E20] =	vst v0  }
0x69: {  	s15 =	sor.u32 $0x1C04, s18;
	s20 =	rddreg [dreg:$0x6];
	[tilespmem:$0x7EB0] =	vst v0  }
0x6a: {  	[dreg:$0xe] =	wrdreg s15;
	s8 =	sshrl.u32 s20, $0x3;
	[tilespmem:$0x7F40] =	vst v0  }
0x6b: {  	[tilespmem:$0x7FD0] =	vst v0;
	[dreg:$0xf] =	wrdreg s8  }
0x6c: {  	[spmem:s8], [sflag:s15] =	dma.local [hbm:s26], $0x2D00  }
0x6d: {  	_ =	swait.ge [sflag:s25], $0x2D00  }
0x6e: {  	[sflag:s25] =	ssyncset.done $0x0  }
0x6f: {  	[sflag:s25] =	ssyncadd.s32 $0xFFFFD300  }
0x70: {  	[bflag:$0x0] =	sbarrier.arrive $0xFFFF  }
0x71: {  	s21 =	rddreg [dreg:$0x7]  }
0x72: {  	[tilespmem:s3], [sflag:$0x1] =	stream.linear.gather [hbm4b:s21+s3], $0x50, $0x38;
	[tilespmem:$0x1E7E0] =	vst v63  }
0x73: {  	s23 =	simm.s32 $0xA0;
	s15 =	simm.s32 $0x0;
	s22 =	rddreg [dreg:$0x8]  }
0x74: {  	[tilespmem:s23], [sflag:$0x1] =	stream.linear.gather [hbm4b:s22+s3], $0x50, $0x38;
	[tilespmem:$0x1E7E0] =	vst v63  }
.LBB2_2:
0x75: {  	_ =	swait.ge [sflag:s28], $0x50  }
0x76: {  	[sflag:s28] =	ssyncset.done $0x0  }
0x77: {  	[sflag:s28] =	ssyncadd.s32 $0xFFFFFFB0  }
0x78: {  	_ =	swait.ge [sflag:s28], $0x50  }
0x79: {  	p0 =	seq.s32 s15, $0x0;
	[sflag:s28] =	ssyncset.done $0x0  }
0x7a: {  	s17 =	simm.s32 @!p0 $0x3;
	[sflag:s28] =	ssyncadd.s32 $0xFFFFFFB0  }
0x7b: {  	s16 =	sand.u32 $0x1, s15;
	_ =	swait.ge @!p0 [sflag:s17], $0x2D00  }
0x7c: {  	s23 =	sadd.s32 s19, s15;
	s18 =	smul.u32 $0x50, s16;
	[sflag:s17] =	ssyncset.done @!p0 $0x0  }
0x7d: {  	[sflag:s17] =	ssyncadd.s32 @!p0 $0xFFFFD300;
	s17 =	smul.u32 $0x500, s23  }
0x7e: {  	[tilespmem:s30], [sflag:$0x2] =	stream.indirect.gather [hbm4b:s1+s29], $0x80, s18, s29, $0xb8;
	[tilespmem:$0x1E7E0] =	vst v63  }
0x7f: {  	s20 =	simm.s32 $0x10;
	s21 =	sadd.s32 $0xA0, s18;
	s18 =	sadd.s32 s10, s17  }
0x80: {  	[tilespmem:s31], [sflag:$0x2] =	stream.indirect.gather [hbm4b:s9+s29], $0x80, s21, s29, $0xb8;
	[tilespmem:$0x1E7E0] =	vst v63  }
0x81: {  	s22 =	simm.s32 $0x5370;
	s17 =	simm.s32 $0x52E0;
	s23 =	sadd.s32 $0x0, s18  }
.LBB2_3:
0x82: {  	[tilespmem:s17], [sflag:$0x2] =	stream.linear.gather [hbm4b:s23+s3], $0x80, $0x38;
	[tilespmem:$0x1E7E0] =	vst v63  }
0x83: {  	s23 =	smov.u32 s20;
	s17 =	smov.u32 s22;
	p0 =	sne.s32 s20, $0x4F0  }
.Ltmp0:
0x84: {  	s20 =	sadd.s32 $0x10, s20;
	(pc) =	sbr.rel @p0 .LBB2_3-.Ltmp0, $2  }
0x85: {  	_ =	sdelay $0x2  }
0x86: {  	s22 =	sadd.s32 $0x90, s22;
	s23 =	sadd.s32 s23, s18  }
0x87: {  	s22 =	sadd.s32 $0x1, s15;
	p0 =	seq.s32 s15, $0x7C  }
0x88: {  	s15 =	smul.u32 @!p0 $0x50, s22  }
0x89: {  	[tilespmem:s17], [sflag:$0x2] =	stream.linear.gather [hbm4b:s23+s3], $0x80, $0x38;
	[tilespmem:$0x1E7E0] =	vst v63  }
0x8a: {  	s16 =	sxor.u32 @!p0 $0x1, s16;
	s15 =	sadd.s32 @!p0 s14, s15  }
0x8b: {  	s16 =	smul.u32 @!p0 $0x50, s16;
	s15 =	sshrl.u32 @!p0 s15, $0x3  }
0x8c: {  	s18 =	simm.s32 @!p0 $0x0;
	s17 =	sadd.s32 @!p0 s4, s15  }
0x8d: {  	[tilespmem:s16], [sflag:$0x1] =	stream.linear.gather @!p0 [hbm4b:s17+s18], $0x50, $0x38;
	[tilespmem:$0x1E7E0] =	vst v63  }
0x8e: {  	s15 =	sadd.s32 @!p0 s6, s15;
	s16 =	sadd.s32 @!p0 $0xA0, s16  }
0x8f: {  	[tilespmem:s16], [sflag:$0x1] =	stream.linear.gather @!p0 [hbm4b:s15+s18], $0x50, $0x38;
	[tilespmem:$0x1E7E0] =	vst v63  }
0x90: {  	_ =	swait.ge [sflag:s0], $0x2800  }
0x91: {  	[sflag:s0] =	ssyncset.done $0x0  }
0x92: {  	[sflag:s0] =	ssyncadd.s32 $0xFFFFD800  }
0x93: {  	_ =	swait.ge [sflag:s0], $0x2800  }
0x94: {  	[sflag:s0] =	ssyncset.done $0x0  }
0x95: {  	[sflag:s0] =	ssyncadd.s32 $0xFFFFD800  }
0x96: {  	_ =	swait.ge [sflag:s0], $0x2800  }
0x97: {  	[sflag:s0] =	ssyncset.done $0x0  }
0x98: {  	s23 =	simm.s32 $0x0;
	[sflag:s0] =	ssyncadd.s32 $0xFFFFD800  }
.LBB2_5:
0x99: {  	s15 =	simm.s32 $0x0  }
0x9a: {  	v3 =	vmov s15  }
0x9b: {  	v3 =	vshrl.u32 v3, $0x3  }
0x9c: {  	s18 =	sshll.u32 s23, $0x4;
	v3 =	vshll.u32 v3, v52  }
0x9d: {  	v4 =	vor.u32 s18, v53;
	v19 =	vbroadcast v3, $0x0  }
0x9e: {  	v47 =	vshll.u32 v4, $0x7  }
0x9f: {  	v59 =	vmul.u32 $0x90, v4;
	v4 =	vor.u32 $0x6, v47;
	v20 =	vor.u32 v47, v19  }
0xa0: {  	v6 =	vor.u32 $0x1, v47;
	v9 =	vadd.s32 v4, v19  }
0xa1: {  	s20 =	simm.s32 $0x8;
	v10 =	vor.u32 $0x7, v59;
	v12 =	vadd.s32 v6, v19  }
0xa2: {  	v3 =	vmov s20;
	v0 =	vor.u32 $0x2, v59;
	v14 =	vadd.s32 v10, v19  }
0xa3: {  	v5 =	vshrl.u32 v3, $0x3;
	v3 =	vor.u32 $0x1, v59;
	v15 =	vadd.s32 v0, v19  }
0xa4: {  	v11 =	vor.u32 $0x7, v47;
	v18 =	vadd.s32 v3, v19;
	v23 =	vld.idx.msk [tilespmem:v20+s31+$0x0], $0xffff  }
0xa5: {  	v28 =	vadd.s32 v11, v19;
	v24 =	vld.idx.msk [tilespmem:v9+s30+$0x0], $0xffff  }
0xa6: {  	v25 =	vld.idx.msk [tilespmem:v12+s30+$0x0], $0xffff  }
0xa7: {  	v7 =	vor.u32 $0x4, v47;
	v27 =	vld.idx.msk [tilespmem:v14+s5+$0x0], $0xffff  }
0xa8: {  	s8 =	simm.s32 $0xA;
	v42 =	vadd.s32 v7, v19;
	v29 =	vld.idx.msk [tilespmem:v15+s5+$0x0], $0xffff  }
0xa9: {  	v54 =	vmov s8;
	v5 =	vshll.u32 v5, v52;
	v34 =	vld.idx.msk [tilespmem:v18+s5+$0x0], $0xffff  }
0xaa: {  	v21 =	vbroadcast v5, $0x0;
	v5 =	vshrl.u32 v54, $0x3;
	v37 =	vld.idx.msk [tilespmem:v28+s30+$0x0], $0xffff  }
0xab: {  	v46 =	vadd.s32 v59, v19;
	v5 =	vshll.u32 v5, v52;
	v28 =	vld.idx.msk [tilespmem:v28+s31+$0x0], $0xffff  }
0xac: {  	s16 =	simm.s32 $0xB;
	v16 =	vadd.s32 v47, v21;
	v22 =	vbroadcast v5, $0x0;
	v41 =	vld.idx.msk [tilespmem:v9+s31+$0x0], $0xffff  }
0xad: {  	v17 =	vmov s16;
	v2 =	vor.u32 $0x2, v47;
	v55 =	vld.idx.msk [tilespmem:v42+s31+$0x0], $0xffff  }
0xae: {  	v17 =	vshrl.u32 v17, $0x3;
	v26 =	vadd.s32 v2, v22;
	v42 =	vld.idx.msk [tilespmem:v42+s30+$0x0], $0xffff  }
0xaf: {  	v15 =	vadd.s32 v59, v21;
	v20 =	vld.idx.msk [tilespmem:v20+s30+$0x0], $0xffff  }
0xb0: {  	v56 =	vor.u32 $0x4, v59;
	v46 =	vld.idx.msk [tilespmem:v46+s5+$0x0], $0xffff  }
0xb1: {  	v57 =	vadd.s32 v56, v19;
	v14 =	vshll.u32 v17, v52;
	v17 =	vmov v2;
	v31 =	vld.idx.msk [tilespmem:v16+s31+$0x0], $0xffff  }
0xb2: {  	v2 =	vor.u32 $0x3, v47;
	v35 =	vadd.s32 v17, v19;
	v32 =	vld.idx.msk [tilespmem:v16+s30+$0x0], $0xffff  }
0xb3: {  	v18 =	vadd.s32 v2, v19;
	v36 =	vld.idx.msk [tilespmem:v26+s31+$0x0], $0xffff  }
0xb4: {  	v30 =	vbroadcast v14, $0x0;
	v38 =	vld.idx.msk [tilespmem:v15+s5+$0x0], $0xffff  }
0xb5: {  	v1 =	vor.u32 $0x5, v47;
	v63 =	vor.u32 $0x3, v59;
	v26 =	vld.idx.msk [tilespmem:v26+s30+$0x0], $0xffff  }
0xb6: {  	v50 =	vor.u32 $0x5, v59;
	s20 =	simm.s32 $0xE;
	v33 =	vadd.s32 v2, v30;
	v20 =	vadd.f32 v23, v20;
	v23 =	vld.idx.msk [tilespmem:v57+s5+$0x0], $0xffff  }
0xb7: {  	v49 =	vmov s20;
	v61 =	vor.u32 $0x7, v19;
	v62 =	vor.u32 $0x2, v19;
	v40 =	vld.idx.msk [tilespmem:v35+s30+$0x0], $0xffff  }
0xb8: {  	v48 =	vadd.s32 v1, v19;
	v15 =	vadd.s32 v63, v19;
	v28 =	vadd.f32 v28, v37;
	v43 =	vld.idx.msk [tilespmem:v18+s30+$0x0], $0xffff  }
0xb9: {  	v5 =	vor.u32 $0x6, v59;
	v58 =	vadd.s32 v63, v30;
	v30 =	vor.u32 $0x3, v30;
	v44 =	vld.idx.msk [tilespmem:v18+s31+$0x0], $0xffff  }
0xba: {  	s16 =	simm.s32 $0xC;
	v24 =	vadd.f32 v41, v24;
	v41 =	vor.u32 $0x1, v19;
	v35 =	vld.idx.msk [tilespmem:v35+s31+$0x0], $0xffff;
	v27 =	vadd.f32 v27, v28  }
0xbb: {  	s17 =	simm.s32 $0x9;
	v37 =	vadd.f32 v55, v42;
	v55 =	vmov s16;
	v39 =	vld.idx.msk [tilespmem:v33+s31+$0x0], $0xffff;
	v31 =	vadd.f32 v31, v32  }
0xbc: {  	v57 =	vmov s17;
	v46 =	vadd.f32 v46, v20;
	v33 =	vld.idx.msk [tilespmem:v33+s30+$0x0], $0xffff;
	v60 =	vmul.f32 $2.000000030e-01, v27  }
0xbd: {  	v45 =	vld.idx.msk [tilespmem:v15+s5+$0x0], $0xffff;
	v31 =	vadd.f32 v38, v31;
	v38 =	vor.u32 $0x5, v19;
	v26 =	vadd.f32 v36, v26  }
0xbe: {  	v15 =	vmovc v0;
	v0 =	vld.idx.msk [tilespmem:v12+s31+$0x0], $0xffff;
	v36 =	vshrl.u32 v57, $0x3;
	v23 =	vadd.f32 v23, v37;
	v43 =	vadd.f32 v44, v43  }
0xbf: {  	v44 =	vor.u32 $0x3, v19;
	v28 =	vadd.s32 v15, v22;
	v35 =	vadd.f32 v35, v40  }
0xc0: {  	v27 =	vmax.f32 v27, v60;
	v40 =	vld.idx.msk [tilespmem:v58+s5+$0x0], $0xffff;
	v60 =	vshll.u32 v36, v52;
	v53 =	vmul.f32 $2.000000030e-01, v31  }
0xc1: {  	v32 =	vld.idx.msk [tilespmem:v62+s24+$0x0], $0xffff;
	v22 =	vor.u32 $0x2, v22;
	v36 =	vbroadcast v60, $0x0;
	v57 =	vmul.f32 $2.000000030e-01, v23  }
0xc2: {  	v29 =	vadd.f32 v29, v35;
	v33 =	vadd.f32 v39, v33;
	v35 =	vld.idx.msk [tilespmem:v61+s24+$0x0], $0xffff;
	v61 =	vmul.f32 $2.000000030e-01, v46  }
0xc3: {  	v39 =	vld.idx.msk [tilespmem:v19+s24+$0x0], $0xffff;
	v31 =	vmax.f32 v31, v53;
	v23 =	vmax.f32 v23, v57;
	v25 =	vadd.f32 v0, v25  }
0xc4: {  	v0 =	vadd.s32 v50, v19;
	v43 =	vadd.f32 v45, v43;
	v20 =	vmul.f32 $2.000000030e-01, v29;
	v28 =	vld.idx.msk [tilespmem:v28+s5+$0x0], $0xffff  }
0xc5: {  	v45 =	vor.u32 $0x6, v19;
	v53 =	vmax.f32 v46, v61;
	v40 =	vadd.f32 v40, v33;
	v44 =	vld.idx.msk [tilespmem:v44+s24+$0x0], $0xffff  }
0xc6: {  	v51 =	vld.idx.msk [tilespmem:v30+s24+$0x0], $0xffff;
	v25 =	vadd.f32 v34, v25;
	v29 =	vmax.f32 v29, v20;
	v20 =	vadd.s32 v5, v19  }
0xc7: {  	v41 =	vld.idx.msk [tilespmem:v41+s24+$0x0], $0xffff;
	v34 =	vor.u32 $0x4, v19;
	v58 =	vmul.f32 $2.000000030e-01, v43;
	v46 =	vmul.f32 v29, v32  }
0xc8: {  	s18 =	simm.s32 $0xD;
	v8 =	vld.idx.msk [tilespmem:v38+s24+$0x0], $0xffff;
	v29 =	vadd.s32 v6, v36;
	v39 =	vmul.f32 v53, v39;
	v54 =	vmul.f32 $2.000000030e-01, v25  }
0xc9: {  	v61 =	vld.idx.msk [tilespmem:v21+s24+$0x0], $0xffff;
	v37 =	vmax.f32 v43, v58;
	v26 =	vadd.f32 v28, v26;
	v28 =	vmov s18  }
0xca: {  	v22 =	vld.idx.msk [tilespmem:v22+s24+$0x0], $0xffff;
	v25 =	vmax.f32 v25, v54;
	v38 =	vmul.f32 v37, v44;
	v28 =	vshrl.u32 v28, $0x3  }
0xcb: {  	[tilespmem:$0x1FF70] =	vst v6;
	v62 =	vld.idx.msk [tilespmem:v20+s5+$0x0], $0xffff;
	v20 =	vmul.f32 v27, v35;
	v28 =	vshll.u32 v28, v52;
	v27 =	vmul.f32 $2.000000030e-01, v26  }
0xcc: {  	[tilespmem:$0x1FF80] =	vst v1;
	v54 =	vld.idx.msk [tilespmem:v48+s31+$0x0], $0xffff;
	v25 =	vmul.f32 v25, v41;
	v32 =	vbroadcast v28, $0x0;
	v28 =	vshrl.u32 v49, $0x3  }
0xcd: {  	[tilespmem:$0x1FF90] =	vst v4;
	v34 =	vld.idx.msk [tilespmem:v34+s24+$0x0], $0xffff;
	v33 =	vmax.f32 v26, v27;
	v26 =	vimm.f32 $0.0e+00;
	v27 =	vshrl.u32 v55, $0x3  }
0xce: {  	v55 =	vld.idx.msk [tilespmem:v48+s30+$0x0], $0xffff;
	v28 =	vshll.u32 v28, v52;
	v48 =	vadd.s32 v1, v32;
	v27 =	vshll.u32 v27, v52  }
0xcf: {  	[tilespmem:$0x1FFA0] =	vst v7;
	v0 =	vld.idx.msk [tilespmem:v0+s5+$0x0], $0xffff;
	v58 =	vbroadcast v28, $0x0;
	v28 =	vmul.f32 $2.000000030e-01, v40;
	v60 =	vadd.s32 v50, v32  }
0xd0: {  	[tilespmem:$0x1FFF0] =	vst v10;
	v45 =	vld.idx.msk [tilespmem:v45+s24+$0x0], $0xffff;
	v26 =	vadd.f32 v39, v26;
	v24 =	vadd.f32 v62, v24;
	v1 =	vbroadcast v27, $0x0  }
0xd1: {  	[tilespmem:$0x1FFB0] =	vst v3;
	v35 =	vld.idx.msk [tilespmem:v29+s30+$0x0], $0xffff;
	v14 =	vor.u32 $0x5, v32;
	v32 =	vmul.f32 v31, v61;
	v27 =	vadd.s32 v4, v58  }
0xd2: {  	[tilespmem:$0x1FFC0] =	vst v5;
	v41 =	vld.idx.msk [tilespmem:v29+s31+$0x0], $0xffff;
	v42 =	vmul.f32 v23, v34;
	v39 =	vadd.s32 v7, v1;
	v23 =	vmul.f32 $2.000000030e-01, v24  }
0xd3: {  	v62 =	vmax.f32 v40, v28;
	v40 =	vadd.s32 v56, v1;
	v30 =	vadd.f32 v54, v55;
	v28 =	vld.idx.msk [tilespmem:v48+s31+$0x0], $0xffff  }
0xd4: {  	[tilespmem:$0x1FF60] =	vst v2;
	v29 =	vor.u32 $0x4, v1;
	v16 =	vmul.f32 v62, v51;
	v37 =	vld.idx.msk [tilespmem:v48+s30+$0x0], $0xffff;
	v24 =	vmax.f32 v24, v23  }
0xd5: {  	v23 =	vadd.s32 v5, v58;
	v34 =	vadd.f32 v0, v30;
	v0 =	vadd.f32 v25, v26;
	v30 =	vld.idx.msk [tilespmem:v60+s5+$0x0], $0xffff  }
0xd6: {  	[tilespmem:$0x1FFE0] =	vst v17;
	v2 =	vmovc v52;
	v25 =	vor.u32 $0x1, v36;
	v36 =	vadd.s32 v3, v36;
	v26 =	vor.u32 $0x6, v58;
	v31 =	vld.idx.msk [tilespmem:v27+s30+$0x0], $0xffff  }
0xd7: {  	s15 =	simm.s32 $0x1F;
	s17 =	simm.s32 $0xF;
	[tilespmem:$0x1FFD0] =	vst v15;
	v44 =	vmul.f32 v24, v45;
	v49 =	vadd.f32 v46, v0;
	v43 =	vmul.f32 $2.000000030e-01, v34;
	v45 =	vld.idx.msk [tilespmem:v39+s30+$0x0], $0xffff  }
.LBB2_6:
0xd8: {  	s16 =	sadd.s32 $0xFFFFFFF1, s15  }
0xd9: {  	v61 =	vmov s16  }
0xda: {  	v19 =	vshrl.u32 v61, $0x3  }
0xdb: {  	v34 =	vmax.f32 v34, v43;
	v19 =	vshll.u32 v19, v2  }
0xdc: {  	v52 =	vmul.f32 v34, v8;
	v34 =	vbroadcast v19, $0x0;
	_ =	sdelay $0x1  }
0xdd: {  	v0 =	vadd.s32 v59, v34  }
0xde: {  	[tilespmem:$0x1FE90] =	vst v0;
	v0 =	vld.idx.msk [tilespmem:v14+s24+$0x0], $0xffff  }
0xdf: {  	v60 =	vld.idx.msk [tilespmem:v39+s31+$0x0], $0xffff  }
0xe0: {  	v36 =	vld.idx.msk [tilespmem:v36+s5+$0x0], $0xffff  }
0xe1: {  	v40 =	vld.idx.msk [tilespmem:v40+s5+$0x0], $0xffff  }
0xe2: {  	v27 =	vld.idx.msk [tilespmem:v27+s31+$0x0], $0xffff  }
0xe3: {  	s20 =	sadd.s32 $0xFFFFFFF9, s15;
	v25 =	vld.idx.msk [tilespmem:v25+s24+$0x0], $0xffff;
	[tilespmem:$0x1FE80] =	vst v0;
	v0 =	vor.u32 $0x3, v34  }
0xe4: {  	v46 =	vmov s20;
	v19 =	vadd.f32 v41, v35;
	v41 =	vor.u32 v47, v34;
	[tilespmem:$0x1FEA0] =	vst v0;
	v0 =	vld.idx.msk [tilespmem:v34+s24+$0x0], $0xffff  }
0xe5: {  	v12 =	vld [tilespmem:$0x1FF60];
	v62 =	vshrl.u32 v46, $0x3  }
0xe6: {  	v29 =	vld.idx.msk [tilespmem:v29+s24+$0x0], $0xffff;
	v4 =	vshll.u32 v62, v2;
	v43 =	vmul.f32 v33, v22;
	v22 =	vmov s17  }
0xe7: {  	v23 =	vld.idx.msk [tilespmem:v23+s5+$0x0], $0xffff;
	s17 =	smov.u32 s15;
	v28 =	vadd.f32 v28, v37;
	v22 =	vshrl.u32 v22, $0x3;
	v21 =	vadd.s32 v56, v34  }
0xe8: {  	v3 =	vld [tilespmem:$0x1FF70];
	s20 =	sadd.s32 $0xFFFFFFFB, s17;
	s8 =	sadd.s32 $0xFFFFFFFC, s17;
	v33 =	vadd.f32 v60, v45;
	v60 =	vadd.f32 v38, v49;
	v53 =	vshll.u32 v22, v2  }
0xe9: {  	v22 =	vbroadcast v4, $0x0;
	v5 =	vmov s20;
	v39 =	vmov s8;
	[tilespmem:$0x1FF20] =	vst v0;
	v0 =	vld.idx.msk [tilespmem:v41+s31+$0x0], $0xffff  }
0xea: {  	v24 =	vld [tilespmem:$0x1FFA0];
	v46 =	vadd.s32 v17, v34;
	v49 =	vadd.s32 v50, v34;
	v19 =	vadd.f32 v36, v19  }
0xeb: {  	v37 =	vld.idx.msk [tilespmem:v26+s24+$0x0], $0xffff;
	v51 =	vadd.f32 v30, v28;
	v30 =	vor.u32 $0x1, v34;
	v48 =	vadd.s32 v12, v34  }
0xec: {  	v36 =	vadd.s32 v10, v34;
	v1 =	vadd.s32 v15, v34;
	v4 =	vld.idx.msk [tilespmem:v21+s5+$0x0], $0xffff;
	v21 =	vmul.f32 $2.000000030e-01, v19  }
0xed: {  	v26 =	vmovc v50;
	v50 =	vld [tilespmem:$0x1FF90];
	v55 =	vadd.s32 v3, v34;
	v54 =	vshrl.u32 v5, $0x3;
	v5 =	vbroadcast v53, $0x0  }
0xee: {  	v62 =	vld [tilespmem:$0x1FFB0];
	v39 =	vshrl.u32 v39, $0x3;
	v21 =	vmax.f32 v19, v21;
	[tilespmem:$0x1FEC0] =	vst v0;
	v0 =	vor.u32 $0x6, v34  }
0xef: {  	v6 =	vld.idx.msk [tilespmem:v49+s5+$0x0], $0xffff;
	v8 =	vmul.f32 v21, v25;
	v25 =	vadd.s32 v11, v5;
	[tilespmem:$0x1FED0] =	vst v0;
	v0 =	vor.u32 $0x4, v34  }
0xf0: {  	v45 =	vor.u32 $0x5, v34;
	v40 =	vadd.f32 v40, v33;
	v21 =	vshll.u32 v39, v2;
	[tilespmem:$0x1FEF0] =	vst v0;
	v0 =	vld.idx.msk [tilespmem:v30+s24+$0x0], $0xffff  }
0xf1: {  	v60 =	vadd.f32 v42, v60;
	v54 =	vshll.u32 v54, v2;
	v49 =	vld.idx.msk [tilespmem:v1+s5+$0x0], $0xffff;
	v1 =	vbroadcast v21, $0x0  }
0xf2: {  	v54 =	vbroadcast v54, $0x0;
	v61 =	vadd.s32 v50, v34;
	v33 =	vld.idx.msk [tilespmem:v36+s5+$0x0], $0xffff;
	v36 =	vadd.s32 v10, v5  }
0xf3: {  	v53 =	vld [tilespmem:$0x1FF80];
	[tilespmem:$0x1FF00] =	vst v4;
	v12 =	vadd.s32 v12, v1;
	v30 =	vadd.s32 v63, v1;
	v1 =	vor.u32 $0x3, v1  }
0xf4: {  	v42 =	vmov v47;
	v4 =	vadd.s32 v47, v22;
	v47 =	vld.idx.msk [tilespmem:v25+s30+$0x0], $0xffff;
	[tilespmem:$0x1FF10] =	vst v1;
	v1 =	vadd.f32 v52, v60  }
0xf5: {  	v38 =	vmov v59;
	[tilespmem:$0x1FF30] =	vst v0;
	v0 =	vadd.s32 v59, v22;
	v59 =	vadd.s32 v17, v54;
	v17 =	vld.idx.msk [tilespmem:v25+s31+$0x0], $0xffff  }
0xf6: {  	v7 =	vld.idx.msk [tilespmem:v45+s24+$0x0], $0xffff;
	v1 =	vadd.f32 v44, v1  }
0xf7: {  	s18 =	sadd.s32 $0xFFFFFFFA, s15;
	v5 =	vor.u32 $0x7, v5;
	v60 =	vld.idx.msk [tilespmem:v36+s5+$0x0], $0xffff  }
0xf8: {  	v9 =	vmovc v56;
	v27 =	vadd.f32 v27, v31;
	v56 =	vmov s18;
	v45 =	vld.idx.msk [tilespmem:v55+s30+$0x0], $0xffff;
	v1 =	vadd.f32 v20, v1  }
0xf9: {  	v57 =	vadd.s32 v62, v34;
	v14 =	vadd.s32 v15, v54;
	v15 =	vshrl.u32 v56, $0x3;
	v35 =	vld.idx.msk [tilespmem:v61+s30+$0x0], $0xffff  }
0xfa: {  	v19 =	vadd.s32 v24, v34;
	v61 =	vld.idx.msk [tilespmem:v61+s31+$0x0], $0xffff;
	v1 =	vadd.f32 v32, v1;
	v17 =	vadd.f32 v17, v47  }
0xfb: {  	v23 =	vadd.f32 v23, v27;
	v28 =	vmul.f32 $2.000000030e-01, v51;
	v56 =	vld [tilespmem:$0x1FFC0];
	v15 =	vshll.u32 v15, v2  }
0xfc: {  	v15 =	vbroadcast v15, $0x0;
	v5 =	vld.idx.msk [tilespmem:v5+s24+$0x0], $0xffff;
	v1 =	vadd.f32 v8, v1;
	v17 =	vadd.f32 v60, v17  }
0xfd: {  	v27 =	vmul.f32 $2.000000030e-01, v23;
	v51 =	vmax.f32 v51, v28;
	v28 =	vld.idx.msk [tilespmem:v48+s30+$0x0], $0xffff;
	[tilespmem:$0x1FEB0] =	vst v14;
	v14 =	vor.u32 $0x2, v34  }
0xfe: {  	[tilespmem:$0x1FEE0] =	vst v14;
	v14 =	vld.idx.msk [tilespmem:v57+s5+$0x0], $0xffff;
	v36 =	vadd.s32 v62, v15;
	v1 =	vadd.f32 v43, v1;
	v62 =	vmul.f32 $2.000000030e-01, v17  }
0xff: {  	v25 =	vor.u32 $0x1, v15;
	v15 =	vadd.s32 v3, v15;
	v3 =	vadd.f32 v61, v35;
	v35 =	vld.idx.msk [tilespmem:v19+s31+$0x0], $0xffff  }
0x100: {  	s8 =	sadd.s32 $0xFFFFFFFD, s17;
	[tilespmem:$0x1FF40] =	vst v6;
	v6 =	vadd.s32 v11, v34;
	v1 =	vadd.f32 v16, v1;
	v16 =	vld [tilespmem:$0x1FEC0];
	v17 =	vmax.f32 v17, v62  }
0x101: {  	[tilespmem:$0x1FF50] =	vst v7;
	v7 =	vmov s8;
	s8 =	sadd.s32 $0xFFFFFFFF, s17;
	v5 =	vmul.f32 v17, v5;
	v17 =	vld.idx.msk [tilespmem:v19+s30+$0x0], $0xffff  }
0x102: {  	v58 =	vmovc v11;
	v23 =	vmax.f32 v23, v27;
	v7 =	vshrl.u32 v7, $0x3;
	v11 =	vmov s8;
	v19 =	vld.idx.msk [tilespmem:v41+s30+$0x0], $0xffff  }
0x103: {  	s20 =	sadd.s32 $0xFFFFFFFE, s17;
	v39 =	vmul.f32 $2.000000030e-01, v40;
	v7 =	vshll.u32 v7, v2;
	v11 =	vshrl.u32 v11, $0x3;
	v10 =	vld.idx.msk [tilespmem:v4+s31+$0x0], $0xffff  }
0x104: {  	v21 =	vmov s20;
	v11 =	vshll.u32 v11, v2;
	v7 =	vbroadcast v7, $0x0;
	v4 =	vld.idx.msk [tilespmem:v4+s30+$0x0], $0xffff  }
0x105: {  	v57 =	vadd.s32 v53, v34;
	v21 =	vshrl.u32 v21, $0x3;
	v11 =	vbroadcast v11, $0x0;
	v18 =	vld.idx.msk [tilespmem:v6+s30+$0x0], $0xffff  }
0x106: {  	v40 =	vmax.f32 v40, v39;
	v21 =	vshll.u32 v21, v2;
	v6 =	vld.idx.msk [tilespmem:v6+s31+$0x0], $0xffff;
	v39 =	vadd.s32 v24, v7  }
0x107: {  	v27 =	vadd.s32 v50, v11;
	v50 =	vmovc v26;
	v26 =	vor.u32 $0x6, v11;
	v19 =	vadd.f32 v16, v19;
	v16 =	vld [tilespmem:$0x1FED0]  }
0x108: {  	v52 =	vbroadcast v21, $0x0;
	v21 =	vmul.f32 v23, v37;
	v23 =	vadd.s32 v56, v11;
	v11 =	vld.idx.msk [tilespmem:v46+s30+$0x0], $0xffff  }
0x109: {  	v37 =	vmul.f32 v40, v29;
	v40 =	vadd.s32 v9, v7;
	v29 =	vor.u32 $0x4, v7;
	v7 =	vld [tilespmem:$0x1FE80]  }
0x10a: {  	v46 =	vld.idx.msk [tilespmem:v46+s31+$0x0], $0xffff  }
0x10b: {  	v20 =	vadd.s32 v56, v34;
	v56 =	vmov v9;
	v9 =	vld [tilespmem:$0x1FE90]  }
0x10c: {  	v32 =	vld.idx.msk [tilespmem:v12+s31+$0x0], $0xffff  }
0x10d: {  	v13 =	vadd.s32 v63, v34;
	v8 =	vld.idx.msk [tilespmem:v57+s31+$0x0], $0xffff  }
0x10e: {  	v31 =	vld.idx.msk [tilespmem:v59+s31+$0x0], $0xffff  }
0x10f: {  	v4 =	vadd.f32 v10, v4;
	v10 =	vor.u32 $0x2, v54;
	v54 =	vld.idx.msk [tilespmem:v16+s24+$0x0], $0xffff  }
0x110: {  	v16 =	vld [tilespmem:$0x1FEE0]  }
0x111: {  	v0 =	vld.idx.msk [tilespmem:v0+s5+$0x0], $0xffff  }
0x112: {  	v47 =	vld.idx.msk [tilespmem:v13+s5+$0x0], $0xffff  }
0x113: {  	v13 =	vld [tilespmem:$0x1FEB0]  }
0x114: {  	v24 =	vld.idx.msk [tilespmem:v9+s5+$0x0], $0xffff  }
0x115: {  	v7 =	vmul.f32 v51, v7;
	v60 =	vld.idx.msk [tilespmem:v48+s31+$0x0], $0xffff;
	v1 =	vadd.f32 v37, v1  }
0x116: {  	v9 =	vld.idx.msk [tilespmem:v59+s30+$0x0], $0xffff  }
0x117: {  	v44 =	vadd.s32 v53, v52;
	v1 =	vadd.f32 v7, v1;
	v7 =	vld.idx.msk [tilespmem:v55+s31+$0x0], $0xffff  }
0x118: {  	v55 =	vld.idx.msk [tilespmem:v16+s24+$0x0], $0xffff  }
0x119: {  	v16 =	vadd.f32 v24, v19;
	v19 =	vld.idx.msk [tilespmem:v20+s5+$0x0], $0xffff  }
0x11a: {  	v20 =	vld [tilespmem:$0x1FEF0]  }
0x11b: {  	v48 =	vld.idx.msk [tilespmem:v12+s30+$0x0], $0xffff  }
0x11c: {  	v6 =	vadd.f32 v6, v18;
	v18 =	vor.u32 $0x7, v34;
	v37 =	vld.idx.msk [tilespmem:v44+s30+$0x0], $0xffff  }
0x11d: {  	v62 =	vld [tilespmem:$0x1FF40]  }
0x11e: {  	v41 =	vld [tilespmem:$0x1FEA0]  }
0x11f: {  	v9 =	vadd.f32 v31, v9;
	v31 =	vld.idx.msk [tilespmem:v27+s30+$0x0], $0xffff;
	v7 =	vadd.f32 v7, v45  }
0x120: {  	v61 =	vadd.s32 v50, v52;
	v1 =	vadd.f32 v21, v1;
	v21 =	vadd.f32 v60, v28;
	v28 =	vld.idx.msk [tilespmem:v13+s5+$0x0], $0xffff  }
0x121: {  	v7 =	vadd.f32 v14, v7;
	v14 =	vadd.f32 v35, v17;
	v17 =	vld.idx.msk [tilespmem:v18+s24+$0x0], $0xffff  }
0x122: {  	v24 =	vld.idx.msk [tilespmem:v20+s24+$0x0], $0xffff  }
0x123: {  	v6 =	vadd.f32 v33, v6;
	v20 =	vld [tilespmem:$0x1FF00]  }
0x124: {  	v13 =	vld.idx.msk [tilespmem:v30+s5+$0x0], $0xffff  }
0x125: {  	v0 =	vadd.f32 v0, v4;
	v30 =	vld.idx.msk [tilespmem:v61+s5+$0x0], $0xffff;
	v12 =	vadd.f32 v47, v21;
	v21 =	vmul.f32 $2.000000030e-01, v6  }
0x126: {  	v45 =	vld.idx.msk [tilespmem:v39+s30+$0x0], $0xffff;
	v9 =	vadd.f32 v28, v9  }
0x127: {  	v11 =	vadd.f32 v46, v11;
	v6 =	vmax.f32 v6, v21;
	v18 =	vmul.f32 $2.000000030e-01, v0;
	v35 =	vld.idx.msk [tilespmem:v15+s30+$0x0], $0xffff  }
0x128: {  	v14 =	vadd.f32 v20, v14;
	v20 =	vmul.f32 v6, v17;
	v6 =	vmul.f32 $2.000000030e-01, v9;
	v17 =	vld [tilespmem:$0x1FF10]  }
0x129: {  	v4 =	vadd.f32 v32, v48;
	v0 =	vmax.f32 v0, v18;
	v18 =	vld.idx.msk [tilespmem:v57+s30+$0x0], $0xffff  }
0x12a: {  	v11 =	vadd.f32 v49, v11;
	v21 =	vmul.f32 $2.000000030e-01, v7;
	v33 =	vmax.f32 v9, v6;
	v6 =	vld [tilespmem:$0x1FF20]  }
0x12b: {  	v1 =	vadd.f32 v5, v1;
	v4 =	vadd.f32 v13, v4;
	v5 =	vld.idx.msk [tilespmem:v41+s24+$0x0], $0xffff  }
0x12c: {  	v60 =	vmul.f32 $2.000000030e-01, v11;
	v7 =	vmax.f32 v7, v21;
	v21 =	vmul.f32 $2.000000030e-01, v16;
	v9 =	vld [tilespmem:$0x1FF30]  }
0x12d: {  	v51 =	vmul.f32 $2.000000030e-01, v12;
	v41 =	vld.idx.msk [tilespmem:v15+s31+$0x0], $0xffff;
	v28 =	vmul.f32 $2.000000030e-01, v4  }
0x12e: {  	v11 =	vmax.f32 v11, v60;
	v15 =	vld [tilespmem:$0x1FFD0];
	v8 =	vadd.f32 v8, v18;
	v16 =	vmax.f32 v16, v21  }
0x12f: {  	v12 =	vmax.f32 v12, v51;
	v4 =	vmax.f32 v4, v28;
	v21 =	vld.idx.msk [tilespmem:v22+s24+$0x0], $0xffff;
	v6 =	vmul.f32 v16, v6  }
0x130: {  	p0 =	sne.s32 s15, $0x7F;
	v34 =	vadd.f32 v62, v8;
	v11 =	vmul.f32 v11, v55;
	v3 =	vadd.f32 v19, v3;
	v17 =	vld.idx.msk [tilespmem:v17+s24+$0x0], $0xffff  }
.Ltmp1:
0x131: {  	v28 =	vld.idx.msk [tilespmem:v44+s31+$0x0], $0xffff;
	v13 =	vmul.f32 $2.000000030e-01, v14;
	v7 =	vmul.f32 v7, v9;
	v1 =	vadd.f32 v6, v1;
	(pc) =	sbr.rel @p0 .LBB2_6-.Ltmp1, $4  }
0x132: {  	v53 =	vor.u32 $0x5, v52;
	v59 =	vmovc v38;
	v38 =	vmul.f32 v12, v5;
	v8 =	vld [tilespmem:$0x1FF50];
	v6 =	vmul.f32 $2.000000030e-01, v3  }
0x133: {  	v47 =	vmovc v42;
	v43 =	vmul.f32 $2.000000030e-01, v34;
	v22 =	vld.idx.msk [tilespmem:v10+s24+$0x0], $0xffff;
	v9 =	vmax.f32 v14, v13;
	v1 =	vadd.f32 v7, v1  }
0x134: {  	v10 =	vld [tilespmem:$0x1FFF0];
	v32 =	vmul.f32 v0, v21;
	v14 =	vmovc v53;
	v42 =	vmul.f32 v9, v24;
	v3 =	vmax.f32 v3, v6  }
0x135: {  	s15 =	sadd.s32 $0x10, s15;
	v44 =	vmul.f32 v3, v54;
	v49 =	vadd.f32 v11, v1;
	v11 =	vmovc v58;
	v16 =	vmul.f32 v4, v17;
	v17 =	vld [tilespmem:$0x1FFE0]  }
0x136: {  	_ =	sdelay $0x2  }
0x137: {  	v0 =	vmov s17  }
0x138: {  	v3 =	vld.idx.msk [tilespmem:v36+s5+$0x0], $0xffff;
	v1 =	vadd.f32 v38, v49;
	v0 =	vshrl.u32 v0, $0x3  }
0x139: {  	v4 =	vmax.f32 v34, v43;
	v0 =	vshll.u32 v0, v2  }
0x13a: {  	v10 =	vld [tilespmem:$0x1FFF0];
	v4 =	vmul.f32 v4, v8;
	v0 =	vbroadcast v0, $0x0;
	v1 =	vadd.f32 v42, v1  }
0x13b: {  	v5 =	vadd.f32 v41, v35  }
0x13c: {  	v6 =	vld.idx.msk [tilespmem:v39+s31+$0x0], $0xffff;
	v7 =	vadd.s32 v11, v0;
	v1 =	vadd.f32 v4, v1  }
0x13d: {  	v4 =	vld.idx.msk [tilespmem:v25+s24+$0x0], $0xffff;
	v3 =	vadd.f32 v3, v5  }
0x13e: {  	v5 =	vld.idx.msk [tilespmem:v40+s5+$0x0], $0xffff;
	v1 =	vadd.f32 v44, v1  }
0x13f: {  	v8 =	vld.idx.msk [tilespmem:v27+s31+$0x0], $0xffff;
	v10 =	vadd.s32 v10, v0;
	v9 =	vmul.f32 $2.000000030e-01, v3  }
0x140: {  	v11 =	vld.idx.msk [tilespmem:v23+s5+$0x0], $0xffff;
	v1 =	vadd.f32 v20, v1  }
0x141: {  	v6 =	vadd.f32 v6, v45;
	v3 =	vmax.f32 v3, v9;
	v9 =	vld.idx.msk [tilespmem:v7+s31+$0x0], $0xffff  }
0x142: {  	v3 =	vmul.f32 v3, v4;
	v4 =	vld.idx.msk [tilespmem:v7+s30+$0x0], $0xffff;
	v1 =	vadd.f32 v32, v1  }
0x143: {  	v12 =	vadd.f32 v28, v37;
	v13 =	vld.idx.msk [tilespmem:v29+s24+$0x0], $0xffff;
	v0 =	vor.u32 $0x7, v0;
	v5 =	vadd.f32 v5, v6  }
0x144: {  	v8 =	vadd.f32 v8, v31;
	v7 =	vmul.f32 v33, v22;
	v10 =	vld.idx.msk [tilespmem:v10+s5+$0x0], $0xffff;
	v1 =	vadd.f32 v3, v1  }
0x145: {  	v37 =	vld.idx.msk [tilespmem:v14+s24+$0x0], $0xffff;
	v6 =	vadd.f32 v30, v12;
	v12 =	vmul.f32 $2.000000030e-01, v5  }
0x146: {  	v8 =	vadd.f32 v11, v8;
	v1 =	vadd.f32 v7, v1  }
0x147: {  	v14 =	vmul.f32 $2.000000030e-01, v6;
	v5 =	vmax.f32 v5, v12;
	v7 =	vld.idx.msk [tilespmem:v26+s24+$0x0], $0xffff;
	v4 =	vadd.f32 v9, v4  }
0x148: {  	v5 =	vmul.f32 v5, v13;
	v1 =	vadd.f32 v16, v1  }
0x149: {  	v0 =	vld.idx.msk [tilespmem:v0+s24+$0x0], $0xffff;
	v6 =	vmax.f32 v6, v14;
	v9 =	vmul.f32 $2.000000030e-01, v8;
	v4 =	vadd.f32 v10, v4  }
0x14a: {  	v3 =	vmul.f32 v6, v37;
	v1 =	vadd.f32 v5, v1  }
0x14b: {  	v5 =	vmax.f32 v8, v9;
	v6 =	vmul.f32 $2.000000030e-01, v4  }
0x14c: {  	v5 =	vmul.f32 v5, v7;
	v1 =	vadd.f32 v3, v1  }
0x14d: {  	v38 =	vmax.f32 v4, v6  }
0x14e: {  	v0 =	vmul.f32 v38, v0;
	v1 =	vadd.f32 v5, v1;
	_ =	sdelay $0x1  }
0x14f: {  	v0 =	vadd.f32 v0, v1;
	_ =	sdelay $0x1  }
0x150: {  	v0 =	vmul.f32 $1.442695020e+00, v0;
	_ =	sdelay $0x1  }
0x151: {  	s15 =	simm.s32 $0x0;
	(erf) = vpow2.f32 v0  }
0x152: {  	v39 =	vmov s15  }
0x153: {  	v0 =	vshrl.u32 v39, $0x3  }
0x154: {  	v0 =	vshll.u32 v0, v2  }
0x155: {  	v0 =	vbroadcast v0, $0x0  }
0x156: {  	v40 =	vadd.s32 $0x80, v59  }
0x157: {  	v41 =	vor.u32 v47, v0;
	_ =	sdelay $0x2  }
0x158: {  	v12 =	vld [tilespmem:$0x1FF70];
	v19 =	vpop (erf)  }
0x159: {  	[tilespmem:v40+s5+$0x0] =	vst.idx.msk $0xffff, v19  }
0x15a: {  	v1 =	vld.idx.msk [tilespmem:v41+s30+$0x0], $0xffff;
	_ =	sdelay $0x1  }
0x15b: {  	v42 =	vadd.s32 v59, v0  }
0x15c: {  	v4 =	vadd.s32 v12, v0;
	_ =	sdelay $0x1  }
0x15d: {  	v7 =	vld [tilespmem:$0x1FFB0];
	v1 =	vmul.f32 v1, v19;
	_ =	sdelay $0x1  }
0x15e: {  	[tilespmem:v42+s5+$0x0] =	vst.idx.msk $0xffff, v1  }
0x15f: {  	v1 =	vld.idx.msk [tilespmem:v4+s30+$0x0], $0xffff;
	_ =	sdelay $0x1  }
0x160: {  	v43 =	vadd.s32 v7, v0  }
0x161: {  	v4 =	vadd.s32 v17, v0;
	_ =	sdelay $0x1  }
0x162: {  	v1 =	vmul.f32 v1, v19  }
0x163: {  	v9 =	vld [tilespmem:$0x1FF60]  }
0x164: {  	[tilespmem:v43+s5+$0x0] =	vst.idx.msk $0xffff, v1  }
0x165: {  	v1 =	vld.idx.msk [tilespmem:v4+s30+$0x0], $0xffff;
	_ =	sdelay $0x1  }
0x166: {  	v44 =	vadd.s32 v15, v0  }
0x167: {  	v4 =	vadd.s32 v9, v0;
	_ =	sdelay $0x1  }
0x168: {  	v1 =	vmul.f32 v1, v19  }
0x169: {  	v14 =	vld [tilespmem:$0x1FFA0]  }
0x16a: {  	[tilespmem:v44+s5+$0x0] =	vst.idx.msk $0xffff, v1  }
0x16b: {  	v1 =	vld.idx.msk [tilespmem:v4+s30+$0x0], $0xffff;
	_ =	sdelay $0x1  }
0x16c: {  	v45 =	vadd.s32 v63, v0  }
0x16d: {  	v4 =	vadd.s32 v14, v0;
	_ =	sdelay $0x1  }
0x16e: {  	v1 =	vmul.f32 v1, v19  }
0x16f: {  	v13 =	vld [tilespmem:$0x1FF80]  }
0x170: {  	[tilespmem:v45+s5+$0x0] =	vst.idx.msk $0xffff, v1  }
0x171: {  	v1 =	vld.idx.msk [tilespmem:v4+s30+$0x0], $0xffff;
	_ =	sdelay $0x1  }
0x172: {  	v46 =	vadd.s32 v56, v0  }
0x173: {  	v4 =	vadd.s32 v13, v0;
	_ =	sdelay $0x1  }
0x174: {  	v1 =	vmul.f32 v1, v19  }
0x175: {  	v6 =	vld [tilespmem:$0x1FF90]  }
0x176: {  	[tilespmem:v46+s5+$0x0] =	vst.idx.msk $0xffff, v1  }
0x177: {  	v1 =	vld.idx.msk [tilespmem:v4+s30+$0x0], $0xffff;
	_ =	sdelay $0x1  }
0x178: {  	v48 =	vadd.s32 v50, v0  }
0x179: {  	v4 =	vadd.s32 v6, v0;
	_ =	sdelay $0x1  }
0x17a: {  	v8 =	vld [tilespmem:$0x1FFC0];
	v1 =	vmul.f32 v1, v19;
	_ =	sdelay $0x1  }
0x17b: {  	[tilespmem:v48+s5+$0x0] =	vst.idx.msk $0xffff, v1  }
0x17c: {  	v1 =	vld.idx.msk [tilespmem:v4+s30+$0x0], $0xffff;
	_ =	sdelay $0x1  }
0x17d: {  	v49 =	vadd.s32 v8, v0  }
0x17e: {  	v4 =	vadd.s32 v58, v0;
	_ =	sdelay $0x1  }
0x17f: {  	s16 =	simm.s32 $0x8;
	v10 =	vld [tilespmem:$0x1FFF0];
	v1 =	vmul.f32 v1, v19  }
0x180: {  	v5 =	vmov s16  }
0x181: {  	v51 =	vshrl.u32 v5, $0x3;
	[tilespmem:v49+s5+$0x0] =	vst.idx.msk $0xffff, v1  }
0x182: {  	v1 =	vshll.u32 v51, v2;
	v3 =	vld.idx.msk [tilespmem:v4+s30+$0x0], $0xffff  }
0x183: {  	v1 =	vbroadcast v1, $0x0  }
0x184: {  	v0 =	vadd.s32 v10, v0  }
0x185: {  	v4 =	vadd.s32 v47, v1;
	_ =	sdelay $0x1  }
0x186: {  	s17 =	simm.s32 $0x9;
	v3 =	vmul.f32 v3, v19  }
0x187: {  	v5 =	vmov s17  }
0x188: {  	v52 =	vshrl.u32 v5, $0x3;
	[tilespmem:v0+s5+$0x0] =	vst.idx.msk $0xffff, v3  }
0x189: {  	v0 =	vshll.u32 v52, v2;
	v3 =	vld.idx.msk [tilespmem:v4+s30+$0x0], $0xffff  }
0x18a: {  	v0 =	vbroadcast v0, $0x0  }
0x18b: {  	v1 =	vadd.s32 v59, v1  }
0x18c: {  	v4 =	vadd.s32 v12, v0;
	_ =	sdelay $0x1  }
0x18d: {  	s18 =	simm.s32 $0xA;
	v3 =	vmul.f32 v3, v19  }
0x18e: {  	v5 =	vmov s18  }
0x18f: {  	v53 =	vshrl.u32 v5, $0x3;
	[tilespmem:v1+s5+$0x0] =	vst.idx.msk $0xffff, v3  }
0x190: {  	v1 =	vshll.u32 v53, v2;
	v3 =	vld.idx.msk [tilespmem:v4+s30+$0x0], $0xffff  }
0x191: {  	v1 =	vbroadcast v1, $0x0  }
0x192: {  	v0 =	vadd.s32 v7, v0  }
0x193: {  	v4 =	vadd.s32 v17, v1;
	_ =	sdelay $0x1  }
0x194: {  	s20 =	simm.s32 $0xB;
	v3 =	vmul.f32 v3, v19  }
0x195: {  	v5 =	vmov s20  }
0x196: {  	v54 =	vshrl.u32 v5, $0x3;
	[tilespmem:v0+s5+$0x0] =	vst.idx.msk $0xffff, v3  }
0x197: {  	v0 =	vshll.u32 v54, v2;
	v3 =	vld.idx.msk [tilespmem:v4+s30+$0x0], $0xffff  }
0x198: {  	v0 =	vbroadcast v0, $0x0  }
0x199: {  	v1 =	vadd.s32 v15, v1  }
0x19a: {  	v4 =	vadd.s32 v9, v0;
	_ =	sdelay $0x1  }
0x19b: {  	s8 =	simm.s32 $0xC;
	v3 =	vmul.f32 v3, v19  }
0x19c: {  	v5 =	vmov s8  }
0x19d: {  	v55 =	vshrl.u32 v5, $0x3;
	[tilespmem:v1+s5+$0x0] =	vst.idx.msk $0xffff, v3  }
0x19e: {  	v1 =	vshll.u32 v55, v2;
	v3 =	vld.idx.msk [tilespmem:v4+s30+$0x0], $0xffff  }
0x19f: {  	v1 =	vbroadcast v1, $0x0  }
0x1a0: {  	v0 =	vadd.s32 v63, v0  }
0x1a1: {  	v4 =	vadd.s32 v14, v1;
	_ =	sdelay $0x1  }
0x1a2: {  	s16 =	simm.s32 $0xD;
	v3 =	vmul.f32 v3, v19  }
0x1a3: {  	v5 =	vmov s16  }
0x1a4: {  	v57 =	vshrl.u32 v5, $0x3;
	[tilespmem:v0+s5+$0x0] =	vst.idx.msk $0xffff, v3  }
0x1a5: {  	v0 =	vshll.u32 v57, v2;
	v3 =	vld.idx.msk [tilespmem:v4+s30+$0x0], $0xffff  }
0x1a6: {  	v0 =	vbroadcast v0, $0x0  }
0x1a7: {  	v1 =	vadd.s32 v56, v1  }
0x1a8: {  	v4 =	vadd.s32 v13, v0;
	_ =	sdelay $0x1  }
0x1a9: {  	s17 =	simm.s32 $0xE;
	v3 =	vmul.f32 v3, v19  }
0x1aa: {  	v5 =	vmov s17  }
0x1ab: {  	v60 =	vshrl.u32 v5, $0x3;
	[tilespmem:v1+s5+$0x0] =	vst.idx.msk $0xffff, v3  }
0x1ac: {  	v1 =	vshll.u32 v60, v2;
	v3 =	vld.idx.msk [tilespmem:v4+s30+$0x0], $0xffff  }
0x1ad: {  	v1 =	vbroadcast v1, $0x0  }
0x1ae: {  	v0 =	vadd.s32 v50, v0  }
0x1af: {  	v4 =	vadd.s32 v6, v1;
	_ =	sdelay $0x1  }
0x1b0: {  	s18 =	simm.s32 $0xF;
	v3 =	vmul.f32 v3, v19  }
0x1b1: {  	v5 =	vmov s18  }
0x1b2: {  	v61 =	vshrl.u32 v5, $0x3;
	[tilespmem:v0+s5+$0x0] =	vst.idx.msk $0xffff, v3  }
0x1b3: {  	v0 =	vshll.u32 v61, v2;
	v3 =	vld.idx.msk [tilespmem:v4+s30+$0x0], $0xffff  }
0x1b4: {  	v0 =	vbroadcast v0, $0x0  }
0x1b5: {  	v1 =	vadd.s32 v8, v1  }
0x1b6: {  	v4 =	vadd.s32 v58, v0;
	_ =	sdelay $0x1  }
0x1b7: {  	v3 =	vmul.f32 v3, v19;
	_ =	sdelay $0x1  }
0x1b8: {  	s20 =	simm.s32 $0x10;
	[tilespmem:v1+s5+$0x0] =	vst.idx.msk $0xffff, v3  }
0x1b9: {  	v62 =	vmov s20;
	v3 =	vld.idx.msk [tilespmem:v4+s30+$0x0], $0xffff  }
0x1ba: {  	v1 =	vshrl.u32 v62, $0x3  }
0x1bb: {  	v1 =	vshll.u32 v1, v2  }
0x1bc: {  	v20 =	vbroadcast v1, $0x0;
	_ =	sdelay $0x1  }
0x1bd: {  	s15 =	simm.s32 $0x1F;
	s17 =	simm.s32 $0x2F;
	v52 =	vmovc v2;
	v22 =	vadd.s32 v10, v0;
	v21 =	vor.u32 v47, v20;
	v23 =	vmul.f32 v3, v19  }
.LBB2_8:
0x1be: {  	_ =	sdelay $0x2  }
0x1bf: {  	v5 =	vld [tilespmem:$0x1FF70]  }
0x1c0: {  	[tilespmem:v22+s5+$0x0] =	vst.idx.msk $0xffff, v23  }
0x1c1: {  	v0 =	vld.idx.msk [tilespmem:v21+s30+$0x0], $0xffff;
	_ =	sdelay $0x1  }
0x1c2: {  	v1 =	vadd.s32 v59, v20  }
0x1c3: {  	v3 =	vadd.s32 v5, v20;
	_ =	sdelay $0x1  }
0x1c4: {  	v0 =	vmul.f32 v0, v19;
	_ =	sdelay $0x1  }
0x1c5: {  	[tilespmem:v1+s5+$0x0] =	vst.idx.msk $0xffff, v0  }
0x1c6: {  	v0 =	vld.idx.msk [tilespmem:v3+s30+$0x0], $0xffff;
	_ =	sdelay $0x1  }
0x1c7: {  	v35 =	vadd.s32 v7, v20  }
0x1c8: {  	v36 =	vadd.s32 v17, v20;
	_ =	sdelay $0x1  }
0x1c9: {  	v0 =	vmul.f32 v0, v19;
	_ =	sdelay $0x1  }
0x1ca: {  	[tilespmem:v35+s5+$0x0] =	vst.idx.msk $0xffff, v0  }
0x1cb: {  	v0 =	vld.idx.msk [tilespmem:v36+s30+$0x0], $0xffff;
	_ =	sdelay $0x1  }
0x1cc: {  	v37 =	vadd.s32 v15, v20  }
0x1cd: {  	v38 =	vadd.s32 v9, v20;
	_ =	sdelay $0x1  }
0x1ce: {  	v0 =	vmul.f32 v0, v19;
	_ =	sdelay $0x1  }
0x1cf: {  	[tilespmem:v37+s5+$0x0] =	vst.idx.msk $0xffff, v0  }
0x1d0: {  	v0 =	vld.idx.msk [tilespmem:v38+s30+$0x0], $0xffff;
	_ =	sdelay $0x1  }
0x1d1: {  	v39 =	vadd.s32 v63, v20  }
0x1d2: {  	v40 =	vadd.s32 v14, v20;
	_ =	sdelay $0x1  }
0x1d3: {  	v0 =	vmul.f32 v0, v19  }
0x1d4: {  	v2 =	vld [tilespmem:$0x1FF80]  }
0x1d5: {  	[tilespmem:v39+s5+$0x0] =	vst.idx.msk $0xffff, v0  }
0x1d6: {  	v0 =	vld.idx.msk [tilespmem:v40+s30+$0x0], $0xffff;
	_ =	sdelay $0x1  }
0x1d7: {  	v41 =	vadd.s32 v56, v20  }
0x1d8: {  	v42 =	vadd.s32 v2, v20;
	_ =	sdelay $0x1  }
0x1d9: {  	v0 =	vmul.f32 v0, v19;
	_ =	sdelay $0x1  }
0x1da: {  	[tilespmem:v41+s5+$0x0] =	vst.idx.msk $0xffff, v0  }
0x1db: {  	v0 =	vld.idx.msk [tilespmem:v42+s30+$0x0], $0xffff;
	_ =	sdelay $0x1  }
0x1dc: {  	v43 =	vadd.s32 v50, v20  }
0x1dd: {  	v44 =	vadd.s32 v6, v20;
	_ =	sdelay $0x1  }
0x1de: {  	v0 =	vmul.f32 v0, v19;
	_ =	sdelay $0x1  }
0x1df: {  	[tilespmem:v43+s5+$0x0] =	vst.idx.msk $0xffff, v0  }
0x1e0: {  	v0 =	vld.idx.msk [tilespmem:v44+s30+$0x0], $0xffff;
	_ =	sdelay $0x1  }
0x1e1: {  	v45 =	vadd.s32 v8, v20  }
0x1e2: {  	v46 =	vadd.s32 v58, v20;
	_ =	sdelay $0x1  }
0x1e3: {  	s16 =	sadd.s32 $0xFFFFFFF9, s15;
	v0 =	vmul.f32 v0, v19  }
0x1e4: {  	v48 =	vmov s16  }
0x1e5: {  	[tilespmem:v45+s5+$0x0] =	vst.idx.msk $0xffff, v0;
	v0 =	vshrl.u32 v48, $0x3  }
0x1e6: {  	v1 =	vld.idx.msk [tilespmem:v46+s30+$0x0], $0xffff;
	v0 =	vshll.u32 v0, v52  }
0x1e7: {  	v0 =	vbroadcast v0, $0x0  }
0x1e8: {  	v49 =	vadd.s32 v10, v20  }
0x1e9: {  	v4 =	vadd.s32 v47, v0;
	_ =	sdelay $0x1  }
0x1ea: {  	s20 =	sadd.s32 $0xFFFFFFFA, s15;
	v1 =	vmul.f32 v1, v19  }
0x1eb: {  	v51 =	vmov s20  }
0x1ec: {  	[tilespmem:v49+s5+$0x0] =	vst.idx.msk $0xffff, v1;
	v1 =	vshrl.u32 v51, $0x3  }
0x1ed: {  	v3 =	vld.idx.msk [tilespmem:v4+s30+$0x0], $0xffff;
	v1 =	vshll.u32 v1, v52  }
0x1ee: {  	v1 =	vbroadcast v1, $0x0  }
0x1ef: {  	v0 =	vadd.s32 v59, v0  }
0x1f0: {  	v4 =	vadd.s32 v5, v1;
	_ =	sdelay $0x1  }
0x1f1: {  	s8 =	sadd.s32 $0xFFFFFFFB, s15;
	v3 =	vmul.f32 v3, v19  }
0x1f2: {  	v53 =	vmov s8  }
0x1f3: {  	[tilespmem:v0+s5+$0x0] =	vst.idx.msk $0xffff, v3;
	v0 =	vshrl.u32 v53, $0x3  }
0x1f4: {  	v3 =	vld.idx.msk [tilespmem:v4+s30+$0x0], $0xffff;
	v0 =	vshll.u32 v0, v52  }
0x1f5: {  	v0 =	vbroadcast v0, $0x0  }
0x1f6: {  	v1 =	vadd.s32 v7, v1  }
0x1f7: {  	v4 =	vadd.s32 v17, v0;
	_ =	sdelay $0x1  }
0x1f8: {  	s20 =	sadd.s32 $0xFFFFFFFC, s15;
	v3 =	vmul.f32 v3, v19  }
0x1f9: {  	v54 =	vmov s20  }
0x1fa: {  	[tilespmem:v1+s5+$0x0] =	vst.idx.msk $0xffff, v3;
	v1 =	vshrl.u32 v54, $0x3  }
0x1fb: {  	v3 =	vld.idx.msk [tilespmem:v4+s30+$0x0], $0xffff;
	v1 =	vshll.u32 v1, v52  }
0x1fc: {  	v1 =	vbroadcast v1, $0x0  }
0x1fd: {  	v0 =	vadd.s32 v15, v0  }
0x1fe: {  	v4 =	vadd.s32 v9, v1;
	_ =	sdelay $0x1  }
0x1ff: {  	s8 =	sadd.s32 $0xFFFFFFFD, s15;
	v3 =	vmul.f32 v3, v19  }
0x200: {  	v55 =	vmov s8  }
0x201: {  	[tilespmem:v0+s5+$0x0] =	vst.idx.msk $0xffff, v3;
	v0 =	vshrl.u32 v55, $0x3  }
0x202: {  	v3 =	vld.idx.msk [tilespmem:v4+s30+$0x0], $0xffff;
	v0 =	vshll.u32 v0, v52  }
0x203: {  	v0 =	vbroadcast v0, $0x0  }
0x204: {  	v1 =	vadd.s32 v63, v1  }
0x205: {  	v4 =	vadd.s32 v14, v0;
	_ =	sdelay $0x1  }
0x206: {  	s20 =	sadd.s32 $0xFFFFFFFE, s15;
	v3 =	vmul.f32 v3, v19  }
0x207: {  	v57 =	vmov s20  }
0x208: {  	[tilespmem:v1+s5+$0x0] =	vst.idx.msk $0xffff, v3;
	v1 =	vshrl.u32 v57, $0x3  }
0x209: {  	v3 =	vld.idx.msk [tilespmem:v4+s30+$0x0], $0xffff;
	v1 =	vshll.u32 v1, v52  }
0x20a: {  	v1 =	vbroadcast v1, $0x0  }
0x20b: {  	v0 =	vadd.s32 v56, v0  }
0x20c: {  	v4 =	vadd.s32 v2, v1;
	_ =	sdelay $0x1  }
0x20d: {  	s8 =	sadd.s32 $0xFFFFFFFF, s15;
	v3 =	vmul.f32 v3, v19  }
0x20e: {  	v60 =	vmov s8  }
0x20f: {  	[tilespmem:v0+s5+$0x0] =	vst.idx.msk $0xffff, v3;
	v0 =	vshrl.u32 v60, $0x3  }
0x210: {  	v3 =	vld.idx.msk [tilespmem:v4+s30+$0x0], $0xffff;
	v0 =	vshll.u32 v0, v52  }
0x211: {  	v0 =	vbroadcast v0, $0x0  }
0x212: {  	v1 =	vadd.s32 v50, v1  }
0x213: {  	v4 =	vadd.s32 v6, v0;
	_ =	sdelay $0x1  }
0x214: {  	v3 =	vmul.f32 v3, v19  }
0x215: {  	v61 =	vmov s15  }
0x216: {  	[tilespmem:v1+s5+$0x0] =	vst.idx.msk $0xffff, v3;
	v1 =	vshrl.u32 v61, $0x3  }
0x217: {  	v3 =	vld.idx.msk [tilespmem:v4+s30+$0x0], $0xffff;
	v1 =	vshll.u32 v1, v52  }
0x218: {  	v1 =	vbroadcast v1, $0x0  }
0x219: {  	v0 =	vadd.s32 v8, v0  }
0x21a: {  	v4 =	vadd.s32 v58, v1;
	_ =	sdelay $0x1  }
0x21b: {  	s18 =	smov.u32 s17;
	v3 =	vmul.f32 v3, v19  }
0x21c: {  	s15 =	smov.u32 s18  }
0x21d: {  	s20 =	sadd.s32 $0xFFFFFFF1, s15;
	[tilespmem:v0+s5+$0x0] =	vst.idx.msk $0xffff, v3  }
0x21e: {  	p0 =	sne.s32 s17, $0x7F;
	v5 =	vmov s20;
	v3 =	vld.idx.msk [tilespmem:v4+s30+$0x0], $0xffff  }
.Ltmp2:
0x21f: {  	v62 =	vshrl.u32 v5, $0x3;
	(pc) =	sbr.rel @p0 .LBB2_8-.Ltmp2, $3  }
0x220: {  	v0 =	vshll.u32 v62, v52  }
0x221: {  	v20 =	vbroadcast v0, $0x0;
	_ =	sdelay $0x1  }
0x222: {  	s17 =	sadd.s32 $0x10, s17;
	v22 =	vadd.s32 v10, v1;
	v21 =	vor.u32 v47, v20;
	v23 =	vmul.f32 v3, v19  }
0x223: {  	_ =	sdelay $0x2  }
0x224: {  	v2 =	vld [tilespmem:$0x1FF70]  }
0x225: {  	[tilespmem:v22+s5+$0x0] =	vst.idx.msk $0xffff, v23  }
0x226: {  	v0 =	vld.idx.msk [tilespmem:v21+s30+$0x0], $0xffff;
	_ =	sdelay $0x1  }
0x227: {  	v1 =	vadd.s32 v59, v20  }
0x228: {  	v3 =	vadd.s32 v2, v20;
	_ =	sdelay $0x1  }
0x229: {  	v0 =	vmul.f32 v0, v19;
	_ =	sdelay $0x1  }
0x22a: {  	[tilespmem:v1+s5+$0x0] =	vst.idx.msk $0xffff, v0  }
0x22b: {  	v0 =	vld.idx.msk [tilespmem:v3+s30+$0x0], $0xffff;
	_ =	sdelay $0x1  }
0x22c: {  	v26 =	vadd.s32 v7, v20  }
0x22d: {  	v27 =	vadd.s32 v17, v20;
	_ =	sdelay $0x1  }
0x22e: {  	v0 =	vmul.f32 v0, v19;
	_ =	sdelay $0x1  }
0x22f: {  	[tilespmem:v26+s5+$0x0] =	vst.idx.msk $0xffff, v0  }
0x230: {  	v0 =	vld.idx.msk [tilespmem:v27+s30+$0x0], $0xffff;
	_ =	sdelay $0x1  }
0x231: {  	v28 =	vadd.s32 v15, v20  }
0x232: {  	v29 =	vadd.s32 v9, v20;
	_ =	sdelay $0x1  }
0x233: {  	v0 =	vmul.f32 v0, v19;
	_ =	sdelay $0x1  }
0x234: {  	[tilespmem:v28+s5+$0x0] =	vst.idx.msk $0xffff, v0  }
0x235: {  	v0 =	vld.idx.msk [tilespmem:v29+s30+$0x0], $0xffff;
	_ =	sdelay $0x1  }
0x236: {  	v30 =	vadd.s32 v63, v20  }
0x237: {  	v31 =	vadd.s32 v14, v20;
	_ =	sdelay $0x1  }
0x238: {  	v0 =	vmul.f32 v0, v19  }
0x239: {  	v12 =	vld [tilespmem:$0x1FF80]  }
0x23a: {  	[tilespmem:v30+s5+$0x0] =	vst.idx.msk $0xffff, v0  }
0x23b: {  	v0 =	vld.idx.msk [tilespmem:v31+s30+$0x0], $0xffff;
	_ =	sdelay $0x1  }
0x23c: {  	v32 =	vadd.s32 v56, v20  }
0x23d: {  	v33 =	vadd.s32 v12, v20;
	_ =	sdelay $0x1  }
0x23e: {  	v0 =	vmul.f32 v0, v19;
	_ =	sdelay $0x1  }
0x23f: {  	[tilespmem:v32+s5+$0x0] =	vst.idx.msk $0xffff, v0  }
0x240: {  	v0 =	vld.idx.msk [tilespmem:v33+s30+$0x0], $0xffff;
	_ =	sdelay $0x1  }
0x241: {  	v34 =	vadd.s32 v50, v20  }
0x242: {  	v35 =	vadd.s32 v6, v20;
	_ =	sdelay $0x1  }
0x243: {  	v0 =	vmul.f32 v0, v19;
	_ =	sdelay $0x1  }
0x244: {  	[tilespmem:v34+s5+$0x0] =	vst.idx.msk $0xffff, v0  }
0x245: {  	v0 =	vld.idx.msk [tilespmem:v35+s30+$0x0], $0xffff;
	_ =	sdelay $0x1  }
0x246: {  	v36 =	vadd.s32 v8, v20  }
0x247: {  	v37 =	vadd.s32 v58, v20;
	_ =	sdelay $0x1  }
0x248: {  	s16 =	sadd.s32 $0xFFFFFFF9, s15;
	v0 =	vmul.f32 v0, v19  }
0x249: {  	v4 =	vmov s16  }
0x24a: {  	v38 =	vshrl.u32 v4, $0x3;
	[tilespmem:v36+s5+$0x0] =	vst.idx.msk $0xffff, v0  }
0x24b: {  	v0 =	vshll.u32 v38, v52;
	v1 =	vld.idx.msk [tilespmem:v37+s30+$0x0], $0xffff  }
0x24c: {  	v0 =	vbroadcast v0, $0x0  }
0x24d: {  	v39 =	vadd.s32 v10, v20  }
0x24e: {  	v40 =	vadd.s32 v47, v0;
	_ =	sdelay $0x1  }
0x24f: {  	s18 =	sadd.s32 $0xFFFFFFFA, s15;
	v1 =	vmul.f32 v1, v19  }
0x250: {  	v5 =	vmov s18  }
0x251: {  	v41 =	vshrl.u32 v5, $0x3;
	[tilespmem:v39+s5+$0x0] =	vst.idx.msk $0xffff, v1  }
0x252: {  	v1 =	vshll.u32 v41, v52;
	v3 =	vld.idx.msk [tilespmem:v40+s30+$0x0], $0xffff  }
0x253: {  	v1 =	vbroadcast v1, $0x0  }
0x254: {  	v0 =	vadd.s32 v59, v0  }
0x255: {  	v42 =	vadd.s32 v2, v1;
	_ =	sdelay $0x1  }
0x256: {  	s20 =	sadd.s32 $0xFFFFFFFB, s15;
	v3 =	vmul.f32 v3, v19  }
0x257: {  	v43 =	vmov s20  }
0x258: {  	v44 =	vshrl.u32 v43, $0x3;
	[tilespmem:v0+s5+$0x0] =	vst.idx.msk $0xffff, v3  }
0x259: {  	v0 =	vshll.u32 v44, v52;
	v3 =	vld.idx.msk [tilespmem:v42+s30+$0x0], $0xffff  }
0x25a: {  	v0 =	vbroadcast v0, $0x0  }
0x25b: {  	v1 =	vadd.s32 v7, v1  }
0x25c: {  	v45 =	vadd.s32 v17, v0;
	_ =	sdelay $0x1  }
0x25d: {  	s8 =	sadd.s32 $0xFFFFFFFC, s15;
	v3 =	vmul.f32 v3, v19  }
0x25e: {  	v46 =	vmov s8  }
0x25f: {  	v47 =	vshrl.u32 v46, $0x3;
	[tilespmem:v1+s5+$0x0] =	vst.idx.msk $0xffff, v3  }
0x260: {  	v1 =	vshll.u32 v47, v52;
	v3 =	vld.idx.msk [tilespmem:v45+s30+$0x0], $0xffff  }
0x261: {  	v1 =	vbroadcast v1, $0x0  }
0x262: {  	v0 =	vadd.s32 v15, v0  }
0x263: {  	v48 =	vadd.s32 v9, v1;
	_ =	sdelay $0x1  }
0x264: {  	s17 =	sadd.s32 $0xFFFFFFFD, s15;
	v3 =	vmul.f32 v3, v19  }
0x265: {  	v49 =	vmov s17  }
0x266: {  	v51 =	vshrl.u32 v49, $0x3;
	[tilespmem:v0+s5+$0x0] =	vst.idx.msk $0xffff, v3  }
0x267: {  	v0 =	vshll.u32 v51, v52;
	v3 =	vld.idx.msk [tilespmem:v48+s30+$0x0], $0xffff  }
0x268: {  	v0 =	vbroadcast v0, $0x0  }
0x269: {  	v1 =	vadd.s32 v63, v1  }
0x26a: {  	v53 =	vadd.s32 v14, v0;
	_ =	sdelay $0x1  }
0x26b: {  	s18 =	sadd.s32 $0xFFFFFFFE, s15;
	v3 =	vmul.f32 v3, v19  }
0x26c: {  	v54 =	vmov s18  }
0x26d: {  	v55 =	vshrl.u32 v54, $0x3;
	[tilespmem:v1+s5+$0x0] =	vst.idx.msk $0xffff, v3  }
0x26e: {  	v1 =	vshll.u32 v55, v52;
	v3 =	vld.idx.msk [tilespmem:v53+s30+$0x0], $0xffff  }
0x26f: {  	v1 =	vbroadcast v1, $0x0  }
0x270: {  	v0 =	vadd.s32 v56, v0  }
0x271: {  	v56 =	vadd.s32 v12, v1;
	_ =	sdelay $0x1  }
0x272: {  	s20 =	sadd.s32 $0xFFFFFFFF, s15;
	v3 =	vmul.f32 v3, v19  }
0x273: {  	v57 =	vmov s20  }
0x274: {  	v59 =	vshrl.u32 v57, $0x3;
	[tilespmem:v0+s5+$0x0] =	vst.idx.msk $0xffff, v3  }
0x275: {  	v0 =	vshll.u32 v59, v52;
	v3 =	vld.idx.msk [tilespmem:v56+s30+$0x0], $0xffff  }
0x276: {  	v0 =	vbroadcast v0, $0x0  }
0x277: {  	v1 =	vadd.s32 v50, v1  }
0x278: {  	v60 =	vadd.s32 v6, v0;
	_ =	sdelay $0x1  }
0x279: {  	v3 =	vmul.f32 v3, v19  }
0x27a: {  	v61 =	vmov s15  }
0x27b: {  	v62 =	vshrl.u32 v61, $0x3;
	[tilespmem:v1+s5+$0x0] =	vst.idx.msk $0xffff, v3  }
0x27c: {  	v1 =	vshll.u32 v62, v52;
	v3 =	vld.idx.msk [tilespmem:v60+s30+$0x0], $0xffff  }
0x27d: {  	v1 =	vbroadcast v1, $0x0  }
0x27e: {  	v0 =	vadd.s32 v8, v0  }
0x27f: {  	v63 =	vadd.s32 v58, v1;
	_ =	sdelay $0x1  }
0x280: {  	v3 =	vmul.f32 v3, v19;
	_ =	sdelay $0x1  }
0x281: {  	[tilespmem:v0+s5+$0x0] =	vst.idx.msk $0xffff, v3  }
0x282: {  	v0 =	vld.idx.msk [tilespmem:v63+s30+$0x0], $0xffff  }
0x283: {  	s23 =	sadd.s32 $0x1, s23  }
0x284: {  	p0 =	sne.s32 s23, $0x5;
	v1 =	vadd.s32 v10, v1  }
.Ltmp3:
0x285: {  	_ = 	snop;
	(pc) =	sbr.rel @p0 .LBB2_5-.Ltmp3, $3  }
0x286: {  	_ = 	snop  }
0x287: {  	v0 =	vmul.f32 v0, v19;
	_ =	sdelay $0x1  }
0x288: {  	v53 =	vlaneseq.u32;
	[tilespmem:v1+s5+$0x0] =	vst.idx.msk $0xffff, v0  }
0x289: {  	p0 =	sne.s32 s22, $0x7D  }
.Ltmp4:
0x28a: {  	_ = 	snop;
	(pc) =	sbr.rel @p0 .LBB2_2-.Ltmp4, $3  }
0x28b: {  	_ =	sdelay $0x1  }
0x28c: {  	[spmem:s2] =	stream.indirect.scatter.add.f32 [tilespmem:s5], [sflag:$0x3], $0x90, s21, s29, $0xb8;
	[tilespmem:$0x1E7E0] =	vst v63  }
0x28d: {  	s15 =	smov.u32 s22  }
0x28e: {  	s8 =	simm.s32 $0x3  }
0x28f: {  	_ =	swait.ge [sflag:s8], $0x2D00  }
0x290: {  	[sflag:s8] =	ssyncset.done $0x0  }
0x291: {  	[sflag:s8] =	ssyncadd.s32 $0xFFFFD300  }
0x292: {  	[bflag:$0x0] =	sbarrier.arrive $0xFFFF  }
0x293: {  	s18 =	rddreg [dreg:$0x9]  }
0x294: {  	s15 =	rddreg [dreg:$0xe]  }
0x295: {  	s16 =	rddreg [dreg:$0xf]  }
0x296: {  	[hbm:s18], [sflag:s15] =	dma.local [spmem:s16], $0x2D00  }
0x297: {  	_ =	swait.ge [sflag:s25], $0x2D00  }
0x298: {  	[sflag:s25] =	ssyncset.done $0x0  }
0x299: {  	[sflag:s25] =	ssyncadd.s32 $0xFFFFD300  }
0x29a: {  	[bflag:$0x0] =	sbarrier.arrive $0xFFFF  }
0x29b: {  	[spmem:s16], [sflag:s15] =	dma.local [hbm:s26], $0x2D00  }
0x29c: {  	_ =	swait.ge [sflag:s25], $0x2D00  }
0x29d: {  	[sflag:s25] =	ssyncset.done $0x0  }
0x29e: {  	[sflag:s25] =	ssyncadd.s32 $0xFFFFD300  }
0x29f: {  	[bflag:$0x0] =	sbarrier.arrive $0xFFFF  }
0x2a0: {  	s16 =	simm.s32 $0x0;
	s20 =	rddreg [dreg:$0x7]  }
0x2a1: {  	[tilespmem:s16], [sflag:$0x1] =	stream.linear.gather [hbm4b:s20+s16], $0x50, $0x38;
	[tilespmem:$0x1E7E0] =	vst v63  }
0x2a2: {  	s22 =	simm.s32 $0xA0;
	s21 =	rddreg [dreg:$0x8]  }
0x2a3: {  	[tilespmem:s22], [sflag:$0x1] =	stream.linear.gather [hbm4b:s21+s16], $0x50, $0x38;
	[tilespmem:$0x1E7E0] =	vst v63  }
0x2a4: {  	s26 =	simm.s32 $0x140;
	s23 =	rddreg [dreg:$0xa]  }
0x2a5: {  	[tilespmem:s26], [sflag:$0x1] =	stream.linear.gather [hbm4b:s23+s16], $0x50, $0x38;
	[tilespmem:$0x1E7E0] =	vst v63  }
.LBB2_12:
0x2a6: {  	_ =	swait.ge [sflag:s28], $0x50  }
0x2a7: {  	[sflag:s28] =	ssyncset.done $0x0  }
0x2a8: {  	[sflag:s28] =	ssyncadd.s32 $0xFFFFFFB0  }
0x2a9: {  	_ =	swait.ge [sflag:s28], $0x50  }
0x2aa: {  	[sflag:s28] =	ssyncset.done $0x0  }
0x2ab: {  	[sflag:s28] =	ssyncadd.s32 $0xFFFFFFB0  }
0x2ac: {  	_ =	swait.ge [sflag:s28], $0x50  }
0x2ad: {  	p0 =	seq.s32 s16, $0x0;
	[sflag:s28] =	ssyncset.done $0x0  }
0x2ae: {  	s18 =	simm.s32 @!p0 $0x3;
	[sflag:s28] =	ssyncadd.s32 $0xFFFFFFB0  }
0x2af: {  	s17 =	sand.u32 $0x1, s16;
	_ =	swait.ge @!p0 [sflag:s18], $0x2D00  }
0x2b0: {  	s26 =	sadd.s32 s19, s16;
	s15 =	smul.u32 $0x50, s17;
	[sflag:s18] =	ssyncset.done @!p0 $0x0  }
0x2b1: {  	[sflag:s18] =	ssyncadd.s32 @!p0 $0xFFFFD300;
	s18 =	smul.u32 $0x500, s26  }
0x2b2: {  	[tilespmem:s30], [sflag:$0x2] =	stream.indirect.gather [hbm4b:s11+s29], $0x80, s15, s29, $0xb8;
	[tilespmem:$0x1E7E0] =	vst v63  }
0x2b3: {  	s22 =	simm.s32 $0x10;
	s21 =	sadd.s32 $0xA0, s15;
	s20 =	sadd.s32 s13, s18  }
0x2b4: {  	[tilespmem:s31], [sflag:$0x2] =	stream.indirect.gather [hbm4b:s12+s29], $0x80, s21, s29, $0xb8;
	[tilespmem:$0x1E7E0] =	vst v63  }
0x2b5: {  	s23 =	simm.s32 $0x5370;
	s18 =	simm.s32 $0x52E0;
	s26 =	sadd.s32 $0x0, s20  }
.LBB2_13:
0x2b6: {  	[tilespmem:s18], [sflag:$0x2] =	stream.linear.gather [hbm4b:s26+s3], $0x80, $0x38;
	[tilespmem:$0x1E7E0] =	vst v63  }
0x2b7: {  	s26 =	smov.u32 s22;
	s18 =	smov.u32 s23;
	p0 =	sne.s32 s22, $0x4F0  }
.Ltmp5:
0x2b8: {  	s22 =	sadd.s32 $0x10, s22;
	(pc) =	sbr.rel @p0 .LBB2_13-.Ltmp5, $2  }
0x2b9: {  	_ =	sdelay $0x2  }
0x2ba: {  	s23 =	sadd.s32 $0x90, s23;
	s26 =	sadd.s32 s26, s20  }
0x2bb: {  	s22 =	sadd.s32 $0x1, s16;
	p0 =	seq.s32 s16, $0x7C  }
0x2bc: {  	s16 =	smul.u32 @!p0 $0x50, s22  }
0x2bd: {  	[tilespmem:s18], [sflag:$0x2] =	stream.linear.gather [hbm4b:s26+s3], $0x80, $0x38;
	[tilespmem:$0x1E7E0] =	vst v63  }
0x2be: {  	s17 =	sxor.u32 @!p0 $0x1, s17;
	s16 =	sadd.s32 @!p0 s14, s16  }
0x2bf: {  	s17 =	smul.u32 @!p0 $0x50, s17;
	s16 =	sshrl.u32 @!p0 s16, $0x3  }
0x2c0: {  	s20 =	simm.s32 @!p0 $0x0;
	s18 =	sadd.s32 @!p0 s4, s16  }
0x2c1: {  	[tilespmem:s17], [sflag:$0x1] =	stream.linear.gather @!p0 [hbm4b:s18+s20], $0x50, $0x38;
	[tilespmem:$0x1E7E0] =	vst v63  }
0x2c2: {  	s23 =	sadd.s32 @!p0 s6, s16;
	s18 =	sadd.s32 @!p0 $0xA0, s17  }
0x2c3: {  	[tilespmem:s18], [sflag:$0x1] =	stream.linear.gather @!p0 [hbm4b:s23+s20], $0x50, $0x38;
	[tilespmem:$0x1E7E0] =	vst v63  }
0x2c4: {  	s16 =	sadd.s32 @!p0 s7, s16;
	s17 =	sadd.s32 @!p0 $0x140, s17  }
0x2c5: {  	[tilespmem:s17], [sflag:$0x1] =	stream.linear.gather @!p0 [hbm4b:s16+s20], $0x50, $0x38;
	[tilespmem:$0x1E7E0] =	vst v63  }
0x2c6: {  	_ =	swait.ge [sflag:s0], $0x2800  }
0x2c7: {  	[sflag:s0] =	ssyncset.done $0x0  }
0x2c8: {  	[sflag:s0] =	ssyncadd.s32 $0xFFFFD800  }
0x2c9: {  	_ =	swait.ge [sflag:s0], $0x2800  }
0x2ca: {  	[sflag:s0] =	ssyncset.done $0x0  }
0x2cb: {  	[sflag:s0] =	ssyncadd.s32 $0xFFFFD800  }
0x2cc: {  	_ =	swait.ge [sflag:s0], $0x2800  }
0x2cd: {  	s15 =	sadd.s32 $0x140, s15;
	[sflag:s0] =	ssyncset.done $0x0  }
0x2ce: {  	v3 =	vmov s15;
	s23 =	simm.s32 $0x0;
	[sflag:s0] =	ssyncadd.s32 $0xFFFFD800  }
.LBB2_15:
0x2cf: {  	s15 =	simm.s32 $0x0  }
0x2d0: {  	v0 =	vmov s15  }
0x2d1: {  	v0 =	vshrl.u32 v0, $0x3  }
0x2d2: {  	s15 =	sshll.u32 s23, $0x4;
	v0 =	vshll.u32 v0, v52  }
0x2d3: {  	v1 =	vor.u32 s15, v53;
	v0 =	vbroadcast v0, $0x0  }
0x2d4: {  	v12 =	vmul.u32 $0x90, v1  }
0x2d5: {  	v15 =	vshll.u32 v1, $0x7;
	v1 =	vor.u32 $0x80, v0  }
0x2d6: {  	v4 =	vor.u32 $0x7, v15;
	v8 =	vadd.s32 v12, v0  }
0x2d7: {  	v9 =	vor.u32 $0x4, v15;
	v20 =	vadd.s32 v4, v0  }
0x2d8: {  	v6 =	vor.u32 $0x5, v15;
	v10 =	vadd.s32 v9, v0  }
0x2d9: {  	v5 =	vor.u32 $0x5, v12;
	v11 =	vadd.s32 v6, v0  }
0x2da: {  	v13 =	vadd.s32 v5, v0;
	v1 =	vld.idx.msk [tilespmem:v1+s24+$0x0], $0xffff  }
0x2db: {  	v23 =	vld.idx.msk [tilespmem:v8+s5+$0x0], $0xffff  }
0x2dc: {  	v24 =	vld.idx.msk [tilespmem:v20+s30+$0x0], $0xffff  }
0x2dd: {  	v22 =	vadd.s32 $0x81, v0;
	v21 =	vld.idx.msk [tilespmem:v10+s31+$0x0], $0xffff  }
0x2de: {  	v26 =	vadd.s32 $0x82, v0;
	v25 =	vld.idx.msk [tilespmem:v11+s31+$0x0], $0xffff  }
0x2df: {  	v19 =	vor.u32 $0x1, v15;
	v27 =	vld.idx.msk [tilespmem:v13+s5+$0x0], $0xffff  }
0x2e0: {  	s16 =	simm.s32 $0x9;
	s17 =	simm.s32 $0xF;
	v38 =	vimm.f32 $0.0e+00;
	v29 =	vadd.s32 v19, v0;
	v28 =	vld.idx.msk [tilespmem:v11+s30+$0x0], $0xffff  }
0x2e1: {  	s26 =	simm.s32 $0xB;
	s8 =	simm.s32 $0xC;
	v33 =	vmov s16;
	v35 =	vmov s17;
	v31 =	vor.u32 v15, v0;
	v32 =	vld.idx.msk [tilespmem:v10+s30+$0x0], $0xffff  }
0x2e2: {  	s18 =	simm.s32 $0xE;
	v39 =	vmov s26;
	v56 =	vmov s8;
	v18 =	vor.u32 $0x1, v12;
	v22 =	vld.idx.msk [tilespmem:v22+s24+$0x0], $0xffff  }
0x2e3: {  	s20 =	simm.s32 $0x8;
	v46 =	vmov s18;
	v14 =	vor.u32 $0x3, v15;
	v34 =	vadd.s32 v18, v0;
	v26 =	vld.idx.msk [tilespmem:v26+s24+$0x0], $0xffff  }
0x2e4: {  	s17 =	simm.s32 $0xD;
	v48 =	vmov s20;
	v33 =	vshrl.u32 v33, $0x3;
	v43 =	vadd.s32 v14, v0;
	v37 =	vld.idx.msk [tilespmem:v20+s31+$0x0], $0xffff  }
0x2e5: {  	v35 =	vshrl.u32 v35, $0x3;
	v45 =	vmov s17;
	v20 =	vshll.u32 v33, v52;
	v33 =	vld.idx.msk [tilespmem:v29+s31+$0x0], $0xffff  }
0x2e6: {  	v46 =	vshrl.u32 v46, $0x3;
	v48 =	vshrl.u32 v48, $0x3;
	v7 =	vor.u32 $0x4, v12;
	v42 =	vld.idx.msk [tilespmem:v31+s30+$0x0], $0xffff  }
0x2e7: {  	v45 =	vshrl.u32 v45, $0x3;
	v17 =	vor.u32 $0x2, v15;
	v8 =	vadd.s32 v7, v0;
	v31 =	vld.idx.msk [tilespmem:v31+s31+$0x0], $0xffff  }
0x2e8: {  	v48 =	vshll.u32 v48, v52;
	v16 =	vor.u32 $0x2, v12;
	v36 =	vadd.s32 v17, v0;
	v34 =	vld.idx.msk [tilespmem:v34+s5+$0x0], $0xffff  }
0x2e9: {  	v35 =	vshll.u32 v35, v52;
	v48 =	vbroadcast v48, $0x0;
	v40 =	vadd.s32 v16, v0;
	v57 =	vld.idx.msk [tilespmem:v43+s31+$0x0], $0xffff  }
0x2ea: {  	v61 =	vadd.s32 $0x84, v0;
	v63 =	vadd.s32 $0x86, v0;
	v13 =	vor.u32 $0x3, v12;
	v43 =	vld.idx.msk [tilespmem:v43+s30+$0x0], $0xffff  }
0x2eb: {  	v54 =	vadd.s32 $0x83, v0;
	v11 =	vor.u32 $0x6, v15;
	v29 =	vld.idx.msk [tilespmem:v29+s30+$0x0], $0xffff;
	v44 =	vadd.s32 v13, v0  }
0x2ec: {  	v10 =	vor.u32 $0x6, v12;
	v41 =	vbroadcast v20, $0x0;
	v47 =	vadd.s32 v11, v0;
	v30 =	vld.idx.msk [tilespmem:v8+s5+$0x0], $0xffff  }
0x2ed: {  	v20 =	vshrl.u32 v39, $0x3;
	v39 =	vshrl.u32 v56, $0x3;
	v25 =	vadd.f32 v25, v28;
	v28 =	vld.idx.msk [tilespmem:v36+s31+$0x0], $0xffff  }
0x2ee: {  	v58 =	vadd.s32 v10, v0;
	v20 =	vshll.u32 v20, v52;
	v39 =	vshll.u32 v39, v52;
	v36 =	vld.idx.msk [tilespmem:v36+s30+$0x0], $0xffff  }
0x2ef: {  	v32 =	vadd.f32 v21, v32;
	v21 =	vbroadcast v39, $0x0;
	v39 =	vshll.u32 v45, v52;
	v45 =	vld.idx.msk [tilespmem:v63+s24+$0x0], $0xffff  }
0x2f0: {  	v2 =	vmovc v52;
	v56 =	vadd.s32 v15, v48;
	v20 =	vbroadcast v20, $0x0;
	v8 =	vor.u32 $0x7, v12;
	v60 =	vld.idx.msk [tilespmem:v44+s5+$0x0], $0xffff  }
0x2f1: {  	v31 =	vadd.f32 v31, v42;
	v29 =	vadd.f32 v33, v29;
	v50 =	vld.idx.msk [tilespmem:v47+s31+$0x0], $0xffff;
	v51 =	vadd.s32 v8, v0  }
0x2f2: {  	v63 =	vshll.u32 v46, v2;
	v24 =	vadd.f32 v37, v24;
	v25 =	vadd.f32 v27, v25;
	v27 =	vld.idx.msk [tilespmem:v40+s5+$0x0], $0xffff  }
0x2f3: {  	v47 =	vld.idx.msk [tilespmem:v47+s30+$0x0], $0xffff;
	v44 =	vbroadcast v35, $0x0;
	v23 =	vadd.f32 v23, v31;
	v31 =	vadd.s32 $0x85, v0  }
0x2f4: {  	s26 =	simm.s32 $0xA;
	v62 =	vld.idx.msk [tilespmem:v58+s5+$0x0], $0xffff;
	v0 =	vadd.s32 $0x87, v0;
	v40 =	vadd.f32 v57, v43;
	v59 =	vmul.f32 $2.000000030e-01, v25  }
0x2f5: {  	v33 =	vld.idx.msk [tilespmem:v56+s31+$0x0], $0xffff;
	v57 =	vmov s26;
	v55 =	vmul.f32 $2.000000030e-01, v23;
	v28 =	vadd.f32 v28, v36  }
0x2f6: {  	v30 =	vadd.f32 v30, v32;
	v25 =	vmax.f32 v25, v59;
	v43 =	vld.idx.msk [tilespmem:v51+s5+$0x0], $0xffff;
	v51 =	vshrl.u32 v57, $0x3  }
0x2f7: {  	v32 =	vld.idx.msk [tilespmem:v54+s24+$0x0], $0xffff;
	v40 =	vadd.f32 v60, v40;
	v59 =	vadd.s32 v12, v48;
	v27 =	vadd.f32 v27, v28  }
0x2f8: {  	v47 =	vadd.f32 v50, v47;
	v60 =	vadd.s32 v19, v41;
	v28 =	vld.idx.msk [tilespmem:v61+s24+$0x0], $0xffff;
	v51 =	vshll.u32 v51, v52  }
0x2f9: {  	v23 =	vmax.f32 v23, v55;
	v31 =	vld.idx.msk [tilespmem:v31+s24+$0x0], $0xffff;
	v51 =	vbroadcast v51, $0x0;
	v58 =	vmul.f32 $2.000000030e-01, v27  }
0x2fa: {  	v0 =	vld.idx.msk [tilespmem:v0+s24+$0x0], $0xffff;
	v61 =	vmul.f32 $2.000000030e-01, v40;
	v36 =	vadd.f32 v62, v47;
	v62 =	vadd.s32 v18, v41  }
0x2fb: {  	v1 =	vmul.f32 v23, v1;
	v47 =	vadd.s32 v17, v51;
	v23 =	vmax.f32 v27, v58;
	v27 =	vld.idx.msk [tilespmem:v56+s30+$0x0], $0xffff  }
0x2fc: {  	v42 =	vbroadcast v63, $0x0;
	v29 =	vadd.f32 v34, v29;
	v37 =	vmax.f32 v40, v61;
	v40 =	vld.idx.msk [tilespmem:v59+s5+$0x0], $0xffff  }
0x2fd: {  	v35 =	vadd.s32 v4, v44;
	v55 =	vadd.s32 $0x80, v48;
	v50 =	vadd.s32 v13, v20;
	v56 =	vld.idx.msk [tilespmem:v60+s30+$0x0], $0xffff  }
0x2fe: {  	v54 =	vmul.f32 $2.000000030e-01, v36;
	v24 =	vadd.f32 v43, v24;
	v57 =	vld.idx.msk [tilespmem:v60+s31+$0x0], $0xffff;
	v58 =	vadd.s32 v16, v51  }
0x2ff: {  	v60 =	vadd.s32 v14, v20;
	v23 =	vmul.f32 v23, v26;
	v26 =	vmul.f32 $2.000000030e-01, v29;
	v61 =	vld.idx.msk [tilespmem:v62+s5+$0x0], $0xffff  }
0x300: {  	v49 =	vmul.f32 $2.000000030e-01, v30;
	v52 =	vbroadcast v39, $0x0;
	v36 =	vmax.f32 v36, v54;
	v59 =	vld.idx.msk [tilespmem:v47+s30+$0x0], $0xffff  }
0x301: {  	v54 =	vadd.s32 v7, v21;
	v26 =	vmax.f32 v29, v26;
	v29 =	vmul.f32 $2.000000030e-01, v24;
	v63 =	vld.idx.msk [tilespmem:v47+s31+$0x0], $0xffff  }
0x302: {  	v1 =	vadd.f32 v1, v38;
	v62 =	vadd.s32 $0x81, v41;
	v22 =	vmul.f32 v26, v22;
	v26 =	vld.idx.msk [tilespmem:v55+s24+$0x0], $0xffff  }
0x303: {  	v30 =	vmax.f32 v30, v49;
	v47 =	vadd.s32 $0x82, v51;
	v24 =	vmax.f32 v24, v29;
	v29 =	vld.idx.msk [tilespmem:v58+s5+$0x0], $0xffff  }
0x304: {  	v38 =	vadd.s32 v10, v42;
	v32 =	vmul.f32 v37, v32;
	v1 =	vadd.f32 v22, v1;
	v22 =	vld.idx.msk [tilespmem:v60+s30+$0x0], $0xffff  }
0x305: {  	v51 =	vadd.s32 v9, v21;
	v0 =	vmul.f32 v24, v0;
	v24 =	vmul.f32 v30, v28;
	v28 =	vld.idx.msk [tilespmem:v60+s31+$0x0], $0xffff  }
0x306: {  	v20 =	vadd.s32 $0x83, v20;
	v27 =	vadd.f32 v33, v27;
	v58 =	vmul.f32 v25, v31;
	v31 =	vld.idx.msk [tilespmem:v54+s5+$0x0], $0xffff  }
0x307: {  	v36 =	vmul.f32 v36, v45;
	v33 =	vadd.s32 $0x84, v21;
	v1 =	vadd.f32 v23, v1;
	v23 =	vld.idx.msk [tilespmem:v62+s24+$0x0], $0xffff  }
0x308: {  	v30 =	vadd.f32 v57, v56;
	v57 =	vadd.s32 v6, v52;
	v27 =	vadd.f32 v40, v27;
	v34 =	vld.idx.msk [tilespmem:v47+s24+$0x0], $0xffff  }
0x309: {  	v21 =	vadd.s32 v8, v44;
	v56 =	vadd.f32 v63, v59;
	v59 =	vld.idx.msk [tilespmem:v50+s5+$0x0], $0xffff;
	v1 =	vadd.f32 v32, v1  }
0x30a: {  	v30 =	vadd.f32 v61, v30;
	v61 =	vadd.s32 v5, v52;
	v55 =	vmul.f32 $2.000000030e-01, v27;
	v60 =	vld.idx.msk [tilespmem:v51+s30+$0x0], $0xffff  }
0x30b: {  	v62 =	vld.idx.msk [tilespmem:v51+s31+$0x0], $0xffff;
	v63 =	vadd.s32 v11, v42;
	v29 =	vadd.f32 v29, v56;
	v1 =	vadd.f32 v24, v1  }
0x30c: {  	v25 =	vmax.f32 v27, v55;
	v27 =	vmul.f32 $2.000000030e-01, v30;
	v22 =	vadd.f32 v28, v22;
	v28 =	vld.idx.msk [tilespmem:v20+s24+$0x0], $0xffff  }
0x30d: {  	v25 =	vmul.f32 v25, v26;
	v26 =	vld.idx.msk [tilespmem:v57+s30+$0x0], $0xffff;
	v24 =	vmul.f32 $2.000000030e-01, v29;
	v1 =	vadd.f32 v58, v1  }
0x30e: {  	v32 =	vadd.s32 $0x85, v52;
	v27 =	vmax.f32 v30, v27;
	v30 =	vld.idx.msk [tilespmem:v57+s31+$0x0], $0xffff;
	v37 =	vadd.f32 v59, v22  }
0x30f: {  	v27 =	vmul.f32 v27, v23;
	v23 =	vmax.f32 v29, v24;
	v29 =	vld.idx.msk [tilespmem:v61+s5+$0x0], $0xffff;
	v1 =	vadd.f32 v36, v1  }
0x310: {  	v41 =	vadd.f32 v62, v60;
	v23 =	vmul.f32 v23, v34;
	v40 =	vmul.f32 $2.000000030e-01, v37;
	v34 =	vld.idx.msk [tilespmem:v63+s30+$0x0], $0xffff  }
0x311: {  	s17 =	simm.s32 $0x1F;
	v52 =	vmovc v2;
	v20 =	vadd.s32 $0x86, v42;
	v24 =	vadd.s32 $0x87, v44;
	v36 =	vld.idx.msk [tilespmem:v63+s31+$0x0], $0xffff;
	v39 =	vadd.f32 v0, v1  }
.LBB2_16:
0x312: {  	s16 =	sadd.s32 $0xFFFFFFF1, s17;
	s18 =	sadd.s32 $0xFFFFFFFA, s17;
	s8 =	sadd.s32 $0xFFFFFFFC, s17;
	v0 =	vmov s17;
	v1 =	vmax.f32 v37, v40;
	v22 =	vadd.f32 v31, v41;
	v31 =	vld.idx.msk [tilespmem:v38+s5+$0x0], $0xffff  }
0x313: {  	s20 =	sadd.s32 $0xFFFFFFFD, s17;
	s26 =	sadd.s32 $0xFFFFFFFE, s17;
	v25 =	vadd.f32 v25, v39;
	v37 =	vmov s16;
	v38 =	vmov s18;
	s16 =	sadd.s32 $0xFFFFFFFF, s17;
	v33 =	vld.idx.msk [tilespmem:v33+s24+$0x0], $0xffff  }
0x314: {  	p0 =	sne.s32 s17, $0x7F;
	v0 =	vshrl.u32 v0, $0x3;
	s18 =	smov.u32 s17;
	s17 =	sadd.s32 $0x10, s17;
	v37 =	vshrl.u32 v37, $0x3;
	v38 =	vshrl.u32 v38, $0x3;
	v39 =	vld.idx.msk [tilespmem:v35+s30+$0x0], $0xffff  }
0x315: {  	v30 =	vadd.f32 v30, v26;
	v37 =	vshll.u32 v37, v52;
	v38 =	vshll.u32 v38, v52;
	v35 =	vld.idx.msk [tilespmem:v35+s31+$0x0], $0xffff  }
0x316: {  	v25 =	vadd.f32 v27, v25;
	v26 =	vbroadcast v37, $0x0;
	v37 =	vmov s8;
	v21 =	vld.idx.msk [tilespmem:v21+s5+$0x0], $0xffff  }
0x317: {  	v27 =	vmul.f32 $2.000000030e-01, v22;
	v29 =	vadd.f32 v29, v30;
	v30 =	vadd.f32 v36, v34  }
0x318: {  	v1 =	vmul.f32 v1, v28;
	v34 =	vadd.s32 v12, v26;
	v36 =	vor.u32 $0x80, v26  }
0x319: {  	v28 =	vmul.f32 $2.000000030e-01, v29;
	v40 =	vor.u32 v15, v26;
	v41 =	vadd.s32 $0x81, v26;
	v32 =	vld.idx.msk [tilespmem:v32+s24+$0x0], $0xffff  }
0x31a: {  	v22 =	vmax.f32 v22, v27;
	v42 =	vadd.s32 $0x82, v26;
	v43 =	vadd.s32 v4, v26  }
0x31b: {  	v44 =	vadd.s32 v19, v26;
	v27 =	vadd.s32 v9, v26;
	v22 =	vmul.f32 v22, v33;
	v20 =	vld.idx.msk [tilespmem:v20+s24+$0x0], $0xffff  }
0x31c: {  	v33 =	vadd.s32 v7, v26;
	v45 =	vadd.s32 v6, v26;
	v35 =	vadd.f32 v35, v39;
	v24 =	vld.idx.msk [tilespmem:v24+s24+$0x0], $0xffff  }
0x31d: {  	v23 =	vadd.f32 v23, v25;
	v46 =	vadd.s32 v5, v26;
	v39 =	vadd.s32 v18, v26;
	v36 =	vld.idx.msk [tilespmem:v36+s24+$0x0], $0xffff  }
0x31e: {  	v47 =	vadd.s32 v17, v26;
	v25 =	vmax.f32 v29, v28;
	v29 =	vadd.f32 v31, v30;
	v34 =	vld.idx.msk [tilespmem:v34+s5+$0x0], $0xffff  }
0x31f: {  	v1 =	vadd.f32 v1, v23;
	v21 =	vadd.f32 v21, v35;
	v23 =	vmul.f32 v25, v32;
	v28 =	vld.idx.msk [tilespmem:v43+s30+$0x0], $0xffff  }
0x320: {  	v30 =	vadd.s32 v16, v26;
	v25 =	vbroadcast v38, $0x0;
	v32 =	vmul.f32 $2.000000030e-01, v29;
	v31 =	vld.idx.msk [tilespmem:v27+s31+$0x0], $0xffff  }
0x321: {  	v1 =	vadd.f32 v22, v1;
	v35 =	vadd.s32 v14, v26;
	v22 =	vmul.f32 $2.000000030e-01, v21;
	v38 =	vld.idx.msk [tilespmem:v45+s31+$0x0], $0xffff  }
0x322: {  	v48 =	vmov s20;
	v37 =	vshrl.u32 v37, $0x3;
	v29 =	vmax.f32 v29, v32;
	v46 =	vld.idx.msk [tilespmem:v46+s5+$0x0], $0xffff  }
0x323: {  	v1 =	vadd.f32 v23, v1;
	v21 =	vmax.f32 v21, v22;
	v20 =	vmul.f32 v29, v20;
	v32 =	vld.idx.msk [tilespmem:v45+s30+$0x0], $0xffff  }
0x324: {  	v22 =	vshll.u32 v37, v52;
	v29 =	vadd.s32 v13, v26;
	v21 =	vmul.f32 v21, v24;
	v33 =	vld.idx.msk [tilespmem:v33+s5+$0x0], $0xffff  }
0x325: {  	v24 =	vbroadcast v22, $0x0;
	v22 =	vshrl.u32 v48, $0x3;
	v1 =	vadd.f32 v20, v1;
	v37 =	vld.idx.msk [tilespmem:v27+s30+$0x0], $0xffff  }
0x326: {  	v20 =	vshll.u32 v22, v52;
	v22 =	vmov s26;
	v27 =	vld.idx.msk [tilespmem:v41+s24+$0x0], $0xffff;
	v41 =	vmov s16  }
0x327: {  	v23 =	vbroadcast v20, $0x0;
	v20 =	vshrl.u32 v22, $0x3;
	v1 =	vadd.f32 v21, v1;
	v42 =	vld.idx.msk [tilespmem:v42+s24+$0x0], $0xffff  }
0x328: {  	v0 =	vshll.u32 v0, v52;
	v20 =	vshll.u32 v20, v52;
	v21 =	vshrl.u32 v41, $0x3;
	v43 =	vld.idx.msk [tilespmem:v43+s31+$0x0], $0xffff  }
0x329: {  	v20 =	vbroadcast v20, $0x0;
	v32 =	vadd.f32 v38, v32;
	v21 =	vshll.u32 v21, v52;
	v41 =	vld.idx.msk [tilespmem:v44+s31+$0x0], $0xffff  }
0x32a: {  	v22 =	vbroadcast v0, $0x0;
	v21 =	vbroadcast v21, $0x0;
	v38 =	vld.idx.msk [tilespmem:v40+s30+$0x0], $0xffff  }
0x32b: {  	v31 =	vadd.f32 v31, v37;
	v32 =	vadd.f32 v46, v32;
	v0 =	vld.idx.msk [tilespmem:v40+s31+$0x0], $0xffff  }
0x32c: {  	v37 =	vld.idx.msk [tilespmem:v39+s5+$0x0], $0xffff  }
0x32d: {  	v31 =	vadd.f32 v33, v31;
	v33 =	vmul.f32 $2.000000030e-01, v32;
	v39 =	vld.idx.msk [tilespmem:v47+s31+$0x0], $0xffff  }
0x32e: {  	v45 =	vadd.s32 v11, v26;
	v40 =	vld.idx.msk [tilespmem:v47+s30+$0x0], $0xffff  }
0x32f: {  	v46 =	vmul.f32 $2.000000030e-01, v31;
	v32 =	vmax.f32 v32, v33;
	v30 =	vld.idx.msk [tilespmem:v30+s5+$0x0], $0xffff  }
0x330: {  	v47 =	vadd.s32 v10, v26;
	v33 =	vld.idx.msk [tilespmem:v35+s31+$0x0], $0xffff  }
0x331: {  	s8 =	sadd.s32 $0xFFFFFFF9, s18;
	v0 =	vadd.f32 v0, v38;
	v31 =	vmax.f32 v31, v46;
	v35 =	vld.idx.msk [tilespmem:v35+s30+$0x0], $0xffff  }
0x332: {  	v38 =	vadd.s32 $0x84, v26;
	v46 =	vmov s8;
	v29 =	vld.idx.msk [tilespmem:v29+s5+$0x0], $0xffff  }
0x333: {  	v48 =	vadd.s32 v8, v26;
	v46 =	vshrl.u32 v46, $0x3;
	v0 =	vadd.f32 v34, v0;
	v34 =	vld.idx.msk [tilespmem:v45+s31+$0x0], $0xffff  }
0x334: {  	v46 =	vshll.u32 v46, v52;
	v39 =	vadd.f32 v39, v40;
	v40 =	vadd.s32 $0x85, v26;
	v45 =	vld.idx.msk [tilespmem:v45+s30+$0x0], $0xffff  }
0x335: {  	v50 =	vadd.s32 $0x86, v26;
	v46 =	vbroadcast v46, $0x0;
	v49 =	vmul.f32 $2.000000030e-01, v0;
	v47 =	vld.idx.msk [tilespmem:v47+s5+$0x0], $0xffff  }
0x336: {  	v30 =	vadd.f32 v30, v39;
	v39 =	vadd.s32 $0x83, v26;
	v26 =	vadd.s32 $0x87, v26;
	v44 =	vld.idx.msk [tilespmem:v44+s30+$0x0], $0xffff  }
0x337: {  	s8 =	sadd.s32 $0xFFFFFFFB, s18;
	v0 =	vmax.f32 v0, v49;
	v33 =	vadd.f32 v33, v35;
	v35 =	vld.idx.msk [tilespmem:v38+s24+$0x0], $0xffff;
	v38 =	vadd.s32 v15, v46  }
0x338: {  	v49 =	vmov s8;
	v0 =	vmul.f32 v0, v36;
	v36 =	vmul.f32 $2.000000030e-01, v30;
	v48 =	vld.idx.msk [tilespmem:v48+s5+$0x0], $0xffff  }
0x339: {  	v49 =	vshrl.u32 v49, $0x3;
	v29 =	vadd.f32 v29, v33;
	v33 =	vld.idx.msk [tilespmem:v40+s24+$0x0], $0xffff;
	v40 =	vadd.s32 v12, v46  }
0x33a: {  	v30 =	vmax.f32 v30, v36;
	v34 =	vadd.f32 v34, v45;
	v45 =	vshll.u32 v49, v52;
	v36 =	vld.idx.msk [tilespmem:v50+s24+$0x0], $0xffff  }
0x33b: {  	v49 =	vmul.f32 $2.000000030e-01, v29;
	v50 =	vadd.s32 v19, v25;
	v45 =	vbroadcast v45, $0x0;
	v39 =	vld.idx.msk [tilespmem:v39+s24+$0x0], $0xffff  }
0x33c: {  	v28 =	vadd.f32 v43, v28;
	v34 =	vadd.f32 v47, v34;
	v43 =	vld.idx.msk [tilespmem:v38+s30+$0x0], $0xffff  }
0x33d: {  	v41 =	vadd.f32 v41, v44;
	v29 =	vmax.f32 v29, v49;
	v44 =	vadd.s32 v17, v45;
	v26 =	vld.idx.msk [tilespmem:v26+s24+$0x0], $0xffff  }
0x33e: {  	v47 =	vmul.f32 $2.000000030e-01, v34;
	v28 =	vadd.f32 v48, v28;
	v48 =	vadd.s32 v18, v25;
	v38 =	vld.idx.msk [tilespmem:v38+s31+$0x0], $0xffff  }
0x33f: {  	v0 =	vadd.f32 v0, v1;
	v1 =	vadd.f32 v37, v41;
	v37 =	vld.idx.msk [tilespmem:v40+s5+$0x0], $0xffff  }
0x340: {  	v41 =	vadd.s32 $0x80, v46;
	v34 =	vmax.f32 v34, v47;
	v40 =	vmul.f32 $2.000000030e-01, v28;
	v46 =	vld.idx.msk [tilespmem:v50+s30+$0x0], $0xffff  }
0x341: {  	v30 =	vmul.f32 v30, v42;
	v42 =	vadd.s32 v16, v45;
	v34 =	vmul.f32 v34, v36;
	v36 =	vld.idx.msk [tilespmem:v50+s31+$0x0], $0xffff  }
0x342: {  	v49 =	vadd.s32 v14, v24;
	v47 =	vmul.f32 $2.000000030e-01, v1;
	v28 =	vmax.f32 v28, v40;
	v40 =	vld.idx.msk [tilespmem:v44+s30+$0x0], $0xffff  }
0x343: {  	v29 =	vmul.f32 v29, v39;
	v39 =	vmul.f32 v28, v26;
	v26 =	vld.idx.msk [tilespmem:v48+s5+$0x0], $0xffff  }
0x344: {  	v25 =	vadd.s32 $0x81, v25;
	v1 =	vmax.f32 v1, v47;
	v28 =	vadd.f32 v38, v43;
	v38 =	vld.idx.msk [tilespmem:v44+s31+$0x0], $0xffff  }
0x345: {  	v1 =	vmul.f32 v1, v27;
	v27 =	vmul.f32 v31, v35;
	v35 =	vadd.s32 $0x82, v45;
	v31 =	vld.idx.msk [tilespmem:v41+s24+$0x0], $0xffff  }
0x346: {  	v28 =	vadd.f32 v37, v28;
	v41 =	vadd.s32 v13, v24;
	v37 =	vld.idx.msk [tilespmem:v42+s5+$0x0], $0xffff;
	v42 =	vadd.s32 v9, v23  }
0x347: {  	v0 =	vadd.f32 v1, v0;
	v1 =	vmul.f32 v32, v33;
	v32 =	vadd.f32 v36, v46;
	v33 =	vld.idx.msk [tilespmem:v49+s30+$0x0], $0xffff  }
0x348: {  	v36 =	vmul.f32 $2.000000030e-01, v28;
	v43 =	vld.idx.msk [tilespmem:v49+s31+$0x0], $0xffff  }
0x349: {  	v0 =	vadd.f32 v30, v0;
	v26 =	vadd.f32 v26, v32;
	v32 =	vadd.s32 v7, v23;
	v30 =	vld.idx.msk [tilespmem:v25+s24+$0x0], $0xffff  }
0x34a: {  	v25 =	vmax.f32 v28, v36;
	v36 =	vadd.s32 v6, v20;
	v28 =	vld.idx.msk [tilespmem:v35+s24+$0x0], $0xffff;
	v35 =	vadd.f32 v38, v40  }
0x34b: {  	v0 =	vadd.f32 v29, v0;
	v25 =	vmul.f32 v25, v31;
	v29 =	vmul.f32 $2.000000030e-01, v26;
	v40 =	vld.idx.msk [tilespmem:v41+s5+$0x0], $0xffff  }
0x34c: {  	v44 =	vadd.s32 v5, v20;
	v35 =	vadd.f32 v37, v35;
	v41 =	vld.idx.msk [tilespmem:v42+s30+$0x0], $0xffff  }
0x34d: {  	v24 =	vadd.s32 $0x83, v24;
	v0 =	vadd.f32 v27, v0;
	v26 =	vmax.f32 v26, v29;
	v42 =	vld.idx.msk [tilespmem:v42+s31+$0x0], $0xffff  }
0x34e: {  	v37 =	vadd.f32 v43, v33;
	v43 =	vadd.s32 v11, v21;
	v29 =	vmul.f32 $2.000000030e-01, v35;
	v31 =	vld.idx.msk [tilespmem:v32+s5+$0x0], $0xffff  }
0x34f: {  	v0 =	vadd.f32 v1, v0;
	v27 =	vmul.f32 v26, v30;
	v26 =	vld.idx.msk [tilespmem:v36+s30+$0x0], $0xffff  }
.Ltmp6:
0x350: {  	v38 =	vadd.s32 v10, v21;
	v33 =	vadd.s32 $0x84, v23;
	v1 =	vmax.f32 v35, v29;
	v30 =	vld.idx.msk [tilespmem:v36+s31+$0x0], $0xffff;
	(pc) =	sbr.rel @p0 .LBB2_16-.Ltmp6, $4  }
0x351: {  	v0 =	vadd.f32 v34, v0;
	v37 =	vadd.f32 v40, v37;
	v23 =	vmul.f32 v1, v28;
	v29 =	vld.idx.msk [tilespmem:v44+s5+$0x0], $0xffff  }
0x352: {  	v35 =	vadd.s32 v4, v22;
	v28 =	vld.idx.msk [tilespmem:v24+s24+$0x0], $0xffff;
	v24 =	vadd.s32 $0x87, v22  }
0x353: {  	v39 =	vadd.f32 v39, v0;
	v40 =	vmul.f32 $2.000000030e-01, v37;
	v41 =	vadd.f32 v42, v41;
	v34 =	vld.idx.msk [tilespmem:v43+s30+$0x0], $0xffff  }
0x354: {  	v32 =	vadd.s32 $0x85, v20;
	v20 =	vadd.s32 $0x86, v21;
	v21 =	vadd.s32 v8, v22;
	v36 =	vld.idx.msk [tilespmem:v43+s31+$0x0], $0xffff  }
0x355: {  	_ =	sdelay $0x3  }
0x356: {  	v0 =	vld.idx.msk [tilespmem:v38+s5+$0x0], $0xffff  }
0x357: {  	v1 =	vld.idx.msk [tilespmem:v35+s30+$0x0], $0xffff  }
0x358: {  	v22 =	vadd.f32 v25, v39;
	v25 =	vadd.f32 v30, v26;
	v26 =	vld.idx.msk [tilespmem:v35+s31+$0x0], $0xffff  }
0x359: {  	v59 =	vadd.f32 v31, v41;
	v60 =	vld.idx.msk [tilespmem:v33+s24+$0x0], $0xffff  }
0x35a: {  	v21 =	vld.idx.msk [tilespmem:v21+s5+$0x0], $0xffff;
	v22 =	vadd.f32 v27, v22;
	v25 =	vadd.f32 v29, v25  }
0x35b: {  	v32 =	vld.idx.msk [tilespmem:v32+s24+$0x0], $0xffff;
	v27 =	vmax.f32 v37, v40;
	v61 =	vmul.f32 $2.000000030e-01, v59;
	v62 =	vadd.f32 v36, v34  }
0x35c: {  	v27 =	vmul.f32 v27, v28;
	v63 =	vmul.f32 $2.000000030e-01, v25;
	v22 =	vadd.f32 v23, v22  }
0x35d: {  	v20 =	vld.idx.msk [tilespmem:v20+s24+$0x0], $0xffff;
	v23 =	vmax.f32 v59, v61;
	v1 =	vadd.f32 v26, v1;
	v0 =	vadd.f32 v0, v62  }
0x35e: {  	v23 =	vmul.f32 v23, v60;
	v22 =	vadd.f32 v27, v22  }
0x35f: {  	v24 =	vld.idx.msk [tilespmem:v24+s24+$0x0], $0xffff;
	v25 =	vmax.f32 v25, v63;
	v1 =	vadd.f32 v21, v1;
	v21 =	vmul.f32 $2.000000030e-01, v0  }
0x360: {  	v25 =	vmul.f32 v25, v32;
	v22 =	vadd.f32 v23, v22  }
0x361: {  	v23 =	vmul.f32 $2.000000030e-01, v1;
	v0 =	vmax.f32 v0, v21  }
0x362: {  	v21 =	vadd.f32 v25, v22;
	v0 =	vmul.f32 v0, v20  }
0x363: {  	v1 =	vmax.f32 v1, v23  }
0x364: {  	v1 =	vmul.f32 v1, v24;
	v0 =	vadd.f32 v0, v21;
	_ =	sdelay $0x1  }
0x365: {  	v0 =	vadd.f32 v1, v0;
	_ =	sdelay $0x1  }
0x366: {  	v0 =	vmul.f32 $1.442695020e+00, v0;
	_ =	sdelay $0x1  }
0x367: {  	(erf) = vpow2.f32 v0;
	_ =	sdelay $0x1  }
0x368: {  	s8 =	simm.s32 $0x0  }
0x369: {  	v0 =	vmov s8  }
0x36a: {  	v0 =	vshrl.u32 v0, $0x3  }
0x36b: {  	v1 =	vld.idx.msk [tilespmem:v3+s15+$0x0 ss:$0x1], $0xffff;
	v0 =	vshll.u32 v0, v52  }
0x36c: {  	v0 =	vbroadcast v0, $0x0  }
0x36d: {  	v21 =	vadd.s32 $0x80, v12  }
0x36e: {  	v22 =	vor.u32 v15, v0  }
0x36f: {  	v20 =	vpop (erf)  }
0x370: {  	v20 =	vmul.f32 v1, v20;
	_ =	sdelay $0x1  }
0x371: {  	[tilespmem:v21+s5+$0x0] =	vst.idx.msk $0xffff, v20  }
0x372: {  	v1 =	vld.idx.msk [tilespmem:v22+s30+$0x0], $0xffff;
	_ =	sdelay $0x1  }
0x373: {  	v21 =	vadd.s32 v12, v0  }
0x374: {  	v22 =	vadd.s32 v19, v0;
	_ =	sdelay $0x1  }
0x375: {  	v1 =	vmul.f32 v1, v20;
	_ =	sdelay $0x1  }
0x376: {  	[tilespmem:v21+s5+$0x0] =	vst.idx.msk $0xffff, v1  }
0x377: {  	v1 =	vld.idx.msk [tilespmem:v22+s30+$0x0], $0xffff;
	_ =	sdelay $0x1  }
0x378: {  	v21 =	vadd.s32 v18, v0  }
0x379: {  	v22 =	vadd.s32 v17, v0;
	_ =	sdelay $0x1  }
0x37a: {  	v1 =	vmul.f32 v1, v20;
	_ =	sdelay $0x1  }
0x37b: {  	[tilespmem:v21+s5+$0x0] =	vst.idx.msk $0xffff, v1  }
0x37c: {  	v1 =	vld.idx.msk [tilespmem:v22+s30+$0x0], $0xffff;
	_ =	sdelay $0x1  }
0x37d: {  	v21 =	vadd.s32 v16, v0  }
0x37e: {  	v22 =	vadd.s32 v14, v0;
	_ =	sdelay $0x1  }
0x37f: {  	v1 =	vmul.f32 v1, v20;
	_ =	sdelay $0x1  }
0x380: {  	[tilespmem:v21+s5+$0x0] =	vst.idx.msk $0xffff, v1  }
0x381: {  	v1 =	vld.idx.msk [tilespmem:v22+s30+$0x0], $0xffff;
	_ =	sdelay $0x1  }
0x382: {  	v21 =	vadd.s32 v13, v0  }
0x383: {  	v22 =	vadd.s32 v9, v0;
	_ =	sdelay $0x1  }
0x384: {  	v1 =	vmul.f32 v1, v20;
	_ =	sdelay $0x1  }
0x385: {  	[tilespmem:v21+s5+$0x0] =	vst.idx.msk $0xffff, v1  }
0x386: {  	v1 =	vld.idx.msk [tilespmem:v22+s30+$0x0], $0xffff;
	_ =	sdelay $0x1  }
0x387: {  	v21 =	vadd.s32 v7, v0  }
0x388: {  	v22 =	vadd.s32 v6, v0;
	_ =	sdelay $0x1  }
0x389: {  	v1 =	vmul.f32 v1, v20;
	_ =	sdelay $0x1  }
0x38a: {  	[tilespmem:v21+s5+$0x0] =	vst.idx.msk $0xffff, v1  }
0x38b: {  	v1 =	vld.idx.msk [tilespmem:v22+s30+$0x0], $0xffff;
	_ =	sdelay $0x1  }
0x38c: {  	v21 =	vadd.s32 v5, v0  }
0x38d: {  	v22 =	vadd.s32 v11, v0;
	_ =	sdelay $0x1  }
0x38e: {  	v1 =	vmul.f32 v1, v20;
	_ =	sdelay $0x1  }
0x38f: {  	[tilespmem:v21+s5+$0x0] =	vst.idx.msk $0xffff, v1  }
0x390: {  	v1 =	vld.idx.msk [tilespmem:v22+s30+$0x0], $0xffff;
	_ =	sdelay $0x1  }
0x391: {  	v21 =	vadd.s32 v10, v0  }
0x392: {  	v22 =	vadd.s32 v4, v0;
	_ =	sdelay $0x1  }
0x393: {  	s18 =	simm.s32 $0x8;
	v1 =	vmul.f32 v1, v20  }
0x394: {  	v23 =	vmov s18  }
0x395: {  	[tilespmem:v21+s5+$0x0] =	vst.idx.msk $0xffff, v1;
	v1 =	vshrl.u32 v23, $0x3  }
0x396: {  	v21 =	vld.idx.msk [tilespmem:v22+s30+$0x0], $0xffff;
	v1 =	vshll.u32 v1, v52  }
0x397: {  	v1 =	vbroadcast v1, $0x0  }
0x398: {  	v0 =	vadd.s32 v8, v0  }
0x399: {  	v22 =	vadd.s32 v15, v1;
	_ =	sdelay $0x1  }
0x39a: {  	s20 =	simm.s32 $0x9;
	v21 =	vmul.f32 v21, v20  }
0x39b: {  	v23 =	vmov s20  }
0x39c: {  	[tilespmem:v0+s5+$0x0] =	vst.idx.msk $0xffff, v21;
	v0 =	vshrl.u32 v23, $0x3  }
0x39d: {  	v21 =	vld.idx.msk [tilespmem:v22+s30+$0x0], $0xffff;
	v0 =	vshll.u32 v0, v52  }
0x39e: {  	v0 =	vbroadcast v0, $0x0  }
0x39f: {  	v1 =	vadd.s32 v12, v1  }
0x3a0: {  	v22 =	vadd.s32 v19, v0;
	_ =	sdelay $0x1  }
0x3a1: {  	s26 =	simm.s32 $0xA;
	v21 =	vmul.f32 v21, v20  }
0x3a2: {  	v23 =	vmov s26  }
0x3a3: {  	[tilespmem:v1+s5+$0x0] =	vst.idx.msk $0xffff, v21;
	v1 =	vshrl.u32 v23, $0x3  }
0x3a4: {  	v21 =	vld.idx.msk [tilespmem:v22+s30+$0x0], $0xffff;
	v1 =	vshll.u32 v1, v52  }
0x3a5: {  	v1 =	vbroadcast v1, $0x0  }
0x3a6: {  	v0 =	vadd.s32 v18, v0  }
0x3a7: {  	v22 =	vadd.s32 v17, v1;
	_ =	sdelay $0x1  }
0x3a8: {  	s15 =	simm.s32 $0xB;
	v21 =	vmul.f32 v21, v20  }
0x3a9: {  	v23 =	vmov s15  }
0x3aa: {  	[tilespmem:v0+s5+$0x0] =	vst.idx.msk $0xffff, v21;
	v0 =	vshrl.u32 v23, $0x3  }
0x3ab: {  	v21 =	vld.idx.msk [tilespmem:v22+s30+$0x0], $0xffff;
	v0 =	vshll.u32 v0, v52  }
0x3ac: {  	v0 =	vbroadcast v0, $0x0  }
0x3ad: {  	v1 =	vadd.s32 v16, v1  }
0x3ae: {  	v22 =	vadd.s32 v14, v0;
	_ =	sdelay $0x1  }
0x3af: {  	s16 =	simm.s32 $0xC;
	v21 =	vmul.f32 v21, v20  }
0x3b0: {  	v23 =	vmov s16  }
0x3b1: {  	[tilespmem:v1+s5+$0x0] =	vst.idx.msk $0xffff, v21;
	v1 =	vshrl.u32 v23, $0x3  }
0x3b2: {  	v21 =	vld.idx.msk [tilespmem:v22+s30+$0x0], $0xffff;
	v1 =	vshll.u32 v1, v52  }
0x3b3: {  	v1 =	vbroadcast v1, $0x0  }
0x3b4: {  	v0 =	vadd.s32 v13, v0  }
0x3b5: {  	v22 =	vadd.s32 v9, v1;
	_ =	sdelay $0x1  }
0x3b6: {  	s17 =	simm.s32 $0xD;
	v21 =	vmul.f32 v21, v20  }
0x3b7: {  	v23 =	vmov s17  }
0x3b8: {  	[tilespmem:v0+s5+$0x0] =	vst.idx.msk $0xffff, v21;
	v0 =	vshrl.u32 v23, $0x3  }
0x3b9: {  	v21 =	vld.idx.msk [tilespmem:v22+s30+$0x0], $0xffff;
	v0 =	vshll.u32 v0, v52  }
0x3ba: {  	v0 =	vbroadcast v0, $0x0  }
0x3bb: {  	v1 =	vadd.s32 v7, v1  }
0x3bc: {  	v22 =	vadd.s32 v6, v0;
	_ =	sdelay $0x1  }
0x3bd: {  	s18 =	simm.s32 $0xE;
	v21 =	vmul.f32 v21, v20  }
0x3be: {  	v23 =	vmov s18  }
0x3bf: {  	[tilespmem:v1+s5+$0x0] =	vst.idx.msk $0xffff, v21;
	v1 =	vshrl.u32 v23, $0x3  }
0x3c0: {  	v21 =	vld.idx.msk [tilespmem:v22+s30+$0x0], $0xffff;
	v1 =	vshll.u32 v1, v52  }
0x3c1: {  	v1 =	vbroadcast v1, $0x0  }
0x3c2: {  	v0 =	vadd.s32 v5, v0  }
0x3c3: {  	v22 =	vadd.s32 v11, v1;
	_ =	sdelay $0x1  }
0x3c4: {  	v21 =	vmul.f32 v21, v20  }
0x3c5: {  	s20 =	simm.s32 $0xF  }
0x3c6: {  	v23 =	vmov s20;
	[tilespmem:v0+s5+$0x0] =	vst.idx.msk $0xffff, v21  }
0x3c7: {  	v0 =	vshrl.u32 v23, $0x3;
	v21 =	vld.idx.msk [tilespmem:v22+s30+$0x0], $0xffff  }
0x3c8: {  	v0 =	vshll.u32 v0, v52  }
0x3c9: {  	v1 =	vadd.s32 v10, v1;
	v0 =	vbroadcast v0, $0x0;
	_ =	sdelay $0x1  }
0x3ca: {  	v22 =	vadd.s32 v4, v0  }
0x3cb: {  	v21 =	vmul.f32 v21, v20  }
0x3cc: {  	s26 =	simm.s32 $0x10  }
0x3cd: {  	[tilespmem:v1+s5+$0x0] =	vst.idx.msk $0xffff, v21;
	v1 =	vmov s26  }
0x3ce: {  	v1 =	vshrl.u32 v1, $0x3  }
0x3cf: {  	v24 =	vld.idx.msk [tilespmem:v22+s30+$0x0], $0xffff;
	v1 =	vshll.u32 v1, v52  }
0x3d0: {  	v21 =	vbroadcast v1, $0x0  }
0x3d1: {  	v23 =	vadd.s32 v8, v0  }
0x3d2: {  	v22 =	vor.u32 v15, v21;
	_ =	sdelay $0x1  }
0x3d3: {  	s15 =	simm.s32 $0x1F;
	s17 =	simm.s32 $0x2F;
	v24 =	vmul.f32 v24, v20  }
.LBB2_18:
0x3d4: {  	_ = 	snop  }
0x3d5: {  	p0 =	sne.s32 s17, $0x7F;
	s18 =	smov.u32 s17;
	s17 =	sadd.s32 $0x10, s17;
	[tilespmem:v23+s5+$0x0] =	vst.idx.msk $0xffff, v24  }
0x3d6: {  	v0 =	vld.idx.msk [tilespmem:v22+s30+$0x0], $0xffff;
	_ =	sdelay $0x2  }
0x3d7: {  	v1 =	vadd.s32 v12, v21  }
0x3d8: {  	v22 =	vadd.s32 v19, v21;
	_ =	sdelay $0x1  }
0x3d9: {  	v0 =	vmul.f32 v0, v20;
	_ =	sdelay $0x1  }
0x3da: {  	[tilespmem:v1+s5+$0x0] =	vst.idx.msk $0xffff, v0  }
0x3db: {  	v0 =	vld.idx.msk [tilespmem:v22+s30+$0x0], $0xffff;
	_ =	sdelay $0x2  }
0x3dc: {  	v1 =	vadd.s32 v18, v21  }
0x3dd: {  	v22 =	vadd.s32 v17, v21;
	_ =	sdelay $0x1  }
0x3de: {  	v0 =	vmul.f32 v0, v20;
	_ =	sdelay $0x1  }
0x3df: {  	[tilespmem:v1+s5+$0x0] =	vst.idx.msk $0xffff, v0  }
0x3e0: {  	v0 =	vld.idx.msk [tilespmem:v22+s30+$0x0], $0xffff;
	_ =	sdelay $0x2  }
0x3e1: {  	v1 =	vadd.s32 v16, v21  }
0x3e2: {  	v22 =	vadd.s32 v14, v21;
	_ =	sdelay $0x1  }
0x3e3: {  	v0 =	vmul.f32 v0, v20;
	_ =	sdelay $0x1  }
0x3e4: {  	[tilespmem:v1+s5+$0x0] =	vst.idx.msk $0xffff, v0  }
0x3e5: {  	v0 =	vld.idx.msk [tilespmem:v22+s30+$0x0], $0xffff;
	_ =	sdelay $0x2  }
0x3e6: {  	v1 =	vadd.s32 v13, v21  }
0x3e7: {  	v22 =	vadd.s32 v9, v21;
	_ =	sdelay $0x1  }
0x3e8: {  	v0 =	vmul.f32 v0, v20;
	_ =	sdelay $0x1  }
0x3e9: {  	[tilespmem:v1+s5+$0x0] =	vst.idx.msk $0xffff, v0  }
0x3ea: {  	v0 =	vld.idx.msk [tilespmem:v22+s30+$0x0], $0xffff;
	_ =	sdelay $0x2  }
0x3eb: {  	v1 =	vadd.s32 v7, v21  }
0x3ec: {  	v22 =	vadd.s32 v6, v21;
	_ =	sdelay $0x1  }
0x3ed: {  	v0 =	vmul.f32 v0, v20;
	_ =	sdelay $0x1  }
0x3ee: {  	[tilespmem:v1+s5+$0x0] =	vst.idx.msk $0xffff, v0  }
0x3ef: {  	v0 =	vld.idx.msk [tilespmem:v22+s30+$0x0], $0xffff;
	_ =	sdelay $0x2  }
0x3f0: {  	v1 =	vadd.s32 v5, v21  }
0x3f1: {  	v22 =	vadd.s32 v11, v21;
	_ =	sdelay $0x1  }
0x3f2: {  	v0 =	vmul.f32 v0, v20;
	_ =	sdelay $0x1  }
0x3f3: {  	[tilespmem:v1+s5+$0x0] =	vst.idx.msk $0xffff, v0  }
0x3f4: {  	v0 =	vld.idx.msk [tilespmem:v22+s30+$0x0], $0xffff;
	_ =	sdelay $0x2  }
0x3f5: {  	v1 =	vadd.s32 v10, v21  }
0x3f6: {  	v22 =	vadd.s32 v4, v21;
	_ =	sdelay $0x1  }
0x3f7: {  	v0 =	vmul.f32 v0, v20  }
0x3f8: {  	s8 =	sadd.s32 $0xFFFFFFF9, s15  }
0x3f9: {  	[tilespmem:v1+s5+$0x0] =	vst.idx.msk $0xffff, v0;
	v0 =	vmov s8  }
0x3fa: {  	v1 =	vld.idx.msk [tilespmem:v22+s30+$0x0], $0xffff;
	v0 =	vshrl.u32 v0, $0x3  }
0x3fb: {  	v0 =	vshll.u32 v0, v52  }
0x3fc: {  	v0 =	vbroadcast v0, $0x0  }
0x3fd: {  	v21 =	vadd.s32 v8, v21  }
0x3fe: {  	v22 =	vadd.s32 v15, v0;
	_ =	sdelay $0x1  }
0x3ff: {  	v1 =	vmul.f32 v1, v20  }
0x400: {  	s8 =	sadd.s32 $0xFFFFFFFA, s15  }
0x401: {  	[tilespmem:v21+s5+$0x0] =	vst.idx.msk $0xffff, v1;
	v1 =	vmov s8  }
0x402: {  	v21 =	vld.idx.msk [tilespmem:v22+s30+$0x0], $0xffff;
	v1 =	vshrl.u32 v1, $0x3  }
0x403: {  	v1 =	vshll.u32 v1, v52  }
0x404: {  	v1 =	vbroadcast v1, $0x0  }
0x405: {  	v0 =	vadd.s32 v12, v0  }
0x406: {  	v22 =	vadd.s32 v19, v1;
	_ =	sdelay $0x1  }
0x407: {  	v21 =	vmul.f32 v21, v20  }
0x408: {  	s8 =	sadd.s32 $0xFFFFFFFB, s15  }
0x409: {  	[tilespmem:v0+s5+$0x0] =	vst.idx.msk $0xffff, v21;
	v0 =	vmov s8  }
0x40a: {  	v21 =	vld.idx.msk [tilespmem:v22+s30+$0x0], $0xffff;
	v0 =	vshrl.u32 v0, $0x3  }
0x40b: {  	v0 =	vshll.u32 v0, v52  }
0x40c: {  	v0 =	vbroadcast v0, $0x0  }
0x40d: {  	v1 =	vadd.s32 v18, v1  }
0x40e: {  	v22 =	vadd.s32 v17, v0;
	_ =	sdelay $0x1  }
0x40f: {  	v21 =	vmul.f32 v21, v20  }
0x410: {  	s8 =	sadd.s32 $0xFFFFFFFC, s15  }
0x411: {  	[tilespmem:v1+s5+$0x0] =	vst.idx.msk $0xffff, v21;
	v1 =	vmov s8  }
0x412: {  	v21 =	vld.idx.msk [tilespmem:v22+s30+$0x0], $0xffff;
	v1 =	vshrl.u32 v1, $0x3  }
0x413: {  	v1 =	vshll.u32 v1, v52  }
0x414: {  	v1 =	vbroadcast v1, $0x0  }
0x415: {  	v0 =	vadd.s32 v16, v0  }
0x416: {  	v22 =	vadd.s32 v14, v1;
	_ =	sdelay $0x1  }
0x417: {  	v21 =	vmul.f32 v21, v20  }
0x418: {  	s8 =	sadd.s32 $0xFFFFFFFD, s15  }
0x419: {  	[tilespmem:v0+s5+$0x0] =	vst.idx.msk $0xffff, v21;
	v0 =	vmov s8  }
0x41a: {  	v21 =	vld.idx.msk [tilespmem:v22+s30+$0x0], $0xffff;
	v0 =	vshrl.u32 v0, $0x3  }
0x41b: {  	v0 =	vshll.u32 v0, v52  }
0x41c: {  	v0 =	vbroadcast v0, $0x0  }
0x41d: {  	v1 =	vadd.s32 v13, v1  }
0x41e: {  	v22 =	vadd.s32 v9, v0;
	_ =	sdelay $0x1  }
0x41f: {  	v21 =	vmul.f32 v21, v20  }
0x420: {  	s8 =	sadd.s32 $0xFFFFFFFE, s15  }
0x421: {  	[tilespmem:v1+s5+$0x0] =	vst.idx.msk $0xffff, v21;
	v1 =	vmov s8  }
0x422: {  	v21 =	vld.idx.msk [tilespmem:v22+s30+$0x0], $0xffff;
	v1 =	vshrl.u32 v1, $0x3  }
0x423: {  	v1 =	vshll.u32 v1, v52  }
0x424: {  	v1 =	vbroadcast v1, $0x0  }
0x425: {  	v0 =	vadd.s32 v7, v0  }
0x426: {  	v22 =	vadd.s32 v6, v1;
	_ =	sdelay $0x1  }
0x427: {  	v21 =	vmul.f32 v21, v20  }
0x428: {  	s8 =	sadd.s32 $0xFFFFFFFF, s15  }
0x429: {  	[tilespmem:v0+s5+$0x0] =	vst.idx.msk $0xffff, v21;
	v0 =	vmov s8  }
0x42a: {  	v21 =	vld.idx.msk [tilespmem:v22+s30+$0x0], $0xffff;
	v0 =	vshrl.u32 v0, $0x3  }
0x42b: {  	v0 =	vshll.u32 v0, v52  }
0x42c: {  	v0 =	vbroadcast v0, $0x0  }
0x42d: {  	v1 =	vadd.s32 v5, v1  }
0x42e: {  	v22 =	vadd.s32 v11, v0;
	_ =	sdelay $0x1  }
0x42f: {  	v21 =	vmul.f32 v21, v20;
	_ =	sdelay $0x1  }
0x430: {  	[tilespmem:v1+s5+$0x0] =	vst.idx.msk $0xffff, v21;
	v1 =	vmov s15;
	s15 =	smov.u32 s18  }
0x431: {  	v21 =	vld.idx.msk [tilespmem:v22+s30+$0x0], $0xffff;
	v1 =	vshrl.u32 v1, $0x3  }
0x432: {  	v1 =	vshll.u32 v1, v52  }
0x433: {  	v1 =	vbroadcast v1, $0x0  }
0x434: {  	v0 =	vadd.s32 v10, v0  }
0x435: {  	v22 =	vadd.s32 v4, v1;
	_ =	sdelay $0x1  }
0x436: {  	v21 =	vmul.f32 v21, v20  }
0x437: {  	s8 =	sadd.s32 $0xFFFFFFF1, s15  }
0x438: {  	v23 =	vmov s8;
	[tilespmem:v0+s5+$0x0] =	vst.idx.msk $0xffff, v21  }
0x439: {  	v0 =	vshrl.u32 v23, $0x3;
	v24 =	vld.idx.msk [tilespmem:v22+s30+$0x0], $0xffff  }
0x43a: {  	v0 =	vshll.u32 v0, v52  }
.Ltmp7:
0x43b: {  	v21 =	vbroadcast v0, $0x0;
	(pc) =	sbr.rel @p0 .LBB2_18-.Ltmp7, $3  }
0x43c: {  	v23 =	vadd.s32 v8, v1  }
0x43d: {  	v22 =	vor.u32 v15, v21;
	_ =	sdelay $0x1  }
0x43e: {  	v24 =	vmul.f32 v24, v20  }
0x43f: {  	_ =	sdelay $0x3  }
0x440: {  	[tilespmem:v23+s5+$0x0] =	vst.idx.msk $0xffff, v24  }
0x441: {  	v0 =	vld.idx.msk [tilespmem:v22+s30+$0x0], $0xffff;
	_ =	sdelay $0x1  }
0x442: {  	v1 =	vadd.s32 v12, v21  }
0x443: {  	v40 =	vadd.s32 v19, v21;
	_ =	sdelay $0x1  }
0x444: {  	v0 =	vmul.f32 v0, v20;
	_ =	sdelay $0x1  }
0x445: {  	[tilespmem:v1+s5+$0x0] =	vst.idx.msk $0xffff, v0  }
0x446: {  	v0 =	vld.idx.msk [tilespmem:v40+s30+$0x0], $0xffff;
	_ =	sdelay $0x1  }
0x447: {  	v1 =	vadd.s32 v18, v21  }
0x448: {  	v41 =	vadd.s32 v17, v21;
	_ =	sdelay $0x1  }
0x449: {  	v0 =	vmul.f32 v0, v20;
	_ =	sdelay $0x1  }
0x44a: {  	[tilespmem:v1+s5+$0x0] =	vst.idx.msk $0xffff, v0  }
0x44b: {  	v0 =	vld.idx.msk [tilespmem:v41+s30+$0x0], $0xffff;
	_ =	sdelay $0x1  }
0x44c: {  	v1 =	vadd.s32 v16, v21  }
0x44d: {  	v42 =	vadd.s32 v14, v21;
	_ =	sdelay $0x1  }
0x44e: {  	v0 =	vmul.f32 v0, v20;
	_ =	sdelay $0x1  }
0x44f: {  	[tilespmem:v1+s5+$0x0] =	vst.idx.msk $0xffff, v0  }
0x450: {  	v0 =	vld.idx.msk [tilespmem:v42+s30+$0x0], $0xffff;
	_ =	sdelay $0x1  }
0x451: {  	v1 =	vadd.s32 v13, v21  }
0x452: {  	v43 =	vadd.s32 v9, v21;
	_ =	sdelay $0x1  }
0x453: {  	v0 =	vmul.f32 v0, v20;
	_ =	sdelay $0x1  }
0x454: {  	[tilespmem:v1+s5+$0x0] =	vst.idx.msk $0xffff, v0  }
0x455: {  	v0 =	vld.idx.msk [tilespmem:v43+s30+$0x0], $0xffff;
	_ =	sdelay $0x1  }
0x456: {  	v1 =	vadd.s32 v7, v21  }
0x457: {  	v44 =	vadd.s32 v6, v21;
	_ =	sdelay $0x1  }
0x458: {  	v0 =	vmul.f32 v0, v20;
	_ =	sdelay $0x1  }
0x459: {  	[tilespmem:v1+s5+$0x0] =	vst.idx.msk $0xffff, v0  }
0x45a: {  	v0 =	vld.idx.msk [tilespmem:v44+s30+$0x0], $0xffff;
	_ =	sdelay $0x1  }
0x45b: {  	v1 =	vadd.s32 v5, v21  }
0x45c: {  	v45 =	vadd.s32 v11, v21;
	_ =	sdelay $0x1  }
0x45d: {  	v0 =	vmul.f32 v0, v20;
	_ =	sdelay $0x1  }
0x45e: {  	[tilespmem:v1+s5+$0x0] =	vst.idx.msk $0xffff, v0  }
0x45f: {  	v0 =	vld.idx.msk [tilespmem:v45+s30+$0x0], $0xffff;
	_ =	sdelay $0x1  }
0x460: {  	v1 =	vadd.s32 v10, v21  }
0x461: {  	v46 =	vadd.s32 v4, v21;
	_ =	sdelay $0x1  }
0x462: {  	s8 =	sadd.s32 $0xFFFFFFF9, s15;
	v0 =	vmul.f32 v0, v20  }
0x463: {  	v47 =	vmov s8  }
0x464: {  	[tilespmem:v1+s5+$0x0] =	vst.idx.msk $0xffff, v0;
	v0 =	vshrl.u32 v47, $0x3  }
0x465: {  	v1 =	vld.idx.msk [tilespmem:v46+s30+$0x0], $0xffff;
	v0 =	vshll.u32 v0, v52  }
0x466: {  	v0 =	vbroadcast v0, $0x0  }
0x467: {  	v48 =	vadd.s32 v8, v21  }
0x468: {  	v15 =	vadd.s32 v15, v0;
	_ =	sdelay $0x1  }
0x469: {  	s26 =	sadd.s32 $0xFFFFFFFA, s15;
	v1 =	vmul.f32 v1, v20  }
0x46a: {  	v49 =	vmov s26  }
0x46b: {  	[tilespmem:v48+s5+$0x0] =	vst.idx.msk $0xffff, v1;
	v1 =	vshrl.u32 v49, $0x3  }
0x46c: {  	v15 =	vld.idx.msk [tilespmem:v15+s30+$0x0], $0xffff;
	v1 =	vshll.u32 v1, v52  }
0x46d: {  	v1 =	vbroadcast v1, $0x0  }
0x46e: {  	v0 =	vadd.s32 v12, v0  }
0x46f: {  	v50 =	vadd.s32 v19, v1;
	_ =	sdelay $0x1  }
0x470: {  	s16 =	sadd.s32 $0xFFFFFFFB, s15;
	v15 =	vmul.f32 v15, v20  }
0x471: {  	v51 =	vmov s16  }
0x472: {  	[tilespmem:v0+s5+$0x0] =	vst.idx.msk $0xffff, v15;
	v0 =	vshrl.u32 v51, $0x3  }
0x473: {  	v12 =	vld.idx.msk [tilespmem:v50+s30+$0x0], $0xffff;
	v0 =	vshll.u32 v0, v52  }
0x474: {  	v0 =	vbroadcast v0, $0x0  }
0x475: {  	v1 =	vadd.s32 v18, v1  }
0x476: {  	v54 =	vadd.s32 v17, v0;
	_ =	sdelay $0x1  }
0x477: {  	s17 =	sadd.s32 $0xFFFFFFFC, s15;
	v12 =	vmul.f32 v12, v20  }
0x478: {  	v55 =	vmov s17  }
0x479: {  	[tilespmem:v1+s5+$0x0] =	vst.idx.msk $0xffff, v12;
	v1 =	vshrl.u32 v55, $0x3  }
0x47a: {  	v12 =	vld.idx.msk [tilespmem:v54+s30+$0x0], $0xffff;
	v1 =	vshll.u32 v1, v52  }
0x47b: {  	v1 =	vbroadcast v1, $0x0  }
0x47c: {  	v0 =	vadd.s32 v16, v0  }
0x47d: {  	v56 =	vadd.s32 v14, v1;
	_ =	sdelay $0x1  }
0x47e: {  	s18 =	sadd.s32 $0xFFFFFFFD, s15;
	v12 =	vmul.f32 v12, v20  }
0x47f: {  	v57 =	vmov s18  }
0x480: {  	[tilespmem:v0+s5+$0x0] =	vst.idx.msk $0xffff, v12;
	v0 =	vshrl.u32 v57, $0x3  }
0x481: {  	v12 =	vld.idx.msk [tilespmem:v56+s30+$0x0], $0xffff;
	v0 =	vshll.u32 v0, v52  }
0x482: {  	v0 =	vbroadcast v0, $0x0  }
0x483: {  	v1 =	vadd.s32 v13, v1  }
0x484: {  	v58 =	vadd.s32 v9, v0;
	_ =	sdelay $0x1  }
0x485: {  	s20 =	sadd.s32 $0xFFFFFFFE, s15;
	v12 =	vmul.f32 v12, v20  }
0x486: {  	v59 =	vmov s20  }
0x487: {  	[tilespmem:v1+s5+$0x0] =	vst.idx.msk $0xffff, v12;
	v1 =	vshrl.u32 v59, $0x3  }
0x488: {  	v9 =	vld.idx.msk [tilespmem:v58+s30+$0x0], $0xffff;
	v1 =	vshll.u32 v1, v52  }
0x489: {  	v1 =	vbroadcast v1, $0x0  }
0x48a: {  	v0 =	vadd.s32 v7, v0  }
0x48b: {  	v60 =	vadd.s32 v6, v1;
	_ =	sdelay $0x1  }
0x48c: {  	s26 =	sadd.s32 $0xFFFFFFFF, s15;
	v61 =	vmul.f32 v9, v20  }
0x48d: {  	v62 =	vmov s26  }
0x48e: {  	[tilespmem:v0+s5+$0x0] =	vst.idx.msk $0xffff, v61;
	v0 =	vshrl.u32 v62, $0x3  }
0x48f: {  	v6 =	vld.idx.msk [tilespmem:v60+s30+$0x0], $0xffff;
	v0 =	vshll.u32 v0, v52  }
0x490: {  	v0 =	vbroadcast v0, $0x0  }
0x491: {  	v1 =	vadd.s32 v5, v1  }
0x492: {  	v5 =	vadd.s32 v11, v0;
	_ =	sdelay $0x1  }
0x493: {  	v6 =	vmul.f32 v6, v20  }
0x494: {  	v63 =	vmov s15  }
0x495: {  	[tilespmem:v1+s5+$0x0] =	vst.idx.msk $0xffff, v6;
	v1 =	vshrl.u32 v63, $0x3  }
0x496: {  	v5 =	vld.idx.msk [tilespmem:v5+s30+$0x0], $0xffff;
	v1 =	vshll.u32 v1, v52  }
0x497: {  	v1 =	vbroadcast v1, $0x0  }
0x498: {  	v0 =	vadd.s32 v10, v0  }
0x499: {  	v4 =	vadd.s32 v4, v1;
	_ =	sdelay $0x1  }
0x49a: {  	v5 =	vmul.f32 v5, v20;
	_ =	sdelay $0x1  }
0x49b: {  	[tilespmem:v0+s5+$0x0] =	vst.idx.msk $0xffff, v5  }
0x49c: {  	v0 =	vld.idx.msk [tilespmem:v4+s30+$0x0], $0xffff  }
0x49d: {  	s23 =	sadd.s32 $0x1, s23  }
0x49e: {  	p0 =	sne.s32 s23, $0x5;
	v1 =	vadd.s32 v8, v1  }
.Ltmp8:
0x49f: {  	_ = 	snop;
	(pc) =	sbr.rel @p0 .LBB2_15-.Ltmp8, $3  }
0x4a0: {  	_ = 	snop  }
0x4a1: {  	v0 =	vmul.f32 v0, v20;
	_ =	sdelay $0x1  }
0x4a2: {  	[tilespmem:v1+s5+$0x0] =	vst.idx.msk $0xffff, v0  }
0x4a3: {  	p0 =	sne.s32 s22, $0x7D  }
.Ltmp9:
0x4a4: {  	_ = 	snop;
	(pc) =	sbr.rel @p0 .LBB2_12-.Ltmp9, $3  }
0x4a5: {  	_ =	sdelay $0x1  }
0x4a6: {  	[spmem:s2] =	stream.indirect.scatter.add.f32 [tilespmem:s5], [sflag:$0x3], $0x90, s21, s29, $0xb8;
	[tilespmem:$0x1E7E0] =	vst v63  }
0x4a7: {  	s16 =	smov.u32 s22  }
0x4a8: {  	s8 =	simm.s32 $0x3  }
0x4a9: {  	_ =	swait.ge [sflag:s8], $0x2D00  }
0x4aa: {  	[sflag:s8] =	ssyncset.done $0x0  }
0x4ab: {  	[sflag:s8] =	ssyncadd.s32 $0xFFFFD300  }
0x4ac: {  	[bflag:$0x0] =	sbarrier.arrive $0xFFFF  }
0x4ad: {  	s22 =	rddreg [dreg:$0xb]  }
0x4ae: {  	s15 =	rddreg [dreg:$0xe]  }
0x4af: {  	s16 =	rddreg [dreg:$0xf]  }
0x4b0: {  	[hbm:s22], [sflag:s15] =	dma.local [spmem:s16], $0x2D00  }
0x4b1: {  	_ =	swait.ge [sflag:s25], $0x2D00  }
0x4b2: {  	s23 =	rddreg [dreg:$0xd]  }
0x4b3: {  	s26 =	rddreg [dreg:$0xc];
	s15 =	sadd.s32 $0x1, s23  }
0x4b4: {  	p0 =	sne.s32 s15, s26  }
.Ltmp10:
0x4b5: {  	_ = 	snop;
	(pc) =	sbr.rel @p0 .LBB2_1-.Ltmp10, $4  }
0x4b6: {  	[sflag:s25] =	ssyncset.done $0x0  }
0x4b7: {  	[sflag:s25] =	ssyncadd.s32 $0xFFFFD300  }
0x4b8: {  	[bflag:$0x0] =	sbarrier.arrive $0xFFFF  }
0x4b9: {  	s26 =	rddreg [dreg:$0x5]  }
0x4ba: {  	_ =	sfence.sel $0x180000  }
0x4bb: {  	[bflag:$0x0] =	sbarrier.arrive $0xFFFF  }
0x4bc: {  	_ =	strace $0x90000047  }
0x4bd: {  	s0 =	stileid.u32;
	[bflag:$0x2] =	sbarrier.arrive $0xFFFF  }
0x4be: {  	p0 =	sne.s32 s0, $0x0;
	s0 =	rddreg [dreg:$0x3]  }
0x4bf: {  	s0 =	sadd.s32 @!p0 $0x100000, s0  }
0x4c0: {  	[sflag:s0] =	ssyncadd.tile.s32 @!p0 $0x1;
	_ =	shalt  }
.Lfunc_end2:
_tile_overlayer_lowered:
.L_overlay_start_2:
0x4c1: {  	(tag) =	ssettag $0x2  }
0x4c2: {  	s0 =	rddreg [dreg:$0x0];
	s2 =	stileid.u32  }
0x4c3: {  	s1 =	rddreg [dreg:$0x1];
	p0 =	sne.s32 s2, $0x0  }
0x4c4: {  	s3 =	rddreg [dreg:$0x2];
	[bflag:$0x3] =	sbarrier.arrive $0xFFFF;
	s2 =	simm.s32 @!p0 $0x1C04  }
0x4c5: {  	[timem:s3], [sflag:s2] =	dma.local @!p0 [hbm:s0], s1  }
0x4c6: {  	s0 =	simm.s32 @!p0 $0x4  }
0x4c7: {  	_ =	swait.ge @!p0 [sflag:s0], s1  }
0x4c8: {  	s1 =	ssub.s32 @!p0 $0x0, s1;
	[sflag:s0] =	ssyncset.done @!p0 $0x0  }
0x4c9: {  	[sflag:s0] =	ssyncadd.s32 @!p0 s1  }
0x4ca: {  	[bflag:$0x3] =	sbarrier.arrive $0xFFFF  }
0x4cb: {  	_ =	shalt  }

</sc_bundles>
